<compile_context>
chip_gen: v7x
topology: tpu7x:2x2x1
jax: 0.10.2.dev20260603
libtpu: 0.0.44.dev20260713+nightly
codegen_flags: <defaults>
</compile_context>

<pallas_src>
import functools

import jax
import jax.numpy as jnp
from jax import lax
from jax.experimental import pallas as pl
from jax.experimental.pallas import tpu as pltpu
from jax.experimental.pallas import tpu_sc as plsc

NC = 2
NS = 16
NW = NC * NS
L = 16
CHUNK = 128

_SC_PARAMS = pltpu.CompilerParams(use_tc_tiling_on_sc=False, needs_layout_passes=False)


def _make_deg_kernel(NPD, RPTD, CPT):
    mesh = plsc.VectorSubcoreMesh(core_axis_name="c", subcore_axis_name="s")

    @functools.partial(
        pl.kernel,
        mesh=mesh,
        out_type=jax.ShapeDtypeStruct((NW * RPTD,), jnp.float32),
        scratch_types=[
            pltpu.VMEM_SHARED((NPD,), jnp.float32),
            pltpu.VMEM((CPT, CHUNK), jnp.int32),
            pltpu.VMEM((CHUNK,), jnp.float32),
            pltpu.VMEM((RPTD,), jnp.float32),
            pltpu.SemaphoreType.DMA,
        ],
        compiler_params=_SC_PARAMS,
    )
    def deg_kernel(dst_hbm, out_hbm, deg_sp, dst_v, ones_v, stage_v, sem):
        c = lax.axis_index("c")
        s = lax.axis_index("s")
        wid = c * NS + s

        def fill_body(i, carry):
            ones_v[pl.ds(i * L, L)] = jnp.ones((L,), jnp.float32)
            return carry

        lax.fori_loop(0, CHUNK // L, fill_body, 0)

        def zero_body(i, carry):
            stage_v[pl.ds(i * L, L)] = jnp.zeros((L,), jnp.float32)
            return carry

        lax.fori_loop(0, RPTD // L, zero_body, 0)
        pltpu.sync_copy(stage_v, deg_sp.at[pl.ds(s * RPTD, RPTD)])
        pltpu.sync_copy(dst_hbm.at[wid], dst_v)
        plsc.subcore_barrier()

        DG = 8

        def edge_body(g, carry):
            for b in range(DG):
                pltpu.async_copy(ones_v, deg_sp.at[dst_v.at[g * DG + b]],
                                 sem, add=True)
            for b in range(DG):
                pltpu.make_async_copy(ones_v, deg_sp.at[dst_v.at[b]],
                                      sem).wait()
            return carry

        lax.fori_loop(0, CPT // DG, edge_body, 0)
        plsc.subcore_barrier()
        pltpu.sync_copy(deg_sp.at[pl.ds(s * RPTD, RPTD)], stage_v)
        pltpu.sync_copy(stage_v, out_hbm.at[pl.ds(wid * RPTD, RPTD)])

    return deg_kernel


K = 4
NSETS = 2


def _make_agg_kernel(NP, RPT, CPT, W, k=K, spmem_src=False):
    mesh = plsc.VectorSubcoreMesh(core_axis_name="c", subcore_axis_name="s")
    assert CPT % (NSETS * k) == 0
    hsp_scratch = ([pltpu.VMEM_SHARED((NP, W), jnp.float32)]
                   if spmem_src else [])

    @functools.partial(
        pl.kernel,
        mesh=mesh,
        out_type=jax.ShapeDtypeStruct((NC, NP, W), jnp.float32),
        scratch_types=[
            pltpu.VMEM_SHARED((NP, W), jnp.float32),
            *hsp_scratch,
            pltpu.VMEM((CPT, CHUNK), jnp.int32),
            pltpu.VMEM((CPT, CHUNK), jnp.int32),
            pltpu.VMEM((NSETS * k, CHUNK, W), jnp.float32),
            [pltpu.SemaphoreType.DMA] * NSETS,
            [pltpu.SemaphoreType.DMA] * NSETS,
        ],
        compiler_params=_SC_PARAMS,
    )
    def agg_kernel(h_hbm, src_hbm, dst_hbm, zero_hbm, out_hbm,
                   acc_sp, *rest):
        if spmem_src:
            h_sp, src_v, dst_v, rows_v, gsem, ssem = rest
        else:
            src_v, dst_v, rows_v, gsem, ssem = rest
            h_sp = None
        c = lax.axis_index("c")
        s = lax.axis_index("s")
        wid = c * NS + s

        prologue = [
            (zero_hbm.at[pl.ds(s * RPT, RPT)], acc_sp.at[pl.ds(s * RPT, RPT)]),
            (src_hbm.at[wid], src_v),
            (dst_hbm.at[wid], dst_v),
        ]
        if spmem_src:
            prologue.append((h_hbm.at[pl.ds(s * RPT, RPT)],
                             h_sp.at[pl.ds(s * RPT, RPT)]))
        src_ref = h_sp if spmem_src is True else h_hbm
        for a, b_ in prologue:
            pltpu.async_copy(a, b_, gsem[0])
        for a, b_ in prologue:
            pltpu.make_async_copy(a, b_, gsem[0]).wait()
        plsc.subcore_barrier()

        def gsrc(p):
            return h_sp if (spmem_src == "split" and p == 0) else src_ref

        def start_gather(p, b, j):
            pltpu.async_copy(gsrc(p).at[src_v.at[j]], rows_v.at[p * k + b],
                             gsem[p])

        def drain_gathers(p):
            for b in range(k):
                pltpu.make_async_copy(gsrc(p).at[src_v.at[b]],
                                      rows_v.at[p * k + b], gsem[p]).wait()

        def start_scatter(p, b, j):
            pltpu.async_copy(rows_v.at[p * k + b], acc_sp.at[dst_v.at[j]],
                             ssem[p], add=True)

        def drain_scatters(p):
            for b in range(k):
                pltpu.make_async_copy(rows_v.at[p * k + b],
                                      acc_sp.at[dst_v.at[b]], ssem[p]).wait()

        def edge_body(h, carry):
            g0 = h * NSETS * k
            g1 = g0 + k

            @pl.when(h > 0)
            def _():
                drain_scatters(0)

            for b in range(k):
                start_gather(0, b, g0 + b)

            @pl.when(h > 0)
            def _():
                drain_scatters(1)

            for b in range(k):
                start_gather(1, b, g1 + b)
            drain_gathers(0)
            for b in range(k):
                start_scatter(0, b, g0 + b)
            drain_gathers(1)
            for b in range(k):
                start_scatter(1, b, g1 + b)
            return carry

        lax.fori_loop(0, CPT // (NSETS * k), edge_body, 0)
        drain_scatters(0)
        drain_scatters(1)
        plsc.subcore_barrier()

        pltpu.sync_copy(acc_sp.at[pl.ds(s * RPT, RPT)],
                        out_hbm.at[c, pl.ds(s * RPT, RPT)])

    return agg_kernel


def _dinv_from_partials(degp_ref):
    deg = jnp.sum(degp_ref[...], axis=1, keepdims=True) + 1.0
    return lax.rsqrt(deg)


def _make_mm1_body(N, NP):
    def mm1_body(x_ref, w_ref, degp_ref, o_ref):
        dinv = _dinv_from_partials(degp_ref)
        h = jnp.dot(x_ref[...], w_ref[...],
                    preferred_element_type=jnp.float32)
        o_ref[pl.ds(0, N), :] = h * dinv[:N]
        o_ref[pl.ds(N, NP - N), :] = jnp.zeros(
            (NP - N, h.shape[1]), jnp.float32)

    return mm1_body


def _mid_body(accp_ref, hs_ref, degp_ref, w2_ref, b1_ref, o_ref):
    dinv = _dinv_from_partials(degp_ref)
    out1 = dinv * (accp_ref[0] + accp_ref[1] + hs_ref[...]) + b1_ref[...]
    z = jnp.maximum(out1, 0.0)
    h2 = jnp.dot(z, w2_ref[...], preferred_element_type=jnp.float32)
    o_ref[...] = h2 * dinv


def _make_fin_body(N, C):
    def fin_body(accp_ref, hs2_ref, degp_ref, b2_ref, o_ref):
        dinv = _dinv_from_partials(degp_ref)
        logits = (dinv * (accp_ref[0] + accp_ref[1] + hs2_ref[...])
                  + b2_ref[...])
        col = lax.broadcasted_iota(jnp.int32, logits.shape, 1)
        valid = col < C
        m = jnp.max(jnp.where(valid, logits, -jnp.inf), axis=1, keepdims=True)
        e = jnp.where(valid, jnp.exp(logits - m), 0.0)
        p = e / jnp.sum(e, axis=1, keepdims=True)
        o_ref[...] = p[:N, :C]

    return fin_body


@jax.jit
def kernel(x, edge_index, W1, b1, W2, b2):
    N, F = x.shape
    H = W1.shape[1]
    C = W2.shape[1]
    E = edge_index.shape[1]

    RPT = -(-(N + 1) // (NS * 8)) * 8
    NP = NS * RPT
    CPT = -(-(-(-E // (NW * CHUNK))) // (NSETS * K)) * (NSETS * K)
    EP = NW * CHUNK * CPT
    W2L = 16

    def pad_edges(e):
        ew = -(-E // NW)
        e = jnp.concatenate(
            [e, jnp.full((NW * ew - E,), N, jnp.int32)]).reshape(NW, ew)
        padw = CPT * CHUNK - ew
        padvals = N + (jnp.arange(padw, dtype=jnp.int32) % (NP - N))
        padblk = jnp.broadcast_to(padvals, (NW, padw))
        return jnp.concatenate([e, padblk], axis=1).reshape(NW, CPT, CHUNK)

    src3 = pad_edges(edge_index[0])
    dst3 = pad_edges(edge_index[1])

    RPTD = -(-(N + 1) // (NS * 128)) * 128
    NPD = NS * RPTD
    zeros16 = jnp.zeros((NP, W2L), jnp.float32)
    degp = _make_deg_kernel(NPD, RPTD, CPT)(dst3)
    degp = degp.reshape(NC, NPD)[:, :NP].T

    hs = pl.pallas_call(
        _make_mm1_body(N, NP),
        out_shape=jax.ShapeDtypeStruct((NP, H), jnp.float32),
    )(x, W1, degp)

    accp = _make_agg_kernel(NP, RPT, CPT, H)(
        hs, src3, dst3, jnp.zeros((NP, H), jnp.float32))

    W2p = jnp.pad(W2, ((0, 0), (0, W2L - C)))
    hs2 = pl.pallas_call(
        _mid_body,
        out_shape=jax.ShapeDtypeStruct((NP, W2L), jnp.float32),
    )(accp, hs, degp, W2p, b1[None, :])

    acc2p = _make_agg_kernel(NP, RPT, CPT, W2L, k=8)(
        hs2, src3, dst3, zeros16)

    b2p = jnp.pad(b2, (0, W2L - C))[None, :]
    return pl.pallas_call(
        _make_fin_body(N, C),
        out_shape=jax.ShapeDtypeStruct((N, C), jnp.float32),
    )(acc2p, hs2, degp, b2p)

# --- scband reference (transcript-rebuilt; emitter-appended) ---
"""Pipeline reference for scband-gcn-13683765805595 (READ-ONLY COPY).

The authoritative reference and input builder live on the scoring server;
editing this copy changes nothing except your own understanding.
"""

import jax, jax.numpy as jnp
import numpy as np


def gcn_conv(x, edge_index, W, b):
    # Faithful PyG GCNConv: add self-loops, symmetric normalization, scatter-add aggregation.
    N = x.shape[0]
    loops = jnp.arange(N, dtype=edge_index.dtype)
    src = jnp.concatenate([edge_index[0], loops])
    dst = jnp.concatenate([edge_index[1], loops])
    deg = jax.ops.segment_sum(jnp.ones(src.shape[0], dtype=x.dtype), dst, num_segments=N)
    deg_inv_sqrt = jnp.where(deg > 0, 1.0 / jnp.sqrt(deg), 0.0)
    norm = deg_inv_sqrt[src] * deg_inv_sqrt[dst]
    h = x @ W
    msg = h[src] * norm[:, None]
    out = jax.ops.segment_sum(msg, dst, num_segments=N)
    return out + b


def setup_inputs(seed: int = 0) -> dict:
    key = jax.random.key(seed)
    k0, k1, k2, k3 = jax.random.split(key, 4)
    N, E, F, H, C = 10000, 320000, 128, 64, 2
    x = jax.random.normal(k0, (N, F), dtype=jnp.float32)
    edge_index = jax.random.randint(k1, (2, E), 0, N, dtype=jnp.int32)
    W1 = jax.random.normal(k2, (F, H), dtype=jnp.float32) * (1.0 / np.sqrt(F))
    b1 = jnp.zeros((H,), dtype=jnp.float32)
    W2 = jax.random.normal(k3, (H, C), dtype=jnp.float32) * (1.0 / np.sqrt(H))
    b2 = jnp.zeros((C,), dtype=jnp.float32)
    return {"x": x, "edge_index": edge_index, "W1": W1, "b1": b1, "W2": W2, "b2": b2}


def reference(x, edge_index, W1, b1, W2, b2):
    h = gcn_conv(x, edge_index, W1, b1)
    h = jax.nn.relu(h)
    # F.dropout(p=0.5, training=self.training): identity in eval mode
    h = gcn_conv(h, edge_index, W2, b2)
    # use_skip=False branch
    return jax.nn.softmax(h, axis=-1)

if __name__ == "__main__":
    import jax
    _d = setup_inputs()
    print(jax.jit(kernel)(*tuple(_d.values())))

</pallas_src>

<mosaic_0001>
#map = affine_map<(d0, d1) -> (0, 0, 0)>
#map1 = affine_map<(d0, d1) -> (0)>
module attributes {stable_mosaic.version = 14 : i64} {
  func.func @deg_kernel(%arg0: i32, %arg1: i32, %arg2: memref<32x80x128xi32, #tpu.memory_space<hbm>>, %arg3: memref<20480xf32, #tpu.memory_space<hbm>>, %arg4: memref<10240xf32, #tpu.memory_space<vmem_shared>>, %arg5: memref<80x128xi32, #tpu.memory_space<vmem>>, %arg6: memref<128xf32, #tpu.memory_space<vmem>>, %arg7: memref<640xf32, #tpu.memory_space<vmem>>, %arg8: memref<!tpu.dma_semaphore, #tpu.memory_space<semaphore_mem>>) attributes {dimension_semantics = [#tpu.dimension_semantics<core_parallel>, #tpu.dimension_semantics<subcore_parallel>], iteration_bounds = array<i64: 2, 16>, scalar_prefetch = 0 : i64, scratch_operands = 5 : i64, tpu.core_type = #tpu.core_type<sc_vector_subcore>, window_params = [{transform_indices = #map}, {transform_indices = #map1}]} {
    %mul3A = arith.constant 16 : i32
    %mul3A_0 = arith.muli %arg0, %mul3A : i32
    %add3A = arith.addi %mul3A_0, %arg1 : i32
    %scan3A = arith.constant 0 : i32
    %scan3A_1 = arith.constant 0 : i32
    %scan3A_2 = arith.constant 8 : i32
    %scan3A_3 = arith.addi %scan3A_1, %scan3A_2 : i32
    %scan3A_4 = arith.constant 1 : i32
    scf.for %scan3A_25 = %scan3A_1 to %scan3A_3 step %scan3A_4  : i32 {
      %broadcast_in_dim3A = arith.constant 1.000000e+00 : f32
      %broadcast_in_dim3A_26 = vector.broadcast %broadcast_in_dim3A : f32 to vector<16xf32>
      %mul3A_27 = arith.constant 16 : i32
      %mul3A_28 = arith.muli %scan3A_25, %mul3A_27 : i32
      %swap3A = arith.index_cast %mul3A_28 : i32 to index
      %swap3A_29 = tpu.vector_load %arg6[%swap3A] {strides = array<i32>} : memref<128xf32, #tpu.memory_space<vmem>>, vector<16xf32>,
      tpu.vector_store %arg6[%swap3A], %broadcast_in_dim3A_26 {strides = array<i32>} : memref<128xf32, #tpu.memory_space<vmem>>, vector<16xf32>,
    }
    %scan3A_5 = arith.constant 8 : i32
    %scan3A_6 = arith.constant 0 : i32
    %scan3A_7 = arith.constant 0 : i32
    %scan3A_8 = arith.constant 40 : i32
    %scan3A_9 = arith.addi %scan3A_7, %scan3A_8 : i32
    %scan3A_10 = arith.constant 1 : i32
    scf.for %scan3A_25 = %scan3A_7 to %scan3A_9 step %scan3A_10  : i32 {
      %broadcast_in_dim3A = arith.constant 0.000000e+00 : f32
      %broadcast_in_dim3A_26 = vector.broadcast %broadcast_in_dim3A : f32 to vector<16xf32>
      %mul3A_27 = arith.constant 16 : i32
      %mul3A_28 = arith.muli %scan3A_25, %mul3A_27 : i32
      %swap3A = arith.index_cast %mul3A_28 : i32 to index
      %swap3A_29 = tpu.vector_load %arg7[%swap3A] {strides = array<i32>} : memref<640xf32, #tpu.memory_space<vmem>>, vector<16xf32>,
      tpu.vector_store %arg7[%swap3A], %broadcast_in_dim3A_26 {strides = array<i32>} : memref<640xf32, #tpu.memory_space<vmem>>, vector<16xf32>,
    }
    %scan3A_11 = arith.constant 40 : i32
    %mul3A_12 = arith.constant 640 : i32
    %mul3A_13 = arith.muli %arg1, %mul3A_12 : i32
    "tpu.region"() ({
      %run_scoped3A = tpu.sem_alloc : memref<!tpu.dma_semaphore, #tpu.memory_space<semaphore_mem>>
      %dma_start3A = tpu.memref_slice %arg4[%mul3A_13] : memref<10240xf32, #tpu.memory_space<vmem_shared>> -> memref<640xf32, #tpu.memory_space<vmem_shared>>
      %dma_start3A_25 = tpu.memref_slice %arg4[%mul3A_13] : memref<10240xf32, #tpu.memory_space<vmem_shared>> -> memref<640xf32, #tpu.memory_space<vmem_shared>>
      tpu.enqueue_dma source(%arg7 : memref<640xf32, #tpu.memory_space<vmem>>) target(%dma_start3A_25 : memref<640xf32, #tpu.memory_space<vmem_shared>>) target_semaphore(%run_scoped3A : memref<!tpu.dma_semaphore, #tpu.memory_space<semaphore_mem>>)
      %dma_wait3A = tpu.memref_slice %arg4[%mul3A_13] : memref<10240xf32, #tpu.memory_space<vmem_shared>> -> memref<640xf32, #tpu.memory_space<vmem_shared>>
      %dma_wait3A_26 = tpu.memref_slice %arg4[%mul3A_13] : memref<10240xf32, #tpu.memory_space<vmem_shared>> -> memref<640xf32, #tpu.memory_space<vmem_shared>>
      tpu.wait_dma2 semaphore(%run_scoped3A : memref<!tpu.dma_semaphore, #tpu.memory_space<semaphore_mem>>) src(%arg7 : memref<640xf32, #tpu.memory_space<vmem>>) dst(%dma_wait3A_26 : memref<640xf32, #tpu.memory_space<vmem_shared>>)
      tpu.yield
    }) : () -> ()
    "tpu.region"() ({
      %run_scoped3A = tpu.sem_alloc : memref<!tpu.dma_semaphore, #tpu.memory_space<semaphore_mem>>
      %dma_start3A = arith.constant 0 : i32
      %dma_start3A_25 = arith.constant 0 : i32
      %dma_start3A_26 = tpu.memref_slice %arg2[%add3A, %dma_start3A, %dma_start3A_25] : memref<32x80x128xi32, #tpu.memory_space<hbm>> -> memref<1x80x128xi32, #tpu.memory_space<hbm>>
      %dma_start3A_27 = tpu.memref_squeeze %dma_start3A_26 : memref<1x80x128xi32, #tpu.memory_space<hbm>> -> memref<80x128xi32, #tpu.memory_space<hbm>>
      %dma_start3A_28 = arith.constant 0 : i32
      %dma_start3A_29 = arith.constant 0 : i32
      %dma_start3A_30 = tpu.memref_slice %arg2[%add3A, %dma_start3A_28, %dma_start3A_29] : memref<32x80x128xi32, #tpu.memory_space<hbm>> -> memref<1x80x128xi32, #tpu.memory_space<hbm>>
      %dma_start3A_31 = tpu.memref_squeeze %dma_start3A_30 : memref<1x80x128xi32, #tpu.memory_space<hbm>> -> memref<80x128xi32, #tpu.memory_space<hbm>>
      tpu.enqueue_dma source(%dma_start3A_31 : memref<80x128xi32, #tpu.memory_space<hbm>>) target(%arg5 : memref<80x128xi32, #tpu.memory_space<vmem>>) target_semaphore(%run_scoped3A : memref<!tpu.dma_semaphore, #tpu.memory_space<semaphore_mem>>)
      %dma_wait3A = arith.constant 0 : i32
      %dma_wait3A_32 = arith.constant 0 : i32
      %dma_wait3A_33 = tpu.memref_slice %arg2[%add3A, %dma_wait3A, %dma_wait3A_32] : memref<32x80x128xi32, #tpu.memory_space<hbm>> -> memref<1x80x128xi32, #tpu.memory_space<hbm>>
      %dma_wait3A_34 = tpu.memref_squeeze %dma_wait3A_33 : memref<1x80x128xi32, #tpu.memory_space<hbm>> -> memref<80x128xi32, #tpu.memory_space<hbm>>
      %dma_wait3A_35 = arith.constant 0 : i32
      %dma_wait3A_36 = arith.constant 0 : i32
      %dma_wait3A_37 = tpu.memref_slice %arg2[%add3A, %dma_wait3A_35, %dma_wait3A_36] : memref<32x80x128xi32, #tpu.memory_space<hbm>> -> memref<1x80x128xi32, #tpu.memory_space<hbm>>
      %dma_wait3A_38 = tpu.memref_squeeze %dma_wait3A_37 : memref<1x80x128xi32, #tpu.memory_space<hbm>> -> memref<80x128xi32, #tpu.memory_space<hbm>>
      tpu.wait_dma2 semaphore(%run_scoped3A : memref<!tpu.dma_semaphore, #tpu.memory_space<semaphore_mem>>) src(%dma_wait3A_38 : memref<80x128xi32, #tpu.memory_space<hbm>>) dst(%arg5 : memref<80x128xi32, #tpu.memory_space<vmem>>)
      tpu.yield
    }) : () -> ()
    %barrier3A = arith.constant 0 : index
    tpu.barrier barrier_id(%barrier3A)
    %scan3A_14 = arith.constant 0 : i32
    %scan3A_15 = arith.constant 0 : i32
    %scan3A_16 = arith.constant 10 : i32
    %scan3A_17 = arith.addi %scan3A_15, %scan3A_16 : i32
    %scan3A_18 = arith.constant 1 : i32
    scf.for %scan3A_25 = %scan3A_15 to %scan3A_17 step %scan3A_18  : i32 {
      %mul3A_26 = arith.constant 8 : i32
      %mul3A_27 = arith.muli %scan3A_25, %mul3A_26 : i32
      %add3A_28 = arith.constant 0 : i32
      %add3A_29 = arith.addi %mul3A_27, %add3A_28 : i32
      %dma_start3A = arith.constant 0 : i32
      %dma_start3A_30 = tpu.memref_slice %arg5[%add3A_29, %dma_start3A] : memref<80x128xi32, #tpu.memory_space<vmem>> -> memref<1x128xi32, #tpu.memory_space<vmem>>
      %dma_start3A_31 = tpu.memref_squeeze %dma_start3A_30 : memref<1x128xi32, #tpu.memory_space<vmem>> -> memref<128xi32, #tpu.memory_space<vmem>>
      %dma_start3A_32 = arith.constant 0 : i32
      %dma_start3A_33 = tpu.memref_slice %arg4[%dma_start3A_32] : memref<10240xf32, #tpu.memory_space<vmem_shared>> -> memref<10240xf32, #tpu.memory_space<vmem_shared>>
      tpu.enqueue_indirect_dma source(%arg6 : memref<128xf32, #tpu.memory_space<vmem>>) target(%dma_start3A_33 : memref<10240xf32, #tpu.memory_space<vmem_shared>>) offsets(%dma_start3A_31 : memref<128xi32, #tpu.memory_space<vmem>>) semaphore(%arg8 : memref<!tpu.dma_semaphore, #tpu.memory_space<semaphore_mem>>) {add = true}
      %mul3A_34 = arith.constant 8 : i32
      %mul3A_35 = arith.muli %scan3A_25, %mul3A_34 : i32
      %add3A_36 = arith.constant 1 : i32
      %add3A_37 = arith.addi %mul3A_35, %add3A_36 : i32
      %dma_start3A_38 = arith.constant 0 : i32
      %dma_start3A_39 = tpu.memref_slice %arg5[%add3A_37, %dma_start3A_38] : memref<80x128xi32, #tpu.memory_space<vmem>> -> memref<1x128xi32, #tpu.memory_space<vmem>>
      %dma_start3A_40 = tpu.memref_squeeze %dma_start3A_39 : memref<1x128xi32, #tpu.memory_space<vmem>> -> memref<128xi32, #tpu.memory_space<vmem>>
      %dma_start3A_41 = arith.constant 0 : i32
      %dma_start3A_42 = tpu.memref_slice %arg4[%dma_start3A_41] : memref<10240xf32, #tpu.memory_space<vmem_shared>> -> memref<10240xf32, #tpu.memory_space<vmem_shared>>
      tpu.enqueue_indirect_dma source(%arg6 : memref<128xf32, #tpu.memory_space<vmem>>) target(%dma_start3A_42 : memref<10240xf32, #tpu.memory_space<vmem_shared>>) offsets(%dma_start3A_40 : memref<128xi32, #tpu.memory_space<vmem>>) semaphore(%arg8 : memref<!tpu.dma_semaphore, #tpu.memory_space<semaphore_mem>>) {add = true}
      %mul3A_43 = arith.constant 8 : i32
      %mul3A_44 = arith.muli %scan3A_25, %mul3A_43 : i32
      %add3A_45 = arith.constant 2 : i32
      %add3A_46 = arith.addi %mul3A_44, %add3A_45 : i32
      %dma_start3A_47 = arith.constant 0 : i32
      %dma_start3A_48 = tpu.memref_slice %arg5[%add3A_46, %dma_start3A_47] : memref<80x128xi32, #tpu.memory_space<vmem>> -> memref<1x128xi32, #tpu.memory_space<vmem>>
      %dma_start3A_49 = tpu.memref_squeeze %dma_start3A_48 : memref<1x128xi32, #tpu.memory_space<vmem>> -> memref<128xi32, #tpu.memory_space<vmem>>
      %dma_start3A_50 = arith.constant 0 : i32
      %dma_start3A_51 = tpu.memref_slice %arg4[%dma_start3A_50] : memref<10240xf32, #tpu.memory_space<vmem_shared>> -> memref<10240xf32, #tpu.memory_space<vmem_shared>>
      tpu.enqueue_indirect_dma source(%arg6 : memref<128xf32, #tpu.memory_space<vmem>>) target(%dma_start3A_51 : memref<10240xf32, #tpu.memory_space<vmem_shared>>) offsets(%dma_start3A_49 : memref<128xi32, #tpu.memory_space<vmem>>) semaphore(%arg8 : memref<!tpu.dma_semaphore, #tpu.memory_space<semaphore_mem>>) {add = true}
      %mul3A_52 = arith.constant 8 : i32
      %mul3A_53 = arith.muli %scan3A_25, %mul3A_52 : i32
      %add3A_54 = arith.constant 3 : i32
      %add3A_55 = arith.addi %mul3A_53, %add3A_54 : i32
      %dma_start3A_56 = arith.constant 0 : i32
      %dma_start3A_57 = tpu.memref_slice %arg5[%add3A_55, %dma_start3A_56] : memref<80x128xi32, #tpu.memory_space<vmem>> -> memref<1x128xi32, #tpu.memory_space<vmem>>
      %dma_start3A_58 = tpu.memref_squeeze %dma_start3A_57 : memref<1x128xi32, #tpu.memory_space<vmem>> -> memref<128xi32, #tpu.memory_space<vmem>>
      %dma_start3A_59 = arith.constant 0 : i32
      %dma_start3A_60 = tpu.memref_slice %arg4[%dma_start3A_59] : memref<10240xf32, #tpu.memory_space<vmem_shared>> -> memref<10240xf32, #tpu.memory_space<vmem_shared>>
      tpu.enqueue_indirect_dma source(%arg6 : memref<128xf32, #tpu.memory_space<vmem>>) target(%dma_start3A_60 : memref<10240xf32, #tpu.memory_space<vmem_shared>>) offsets(%dma_start3A_58 : memref<128xi32, #tpu.memory_space<vmem>>) semaphore(%arg8 : memref<!tpu.dma_semaphore, #tpu.memory_space<semaphore_mem>>) {add = true}
      %mul3A_61 = arith.constant 8 : i32
      %mul3A_62 = arith.muli %scan3A_25, %mul3A_61 : i32
      %add3A_63 = arith.constant 4 : i32
      %add3A_64 = arith.addi %mul3A_62, %add3A_63 : i32
      %dma_start3A_65 = arith.constant 0 : i32
      %dma_start3A_66 = tpu.memref_slice %arg5[%add3A_64, %dma_start3A_65] : memref<80x128xi32, #tpu.memory_space<vmem>> -> memref<1x128xi32, #tpu.memory_space<vmem>>
      %dma_start3A_67 = tpu.memref_squeeze %dma_start3A_66 : memref<1x128xi32, #tpu.memory_space<vmem>> -> memref<128xi32, #tpu.memory_space<vmem>>
      %dma_start3A_68 = arith.constant 0 : i32
      %dma_start3A_69 = tpu.memref_slice %arg4[%dma_start3A_68] : memref<10240xf32, #tpu.memory_space<vmem_shared>> -> memref<10240xf32, #tpu.memory_space<vmem_shared>>
      tpu.enqueue_indirect_dma source(%arg6 : memref<128xf32, #tpu.memory_space<vmem>>) target(%dma_start3A_69 : memref<10240xf32, #tpu.memory_space<vmem_shared>>) offsets(%dma_start3A_67 : memref<128xi32, #tpu.memory_space<vmem>>) semaphore(%arg8 : memref<!tpu.dma_semaphore, #tpu.memory_space<semaphore_mem>>) {add = true}
      %mul3A_70 = arith.constant 8 : i32
      %mul3A_71 = arith.muli %scan3A_25, %mul3A_70 : i32
      %add3A_72 = arith.constant 5 : i32
      %add3A_73 = arith.addi %mul3A_71, %add3A_72 : i32
      %dma_start3A_74 = arith.constant 0 : i32
      %dma_start3A_75 = tpu.memref_slice %arg5[%add3A_73, %dma_start3A_74] : memref<80x128xi32, #tpu.memory_space<vmem>> -> memref<1x128xi32, #tpu.memory_space<vmem>>
      %dma_start3A_76 = tpu.memref_squeeze %dma_start3A_75 : memref<1x128xi32, #tpu.memory_space<vmem>> -> memref<128xi32, #tpu.memory_space<vmem>>
      %dma_start3A_77 = arith.constant 0 : i32
      %dma_start3A_78 = tpu.memref_slice %arg4[%dma_start3A_77] : memref<10240xf32, #tpu.memory_space<vmem_shared>> -> memref<10240xf32, #tpu.memory_space<vmem_shared>>
      tpu.enqueue_indirect_dma source(%arg6 : memref<128xf32, #tpu.memory_space<vmem>>) target(%dma_start3A_78 : memref<10240xf32, #tpu.memory_space<vmem_shared>>) offsets(%dma_start3A_76 : memref<128xi32, #tpu.memory_space<vmem>>) semaphore(%arg8 : memref<!tpu.dma_semaphore, #tpu.memory_space<semaphore_mem>>) {add = true}
      %mul3A_79 = arith.constant 8 : i32
      %mul3A_80 = arith.muli %scan3A_25, %mul3A_79 : i32
      %add3A_81 = arith.constant 6 : i32
      %add3A_82 = arith.addi %mul3A_80, %add3A_81 : i32
      %dma_start3A_83 = arith.constant 0 : i32
      %dma_start3A_84 = tpu.memref_slice %arg5[%add3A_82, %dma_start3A_83] : memref<80x128xi32, #tpu.memory_space<vmem>> -> memref<1x128xi32, #tpu.memory_space<vmem>>
      %dma_start3A_85 = tpu.memref_squeeze %dma_start3A_84 : memref<1x128xi32, #tpu.memory_space<vmem>> -> memref<128xi32, #tpu.memory_space<vmem>>
      %dma_start3A_86 = arith.constant 0 : i32
      %dma_start3A_87 = tpu.memref_slice %arg4[%dma_start3A_86] : memref<10240xf32, #tpu.memory_space<vmem_shared>> -> memref<10240xf32, #tpu.memory_space<vmem_shared>>
      tpu.enqueue_indirect_dma source(%arg6 : memref<128xf32, #tpu.memory_space<vmem>>) target(%dma_start3A_87 : memref<10240xf32, #tpu.memory_space<vmem_shared>>) offsets(%dma_start3A_85 : memref<128xi32, #tpu.memory_space<vmem>>) semaphore(%arg8 : memref<!tpu.dma_semaphore, #tpu.memory_space<semaphore_mem>>) {add = true}
      %mul3A_88 = arith.constant 8 : i32
      %mul3A_89 = arith.muli %scan3A_25, %mul3A_88 : i32
      %add3A_90 = arith.constant 7 : i32
      %add3A_91 = arith.addi %mul3A_89, %add3A_90 : i32
      %dma_start3A_92 = arith.constant 0 : i32
      %dma_start3A_93 = tpu.memref_slice %arg5[%add3A_91, %dma_start3A_92] : memref<80x128xi32, #tpu.memory_space<vmem>> -> memref<1x128xi32, #tpu.memory_space<vmem>>
      %dma_start3A_94 = tpu.memref_squeeze %dma_start3A_93 : memref<1x128xi32, #tpu.memory_space<vmem>> -> memref<128xi32, #tpu.memory_space<vmem>>
      %dma_start3A_95 = arith.constant 0 : i32
      %dma_start3A_96 = tpu.memref_slice %arg4[%dma_start3A_95] : memref<10240xf32, #tpu.memory_space<vmem_shared>> -> memref<10240xf32, #tpu.memory_space<vmem_shared>>
      tpu.enqueue_indirect_dma source(%arg6 : memref<128xf32, #tpu.memory_space<vmem>>) target(%dma_start3A_96 : memref<10240xf32, #tpu.memory_space<vmem_shared>>) offsets(%dma_start3A_94 : memref<128xi32, #tpu.memory_space<vmem>>) semaphore(%arg8 : memref<!tpu.dma_semaphore, #tpu.memory_space<semaphore_mem>>) {add = true}
      %dma_wait3A = arith.constant 0 : i32
      %dma_wait3A_97 = arith.constant 0 : i32
      %dma_wait3A_98 = tpu.memref_slice %arg5[%dma_wait3A, %dma_wait3A_97] : memref<80x128xi32, #tpu.memory_space<vmem>> -> memref<1x128xi32, #tpu.memory_space<vmem>>
      %dma_wait3A_99 = tpu.memref_squeeze %dma_wait3A_98 : memref<1x128xi32, #tpu.memory_space<vmem>> -> memref<128xi32, #tpu.memory_space<vmem>>
      %dma_wait3A_100 = arith.constant 0 : i32
      %dma_wait3A_101 = tpu.memref_slice %arg4[%dma_wait3A_100] : memref<10240xf32, #tpu.memory_space<vmem_shared>> -> memref<10240xf32, #tpu.memory_space<vmem_shared>>
      tpu.wait_indirect_dma semaphore(%arg8 : memref<!tpu.dma_semaphore, #tpu.memory_space<semaphore_mem>>) src(%arg6 : memref<128xf32, #tpu.memory_space<vmem>>) dst(%dma_wait3A_101 : memref<10240xf32, #tpu.memory_space<vmem_shared>>)
      %dma_wait3A_102 = arith.constant 1 : i32
      %dma_wait3A_103 = arith.constant 0 : i32
      %dma_wait3A_104 = tpu.memref_slice %arg5[%dma_wait3A_102, %dma_wait3A_103] : memref<80x128xi32, #tpu.memory_space<vmem>> -> memref<1x128xi32, #tpu.memory_space<vmem>>
      %dma_wait3A_105 = tpu.memref_squeeze %dma_wait3A_104 : memref<1x128xi32, #tpu.memory_space<vmem>> -> memref<128xi32, #tpu.memory_space<vmem>>
      %dma_wait3A_106 = arith.constant 0 : i32
      %dma_wait3A_107 = tpu.memref_slice %arg4[%dma_wait3A_106] : memref<10240xf32, #tpu.memory_space<vmem_shared>> -> memref<10240xf32, #tpu.memory_space<vmem_shared>>
      tpu.wait_indirect_dma semaphore(%arg8 : memref<!tpu.dma_semaphore, #tpu.memory_space<semaphore_mem>>) src(%arg6 : memref<128xf32, #tpu.memory_space<vmem>>) dst(%dma_wait3A_107 : memref<10240xf32, #tpu.memory_space<vmem_shared>>)
      %dma_wait3A_108 = arith.constant 2 : i32
      %dma_wait3A_109 = arith.constant 0 : i32
      %dma_wait3A_110 = tpu.memref_slice %arg5[%dma_wait3A_108, %dma_wait3A_109] : memref<80x128xi32, #tpu.memory_space<vmem>> -> memref<1x128xi32, #tpu.memory_space<vmem>>
      %dma_wait3A_111 = tpu.memref_squeeze %dma_wait3A_110 : memref<1x128xi32, #tpu.memory_space<vmem>> -> memref<128xi32, #tpu.memory_space<vmem>>
      %dma_wait3A_112 = arith.constant 0 : i32
      %dma_wait3A_113 = tpu.memref_slice %arg4[%dma_wait3A_112] : memref<10240xf32, #tpu.memory_space<vmem_shared>> -> memref<10240xf32, #tpu.memory_space<vmem_shared>>
      tpu.wait_indirect_dma semaphore(%arg8 : memref<!tpu.dma_semaphore, #tpu.memory_space<semaphore_mem>>) src(%arg6 : memref<128xf32, #tpu.memory_space<vmem>>) dst(%dma_wait3A_113 : memref<10240xf32, #tpu.memory_space<vmem_shared>>)
      %dma_wait3A_114 = arith.constant 3 : i32
      %dma_wait3A_115 = arith.constant 0 : i32
      %dma_wait3A_116 = tpu.memref_slice %arg5[%dma_wait3A_114, %dma_wait3A_115] : memref<80x128xi32, #tpu.memory_space<vmem>> -> memref<1x128xi32, #tpu.memory_space<vmem>>
      %dma_wait3A_117 = tpu.memref_squeeze %dma_wait3A_116 : memref<1x128xi32, #tpu.memory_space<vmem>> -> memref<128xi32, #tpu.memory_space<vmem>>
      %dma_wait3A_118 = arith.constant 0 : i32
      %dma_wait3A_119 = tpu.memref_slice %arg4[%dma_wait3A_118] : memref<10240xf32, #tpu.memory_space<vmem_shared>> -> memref<10240xf32, #tpu.memory_space<vmem_shared>>
      tpu.wait_indirect_dma semaphore(%arg8 : memref<!tpu.dma_semaphore, #tpu.memory_space<semaphore_mem>>) src(%arg6 : memref<128xf32, #tpu.memory_space<vmem>>) dst(%dma_wait3A_119 : memref<10240xf32, #tpu.memory_space<vmem_shared>>)
      %dma_wait3A_120 = arith.constant 4 : i32
      %dma_wait3A_121 = arith.constant 0 : i32
      %dma_wait3A_122 = tpu.memref_slice %arg5[%dma_wait3A_120, %dma_wait3A_121] : memref<80x128xi32, #tpu.memory_space<vmem>> -> memref<1x128xi32, #tpu.memory_space<vmem>>
      %dma_wait3A_123 = tpu.memref_squeeze %dma_wait3A_122 : memref<1x128xi32, #tpu.memory_space<vmem>> -> memref<128xi32, #tpu.memory_space<vmem>>
      %dma_wait3A_124 = arith.constant 0 : i32
      %dma_wait3A_125 = tpu.memref_slice %arg4[%dma_wait3A_124] : memref<10240xf32, #tpu.memory_space<vmem_shared>> -> memref<10240xf32, #tpu.memory_space<vmem_shared>>
      tpu.wait_indirect_dma semaphore(%arg8 : memref<!tpu.dma_semaphore, #tpu.memory_space<semaphore_mem>>) src(%arg6 : memref<128xf32, #tpu.memory_space<vmem>>) dst(%dma_wait3A_125 : memref<10240xf32, #tpu.memory_space<vmem_shared>>)
      %dma_wait3A_126 = arith.constant 5 : i32
      %dma_wait3A_127 = arith.constant 0 : i32
      %dma_wait3A_128 = tpu.memref_slice %arg5[%dma_wait3A_126, %dma_wait3A_127] : memref<80x128xi32, #tpu.memory_space<vmem>> -> memref<1x128xi32, #tpu.memory_space<vmem>>
      %dma_wait3A_129 = tpu.memref_squeeze %dma_wait3A_128 : memref<1x128xi32, #tpu.memory_space<vmem>> -> memref<128xi32, #tpu.memory_space<vmem>>
      %dma_wait3A_130 = arith.constant 0 : i32
      %dma_wait3A_131 = tpu.memref_slice %arg4[%dma_wait3A_130] : memref<10240xf32, #tpu.memory_space<vmem_shared>> -> memref<10240xf32, #tpu.memory_space<vmem_shared>>
      tpu.wait_indirect_dma semaphore(%arg8 : memref<!tpu.dma_semaphore, #tpu.memory_space<semaphore_mem>>) src(%arg6 : memref<128xf32, #tpu.memory_space<vmem>>) dst(%dma_wait3A_131 : memref<10240xf32, #tpu.memory_space<vmem_shared>>)
      %dma_wait3A_132 = arith.constant 6 : i32
      %dma_wait3A_133 = arith.constant 0 : i32
      %dma_wait3A_134 = tpu.memref_slice %arg5[%dma_wait3A_132, %dma_wait3A_133] : memref<80x128xi32, #tpu.memory_space<vmem>> -> memref<1x128xi32, #tpu.memory_space<vmem>>
      %dma_wait3A_135 = tpu.memref_squeeze %dma_wait3A_134 : memref<1x128xi32, #tpu.memory_space<vmem>> -> memref<128xi32, #tpu.memory_space<vmem>>
      %dma_wait3A_136 = arith.constant 0 : i32
      %dma_wait3A_137 = tpu.memref_slice %arg4[%dma_wait3A_136] : memref<10240xf32, #tpu.memory_space<vmem_shared>> -> memref<10240xf32, #tpu.memory_space<vmem_shared>>
      tpu.wait_indirect_dma semaphore(%arg8 : memref<!tpu.dma_semaphore, #tpu.memory_space<semaphore_mem>>) src(%arg6 : memref<128xf32, #tpu.memory_space<vmem>>) dst(%dma_wait3A_137 : memref<10240xf32, #tpu.memory_space<vmem_shared>>)
      %dma_wait3A_138 = arith.constant 7 : i32
      %dma_wait3A_139 = arith.constant 0 : i32
      %dma_wait3A_140 = tpu.memref_slice %arg5[%dma_wait3A_138, %dma_wait3A_139] : memref<80x128xi32, #tpu.memory_space<vmem>> -> memref<1x128xi32, #tpu.memory_space<vmem>>
      %dma_wait3A_141 = tpu.memref_squeeze %dma_wait3A_140 : memref<1x128xi32, #tpu.memory_space<vmem>> -> memref<128xi32, #tpu.memory_space<vmem>>
      %dma_wait3A_142 = arith.constant 0 : i32
      %dma_wait3A_143 = tpu.memref_slice %arg4[%dma_wait3A_142] : memref<10240xf32, #tpu.memory_space<vmem_shared>> -> memref<10240xf32, #tpu.memory_space<vmem_shared>>
      tpu.wait_indirect_dma semaphore(%arg8 : memref<!tpu.dma_semaphore, #tpu.memory_space<semaphore_mem>>) src(%arg6 : memref<128xf32, #tpu.memory_space<vmem>>) dst(%dma_wait3A_143 : memref<10240xf32, #tpu.memory_space<vmem_shared>>)
    }
    %scan3A_19 = arith.constant 10 : i32
    %barrier3A_20 = arith.constant 0 : index
    tpu.barrier barrier_id(%barrier3A_20)
    %mul3A_21 = arith.constant 640 : i32
    %mul3A_22 = arith.muli %arg1, %mul3A_21 : i32
    "tpu.region"() ({
      %run_scoped3A = tpu.sem_alloc : memref<!tpu.dma_semaphore, #tpu.memory_space<semaphore_mem>>
      %dma_start3A = tpu.memref_slice %arg4[%mul3A_22] : memref<10240xf32, #tpu.memory_space<vmem_shared>> -> memref<640xf32, #tpu.memory_space<vmem_shared>>
      %dma_start3A_25 = tpu.memref_slice %arg4[%mul3A_22] : memref<10240xf32, #tpu.memory_space<vmem_shared>> -> memref<640xf32, #tpu.memory_space<vmem_shared>>
      tpu.enqueue_dma source(%dma_start3A_25 : memref<640xf32, #tpu.memory_space<vmem_shared>>) target(%arg7 : memref<640xf32, #tpu.memory_space<vmem>>) target_semaphore(%run_scoped3A : memref<!tpu.dma_semaphore, #tpu.memory_space<semaphore_mem>>)
      %dma_wait3A = tpu.memref_slice %arg4[%mul3A_22] : memref<10240xf32, #tpu.memory_space<vmem_shared>> -> memref<640xf32, #tpu.memory_space<vmem_shared>>
      %dma_wait3A_26 = tpu.memref_slice %arg4[%mul3A_22] : memref<10240xf32, #tpu.memory_space<vmem_shared>> -> memref<640xf32, #tpu.memory_space<vmem_shared>>
      tpu.wait_dma2 semaphore(%run_scoped3A : memref<!tpu.dma_semaphore, #tpu.memory_space<semaphore_mem>>) src(%dma_wait3A_26 : memref<640xf32, #tpu.memory_space<vmem_shared>>) dst(%arg7 : memref<640xf32, #tpu.memory_space<vmem>>)
      tpu.yield
    }) : () -> ()
    %mul3A_23 = arith.constant 640 : i32
    %mul3A_24 = arith.muli %add3A, %mul3A_23 : i32
    "tpu.region"() ({
      %run_scoped3A = tpu.sem_alloc : memref<!tpu.dma_semaphore, #tpu.memory_space<semaphore_mem>>
      %dma_start3A = tpu.memref_slice %arg3[%mul3A_24] : memref<20480xf32, #tpu.memory_space<hbm>> -> memref<640xf32, #tpu.memory_space<hbm>>
      %dma_start3A_25 = tpu.memref_slice %arg3[%mul3A_24] : memref<20480xf32, #tpu.memory_space<hbm>> -> memref<640xf32, #tpu.memory_space<hbm>>
      tpu.enqueue_dma source(%arg7 : memref<640xf32, #tpu.memory_space<vmem>>) target(%dma_start3A_25 : memref<640xf32, #tpu.memory_space<hbm>>) target_semaphore(%run_scoped3A : memref<!tpu.dma_semaphore, #tpu.memory_space<semaphore_mem>>)
      %dma_wait3A = tpu.memref_slice %arg3[%mul3A_24] : memref<20480xf32, #tpu.memory_space<hbm>> -> memref<640xf32, #tpu.memory_space<hbm>>
      %dma_wait3A_26 = tpu.memref_slice %arg3[%mul3A_24] : memref<20480xf32, #tpu.memory_space<hbm>> -> memref<640xf32, #tpu.memory_space<hbm>>
      tpu.wait_dma2 semaphore(%run_scoped3A : memref<!tpu.dma_semaphore, #tpu.memory_space<semaphore_mem>>) src(%arg7 : memref<640xf32, #tpu.memory_space<vmem>>) dst(%dma_wait3A_26 : memref<640xf32, #tpu.memory_space<hbm>>)
      tpu.yield
    }) : () -> ()
    return
  }
}

#map = affine_map<(d0, d1) -> (0, 0)>
#map1 = affine_map<(d0, d1) -> (0, 0, 0)>
module attributes {stable_mosaic.version = 14 : i64} {
  func.func @agg_kernel(%arg0: i32, %arg1: i32, %arg2: memref<10112x64xf32, #tpu.memory_space<hbm>>, %arg3: memref<32x80x128xi32, #tpu.memory_space<hbm>>, %arg4: memref<32x80x128xi32, #tpu.memory_space<hbm>>, %arg5: memref<10112x64xf32, #tpu.memory_space<hbm>>, %arg6: memref<2x10112x64xf32, #tpu.memory_space<hbm>>, %arg7: memref<10112x64xf32, #tpu.memory_space<vmem_shared>>, %arg8: memref<80x128xi32, #tpu.memory_space<vmem>>, %arg9: memref<80x128xi32, #tpu.memory_space<vmem>>, %arg10: memref<8x128x64xf32, #tpu.memory_space<vmem>>, %arg11: memref<!tpu.dma_semaphore, #tpu.memory_space<semaphore_mem>>, %arg12: memref<!tpu.dma_semaphore, #tpu.memory_space<semaphore_mem>>, %arg13: memref<!tpu.dma_semaphore, #tpu.memory_space<semaphore_mem>>, %arg14: memref<!tpu.dma_semaphore, #tpu.memory_space<semaphore_mem>>) attributes {dimension_semantics = [#tpu.dimension_semantics<core_parallel>, #tpu.dimension_semantics<subcore_parallel>], iteration_bounds = array<i64: 2, 16>, scalar_prefetch = 0 : i64, scratch_operands = 8 : i64, tpu.core_type = #tpu.core_type<sc_vector_subcore>, window_params = [{transform_indices = #map}, {transform_indices = #map1}, {transform_indices = #map1}, {transform_indices = #map}, {transform_indices = #map1}]} {
    %mul3A = arith.constant 16 : i32
    %mul3A_0 = arith.muli %arg0, %mul3A : i32
    %add3A = arith.addi %mul3A_0, %arg1 : i32
    %mul3A_1 = arith.constant 632 : i32
    %mul3A_2 = arith.muli %arg1, %mul3A_1 : i32
    %mul3A_3 = arith.constant 632 : i32
    %mul3A_4 = arith.muli %arg1, %mul3A_3 : i32
    %dma_start3A = arith.constant 0 : i32
    %dma_start3A_5 = tpu.memref_slice %arg7[%mul3A_4, %dma_start3A] : memref<10112x64xf32, #tpu.memory_space<vmem_shared>> -> memref<632x64xf32, #tpu.memory_space<vmem_shared>>
    %dma_start3A_6 = arith.constant 0 : i32
    %dma_start3A_7 = tpu.memref_slice %arg5[%mul3A_2, %dma_start3A_6] : memref<10112x64xf32, #tpu.memory_space<hbm>> -> memref<632x64xf32, #tpu.memory_space<hbm>>
    tpu.enqueue_dma source(%dma_start3A_7 : memref<632x64xf32, #tpu.memory_space<hbm>>) target(%dma_start3A_5 : memref<632x64xf32, #tpu.memory_space<vmem_shared>>) target_semaphore(%arg11 : memref<!tpu.dma_semaphore, #tpu.memory_space<semaphore_mem>>)
    %dma_start3A_8 = arith.constant 0 : i32
    %dma_start3A_9 = arith.constant 0 : i32
    %dma_start3A_10 = tpu.memref_slice %arg3[%add3A, %dma_start3A_8, %dma_start3A_9] : memref<32x80x128xi32, #tpu.memory_space<hbm>> -> memref<1x80x128xi32, #tpu.memory_space<hbm>>
    %dma_start3A_11 = tpu.memref_squeeze %dma_start3A_10 : memref<1x80x128xi32, #tpu.memory_space<hbm>> -> memref<80x128xi32, #tpu.memory_space<hbm>>
    %dma_start3A_12 = arith.constant 0 : i32
    %dma_start3A_13 = arith.constant 0 : i32
    %dma_start3A_14 = tpu.memref_slice %arg3[%add3A, %dma_start3A_12, %dma_start3A_13] : memref<32x80x128xi32, #tpu.memory_space<hbm>> -> memref<1x80x128xi32, #tpu.memory_space<hbm>>
    %dma_start3A_15 = tpu.memref_squeeze %dma_start3A_14 : memref<1x80x128xi32, #tpu.memory_space<hbm>> -> memref<80x128xi32, #tpu.memory_space<hbm>>
    tpu.enqueue_dma source(%dma_start3A_15 : memref<80x128xi32, #tpu.memory_space<hbm>>) target(%arg8 : memref<80x128xi32, #tpu.memory_space<vmem>>) target_semaphore(%arg11 : memref<!tpu.dma_semaphore, #tpu.memory_space<semaphore_mem>>)
    %dma_start3A_16 = arith.constant 0 : i32
    %dma_start3A_17 = arith.constant 0 : i32
    %dma_start3A_18 = tpu.memref_slice %arg4[%add3A, %dma_start3A_16, %dma_start3A_17] : memref<32x80x128xi32, #tpu.memory_space<hbm>> -> memref<1x80x128xi32, #tpu.memory_space<hbm>>
    %dma_start3A_19 = tpu.memref_squeeze %dma_start3A_18 : memref<1x80x128xi32, #tpu.memory_space<hbm>> -> memref<80x128xi32, #tpu.memory_space<hbm>>
    %dma_start3A_20 = arith.constant 0 : i32
    %dma_start3A_21 = arith.constant 0 : i32
    %dma_start3A_22 = tpu.memref_slice %arg4[%add3A, %dma_start3A_20, %dma_start3A_21] : memref<32x80x128xi32, #tpu.memory_space<hbm>> -> memref<1x80x128xi32, #tpu.memory_space<hbm>>
    %dma_start3A_23 = tpu.memref_squeeze %dma_start3A_22 : memref<1x80x128xi32, #tpu.memory_space<hbm>> -> memref<80x128xi32, #tpu.memory_space<hbm>>
    tpu.enqueue_dma source(%dma_start3A_23 : memref<80x128xi32, #tpu.memory_space<hbm>>) target(%arg9 : memref<80x128xi32, #tpu.memory_space<vmem>>) target_semaphore(%arg11 : memref<!tpu.dma_semaphore, #tpu.memory_space<semaphore_mem>>)
    %dma_wait3A = arith.constant 0 : i32
    %dma_wait3A_24 = tpu.memref_slice %arg7[%mul3A_4, %dma_wait3A] : memref<10112x64xf32, #tpu.memory_space<vmem_shared>> -> memref<632x64xf32, #tpu.memory_space<vmem_shared>>
    %dma_wait3A_25 = arith.constant 0 : i32
    %dma_wait3A_26 = tpu.memref_slice %arg5[%mul3A_2, %dma_wait3A_25] : memref<10112x64xf32, #tpu.memory_space<hbm>> -> memref<632x64xf32, #tpu.memory_space<hbm>>
    tpu.wait_dma2 semaphore(%arg11 : memref<!tpu.dma_semaphore, #tpu.memory_space<semaphore_mem>>) src(%dma_wait3A_26 : memref<632x64xf32, #tpu.memory_space<hbm>>) dst(%dma_wait3A_24 : memref<632x64xf32, #tpu.memory_space<vmem_shared>>)
    %dma_wait3A_27 = arith.constant 0 : i32
    %dma_wait3A_28 = arith.constant 0 : i32
    %dma_wait3A_29 = tpu.memref_slice %arg3[%add3A, %dma_wait3A_27, %dma_wait3A_28] : memref<32x80x128xi32, #tpu.memory_space<hbm>> -> memref<1x80x128xi32, #tpu.memory_space<hbm>>
    %dma_wait3A_30 = tpu.memref_squeeze %dma_wait3A_29 : memref<1x80x128xi32, #tpu.memory_space<hbm>> -> memref<80x128xi32, #tpu.memory_space<hbm>>
    %dma_wait3A_31 = arith.constant 0 : i32
    %dma_wait3A_32 = arith.constant 0 : i32
    %dma_wait3A_33 = tpu.memref_slice %arg3[%add3A, %dma_wait3A_31, %dma_wait3A_32] : memref<32x80x128xi32, #tpu.memory_space<hbm>> -> memref<1x80x128xi32, #tpu.memory_space<hbm>>
    %dma_wait3A_34 = tpu.memref_squeeze %dma_wait3A_33 : memref<1x80x128xi32, #tpu.memory_space<hbm>> -> memref<80x128xi32, #tpu.memory_space<hbm>>
    tpu.wait_dma2 semaphore(%arg11 : memref<!tpu.dma_semaphore, #tpu.memory_space<semaphore_mem>>) src(%dma_wait3A_34 : memref<80x128xi32, #tpu.memory_space<hbm>>) dst(%arg8 : memref<80x128xi32, #tpu.memory_space<vmem>>)
    %dma_wait3A_35 = arith.constant 0 : i32
    %dma_wait3A_36 = arith.constant 0 : i32
    %dma_wait3A_37 = tpu.memref_slice %arg4[%add3A, %dma_wait3A_35, %dma_wait3A_36] : memref<32x80x128xi32, #tpu.memory_space<hbm>> -> memref<1x80x128xi32, #tpu.memory_space<hbm>>
    %dma_wait3A_38 = tpu.memref_squeeze %dma_wait3A_37 : memref<1x80x128xi32, #tpu.memory_space<hbm>> -> memref<80x128xi32, #tpu.memory_space<hbm>>
    %dma_wait3A_39 = arith.constant 0 : i32
    %dma_wait3A_40 = arith.constant 0 : i32
    %dma_wait3A_41 = tpu.memref_slice %arg4[%add3A, %dma_wait3A_39, %dma_wait3A_40] : memref<32x80x128xi32, #tpu.memory_space<hbm>> -> memref<1x80x128xi32, #tpu.memory_space<hbm>>
    %dma_wait3A_42 = tpu.memref_squeeze %dma_wait3A_41 : memref<1x80x128xi32, #tpu.memory_space<hbm>> -> memref<80x128xi32, #tpu.memory_space<hbm>>
    tpu.wait_dma2 semaphore(%arg11 : memref<!tpu.dma_semaphore, #tpu.memory_space<semaphore_mem>>) src(%dma_wait3A_42 : memref<80x128xi32, #tpu.memory_space<hbm>>) dst(%arg9 : memref<80x128xi32, #tpu.memory_space<vmem>>)
    %barrier3A = arith.constant 0 : index
    tpu.barrier barrier_id(%barrier3A)
    %scan3A = arith.constant 0 : i32
    %scan3A_43 = arith.constant 0 : i32
    %scan3A_44 = arith.constant 10 : i32
    %scan3A_45 = arith.addi %scan3A_43, %scan3A_44 : i32
    %scan3A_46 = arith.constant 1 : i32
    scf.for %scan3A_149 = %scan3A_43 to %scan3A_45 step %scan3A_46  : i32 {
      %mul3A_150 = arith.constant 2 : i32
      %mul3A_151 = arith.muli %scan3A_149, %mul3A_150 : i32
      %mul3A_152 = arith.constant 4 : i32
      %mul3A_153 = arith.muli %mul3A_151, %mul3A_152 : i32
      %add3A_154 = arith.constant 4 : i32
      %add3A_155 = arith.addi %mul3A_153, %add3A_154 : i32
      %gt3A = arith.constant 0 : i32
      %gt3A_156 = arith.cmpi sgt, %scan3A_149, %gt3A : i32
      %convert_element_type3A = arith.extui %gt3A_156 : i1 to i32
      %cond3A = arith.constant 0 : i32
      %cond3A_157 = arith.cmpi ne, %convert_element_type3A, %cond3A : i32
      scf.if %cond3A_157 {
        %dma_wait3A_467 = arith.constant 0 : i32
        %dma_wait3A_468 = arith.constant 0 : i32
        %dma_wait3A_469 = arith.constant 0 : i32
        %dma_wait3A_470 = arith.constant 0 : i32
        %dma_wait3A_471 = tpu.memref_slice %arg10[%dma_wait3A_467, %dma_wait3A_469, %dma_wait3A_470] : memref<8x128x64xf32, #tpu.memory_space<vmem>> -> memref<1x128x64xf32, #tpu.memory_space<vmem>>
        %dma_wait3A_472 = tpu.memref_squeeze %dma_wait3A_471 : memref<1x128x64xf32, #tpu.memory_space<vmem>> -> memref<128x64xf32, #tpu.memory_space<vmem>>
        %dma_wait3A_473 = arith.constant 0 : i32
        %dma_wait3A_474 = tpu.memref_slice %arg9[%dma_wait3A_468, %dma_wait3A_473] : memref<80x128xi32, #tpu.memory_space<vmem>> -> memref<1x128xi32, #tpu.memory_space<vmem>>
        %dma_wait3A_475 = tpu.memref_squeeze %dma_wait3A_474 : memref<1x128xi32, #tpu.memory_space<vmem>> -> memref<128xi32, #tpu.memory_space<vmem>>
        %dma_wait3A_476 = arith.constant 0 : i32
        %dma_wait3A_477 = arith.constant 0 : i32
        %dma_wait3A_478 = tpu.memref_slice %arg7[%dma_wait3A_476, %dma_wait3A_477] : memref<10112x64xf32, #tpu.memory_space<vmem_shared>> -> memref<10112x64xf32, #tpu.memory_space<vmem_shared>>
        tpu.wait_indirect_dma semaphore(%arg13 : memref<!tpu.dma_semaphore, #tpu.memory_space<semaphore_mem>>) src(%dma_wait3A_472 : memref<128x64xf32, #tpu.memory_space<vmem>>) dst(%dma_wait3A_478 : memref<10112x64xf32, #tpu.memory_space<vmem_shared>>)
        %dma_wait3A_479 = arith.constant 1 : i32
        %dma_wait3A_480 = arith.constant 1 : i32
        %dma_wait3A_481 = arith.constant 0 : i32
        %dma_wait3A_482 = arith.constant 0 : i32
        %dma_wait3A_483 = tpu.memref_slice %arg10[%dma_wait3A_479, %dma_wait3A_481, %dma_wait3A_482] : memref<8x128x64xf32, #tpu.memory_space<vmem>> -> memref<1x128x64xf32, #tpu.memory_space<vmem>>
        %dma_wait3A_484 = tpu.memref_squeeze %dma_wait3A_483 : memref<1x128x64xf32, #tpu.memory_space<vmem>> -> memref<128x64xf32, #tpu.memory_space<vmem>>
        %dma_wait3A_485 = arith.constant 0 : i32
        %dma_wait3A_486 = tpu.memref_slice %arg9[%dma_wait3A_480, %dma_wait3A_485] : memref<80x128xi32, #tpu.memory_space<vmem>> -> memref<1x128xi32, #tpu.memory_space<vmem>>
        %dma_wait3A_487 = tpu.memref_squeeze %dma_wait3A_486 : memref<1x128xi32, #tpu.memory_space<vmem>> -> memref<128xi32, #tpu.memory_space<vmem>>
        %dma_wait3A_488 = arith.constant 0 : i32
        %dma_wait3A_489 = arith.constant 0 : i32
        %dma_wait3A_490 = tpu.memref_slice %arg7[%dma_wait3A_488, %dma_wait3A_489] : memref<10112x64xf32, #tpu.memory_space<vmem_shared>> -> memref<10112x64xf32, #tpu.memory_space<vmem_shared>>
        tpu.wait_indirect_dma semaphore(%arg13 : memref<!tpu.dma_semaphore, #tpu.memory_space<semaphore_mem>>) src(%dma_wait3A_484 : memref<128x64xf32, #tpu.memory_space<vmem>>) dst(%dma_wait3A_490 : memref<10112x64xf32, #tpu.memory_space<vmem_shared>>)
        %dma_wait3A_491 = arith.constant 2 : i32
        %dma_wait3A_492 = arith.constant 2 : i32
        %dma_wait3A_493 = arith.constant 0 : i32
        %dma_wait3A_494 = arith.constant 0 : i32
        %dma_wait3A_495 = tpu.memref_slice %arg10[%dma_wait3A_491, %dma_wait3A_493, %dma_wait3A_494] : memref<8x128x64xf32, #tpu.memory_space<vmem>> -> memref<1x128x64xf32, #tpu.memory_space<vmem>>
        %dma_wait3A_496 = tpu.memref_squeeze %dma_wait3A_495 : memref<1x128x64xf32, #tpu.memory_space<vmem>> -> memref<128x64xf32, #tpu.memory_space<vmem>>
        %dma_wait3A_497 = arith.constant 0 : i32
        %dma_wait3A_498 = tpu.memref_slice %arg9[%dma_wait3A_492, %dma_wait3A_497] : memref<80x128xi32, #tpu.memory_space<vmem>> -> memref<1x128xi32, #tpu.memory_space<vmem>>
        %dma_wait3A_499 = tpu.memref_squeeze %dma_wait3A_498 : memref<1x128xi32, #tpu.memory_space<vmem>> -> memref<128xi32, #tpu.memory_space<vmem>>
        %dma_wait3A_500 = arith.constant 0 : i32
        %dma_wait3A_501 = arith.constant 0 : i32
        %dma_wait3A_502 = tpu.memref_slice %arg7[%dma_wait3A_500, %dma_wait3A_501] : memref<10112x64xf32, #tpu.memory_space<vmem_shared>> -> memref<10112x64xf32, #tpu.memory_space<vmem_shared>>
        tpu.wait_indirect_dma semaphore(%arg13 : memref<!tpu.dma_semaphore, #tpu.memory_space<semaphore_mem>>) src(%dma_wait3A_496 : memref<128x64xf32, #tpu.memory_space<vmem>>) dst(%dma_wait3A_502 : memref<10112x64xf32, #tpu.memory_space<vmem_shared>>)
        %dma_wait3A_503 = arith.constant 3 : i32
        %dma_wait3A_504 = arith.constant 3 : i32
        %dma_wait3A_505 = arith.constant 0 : i32
        %dma_wait3A_506 = arith.constant 0 : i32
        %dma_wait3A_507 = tpu.memref_slice %arg10[%dma_wait3A_503, %dma_wait3A_505, %dma_wait3A_506] : memref<8x128x64xf32, #tpu.memory_space<vmem>> -> memref<1x128x64xf32, #tpu.memory_space<vmem>>
        %dma_wait3A_508 = tpu.memref_squeeze %dma_wait3A_507 : memref<1x128x64xf32, #tpu.memory_space<vmem>> -> memref<128x64xf32, #tpu.memory_space<vmem>>
        %dma_wait3A_509 = arith.constant 0 : i32
        %dma_wait3A_510 = tpu.memref_slice %arg9[%dma_wait3A_504, %dma_wait3A_509] : memref<80x128xi32, #tpu.memory_space<vmem>> -> memref<1x128xi32, #tpu.memory_space<vmem>>
        %dma_wait3A_511 = tpu.memref_squeeze %dma_wait3A_510 : memref<1x128xi32, #tpu.memory_space<vmem>> -> memref<128xi32, #tpu.memory_space<vmem>>
        %dma_wait3A_512 = arith.constant 0 : i32
        %dma_wait3A_513 = arith.constant 0 : i32
        %dma_wait3A_514 = tpu.memref_slice %arg7[%dma_wait3A_512, %dma_wait3A_513] : memref<10112x64xf32, #tpu.memory_space<vmem_shared>> -> memref<10112x64xf32, #tpu.memory_space<vmem_shared>>
        tpu.wait_indirect_dma semaphore(%arg13 : memref<!tpu.dma_semaphore, #tpu.memory_space<semaphore_mem>>) src(%dma_wait3A_508 : memref<128x64xf32, #tpu.memory_space<vmem>>) dst(%dma_wait3A_514 : memref<10112x64xf32, #tpu.memory_space<vmem_shared>>)
      } else {
      }
      %add3A_158 = arith.constant 0 : i32
      %add3A_159 = arith.addi %mul3A_153, %add3A_158 : i32
      %dma_start3A_160 = arith.constant 0 : i32
      %dma_start3A_161 = arith.constant 0 : i32
      %dma_start3A_162 = arith.constant 0 : i32
      %dma_start3A_163 = tpu.memref_slice %arg10[%dma_start3A_160, %dma_start3A_161, %dma_start3A_162] : memref<8x128x64xf32, #tpu.memory_space<vmem>> -> memref<1x128x64xf32, #tpu.memory_space<vmem>>
      %dma_start3A_164 = tpu.memref_squeeze %dma_start3A_163 : memref<1x128x64xf32, #tpu.memory_space<vmem>> -> memref<128x64xf32, #tpu.memory_space<vmem>>
      %dma_start3A_165 = arith.constant 0 : i32
      %dma_start3A_166 = tpu.memref_slice %arg8[%add3A_159, %dma_start3A_165] : memref<80x128xi32, #tpu.memory_space<vmem>> -> memref<1x128xi32, #tpu.memory_space<vmem>>
      %dma_start3A_167 = tpu.memref_squeeze %dma_start3A_166 : memref<1x128xi32, #tpu.memory_space<vmem>> -> memref<128xi32, #tpu.memory_space<vmem>>
      %dma_start3A_168 = arith.constant 0 : i32
      %dma_start3A_169 = arith.constant 0 : i32
      %dma_start3A_170 = tpu.memref_slice %arg2[%dma_start3A_168, %dma_start3A_169] : memref<10112x64xf32, #tpu.memory_space<hbm>> -> memref<10112x64xf32, #tpu.memory_space<hbm>>
      tpu.enqueue_indirect_dma source(%dma_start3A_170 : memref<10112x64xf32, #tpu.memory_space<hbm>>) target(%dma_start3A_164 : memref<128x64xf32, #tpu.memory_space<vmem>>) offsets(%dma_start3A_167 : memref<128xi32, #tpu.memory_space<vmem>>) semaphore(%arg11 : memref<!tpu.dma_semaphore, #tpu.memory_space<semaphore_mem>>)
      %add3A_171 = arith.constant 1 : i32
      %add3A_172 = arith.addi %mul3A_153, %add3A_171 : i32
      %dma_start3A_173 = arith.constant 1 : i32
      %dma_start3A_174 = arith.constant 0 : i32
      %dma_start3A_175 = arith.constant 0 : i32
      %dma_start3A_176 = tpu.memref_slice %arg10[%dma_start3A_173, %dma_start3A_174, %dma_start3A_175] : memref<8x128x64xf32, #tpu.memory_space<vmem>> -> memref<1x128x64xf32, #tpu.memory_space<vmem>>
      %dma_start3A_177 = tpu.memref_squeeze %dma_start3A_176 : memref<1x128x64xf32, #tpu.memory_space<vmem>> -> memref<128x64xf32, #tpu.memory_space<vmem>>
      %dma_start3A_178 = arith.constant 0 : i32
      %dma_start3A_179 = tpu.memref_slice %arg8[%add3A_172, %dma_start3A_178] : memref<80x128xi32, #tpu.memory_space<vmem>> -> memref<1x128xi32, #tpu.memory_space<vmem>>
      %dma_start3A_180 = tpu.memref_squeeze %dma_start3A_179 : memref<1x128xi32, #tpu.memory_space<vmem>> -> memref<128xi32, #tpu.memory_space<vmem>>
      %dma_start3A_181 = arith.constant 0 : i32
      %dma_start3A_182 = arith.constant 0 : i32
      %dma_start3A_183 = tpu.memref_slice %arg2[%dma_start3A_181, %dma_start3A_182] : memref<10112x64xf32, #tpu.memory_space<hbm>> -> memref<10112x64xf32, #tpu.memory_space<hbm>>
      tpu.enqueue_indirect_dma source(%dma_start3A_183 : memref<10112x64xf32, #tpu.memory_space<hbm>>) target(%dma_start3A_177 : memref<128x64xf32, #tpu.memory_space<vmem>>) offsets(%dma_start3A_180 : memref<128xi32, #tpu.memory_space<vmem>>) semaphore(%arg11 : memref<!tpu.dma_semaphore, #tpu.memory_space<semaphore_mem>>)
      %add3A_184 = arith.constant 2 : i32
      %add3A_185 = arith.addi %mul3A_153, %add3A_184 : i32
      %dma_start3A_186 = arith.constant 2 : i32
      %dma_start3A_187 = arith.constant 0 : i32
      %dma_start3A_188 = arith.constant 0 : i32
      %dma_start3A_189 = tpu.memref_slice %arg10[%dma_start3A_186, %dma_start3A_187, %dma_start3A_188] : memref<8x128x64xf32, #tpu.memory_space<vmem>> -> memref<1x128x64xf32, #tpu.memory_space<vmem>>
      %dma_start3A_190 = tpu.memref_squeeze %dma_start3A_189 : memref<1x128x64xf32, #tpu.memory_space<vmem>> -> memref<128x64xf32, #tpu.memory_space<vmem>>
      %dma_start3A_191 = arith.constant 0 : i32
      %dma_start3A_192 = tpu.memref_slice %arg8[%add3A_185, %dma_start3A_191] : memref<80x128xi32, #tpu.memory_space<vmem>> -> memref<1x128xi32, #tpu.memory_space<vmem>>
      %dma_start3A_193 = tpu.memref_squeeze %dma_start3A_192 : memref<1x128xi32, #tpu.memory_space<vmem>> -> memref<128xi32, #tpu.memory_space<vmem>>
      %dma_start3A_194 = arith.constant 0 : i32
      %dma_start3A_195 = arith.constant 0 : i32
      %dma_start3A_196 = tpu.memref_slice %arg2[%dma_start3A_194, %dma_start3A_195] : memref<10112x64xf32, #tpu.memory_space<hbm>> -> memref<10112x64xf32, #tpu.memory_space<hbm>>
      tpu.enqueue_indirect_dma source(%dma_start3A_196 : memref<10112x64xf32, #tpu.memory_space<hbm>>) target(%dma_start3A_190 : memref<128x64xf32, #tpu.memory_space<vmem>>) offsets(%dma_start3A_193 : memref<128xi32, #tpu.memory_space<vmem>>) semaphore(%arg11 : memref<!tpu.dma_semaphore, #tpu.memory_space<semaphore_mem>>)
      %add3A_197 = arith.constant 3 : i32
      %add3A_198 = arith.addi %mul3A_153, %add3A_197 : i32
      %dma_start3A_199 = arith.constant 3 : i32
      %dma_start3A_200 = arith.constant 0 : i32
      %dma_start3A_201 = arith.constant 0 : i32
      %dma_start3A_202 = tpu.memref_slice %arg10[%dma_start3A_199, %dma_start3A_200, %dma_start3A_201] : memref<8x128x64xf32, #tpu.memory_space<vmem>> -> memref<1x128x64xf32, #tpu.memory_space<vmem>>
      %dma_start3A_203 = tpu.memref_squeeze %dma_start3A_202 : memref<1x128x64xf32, #tpu.memory_space<vmem>> -> memref<128x64xf32, #tpu.memory_space<vmem>>
      %dma_start3A_204 = arith.constant 0 : i32
      %dma_start3A_205 = tpu.memref_slice %arg8[%add3A_198, %dma_start3A_204] : memref<80x128xi32, #tpu.memory_space<vmem>> -> memref<1x128xi32, #tpu.memory_space<vmem>>
      %dma_start3A_206 = tpu.memref_squeeze %dma_start3A_205 : memref<1x128xi32, #tpu.memory_space<vmem>> -> memref<128xi32, #tpu.memory_space<vmem>>
      %dma_start3A_207 = arith.constant 0 : i32
      %dma_start3A_208 = arith.constant 0 : i32
      %dma_start3A_209 = tpu.memref_slice %arg2[%dma_start3A_207, %dma_start3A_208] : memref<10112x64xf32, #tpu.memory_space<hbm>> -> memref<10112x64xf32, #tpu.memory_space<hbm>>
      tpu.enqueue_indirect_dma source(%dma_start3A_209 : memref<10112x64xf32, #tpu.memory_space<hbm>>) target(%dma_start3A_203 : memref<128x64xf32, #tpu.memory_space<vmem>>) offsets(%dma_start3A_206 : memref<128xi32, #tpu.memory_space<vmem>>) semaphore(%arg11 : memref<!tpu.dma_semaphore, #tpu.memory_space<semaphore_mem>>)
      %gt3A_210 = arith.constant 0 : i32
      %gt3A_211 = arith.cmpi sgt, %scan3A_149, %gt3A_210 : i32
      %convert_element_type3A_212 = arith.extui %gt3A_211 : i1 to i32
      %cond3A_213 = arith.constant 0 : i32
      %cond3A_214 = arith.cmpi ne, %convert_element_type3A_212, %cond3A_213 : i32
      scf.if %cond3A_214 {
        %dma_wait3A_467 = arith.constant 4 : i32
        %dma_wait3A_468 = arith.constant 0 : i32
        %dma_wait3A_469 = arith.constant 0 : i32
        %dma_wait3A_470 = arith.constant 0 : i32
        %dma_wait3A_471 = tpu.memref_slice %arg10[%dma_wait3A_467, %dma_wait3A_469, %dma_wait3A_470] : memref<8x128x64xf32, #tpu.memory_space<vmem>> -> memref<1x128x64xf32, #tpu.memory_space<vmem>>
        %dma_wait3A_472 = tpu.memref_squeeze %dma_wait3A_471 : memref<1x128x64xf32, #tpu.memory_space<vmem>> -> memref<128x64xf32, #tpu.memory_space<vmem>>
        %dma_wait3A_473 = arith.constant 0 : i32
        %dma_wait3A_474 = tpu.memref_slice %arg9[%dma_wait3A_468, %dma_wait3A_473] : memref<80x128xi32, #tpu.memory_space<vmem>> -> memref<1x128xi32, #tpu.memory_space<vmem>>
        %dma_wait3A_475 = tpu.memref_squeeze %dma_wait3A_474 : memref<1x128xi32, #tpu.memory_space<vmem>> -> memref<128xi32, #tpu.memory_space<vmem>>
        %dma_wait3A_476 = arith.constant 0 : i32
        %dma_wait3A_477 = arith.constant 0 : i32
        %dma_wait3A_478 = tpu.memref_slice %arg7[%dma_wait3A_476, %dma_wait3A_477] : memref<10112x64xf32, #tpu.memory_space<vmem_shared>> -> memref<10112x64xf32, #tpu.memory_space<vmem_shared>>
        tpu.wait_indirect_dma semaphore(%arg14 : memref<!tpu.dma_semaphore, #tpu.memory_space<semaphore_mem>>) src(%dma_wait3A_472 : memref<128x64xf32, #tpu.memory_space<vmem>>) dst(%dma_wait3A_478 : memref<10112x64xf32, #tpu.memory_space<vmem_shared>>)
        %dma_wait3A_479 = arith.constant 5 : i32
        %dma_wait3A_480 = arith.constant 1 : i32
        %dma_wait3A_481 = arith.constant 0 : i32
        %dma_wait3A_482 = arith.constant 0 : i32
        %dma_wait3A_483 = tpu.memref_slice %arg10[%dma_wait3A_479, %dma_wait3A_481, %dma_wait3A_482] : memref<8x128x64xf32, #tpu.memory_space<vmem>> -> memref<1x128x64xf32, #tpu.memory_space<vmem>>
        %dma_wait3A_484 = tpu.memref_squeeze %dma_wait3A_483 : memref<1x128x64xf32, #tpu.memory_space<vmem>> -> memref<128x64xf32, #tpu.memory_space<vmem>>
        %dma_wait3A_485 = arith.constant 0 : i32
        %dma_wait3A_486 = tpu.memref_slice %arg9[%dma_wait3A_480, %dma_wait3A_485] : memref<80x128xi32, #tpu.memory_space<vmem>> -> memref<1x128xi32, #tpu.memory_space<vmem>>
        %dma_wait3A_487 = tpu.memref_squeeze %dma_wait3A_486 : memref<1x128xi32, #tpu.memory_space<vmem>> -> memref<128xi32, #tpu.memory_space<vmem>>
        %dma_wait3A_488 = arith.constant 0 : i32
        %dma_wait3A_489 = arith.constant 0 : i32
        %dma_wait3A_490 = tpu.memref_slice %arg7[%dma_wait3A_488, %dma_wait3A_489] : memref<10112x64xf32, #tpu.memory_space<vmem_shared>> -> memref<10112x64xf32, #tpu.memory_space<vmem_shared>>
        tpu.wait_indirect_dma semaphore(%arg14 : memref<!tpu.dma_semaphore, #tpu.memory_space<semaphore_mem>>) src(%dma_wait3A_484 : memref<128x64xf32, #tpu.memory_space<vmem>>) dst(%dma_wait3A_490 : memref<10112x64xf32, #tpu.memory_space<vmem_shared>>)
        %dma_wait3A_491 = arith.constant 6 : i32
        %dma_wait3A_492 = arith.constant 2 : i32
        %dma_wait3A_493 = arith.constant 0 : i32
        %dma_wait3A_494 = arith.constant 0 : i32
        %dma_wait3A_495 = tpu.memref_slice %arg10[%dma_wait3A_491, %dma_wait3A_493, %dma_wait3A_494] : memref<8x128x64xf32, #tpu.memory_space<vmem>> -> memref<1x128x64xf32, #tpu.memory_space<vmem>>
        %dma_wait3A_496 = tpu.memref_squeeze %dma_wait3A_495 : memref<1x128x64xf32, #tpu.memory_space<vmem>> -> memref<128x64xf32, #tpu.memory_space<vmem>>
        %dma_wait3A_497 = arith.constant 0 : i32
        %dma_wait3A_498 = tpu.memref_slice %arg9[%dma_wait3A_492, %dma_wait3A_497] : memref<80x128xi32, #tpu.memory_space<vmem>> -> memref<1x128xi32, #tpu.memory_space<vmem>>
        %dma_wait3A_499 = tpu.memref_squeeze %dma_wait3A_498 : memref<1x128xi32, #tpu.memory_space<vmem>> -> memref<128xi32, #tpu.memory_space<vmem>>
        %dma_wait3A_500 = arith.constant 0 : i32
        %dma_wait3A_501 = arith.constant 0 : i32
        %dma_wait3A_502 = tpu.memref_slice %arg7[%dma_wait3A_500, %dma_wait3A_501] : memref<10112x64xf32, #tpu.memory_space<vmem_shared>> -> memref<10112x64xf32, #tpu.memory_space<vmem_shared>>
        tpu.wait_indirect_dma semaphore(%arg14 : memref<!tpu.dma_semaphore, #tpu.memory_space<semaphore_mem>>) src(%dma_wait3A_496 : memref<128x64xf32, #tpu.memory_space<vmem>>) dst(%dma_wait3A_502 : memref<10112x64xf32, #tpu.memory_space<vmem_shared>>)
        %dma_wait3A_503 = arith.constant 7 : i32
        %dma_wait3A_504 = arith.constant 3 : i32
        %dma_wait3A_505 = arith.constant 0 : i32
        %dma_wait3A_506 = arith.constant 0 : i32
        %dma_wait3A_507 = tpu.memref_slice %arg10[%dma_wait3A_503, %dma_wait3A_505, %dma_wait3A_506] : memref<8x128x64xf32, #tpu.memory_space<vmem>> -> memref<1x128x64xf32, #tpu.memory_space<vmem>>
        %dma_wait3A_508 = tpu.memref_squeeze %dma_wait3A_507 : memref<1x128x64xf32, #tpu.memory_space<vmem>> -> memref<128x64xf32, #tpu.memory_space<vmem>>
        %dma_wait3A_509 = arith.constant 0 : i32
        %dma_wait3A_510 = tpu.memref_slice %arg9[%dma_wait3A_504, %dma_wait3A_509] : memref<80x128xi32, #tpu.memory_space<vmem>> -> memref<1x128xi32, #tpu.memory_space<vmem>>
        %dma_wait3A_511 = tpu.memref_squeeze %dma_wait3A_510 : memref<1x128xi32, #tpu.memory_space<vmem>> -> memref<128xi32, #tpu.memory_space<vmem>>
        %dma_wait3A_512 = arith.constant 0 : i32
        %dma_wait3A_513 = arith.constant 0 : i32
        %dma_wait3A_514 = tpu.memref_slice %arg7[%dma_wait3A_512, %dma_wait3A_513] : memref<10112x64xf32, #tpu.memory_space<vmem_shared>> -> memref<10112x64xf32, #tpu.memory_space<vmem_shared>>
        tpu.wait_indirect_dma semaphore(%arg14 : memref<!tpu.dma_semaphore, #tpu.memory_space<semaphore_mem>>) src(%dma_wait3A_508 : memref<128x64xf32, #tpu.memory_space<vmem>>) dst(%dma_wait3A_514 : memref<10112x64xf32, #tpu.memory_space<vmem_shared>>)
      } else {
      }
      %add3A_215 = arith.constant 0 : i32
      %add3A_216 = arith.addi %add3A_155, %add3A_215 : i32
      %dma_start3A_217 = arith.constant 4 : i32
      %dma_start3A_218 = arith.constant 0 : i32
      %dma_start3A_219 = arith.constant 0 : i32
      %dma_start3A_220 = tpu.memref_slice %arg10[%dma_start3A_217, %dma_start3A_218, %dma_start3A_219] : memref<8x128x64xf32, #tpu.memory_space<vmem>> -> memref<1x128x64xf32, #tpu.memory_space<vmem>>
      %dma_start3A_221 = tpu.memref_squeeze %dma_start3A_220 : memref<1x128x64xf32, #tpu.memory_space<vmem>> -> memref<128x64xf32, #tpu.memory_space<vmem>>
      %dma_start3A_222 = arith.constant 0 : i32
      %dma_start3A_223 = tpu.memref_slice %arg8[%add3A_216, %dma_start3A_222] : memref<80x128xi32, #tpu.memory_space<vmem>> -> memref<1x128xi32, #tpu.memory_space<vmem>>
      %dma_start3A_224 = tpu.memref_squeeze %dma_start3A_223 : memref<1x128xi32, #tpu.memory_space<vmem>> -> memref<128xi32, #tpu.memory_space<vmem>>
      %dma_start3A_225 = arith.constant 0 : i32
      %dma_start3A_226 = arith.constant 0 : i32
      %dma_start3A_227 = tpu.memref_slice %arg2[%dma_start3A_225, %dma_start3A_226] : memref<10112x64xf32, #tpu.memory_space<hbm>> -> memref<10112x64xf32, #tpu.memory_space<hbm>>
      tpu.enqueue_indirect_dma source(%dma_start3A_227 : memref<10112x64xf32, #tpu.memory_space<hbm>>) target(%dma_start3A_221 : memref<128x64xf32, #tpu.memory_space<vmem>>) offsets(%dma_start3A_224 : memref<128xi32, #tpu.memory_space<vmem>>) semaphore(%arg12 : memref<!tpu.dma_semaphore, #tpu.memory_space<semaphore_mem>>)
      %add3A_228 = arith.constant 1 : i32
      %add3A_229 = arith.addi %add3A_155, %add3A_228 : i32
      %dma_start3A_230 = arith.constant 5 : i32
      %dma_start3A_231 = arith.constant 0 : i32
      %dma_start3A_232 = arith.constant 0 : i32
      %dma_start3A_233 = tpu.memref_slice %arg10[%dma_start3A_230, %dma_start3A_231, %dma_start3A_232] : memref<8x128x64xf32, #tpu.memory_space<vmem>> -> memref<1x128x64xf32, #tpu.memory_space<vmem>>
      %dma_start3A_234 = tpu.memref_squeeze %dma_start3A_233 : memref<1x128x64xf32, #tpu.memory_space<vmem>> -> memref<128x64xf32, #tpu.memory_space<vmem>>
      %dma_start3A_235 = arith.constant 0 : i32
      %dma_start3A_236 = tpu.memref_slice %arg8[%add3A_229, %dma_start3A_235] : memref<80x128xi32, #tpu.memory_space<vmem>> -> memref<1x128xi32, #tpu.memory_space<vmem>>
      %dma_start3A_237 = tpu.memref_squeeze %dma_start3A_236 : memref<1x128xi32, #tpu.memory_space<vmem>> -> memref<128xi32, #tpu.memory_space<vmem>>
      %dma_start3A_238 = arith.constant 0 : i32
      %dma_start3A_239 = arith.constant 0 : i32
      %dma_start3A_240 = tpu.memref_slice %arg2[%dma_start3A_238, %dma_start3A_239] : memref<10112x64xf32, #tpu.memory_space<hbm>> -> memref<10112x64xf32, #tpu.memory_space<hbm>>
      tpu.enqueue_indirect_dma source(%dma_start3A_240 : memref<10112x64xf32, #tpu.memory_space<hbm>>) target(%dma_start3A_234 : memref<128x64xf32, #tpu.memory_space<vmem>>) offsets(%dma_start3A_237 : memref<128xi32, #tpu.memory_space<vmem>>) semaphore(%arg12 : memref<!tpu.dma_semaphore, #tpu.memory_space<semaphore_mem>>)
      %add3A_241 = arith.constant 2 : i32
      %add3A_242 = arith.addi %add3A_155, %add3A_241 : i32
      %dma_start3A_243 = arith.constant 6 : i32
      %dma_start3A_244 = arith.constant 0 : i32
      %dma_start3A_245 = arith.constant 0 : i32
      %dma_start3A_246 = tpu.memref_slice %arg10[%dma_start3A_243, %dma_start3A_244, %dma_start3A_245] : memref<8x128x64xf32, #tpu.memory_space<vmem>> -> memref<1x128x64xf32, #tpu.memory_space<vmem>>
      %dma_start3A_247 = tpu.memref_squeeze %dma_start3A_246 : memref<1x128x64xf32, #tpu.memory_space<vmem>> -> memref<128x64xf32, #tpu.memory_space<vmem>>
      %dma_start3A_248 = arith.constant 0 : i32
      %dma_start3A_249 = tpu.memref_slice %arg8[%add3A_242, %dma_start3A_248] : memref<80x128xi32, #tpu.memory_space<vmem>> -> memref<1x128xi32, #tpu.memory_space<vmem>>
      %dma_start3A_250 = tpu.memref_squeeze %dma_start3A_249 : memref<1x128xi32, #tpu.memory_space<vmem>> -> memref<128xi32, #tpu.memory_space<vmem>>
      %dma_start3A_251 = arith.constant 0 : i32
      %dma_start3A_252 = arith.constant 0 : i32
      %dma_start3A_253 = tpu.memref_slice %arg2[%dma_start3A_251, %dma_start3A_252] : memref<10112x64xf32, #tpu.memory_space<hbm>> -> memref<10112x64xf32, #tpu.memory_space<hbm>>
      tpu.enqueue_indirect_dma source(%dma_start3A_253 : memref<10112x64xf32, #tpu.memory_space<hbm>>) target(%dma_start3A_247 : memref<128x64xf32, #tpu.memory_space<vmem>>) offsets(%dma_start3A_250 : memref<128xi32, #tpu.memory_space<vmem>>) semaphore(%arg12 : memref<!tpu.dma_semaphore, #tpu.memory_space<semaphore_mem>>)
      %add3A_254 = arith.constant 3 : i32
      %add3A_255 = arith.addi %add3A_155, %add3A_254 : i32
      %dma_start3A_256 = arith.constant 7 : i32
      %dma_start3A_257 = arith.constant 0 : i32
      %dma_start3A_258 = arith.constant 0 : i32
      %dma_start3A_259 = tpu.memref_slice %arg10[%dma_start3A_256, %dma_start3A_257, %dma_start3A_258] : memref<8x128x64xf32, #tpu.memory_space<vmem>> -> memref<1x128x64xf32, #tpu.memory_space<vmem>>
      %dma_start3A_260 = tpu.memref_squeeze %dma_start3A_259 : memref<1x128x64xf32, #tpu.memory_space<vmem>> -> memref<128x64xf32, #tpu.memory_space<vmem>>
      %dma_start3A_261 = arith.constant 0 : i32
      %dma_start3A_262 = tpu.memref_slice %arg8[%add3A_255, %dma_start3A_261] : memref<80x128xi32, #tpu.memory_space<vmem>> -> memref<1x128xi32, #tpu.memory_space<vmem>>
      %dma_start3A_263 = tpu.memref_squeeze %dma_start3A_262 : memref<1x128xi32, #tpu.memory_space<vmem>> -> memref<128xi32, #tpu.memory_space<vmem>>
      %dma_start3A_264 = arith.constant 0 : i32
      %dma_start3A_265 = arith.constant 0 : i32
      %dma_start3A_266 = tpu.memref_slice %arg2[%dma_start3A_264, %dma_start3A_265] : memref<10112x64xf32, #tpu.memory_space<hbm>> -> memref<10112x64xf32, #tpu.memory_space<hbm>>
      tpu.enqueue_indirect_dma source(%dma_start3A_266 : memref<10112x64xf32, #tpu.memory_space<hbm>>) target(%dma_start3A_260 : memref<128x64xf32, #tpu.memory_space<vmem>>) offsets(%dma_start3A_263 : memref<128xi32, #tpu.memory_space<vmem>>) semaphore(%arg12 : memref<!tpu.dma_semaphore, #tpu.memory_space<semaphore_mem>>)
      %dma_wait3A_267 = arith.constant 0 : i32
      %dma_wait3A_268 = arith.constant 0 : i32
      %dma_wait3A_269 = arith.constant 0 : i32
      %dma_wait3A_270 = arith.constant 0 : i32
      %dma_wait3A_271 = tpu.memref_slice %arg10[%dma_wait3A_268, %dma_wait3A_269, %dma_wait3A_270] : memref<8x128x64xf32, #tpu.memory_space<vmem>> -> memref<1x128x64xf32, #tpu.memory_space<vmem>>
      %dma_wait3A_272 = tpu.memref_squeeze %dma_wait3A_271 : memref<1x128x64xf32, #tpu.memory_space<vmem>> -> memref<128x64xf32, #tpu.memory_space<vmem>>
      %dma_wait3A_273 = arith.constant 0 : i32
      %dma_wait3A_274 = tpu.memref_slice %arg8[%dma_wait3A_267, %dma_wait3A_273] : memref<80x128xi32, #tpu.memory_space<vmem>> -> memref<1x128xi32, #tpu.memory_space<vmem>>
      %dma_wait3A_275 = tpu.memref_squeeze %dma_wait3A_274 : memref<1x128xi32, #tpu.memory_space<vmem>> -> memref<128xi32, #tpu.memory_space<vmem>>
      %dma_wait3A_276 = arith.constant 0 : i32
      %dma_wait3A_277 = arith.constant 0 : i32
      %dma_wait3A_278 = tpu.memref_slice %arg2[%dma_wait3A_276, %dma_wait3A_277] : memref<10112x64xf32, #tpu.memory_space<hbm>> -> memref<10112x64xf32, #tpu.memory_space<hbm>>
      tpu.wait_indirect_dma semaphore(%arg11 : memref<!tpu.dma_semaphore, #tpu.memory_space<semaphore_mem>>) src(%dma_wait3A_278 : memref<10112x64xf32, #tpu.memory_space<hbm>>) dst(%dma_wait3A_272 : memref<128x64xf32, #tpu.memory_space<vmem>>)
      %dma_wait3A_279 = arith.constant 1 : i32
      %dma_wait3A_280 = arith.constant 1 : i32
      %dma_wait3A_281 = arith.constant 0 : i32
      %dma_wait3A_282 = arith.constant 0 : i32
      %dma_wait3A_283 = tpu.memref_slice %arg10[%dma_wait3A_280, %dma_wait3A_281, %dma_wait3A_282] : memref<8x128x64xf32, #tpu.memory_space<vmem>> -> memref<1x128x64xf32, #tpu.memory_space<vmem>>
      %dma_wait3A_284 = tpu.memref_squeeze %dma_wait3A_283 : memref<1x128x64xf32, #tpu.memory_space<vmem>> -> memref<128x64xf32, #tpu.memory_space<vmem>>
      %dma_wait3A_285 = arith.constant 0 : i32
      %dma_wait3A_286 = tpu.memref_slice %arg8[%dma_wait3A_279, %dma_wait3A_285] : memref<80x128xi32, #tpu.memory_space<vmem>> -> memref<1x128xi32, #tpu.memory_space<vmem>>
      %dma_wait3A_287 = tpu.memref_squeeze %dma_wait3A_286 : memref<1x128xi32, #tpu.memory_space<vmem>> -> memref<128xi32, #tpu.memory_space<vmem>>
      %dma_wait3A_288 = arith.constant 0 : i32
      %dma_wait3A_289 = arith.constant 0 : i32
      %dma_wait3A_290 = tpu.memref_slice %arg2[%dma_wait3A_288, %dma_wait3A_289] : memref<10112x64xf32, #tpu.memory_space<hbm>> -> memref<10112x64xf32, #tpu.memory_space<hbm>>
      tpu.wait_indirect_dma semaphore(%arg11 : memref<!tpu.dma_semaphore, #tpu.memory_space<semaphore_mem>>) src(%dma_wait3A_290 : memref<10112x64xf32, #tpu.memory_space<hbm>>) dst(%dma_wait3A_284 : memref<128x64xf32, #tpu.memory_space<vmem>>)
      %dma_wait3A_291 = arith.constant 2 : i32
      %dma_wait3A_292 = arith.constant 2 : i32
      %dma_wait3A_293 = arith.constant 0 : i32
      %dma_wait3A_294 = arith.constant 0 : i32
      %dma_wait3A_295 = tpu.memref_slice %arg10[%dma_wait3A_292, %dma_wait3A_293, %dma_wait3A_294] : memref<8x128x64xf32, #tpu.memory_space<vmem>> -> memref<1x128x64xf32, #tpu.memory_space<vmem>>
      %dma_wait3A_296 = tpu.memref_squeeze %dma_wait3A_295 : memref<1x128x64xf32, #tpu.memory_space<vmem>> -> memref<128x64xf32, #tpu.memory_space<vmem>>
      %dma_wait3A_297 = arith.constant 0 : i32
      %dma_wait3A_298 = tpu.memref_slice %arg8[%dma_wait3A_291, %dma_wait3A_297] : memref<80x128xi32, #tpu.memory_space<vmem>> -> memref<1x128xi32, #tpu.memory_space<vmem>>
      %dma_wait3A_299 = tpu.memref_squeeze %dma_wait3A_298 : memref<1x128xi32, #tpu.memory_space<vmem>> -> memref<128xi32, #tpu.memory_space<vmem>>
      %dma_wait3A_300 = arith.constant 0 : i32
      %dma_wait3A_301 = arith.constant 0 : i32
      %dma_wait3A_302 = tpu.memref_slice %arg2[%dma_wait3A_300, %dma_wait3A_301] : memref<10112x64xf32, #tpu.memory_space<hbm>> -> memref<10112x64xf32, #tpu.memory_space<hbm>>
      tpu.wait_indirect_dma semaphore(%arg11 : memref<!tpu.dma_semaphore, #tpu.memory_space<semaphore_mem>>) src(%dma_wait3A_302 : memref<10112x64xf32, #tpu.memory_space<hbm>>) dst(%dma_wait3A_296 : memref<128x64xf32, #tpu.memory_space<vmem>>)
      %dma_wait3A_303 = arith.constant 3 : i32
      %dma_wait3A_304 = arith.constant 3 : i32
      %dma_wait3A_305 = arith.constant 0 : i32
      %dma_wait3A_306 = arith.constant 0 : i32
      %dma_wait3A_307 = tpu.memref_slice %arg10[%dma_wait3A_304, %dma_wait3A_305, %dma_wait3A_306] : memref<8x128x64xf32, #tpu.memory_space<vmem>> -> memref<1x128x64xf32, #tpu.memory_space<vmem>>
      %dma_wait3A_308 = tpu.memref_squeeze %dma_wait3A_307 : memref<1x128x64xf32, #tpu.memory_space<vmem>> -> memref<128x64xf32, #tpu.memory_space<vmem>>
      %dma_wait3A_309 = arith.constant 0 : i32
      %dma_wait3A_310 = tpu.memref_slice %arg8[%dma_wait3A_303, %dma_wait3A_309] : memref<80x128xi32, #tpu.memory_space<vmem>> -> memref<1x128xi32, #tpu.memory_space<vmem>>
      %dma_wait3A_311 = tpu.memref_squeeze %dma_wait3A_310 : memref<1x128xi32, #tpu.memory_space<vmem>> -> memref<128xi32, #tpu.memory_space<vmem>>
      %dma_wait3A_312 = arith.constant 0 : i32
      %dma_wait3A_313 = arith.constant 0 : i32
      %dma_wait3A_314 = tpu.memref_slice %arg2[%dma_wait3A_312, %dma_wait3A_313] : memref<10112x64xf32, #tpu.memory_space<hbm>> -> memref<10112x64xf32, #tpu.memory_space<hbm>>
      tpu.wait_indirect_dma semaphore(%arg11 : memref<!tpu.dma_semaphore, #tpu.memory_space<semaphore_mem>>) src(%dma_wait3A_314 : memref<10112x64xf32, #tpu.memory_space<hbm>>) dst(%dma_wait3A_308 : memref<128x64xf32, #tpu.memory_space<vmem>>)
      %add3A_315 = arith.constant 0 : i32
      %add3A_316 = arith.addi %mul3A_153, %add3A_315 : i32
      %dma_start3A_317 = arith.constant 0 : i32
      %dma_start3A_318 = arith.constant 0 : i32
      %dma_start3A_319 = arith.constant 0 : i32
      %dma_start3A_320 = tpu.memref_slice %arg10[%dma_start3A_317, %dma_start3A_318, %dma_start3A_319] : memref<8x128x64xf32, #tpu.memory_space<vmem>> -> memref<1x128x64xf32, #tpu.memory_space<vmem>>
      %dma_start3A_321 = tpu.memref_squeeze %dma_start3A_320 : memref<1x128x64xf32, #tpu.memory_space<vmem>> -> memref<128x64xf32, #tpu.memory_space<vmem>>
      %dma_start3A_322 = arith.constant 0 : i32
      %dma_start3A_323 = tpu.memref_slice %arg9[%add3A_316, %dma_start3A_322] : memref<80x128xi32, #tpu.memory_space<vmem>> -> memref<1x128xi32, #tpu.memory_space<vmem>>
      %dma_start3A_324 = tpu.memref_squeeze %dma_start3A_323 : memref<1x128xi32, #tpu.memory_space<vmem>> -> memref<128xi32, #tpu.memory_space<vmem>>
      %dma_start3A_325 = arith.constant 0 : i32
      %dma_start3A_326 = arith.constant 0 : i32
      %dma_start3A_327 = tpu.memref_slice %arg7[%dma_start3A_325, %dma_start3A_326] : memref<10112x64xf32, #tpu.memory_space<vmem_shared>> -> memref<10112x64xf32, #tpu.memory_space<vmem_shared>>
      tpu.enqueue_indirect_dma source(%dma_start3A_321 : memref<128x64xf32, #tpu.memory_space<vmem>>) target(%dma_start3A_327 : memref<10112x64xf32, #tpu.memory_space<vmem_shared>>) offsets(%dma_start3A_324 : memref<128xi32, #tpu.memory_space<vmem>>) semaphore(%arg13 : memref<!tpu.dma_semaphore, #tpu.memory_space<semaphore_mem>>) {add = true}
      %add3A_328 = arith.constant 1 : i32
      %add3A_329 = arith.addi %mul3A_153, %add3A_328 : i32
      %dma_start3A_330 = arith.constant 1 : i32
      %dma_start3A_331 = arith.constant 0 : i32
      %dma_start3A_332 = arith.constant 0 : i32
      %dma_start3A_333 = tpu.memref_slice %arg10[%dma_start3A_330, %dma_start3A_331, %dma_start3A_332] : memref<8x128x64xf32, #tpu.memory_space<vmem>> -> memref<1x128x64xf32, #tpu.memory_space<vmem>>
      %dma_start3A_334 = tpu.memref_squeeze %dma_start3A_333 : memref<1x128x64xf32, #tpu.memory_space<vmem>> -> memref<128x64xf32, #tpu.memory_space<vmem>>
      %dma_start3A_335 = arith.constant 0 : i32
      %dma_start3A_336 = tpu.memref_slice %arg9[%add3A_329, %dma_start3A_335] : memref<80x128xi32, #tpu.memory_space<vmem>> -> memref<1x128xi32, #tpu.memory_space<vmem>>
      %dma_start3A_337 = tpu.memref_squeeze %dma_start3A_336 : memref<1x128xi32, #tpu.memory_space<vmem>> -> memref<128xi32, #tpu.memory_space<vmem>>
      %dma_start3A_338 = arith.constant 0 : i32
      %dma_start3A_339 = arith.constant 0 : i32
      %dma_start3A_340 = tpu.memref_slice %arg7[%dma_start3A_338, %dma_start3A_339] : memref<10112x64xf32, #tpu.memory_space<vmem_shared>> -> memref<10112x64xf32, #tpu.memory_space<vmem_shared>>
      tpu.enqueue_indirect_dma source(%dma_start3A_334 : memref<128x64xf32, #tpu.memory_space<vmem>>) target(%dma_start3A_340 : memref<10112x64xf32, #tpu.memory_space<vmem_shared>>) offsets(%dma_start3A_337 : memref<128xi32, #tpu.memory_space<vmem>>) semaphore(%arg13 : memref<!tpu.dma_semaphore, #tpu.memory_space<semaphore_mem>>) {add = true}
      %add3A_341 = arith.constant 2 : i32
      %add3A_342 = arith.addi %mul3A_153, %add3A_341 : i32
      %dma_start3A_343 = arith.constant 2 : i32
      %dma_start3A_344 = arith.constant 0 : i32
      %dma_start3A_345 = arith.constant 0 : i32
      %dma_start3A_346 = tpu.memref_slice %arg10[%dma_start3A_343, %dma_start3A_344, %dma_start3A_345] : memref<8x128x64xf32, #tpu.memory_space<vmem>> -> memref<1x128x64xf32, #tpu.memory_space<vmem>>
      %dma_start3A_347 = tpu.memref_squeeze %dma_start3A_346 : memref<1x128x64xf32, #tpu.memory_space<vmem>> -> memref<128x64xf32, #tpu.memory_space<vmem>>
      %dma_start3A_348 = arith.constant 0 : i32
      %dma_start3A_349 = tpu.memref_slice %arg9[%add3A_342, %dma_start3A_348] : memref<80x128xi32, #tpu.memory_space<vmem>> -> memref<1x128xi32, #tpu.memory_space<vmem>>
      %dma_start3A_350 = tpu.memref_squeeze %dma_start3A_349 : memref<1x128xi32, #tpu.memory_space<vmem>> -> memref<128xi32, #tpu.memory_space<vmem>>
      %dma_start3A_351 = arith.constant 0 : i32
      %dma_start3A_352 = arith.constant 0 : i32
      %dma_start3A_353 = tpu.memref_slice %arg7[%dma_start3A_351, %dma_start3A_352] : memref<10112x64xf32, #tpu.memory_space<vmem_shared>> -> memref<10112x64xf32, #tpu.memory_space<vmem_shared>>
      tpu.enqueue_indirect_dma source(%dma_start3A_347 : memref<128x64xf32, #tpu.memory_space<vmem>>) target(%dma_start3A_353 : memref<10112x64xf32, #tpu.memory_space<vmem_shared>>) offsets(%dma_start3A_350 : memref<128xi32, #tpu.memory_space<vmem>>) semaphore(%arg13 : memref<!tpu.dma_semaphore, #tpu.memory_space<semaphore_mem>>) {add = true}
      %add3A_354 = arith.constant 3 : i32
      %add3A_355 = arith.addi %mul3A_153, %add3A_354 : i32
      %dma_start3A_356 = arith.constant 3 : i32
      %dma_start3A_357 = arith.constant 0 : i32
      %dma_start3A_358 = arith.constant 0 : i32
      %dma_start3A_359 = tpu.memref_slice %arg10[%dma_start3A_356, %dma_start3A_357, %dma_start3A_358] : memref<8x128x64xf32, #tpu.memory_space<vmem>> -> memref<1x128x64xf32, #tpu.memory_space<vmem>>
      %dma_start3A_360 = tpu.memref_squeeze %dma_start3A_359 : memref<1x128x64xf32, #tpu.memory_space<vmem>> -> memref<128x64xf32, #tpu.memory_space<vmem>>
      %dma_start3A_361 = arith.constant 0 : i32
      %dma_start3A_362 = tpu.memref_slice %arg9[%add3A_355, %dma_start3A_361] : memref<80x128xi32, #tpu.memory_space<vmem>> -> memref<1x128xi32, #tpu.memory_space<vmem>>
      %dma_start3A_363 = tpu.memref_squeeze %dma_start3A_362 : memref<1x128xi32, #tpu.memory_space<vmem>> -> memref<128xi32, #tpu.memory_space<vmem>>
      %dma_start3A_364 = arith.constant 0 : i32
      %dma_start3A_365 = arith.constant 0 : i32
      %dma_start3A_366 = tpu.memref_slice %arg7[%dma_start3A_364, %dma_start3A_365] : memref<10112x64xf32, #tpu.memory_space<vmem_shared>> -> memref<10112x64xf32, #tpu.memory_space<vmem_shared>>
      tpu.enqueue_indirect_dma source(%dma_start3A_360 : memref<128x64xf32, #tpu.memory_space<vmem>>) target(%dma_start3A_366 : memref<10112x64xf32, #tpu.memory_space<vmem_shared>>) offsets(%dma_start3A_363 : memref<128xi32, #tpu.memory_space<vmem>>) semaphore(%arg13 : memref<!tpu.dma_semaphore, #tpu.memory_space<semaphore_mem>>) {add = true}
      %dma_wait3A_367 = arith.constant 0 : i32
      %dma_wait3A_368 = arith.constant 4 : i32
      %dma_wait3A_369 = arith.constant 0 : i32
      %dma_wait3A_370 = arith.constant 0 : i32
      %dma_wait3A_371 = tpu.memref_slice %arg10[%dma_wait3A_368, %dma_wait3A_369, %dma_wait3A_370] : memref<8x128x64xf32, #tpu.memory_space<vmem>> -> memref<1x128x64xf32, #tpu.memory_space<vmem>>
      %dma_wait3A_372 = tpu.memref_squeeze %dma_wait3A_371 : memref<1x128x64xf32, #tpu.memory_space<vmem>> -> memref<128x64xf32, #tpu.memory_space<vmem>>
      %dma_wait3A_373 = arith.constant 0 : i32
      %dma_wait3A_374 = tpu.memref_slice %arg8[%dma_wait3A_367, %dma_wait3A_373] : memref<80x128xi32, #tpu.memory_space<vmem>> -> memref<1x128xi32, #tpu.memory_space<vmem>>
      %dma_wait3A_375 = tpu.memref_squeeze %dma_wait3A_374 : memref<1x128xi32, #tpu.memory_space<vmem>> -> memref<128xi32, #tpu.memory_space<vmem>>
      %dma_wait3A_376 = arith.constant 0 : i32
      %dma_wait3A_377 = arith.constant 0 : i32
      %dma_wait3A_378 = tpu.memref_slice %arg2[%dma_wait3A_376, %dma_wait3A_377] : memref<10112x64xf32, #tpu.memory_space<hbm>> -> memref<10112x64xf32, #tpu.memory_space<hbm>>
      tpu.wait_indirect_dma semaphore(%arg12 : memref<!tpu.dma_semaphore, #tpu.memory_space<semaphore_mem>>) src(%dma_wait3A_378 : memref<10112x64xf32, #tpu.memory_space<hbm>>) dst(%dma_wait3A_372 : memref<128x64xf32, #tpu.memory_space<vmem>>)
      %dma_wait3A_379 = arith.constant 1 : i32
      %dma_wait3A_380 = arith.constant 5 : i32
      %dma_wait3A_381 = arith.constant 0 : i32
      %dma_wait3A_382 = arith.constant 0 : i32
      %dma_wait3A_383 = tpu.memref_slice %arg10[%dma_wait3A_380, %dma_wait3A_381, %dma_wait3A_382] : memref<8x128x64xf32, #tpu.memory_space<vmem>> -> memref<1x128x64xf32, #tpu.memory_space<vmem>>
      %dma_wait3A_384 = tpu.memref_squeeze %dma_wait3A_383 : memref<1x128x64xf32, #tpu.memory_space<vmem>> -> memref<128x64xf32, #tpu.memory_space<vmem>>
      %dma_wait3A_385 = arith.constant 0 : i32
      %dma_wait3A_386 = tpu.memref_slice %arg8[%dma_wait3A_379, %dma_wait3A_385] : memref<80x128xi32, #tpu.memory_space<vmem>> -> memref<1x128xi32, #tpu.memory_space<vmem>>
      %dma_wait3A_387 = tpu.memref_squeeze %dma_wait3A_386 : memref<1x128xi32, #tpu.memory_space<vmem>> -> memref<128xi32, #tpu.memory_space<vmem>>
      %dma_wait3A_388 = arith.constant 0 : i32
      %dma_wait3A_389 = arith.constant 0 : i32
      %dma_wait3A_390 = tpu.memref_slice %arg2[%dma_wait3A_388, %dma_wait3A_389] : memref<10112x64xf32, #tpu.memory_space<hbm>> -> memref<10112x64xf32, #tpu.memory_space<hbm>>
      tpu.wait_indirect_dma semaphore(%arg12 : memref<!tpu.dma_semaphore, #tpu.memory_space<semaphore_mem>>) src(%dma_wait3A_390 : memref<10112x64xf32, #tpu.memory_space<hbm>>) dst(%dma_wait3A_384 : memref<128x64xf32, #tpu.memory_space<vmem>>)
      %dma_wait3A_391 = arith.constant 2 : i32
      %dma_wait3A_392 = arith.constant 6 : i32
      %dma_wait3A_393 = arith.constant 0 : i32
      %dma_wait3A_394 = arith.constant 0 : i32
      %dma_wait3A_395 = tpu.memref_slice %arg10[%dma_wait3A_392, %dma_wait3A_393, %dma_wait3A_394] : memref<8x128x64xf32, #tpu.memory_space<vmem>> -> memref<1x128x64xf32, #tpu.memory_space<vmem>>
      %dma_wait3A_396 = tpu.memref_squeeze %dma_wait3A_395 : memref<1x128x64xf32, #tpu.memory_space<vmem>> -> memref<128x64xf32, #tpu.memory_space<vmem>>
      %dma_wait3A_397 = arith.constant 0 : i32
      %dma_wait3A_398 = tpu.memref_slice %arg8[%dma_wait3A_391, %dma_wait3A_397] : memref<80x128xi32, #tpu.memory_space<vmem>> -> memref<1x128xi32, #tpu.memory_space<vmem>>
      %dma_wait3A_399 = tpu.memref_squeeze %dma_wait3A_398 : memref<1x128xi32, #tpu.memory_space<vmem>> -> memref<128xi32, #tpu.memory_space<vmem>>
      %dma_wait3A_400 = arith.constant 0 : i32
      %dma_wait3A_401 = arith.constant 0 : i32
      %dma_wait3A_402 = tpu.memref_slice %arg2[%dma_wait3A_400, %dma_wait3A_401] : memref<10112x64xf32, #tpu.memory_space<hbm>> -> memref<10112x64xf32, #tpu.memory_space<hbm>>
      tpu.wait_indirect_dma semaphore(%arg12 : memref<!tpu.dma_semaphore, #tpu.memory_space<semaphore_mem>>) src(%dma_wait3A_402 : memref<10112x64xf32, #tpu.memory_space<hbm>>) dst(%dma_wait3A_396 : memref<128x64xf32, #tpu.memory_space<vmem>>)
      %dma_wait3A_403 = arith.constant 3 : i32
      %dma_wait3A_404 = arith.constant 7 : i32
      %dma_wait3A_405 = arith.constant 0 : i32
      %dma_wait3A_406 = arith.constant 0 : i32
      %dma_wait3A_407 = tpu.memref_slice %arg10[%dma_wait3A_404, %dma_wait3A_405, %dma_wait3A_406] : memref<8x128x64xf32, #tpu.memory_space<vmem>> -> memref<1x128x64xf32, #tpu.memory_space<vmem>>
      %dma_wait3A_408 = tpu.memref_squeeze %dma_wait3A_407 : memref<1x128x64xf32, #tpu.memory_space<vmem>> -> memref<128x64xf32, #tpu.memory_space<vmem>>
      %dma_wait3A_409 = arith.constant 0 : i32
      %dma_wait3A_410 = tpu.memref_slice %arg8[%dma_wait3A_403, %dma_wait3A_409] : memref<80x128xi32, #tpu.memory_space<vmem>> -> memref<1x128xi32, #tpu.memory_space<vmem>>
      %dma_wait3A_411 = tpu.memref_squeeze %dma_wait3A_410 : memref<1x128xi32, #tpu.memory_space<vmem>> -> memref<128xi32, #tpu.memory_space<vmem>>
      %dma_wait3A_412 = arith.constant 0 : i32
      %dma_wait3A_413 = arith.constant 0 : i32
      %dma_wait3A_414 = tpu.memref_slice %arg2[%dma_wait3A_412, %dma_wait3A_413] : memref<10112x64xf32, #tpu.memory_space<hbm>> -> memref<10112x64xf32, #tpu.memory_space<hbm>>
      tpu.wait_indirect_dma semaphore(%arg12 : memref<!tpu.dma_semaphore, #tpu.memory_space<semaphore_mem>>) src(%dma_wait3A_414 : memref<10112x64xf32, #tpu.memory_space<hbm>>) dst(%dma_wait3A_408 : memref<128x64xf32, #tpu.memory_space<vmem>>)
      %add3A_415 = arith.constant 0 : i32
      %add3A_416 = arith.addi %add3A_155, %add3A_415 : i32
      %dma_start3A_417 = arith.constant 4 : i32
      %dma_start3A_418 = arith.constant 0 : i32
      %dma_start3A_419 = arith.constant 0 : i32
      %dma_start3A_420 = tpu.memref_slice %arg10[%dma_start3A_417, %dma_start3A_418, %dma_start3A_419] : memref<8x128x64xf32, #tpu.memory_space<vmem>> -> memref<1x128x64xf32, #tpu.memory_space<vmem>>
      %dma_start3A_421 = tpu.memref_squeeze %dma_start3A_420 : memref<1x128x64xf32, #tpu.memory_space<vmem>> -> memref<128x64xf32, #tpu.memory_space<vmem>>
      %dma_start3A_422 = arith.constant 0 : i32
      %dma_start3A_423 = tpu.memref_slice %arg9[%add3A_416, %dma_start3A_422] : memref<80x128xi32, #tpu.memory_space<vmem>> -> memref<1x128xi32, #tpu.memory_space<vmem>>
      %dma_start3A_424 = tpu.memref_squeeze %dma_start3A_423 : memref<1x128xi32, #tpu.memory_space<vmem>> -> memref<128xi32, #tpu.memory_space<vmem>>
      %dma_start3A_425 = arith.constant 0 : i32
      %dma_start3A_426 = arith.constant 0 : i32
      %dma_start3A_427 = tpu.memref_slice %arg7[%dma_start3A_425, %dma_start3A_426] : memref<10112x64xf32, #tpu.memory_space<vmem_shared>> -> memref<10112x64xf32, #tpu.memory_space<vmem_shared>>
      tpu.enqueue_indirect_dma source(%dma_start3A_421 : memref<128x64xf32, #tpu.memory_space<vmem>>) target(%dma_start3A_427 : memref<10112x64xf32, #tpu.memory_space<vmem_shared>>) offsets(%dma_start3A_424 : memref<128xi32, #tpu.memory_space<vmem>>) semaphore(%arg14 : memref<!tpu.dma_semaphore, #tpu.memory_space<semaphore_mem>>) {add = true}
      %add3A_428 = arith.constant 1 : i32
      %add3A_429 = arith.addi %add3A_155, %add3A_428 : i32
      %dma_start3A_430 = arith.constant 5 : i32
      %dma_start3A_431 = arith.constant 0 : i32
      %dma_start3A_432 = arith.constant 0 : i32
      %dma_start3A_433 = tpu.memref_slice %arg10[%dma_start3A_430, %dma_start3A_431, %dma_start3A_432] : memref<8x128x64xf32, #tpu.memory_space<vmem>> -> memref<1x128x64xf32, #tpu.memory_space<vmem>>
      %dma_start3A_434 = tpu.memref_squeeze %dma_start3A_433 : memref<1x128x64xf32, #tpu.memory_space<vmem>> -> memref<128x64xf32, #tpu.memory_space<vmem>>
      %dma_start3A_435 = arith.constant 0 : i32
      %dma_start3A_436 = tpu.memref_slice %arg9[%add3A_429, %dma_start3A_435] : memref<80x128xi32, #tpu.memory_space<vmem>> -> memref<1x128xi32, #tpu.memory_space<vmem>>
      %dma_start3A_437 = tpu.memref_squeeze %dma_start3A_436 : memref<1x128xi32, #tpu.memory_space<vmem>> -> memref<128xi32, #tpu.memory_space<vmem>>
      %dma_start3A_438 = arith.constant 0 : i32
      %dma_start3A_439 = arith.constant 0 : i32
      %dma_start3A_440 = tpu.memref_slice %arg7[%dma_start3A_438, %dma_start3A_439] : memref<10112x64xf32, #tpu.memory_space<vmem_shared>> -> memref<10112x64xf32, #tpu.memory_space<vmem_shared>>
      tpu.enqueue_indirect_dma source(%dma_start3A_434 : memref<128x64xf32, #tpu.memory_space<vmem>>) target(%dma_start3A_440 : memref<10112x64xf32, #tpu.memory_space<vmem_shared>>) offsets(%dma_start3A_437 : memref<128xi32, #tpu.memory_space<vmem>>) semaphore(%arg14 : memref<!tpu.dma_semaphore, #tpu.memory_space<semaphore_mem>>) {add = true}
      %add3A_441 = arith.constant 2 : i32
      %add3A_442 = arith.addi %add3A_155, %add3A_441 : i32
      %dma_start3A_443 = arith.constant 6 : i32
      %dma_start3A_444 = arith.constant 0 : i32
      %dma_start3A_445 = arith.constant 0 : i32
      %dma_start3A_446 = tpu.memref_slice %arg10[%dma_start3A_443, %dma_start3A_444, %dma_start3A_445] : memref<8x128x64xf32, #tpu.memory_space<vmem>> -> memref<1x128x64xf32, #tpu.memory_space<vmem>>
      %dma_start3A_447 = tpu.memref_squeeze %dma_start3A_446 : memref<1x128x64xf32, #tpu.memory_space<vmem>> -> memref<128x64xf32, #tpu.memory_space<vmem>>
      %dma_start3A_448 = arith.constant 0 : i32
      %dma_start3A_449 = tpu.memref_slice %arg9[%add3A_442, %dma_start3A_448] : memref<80x128xi32, #tpu.memory_space<vmem>> -> memref<1x128xi32, #tpu.memory_space<vmem>>
      %dma_start3A_450 = tpu.memref_squeeze %dma_start3A_449 : memref<1x128xi32, #tpu.memory_space<vmem>> -> memref<128xi32, #tpu.memory_space<vmem>>
      %dma_start3A_451 = arith.constant 0 : i32
      %dma_start3A_452 = arith.constant 0 : i32
      %dma_start3A_453 = tpu.memref_slice %arg7[%dma_start3A_451, %dma_start3A_452] : memref<10112x64xf32, #tpu.memory_space<vmem_shared>> -> memref<10112x64xf32, #tpu.memory_space<vmem_shared>>
      tpu.enqueue_indirect_dma source(%dma_start3A_447 : memref<128x64xf32, #tpu.memory_space<vmem>>) target(%dma_start3A_453 : memref<10112x64xf32, #tpu.memory_space<vmem_shared>>) offsets(%dma_start3A_450 : memref<128xi32, #tpu.memory_space<vmem>>) semaphore(%arg14 : memref<!tpu.dma_semaphore, #tpu.memory_space<semaphore_mem>>) {add = true}
      %add3A_454 = arith.constant 3 : i32
      %add3A_455 = arith.addi %add3A_155, %add3A_454 : i32
      %dma_start3A_456 = arith.constant 7 : i32
      %dma_start3A_457 = arith.constant 0 : i32
      %dma_start3A_458 = arith.constant 0 : i32
      %dma_start3A_459 = tpu.memref_slice %arg10[%dma_start3A_456, %dma_start3A_457, %dma_start3A_458] : memref<8x128x64xf32, #tpu.memory_space<vmem>> -> memref<1x128x64xf32, #tpu.memory_space<vmem>>
      %dma_start3A_460 = tpu.memref_squeeze %dma_start3A_459 : memref<1x128x64xf32, #tpu.memory_space<vmem>> -> memref<128x64xf32, #tpu.memory_space<vmem>>
      %dma_start3A_461 = arith.constant 0 : i32
      %dma_start3A_462 = tpu.memref_slice %arg9[%add3A_455, %dma_start3A_461] : memref<80x128xi32, #tpu.memory_space<vmem>> -> memref<1x128xi32, #tpu.memory_space<vmem>>
      %dma_start3A_463 = tpu.memref_squeeze %dma_start3A_462 : memref<1x128xi32, #tpu.memory_space<vmem>> -> memref<128xi32, #tpu.memory_space<vmem>>
      %dma_start3A_464 = arith.constant 0 : i32
      %dma_start3A_465 = arith.constant 0 : i32
      %dma_start3A_466 = tpu.memref_slice %arg7[%dma_start3A_464, %dma_start3A_465] : memref<10112x64xf32, #tpu.memory_space<vmem_shared>> -> memref<10112x64xf32, #tpu.memory_space<vmem_shared>>
      tpu.enqueue_indirect_dma source(%dma_start3A_460 : memref<128x64xf32, #tpu.memory_space<vmem>>) target(%dma_start3A_466 : memref<10112x64xf32, #tpu.memory_space<vmem_shared>>) offsets(%dma_start3A_463 : memref<128xi32, #tpu.memory_space<vmem>>) semaphore(%arg14 : memref<!tpu.dma_semaphore, #tpu.memory_space<semaphore_mem>>) {add = true}
    }
    %scan3A_47 = arith.constant 10 : i32
    %dma_wait3A_48 = arith.constant 0 : i32
    %dma_wait3A_49 = arith.constant 0 : i32
    %dma_wait3A_50 = arith.constant 0 : i32
    %dma_wait3A_51 = arith.constant 0 : i32
    %dma_wait3A_52 = tpu.memref_slice %arg10[%dma_wait3A_48, %dma_wait3A_50, %dma_wait3A_51] : memref<8x128x64xf32, #tpu.memory_space<vmem>> -> memref<1x128x64xf32, #tpu.memory_space<vmem>>
    %dma_wait3A_53 = tpu.memref_squeeze %dma_wait3A_52 : memref<1x128x64xf32, #tpu.memory_space<vmem>> -> memref<128x64xf32, #tpu.memory_space<vmem>>
    %dma_wait3A_54 = arith.constant 0 : i32
    %dma_wait3A_55 = tpu.memref_slice %arg9[%dma_wait3A_49, %dma_wait3A_54] : memref<80x128xi32, #tpu.memory_space<vmem>> -> memref<1x128xi32, #tpu.memory_space<vmem>>
    %dma_wait3A_56 = tpu.memref_squeeze %dma_wait3A_55 : memref<1x128xi32, #tpu.memory_space<vmem>> -> memref<128xi32, #tpu.memory_space<vmem>>
    %dma_wait3A_57 = arith.constant 0 : i32
    %dma_wait3A_58 = arith.constant 0 : i32
    %dma_wait3A_59 = tpu.memref_slice %arg7[%dma_wait3A_57, %dma_wait3A_58] : memref<10112x64xf32, #tpu.memory_space<vmem_shared>> -> memref<10112x64xf32, #tpu.memory_space<vmem_shared>>
    tpu.wait_indirect_dma semaphore(%arg13 : memref<!tpu.dma_semaphore, #tpu.memory_space<semaphore_mem>>) src(%dma_wait3A_53 : memref<128x64xf32, #tpu.memory_space<vmem>>) dst(%dma_wait3A_59 : memref<10112x64xf32, #tpu.memory_space<vmem_shared>>)
    %dma_wait3A_60 = arith.constant 1 : i32
    %dma_wait3A_61 = arith.constant 1 : i32
    %dma_wait3A_62 = arith.constant 0 : i32
    %dma_wait3A_63 = arith.constant 0 : i32
    %dma_wait3A_64 = tpu.memref_slice %arg10[%dma_wait3A_60, %dma_wait3A_62, %dma_wait3A_63] : memref<8x128x64xf32, #tpu.memory_space<vmem>> -> memref<1x128x64xf32, #tpu.memory_space<vmem>>
    %dma_wait3A_65 = tpu.memref_squeeze %dma_wait3A_64 : memref<1x128x64xf32, #tpu.memory_space<vmem>> -> memref<128x64xf32, #tpu.memory_space<vmem>>
    %dma_wait3A_66 = arith.constant 0 : i32
    %dma_wait3A_67 = tpu.memref_slice %arg9[%dma_wait3A_61, %dma_wait3A_66] : memref<80x128xi32, #tpu.memory_space<vmem>> -> memref<1x128xi32, #tpu.memory_space<vmem>>
    %dma_wait3A_68 = tpu.memref_squeeze %dma_wait3A_67 : memref<1x128xi32, #tpu.memory_space<vmem>> -> memref<128xi32, #tpu.memory_space<vmem>>
    %dma_wait3A_69 = arith.constant 0 : i32
    %dma_wait3A_70 = arith.constant 0 : i32
    %dma_wait3A_71 = tpu.memref_slice %arg7[%dma_wait3A_69, %dma_wait3A_70] : memref<10112x64xf32, #tpu.memory_space<vmem_shared>> -> memref<10112x64xf32, #tpu.memory_space<vmem_shared>>
    tpu.wait_indirect_dma semaphore(%arg13 : memref<!tpu.dma_semaphore, #tpu.memory_space<semaphore_mem>>) src(%dma_wait3A_65 : memref<128x64xf32, #tpu.memory_space<vmem>>) dst(%dma_wait3A_71 : memref<10112x64xf32, #tpu.memory_space<vmem_shared>>)
    %dma_wait3A_72 = arith.constant 2 : i32
    %dma_wait3A_73 = arith.constant 2 : i32
    %dma_wait3A_74 = arith.constant 0 : i32
    %dma_wait3A_75 = arith.constant 0 : i32
    %dma_wait3A_76 = tpu.memref_slice %arg10[%dma_wait3A_72, %dma_wait3A_74, %dma_wait3A_75] : memref<8x128x64xf32, #tpu.memory_space<vmem>> -> memref<1x128x64xf32, #tpu.memory_space<vmem>>
    %dma_wait3A_77 = tpu.memref_squeeze %dma_wait3A_76 : memref<1x128x64xf32, #tpu.memory_space<vmem>> -> memref<128x64xf32, #tpu.memory_space<vmem>>
    %dma_wait3A_78 = arith.constant 0 : i32
    %dma_wait3A_79 = tpu.memref_slice %arg9[%dma_wait3A_73, %dma_wait3A_78] : memref<80x128xi32, #tpu.memory_space<vmem>> -> memref<1x128xi32, #tpu.memory_space<vmem>>
    %dma_wait3A_80 = tpu.memref_squeeze %dma_wait3A_79 : memref<1x128xi32, #tpu.memory_space<vmem>> -> memref<128xi32, #tpu.memory_space<vmem>>
    %dma_wait3A_81 = arith.constant 0 : i32
    %dma_wait3A_82 = arith.constant 0 : i32
    %dma_wait3A_83 = tpu.memref_slice %arg7[%dma_wait3A_81, %dma_wait3A_82] : memref<10112x64xf32, #tpu.memory_space<vmem_shared>> -> memref<10112x64xf32, #tpu.memory_space<vmem_shared>>
    tpu.wait_indirect_dma semaphore(%arg13 : memref<!tpu.dma_semaphore, #tpu.memory_space<semaphore_mem>>) src(%dma_wait3A_77 : memref<128x64xf32, #tpu.memory_space<vmem>>) dst(%dma_wait3A_83 : memref<10112x64xf32, #tpu.memory_space<vmem_shared>>)
    %dma_wait3A_84 = arith.constant 3 : i32
    %dma_wait3A_85 = arith.constant 3 : i32
    %dma_wait3A_86 = arith.constant 0 : i32
    %dma_wait3A_87 = arith.constant 0 : i32
    %dma_wait3A_88 = tpu.memref_slice %arg10[%dma_wait3A_84, %dma_wait3A_86, %dma_wait3A_87] : memref<8x128x64xf32, #tpu.memory_space<vmem>> -> memref<1x128x64xf32, #tpu.memory_space<vmem>>
    %dma_wait3A_89 = tpu.memref_squeeze %dma_wait3A_88 : memref<1x128x64xf32, #tpu.memory_space<vmem>> -> memref<128x64xf32, #tpu.memory_space<vmem>>
    %dma_wait3A_90 = arith.constant 0 : i32
    %dma_wait3A_91 = tpu.memref_slice %arg9[%dma_wait3A_85, %dma_wait3A_90] : memref<80x128xi32, #tpu.memory_space<vmem>> -> memref<1x128xi32, #tpu.memory_space<vmem>>
    %dma_wait3A_92 = tpu.memref_squeeze %dma_wait3A_91 : memref<1x128xi32, #tpu.memory_space<vmem>> -> memref<128xi32, #tpu.memory_space<vmem>>
    %dma_wait3A_93 = arith.constant 0 : i32
    %dma_wait3A_94 = arith.constant 0 : i32
    %dma_wait3A_95 = tpu.memref_slice %arg7[%dma_wait3A_93, %dma_wait3A_94] : memref<10112x64xf32, #tpu.memory_space<vmem_shared>> -> memref<10112x64xf32, #tpu.memory_space<vmem_shared>>
    tpu.wait_indirect_dma semaphore(%arg13 : memref<!tpu.dma_semaphore, #tpu.memory_space<semaphore_mem>>) src(%dma_wait3A_89 : memref<128x64xf32, #tpu.memory_space<vmem>>) dst(%dma_wait3A_95 : memref<10112x64xf32, #tpu.memory_space<vmem_shared>>)
    %dma_wait3A_96 = arith.constant 4 : i32
    %dma_wait3A_97 = arith.constant 0 : i32
    %dma_wait3A_98 = arith.constant 0 : i32
    %dma_wait3A_99 = arith.constant 0 : i32
    %dma_wait3A_100 = tpu.memref_slice %arg10[%dma_wait3A_96, %dma_wait3A_98, %dma_wait3A_99] : memref<8x128x64xf32, #tpu.memory_space<vmem>> -> memref<1x128x64xf32, #tpu.memory_space<vmem>>
    %dma_wait3A_101 = tpu.memref_squeeze %dma_wait3A_100 : memref<1x128x64xf32, #tpu.memory_space<vmem>> -> memref<128x64xf32, #tpu.memory_space<vmem>>
    %dma_wait3A_102 = arith.constant 0 : i32
    %dma_wait3A_103 = tpu.memref_slice %arg9[%dma_wait3A_97, %dma_wait3A_102] : memref<80x128xi32, #tpu.memory_space<vmem>> -> memref<1x128xi32, #tpu.memory_space<vmem>>
    %dma_wait3A_104 = tpu.memref_squeeze %dma_wait3A_103 : memref<1x128xi32, #tpu.memory_space<vmem>> -> memref<128xi32, #tpu.memory_space<vmem>>
    %dma_wait3A_105 = arith.constant 0 : i32
    %dma_wait3A_106 = arith.constant 0 : i32
    %dma_wait3A_107 = tpu.memref_slice %arg7[%dma_wait3A_105, %dma_wait3A_106] : memref<10112x64xf32, #tpu.memory_space<vmem_shared>> -> memref<10112x64xf32, #tpu.memory_space<vmem_shared>>
    tpu.wait_indirect_dma semaphore(%arg14 : memref<!tpu.dma_semaphore, #tpu.memory_space<semaphore_mem>>) src(%dma_wait3A_101 : memref<128x64xf32, #tpu.memory_space<vmem>>) dst(%dma_wait3A_107 : memref<10112x64xf32, #tpu.memory_space<vmem_shared>>)
    %dma_wait3A_108 = arith.constant 5 : i32
    %dma_wait3A_109 = arith.constant 1 : i32
    %dma_wait3A_110 = arith.constant 0 : i32
    %dma_wait3A_111 = arith.constant 0 : i32
    %dma_wait3A_112 = tpu.memref_slice %arg10[%dma_wait3A_108, %dma_wait3A_110, %dma_wait3A_111] : memref<8x128x64xf32, #tpu.memory_space<vmem>> -> memref<1x128x64xf32, #tpu.memory_space<vmem>>
    %dma_wait3A_113 = tpu.memref_squeeze %dma_wait3A_112 : memref<1x128x64xf32, #tpu.memory_space<vmem>> -> memref<128x64xf32, #tpu.memory_space<vmem>>
    %dma_wait3A_114 = arith.constant 0 : i32
    %dma_wait3A_115 = tpu.memref_slice %arg9[%dma_wait3A_109, %dma_wait3A_114] : memref<80x128xi32, #tpu.memory_space<vmem>> -> memref<1x128xi32, #tpu.memory_space<vmem>>
    %dma_wait3A_116 = tpu.memref_squeeze %dma_wait3A_115 : memref<1x128xi32, #tpu.memory_space<vmem>> -> memref<128xi32, #tpu.memory_space<vmem>>
    %dma_wait3A_117 = arith.constant 0 : i32
    %dma_wait3A_118 = arith.constant 0 : i32
    %dma_wait3A_119 = tpu.memref_slice %arg7[%dma_wait3A_117, %dma_wait3A_118] : memref<10112x64xf32, #tpu.memory_space<vmem_shared>> -> memref<10112x64xf32, #tpu.memory_space<vmem_shared>>
    tpu.wait_indirect_dma semaphore(%arg14 : memref<!tpu.dma_semaphore, #tpu.memory_space<semaphore_mem>>) src(%dma_wait3A_113 : memref<128x64xf32, #tpu.memory_space<vmem>>) dst(%dma_wait3A_119 : memref<10112x64xf32, #tpu.memory_space<vmem_shared>>)
    %dma_wait3A_120 = arith.constant 6 : i32
    %dma_wait3A_121 = arith.constant 2 : i32
    %dma_wait3A_122 = arith.constant 0 : i32
    %dma_wait3A_123 = arith.constant 0 : i32
    %dma_wait3A_124 = tpu.memref_slice %arg10[%dma_wait3A_120, %dma_wait3A_122, %dma_wait3A_123] : memref<8x128x64xf32, #tpu.memory_space<vmem>> -> memref<1x128x64xf32, #tpu.memory_space<vmem>>
    %dma_wait3A_125 = tpu.memref_squeeze %dma_wait3A_124 : memref<1x128x64xf32, #tpu.memory_space<vmem>> -> memref<128x64xf32, #tpu.memory_space<vmem>>
    %dma_wait3A_126 = arith.constant 0 : i32
    %dma_wait3A_127 = tpu.memref_slice %arg9[%dma_wait3A_121, %dma_wait3A_126] : memref<80x128xi32, #tpu.memory_space<vmem>> -> memref<1x128xi32, #tpu.memory_space<vmem>>
    %dma_wait3A_128 = tpu.memref_squeeze %dma_wait3A_127 : memref<1x128xi32, #tpu.memory_space<vmem>> -> memref<128xi32, #tpu.memory_space<vmem>>
    %dma_wait3A_129 = arith.constant 0 : i32
    %dma_wait3A_130 = arith.constant 0 : i32
    %dma_wait3A_131 = tpu.memref_slice %arg7[%dma_wait3A_129, %dma_wait3A_130] : memref<10112x64xf32, #tpu.memory_space<vmem_shared>> -> memref<10112x64xf32, #tpu.memory_space<vmem_shared>>
    tpu.wait_indirect_dma semaphore(%arg14 : memref<!tpu.dma_semaphore, #tpu.memory_space<semaphore_mem>>) src(%dma_wait3A_125 : memref<128x64xf32, #tpu.memory_space<vmem>>) dst(%dma_wait3A_131 : memref<10112x64xf32, #tpu.memory_space<vmem_shared>>)
    %dma_wait3A_132 = arith.constant 7 : i32
    %dma_wait3A_133 = arith.constant 3 : i32
    %dma_wait3A_134 = arith.constant 0 : i32
    %dma_wait3A_135 = arith.constant 0 : i32
    %dma_wait3A_136 = tpu.memref_slice %arg10[%dma_wait3A_132, %dma_wait3A_134, %dma_wait3A_135] : memref<8x128x64xf32, #tpu.memory_space<vmem>> -> memref<1x128x64xf32, #tpu.memory_space<vmem>>
    %dma_wait3A_137 = tpu.memref_squeeze %dma_wait3A_136 : memref<1x128x64xf32, #tpu.memory_space<vmem>> -> memref<128x64xf32, #tpu.memory_space<vmem>>
    %dma_wait3A_138 = arith.constant 0 : i32
    %dma_wait3A_139 = tpu.memref_slice %arg9[%dma_wait3A_133, %dma_wait3A_138] : memref<80x128xi32, #tpu.memory_space<vmem>> -> memref<1x128xi32, #tpu.memory_space<vmem>>
    %dma_wait3A_140 = tpu.memref_squeeze %dma_wait3A_139 : memref<1x128xi32, #tpu.memory_space<vmem>> -> memref<128xi32, #tpu.memory_space<vmem>>
    %dma_wait3A_141 = arith.constant 0 : i32
    %dma_wait3A_142 = arith.constant 0 : i32
    %dma_wait3A_143 = tpu.memref_slice %arg7[%dma_wait3A_141, %dma_wait3A_142] : memref<10112x64xf32, #tpu.memory_space<vmem_shared>> -> memref<10112x64xf32, #tpu.memory_space<vmem_shared>>
    tpu.wait_indirect_dma semaphore(%arg14 : memref<!tpu.dma_semaphore, #tpu.memory_space<semaphore_mem>>) src(%dma_wait3A_137 : memref<128x64xf32, #tpu.memory_space<vmem>>) dst(%dma_wait3A_143 : memref<10112x64xf32, #tpu.memory_space<vmem_shared>>)
    %barrier3A_144 = arith.constant 0 : index
    tpu.barrier barrier_id(%barrier3A_144)
    %mul3A_145 = arith.constant 632 : i32
    %mul3A_146 = arith.muli %arg1, %mul3A_145 : i32
    %mul3A_147 = arith.constant 632 : i32
    %mul3A_148 = arith.muli %arg1, %mul3A_147 : i32
    "tpu.region"() ({
      %run_scoped3A = tpu.sem_alloc : memref<!tpu.dma_semaphore, #tpu.memory_space<semaphore_mem>>
      %dma_start3A_149 = arith.constant 0 : i32
      %dma_start3A_150 = tpu.memref_slice %arg6[%arg0, %mul3A_148, %dma_start3A_149] : memref<2x10112x64xf32, #tpu.memory_space<hbm>> -> memref<1x632x64xf32, #tpu.memory_space<hbm>>
      %dma_start3A_151 = tpu.memref_squeeze %dma_start3A_150 : memref<1x632x64xf32, #tpu.memory_space<hbm>> -> memref<632x64xf32, #tpu.memory_space<hbm>>
      %dma_start3A_152 = arith.constant 0 : i32
      %dma_start3A_153 = tpu.memref_slice %arg7[%mul3A_146, %dma_start3A_152] : memref<10112x64xf32, #tpu.memory_space<vmem_shared>> -> memref<632x64xf32, #tpu.memory_space<vmem_shared>>
      tpu.enqueue_dma source(%dma_start3A_153 : memref<632x64xf32, #tpu.memory_space<vmem_shared>>) target(%dma_start3A_151 : memref<632x64xf32, #tpu.memory_space<hbm>>) target_semaphore(%run_scoped3A : memref<!tpu.dma_semaphore, #tpu.memory_space<semaphore_mem>>)
      %dma_wait3A_154 = arith.constant 0 : i32
      %dma_wait3A_155 = tpu.memref_slice %arg6[%arg0, %mul3A_148, %dma_wait3A_154] : memref<2x10112x64xf32, #tpu.memory_space<hbm>> -> memref<1x632x64xf32, #tpu.memory_space<hbm>>
      %dma_wait3A_156 = tpu.memref_squeeze %dma_wait3A_155 : memref<1x632x64xf32, #tpu.memory_space<hbm>> -> memref<632x64xf32, #tpu.memory_space<hbm>>
      %dma_wait3A_157 = arith.constant 0 : i32
      %dma_wait3A_158 = tpu.memref_slice %arg7[%mul3A_146, %dma_wait3A_157] : memref<10112x64xf32, #tpu.memory_space<vmem_shared>> -> memref<632x64xf32, #tpu.memory_space<vmem_shared>>
      tpu.wait_dma2 semaphore(%run_scoped3A : memref<!tpu.dma_semaphore, #tpu.memory_space<semaphore_mem>>) src(%dma_wait3A_158 : memref<632x64xf32, #tpu.memory_space<vmem_shared>>) dst(%dma_wait3A_156 : memref<632x64xf32, #tpu.memory_space<hbm>>)
      tpu.yield
    }) : () -> ()
    return
  }
}

#map = affine_map<(d0, d1) -> (0, 0)>
#map1 = affine_map<(d0, d1) -> (0, 0, 0)>
module attributes {stable_mosaic.version = 14 : i64} {
  func.func @agg_kernel(%arg0: i32, %arg1: i32, %arg2: memref<10112x16xf32, #tpu.memory_space<hbm>>, %arg3: memref<32x80x128xi32, #tpu.memory_space<hbm>>, %arg4: memref<32x80x128xi32, #tpu.memory_space<hbm>>, %arg5: memref<10112x16xf32, #tpu.memory_space<hbm>>, %arg6: memref<2x10112x16xf32, #tpu.memory_space<hbm>>, %arg7: memref<10112x16xf32, #tpu.memory_space<vmem_shared>>, %arg8: memref<80x128xi32, #tpu.memory_space<vmem>>, %arg9: memref<80x128xi32, #tpu.memory_space<vmem>>, %arg10: memref<16x128x16xf32, #tpu.memory_space<vmem>>, %arg11: memref<!tpu.dma_semaphore, #tpu.memory_space<semaphore_mem>>, %arg12: memref<!tpu.dma_semaphore, #tpu.memory_space<semaphore_mem>>, %arg13: memref<!tpu.dma_semaphore, #tpu.memory_space<semaphore_mem>>, %arg14: memref<!tpu.dma_semaphore, #tpu.memory_space<semaphore_mem>>) attributes {dimension_semantics = [#tpu.dimension_semantics<core_parallel>, #tpu.dimension_semantics<subcore_parallel>], iteration_bounds = array<i64: 2, 16>, scalar_prefetch = 0 : i64, scratch_operands = 8 : i64, tpu.core_type = #tpu.core_type<sc_vector_subcore>, window_params = [{transform_indices = #map}, {transform_indices = #map1}, {transform_indices = #map1}, {transform_indices = #map}, {transform_indices = #map1}]} {
    %mul3A = arith.constant 16 : i32
    %mul3A_0 = arith.muli %arg0, %mul3A : i32
    %add3A = arith.addi %mul3A_0, %arg1 : i32
    %mul3A_1 = arith.constant 632 : i32
    %mul3A_2 = arith.muli %arg1, %mul3A_1 : i32
    %mul3A_3 = arith.constant 632 : i32
    %mul3A_4 = arith.muli %arg1, %mul3A_3 : i32
    %dma_start3A = arith.constant 0 : i32
    %dma_start3A_5 = tpu.memref_slice %arg7[%mul3A_4, %dma_start3A] : memref<10112x16xf32, #tpu.memory_space<vmem_shared>> -> memref<632x16xf32, #tpu.memory_space<vmem_shared>>
    %dma_start3A_6 = arith.constant 0 : i32
    %dma_start3A_7 = tpu.memref_slice %arg5[%mul3A_2, %dma_start3A_6] : memref<10112x16xf32, #tpu.memory_space<hbm>> -> memref<632x16xf32, #tpu.memory_space<hbm>>
    tpu.enqueue_dma source(%dma_start3A_7 : memref<632x16xf32, #tpu.memory_space<hbm>>) target(%dma_start3A_5 : memref<632x16xf32, #tpu.memory_space<vmem_shared>>) target_semaphore(%arg11 : memref<!tpu.dma_semaphore, #tpu.memory_space<semaphore_mem>>)
    %dma_start3A_8 = arith.constant 0 : i32
    %dma_start3A_9 = arith.constant 0 : i32
    %dma_start3A_10 = tpu.memref_slice %arg3[%add3A, %dma_start3A_8, %dma_start3A_9] : memref<32x80x128xi32, #tpu.memory_space<hbm>> -> memref<1x80x128xi32, #tpu.memory_space<hbm>>
    %dma_start3A_11 = tpu.memref_squeeze %dma_start3A_10 : memref<1x80x128xi32, #tpu.memory_space<hbm>> -> memref<80x128xi32, #tpu.memory_space<hbm>>
    %dma_start3A_12 = arith.constant 0 : i32
    %dma_start3A_13 = arith.constant 0 : i32
    %dma_start3A_14 = tpu.memref_slice %arg3[%add3A, %dma_start3A_12, %dma_start3A_13] : memref<32x80x128xi32, #tpu.memory_space<hbm>> -> memref<1x80x128xi32, #tpu.memory_space<hbm>>
    %dma_start3A_15 = tpu.memref_squeeze %dma_start3A_14 : memref<1x80x128xi32, #tpu.memory_space<hbm>> -> memref<80x128xi32, #tpu.memory_space<hbm>>
    tpu.enqueue_dma source(%dma_start3A_15 : memref<80x128xi32, #tpu.memory_space<hbm>>) target(%arg8 : memref<80x128xi32, #tpu.memory_space<vmem>>) target_semaphore(%arg11 : memref<!tpu.dma_semaphore, #tpu.memory_space<semaphore_mem>>)
    %dma_start3A_16 = arith.constant 0 : i32
    %dma_start3A_17 = arith.constant 0 : i32
    %dma_start3A_18 = tpu.memref_slice %arg4[%add3A, %dma_start3A_16, %dma_start3A_17] : memref<32x80x128xi32, #tpu.memory_space<hbm>> -> memref<1x80x128xi32, #tpu.memory_space<hbm>>
    %dma_start3A_19 = tpu.memref_squeeze %dma_start3A_18 : memref<1x80x128xi32, #tpu.memory_space<hbm>> -> memref<80x128xi32, #tpu.memory_space<hbm>>
    %dma_start3A_20 = arith.constant 0 : i32
    %dma_start3A_21 = arith.constant 0 : i32
    %dma_start3A_22 = tpu.memref_slice %arg4[%add3A, %dma_start3A_20, %dma_start3A_21] : memref<32x80x128xi32, #tpu.memory_space<hbm>> -> memref<1x80x128xi32, #tpu.memory_space<hbm>>
    %dma_start3A_23 = tpu.memref_squeeze %dma_start3A_22 : memref<1x80x128xi32, #tpu.memory_space<hbm>> -> memref<80x128xi32, #tpu.memory_space<hbm>>
    tpu.enqueue_dma source(%dma_start3A_23 : memref<80x128xi32, #tpu.memory_space<hbm>>) target(%arg9 : memref<80x128xi32, #tpu.memory_space<vmem>>) target_semaphore(%arg11 : memref<!tpu.dma_semaphore, #tpu.memory_space<semaphore_mem>>)
    %dma_wait3A = arith.constant 0 : i32
    %dma_wait3A_24 = tpu.memref_slice %arg7[%mul3A_4, %dma_wait3A] : memref<10112x16xf32, #tpu.memory_space<vmem_shared>> -> memref<632x16xf32, #tpu.memory_space<vmem_shared>>
    %dma_wait3A_25 = arith.constant 0 : i32
    %dma_wait3A_26 = tpu.memref_slice %arg5[%mul3A_2, %dma_wait3A_25] : memref<10112x16xf32, #tpu.memory_space<hbm>> -> memref<632x16xf32, #tpu.memory_space<hbm>>
    tpu.wait_dma2 semaphore(%arg11 : memref<!tpu.dma_semaphore, #tpu.memory_space<semaphore_mem>>) src(%dma_wait3A_26 : memref<632x16xf32, #tpu.memory_space<hbm>>) dst(%dma_wait3A_24 : memref<632x16xf32, #tpu.memory_space<vmem_shared>>)
    %dma_wait3A_27 = arith.constant 0 : i32
    %dma_wait3A_28 = arith.constant 0 : i32
    %dma_wait3A_29 = tpu.memref_slice %arg3[%add3A, %dma_wait3A_27, %dma_wait3A_28] : memref<32x80x128xi32, #tpu.memory_space<hbm>> -> memref<1x80x128xi32, #tpu.memory_space<hbm>>
    %dma_wait3A_30 = tpu.memref_squeeze %dma_wait3A_29 : memref<1x80x128xi32, #tpu.memory_space<hbm>> -> memref<80x128xi32, #tpu.memory_space<hbm>>
    %dma_wait3A_31 = arith.constant 0 : i32
    %dma_wait3A_32 = arith.constant 0 : i32
    %dma_wait3A_33 = tpu.memref_slice %arg3[%add3A, %dma_wait3A_31, %dma_wait3A_32] : memref<32x80x128xi32, #tpu.memory_space<hbm>> -> memref<1x80x128xi32, #tpu.memory_space<hbm>>
    %dma_wait3A_34 = tpu.memref_squeeze %dma_wait3A_33 : memref<1x80x128xi32, #tpu.memory_space<hbm>> -> memref<80x128xi32, #tpu.memory_space<hbm>>
    tpu.wait_dma2 semaphore(%arg11 : memref<!tpu.dma_semaphore, #tpu.memory_space<semaphore_mem>>) src(%dma_wait3A_34 : memref<80x128xi32, #tpu.memory_space<hbm>>) dst(%arg8 : memref<80x128xi32, #tpu.memory_space<vmem>>)
    %dma_wait3A_35 = arith.constant 0 : i32
    %dma_wait3A_36 = arith.constant 0 : i32
    %dma_wait3A_37 = tpu.memref_slice %arg4[%add3A, %dma_wait3A_35, %dma_wait3A_36] : memref<32x80x128xi32, #tpu.memory_space<hbm>> -> memref<1x80x128xi32, #tpu.memory_space<hbm>>
    %dma_wait3A_38 = tpu.memref_squeeze %dma_wait3A_37 : memref<1x80x128xi32, #tpu.memory_space<hbm>> -> memref<80x128xi32, #tpu.memory_space<hbm>>
    %dma_wait3A_39 = arith.constant 0 : i32
    %dma_wait3A_40 = arith.constant 0 : i32
    %dma_wait3A_41 = tpu.memref_slice %arg4[%add3A, %dma_wait3A_39, %dma_wait3A_40] : memref<32x80x128xi32, #tpu.memory_space<hbm>> -> memref<1x80x128xi32, #tpu.memory_space<hbm>>
    %dma_wait3A_42 = tpu.memref_squeeze %dma_wait3A_41 : memref<1x80x128xi32, #tpu.memory_space<hbm>> -> memref<80x128xi32, #tpu.memory_space<hbm>>
    tpu.wait_dma2 semaphore(%arg11 : memref<!tpu.dma_semaphore, #tpu.memory_space<semaphore_mem>>) src(%dma_wait3A_42 : memref<80x128xi32, #tpu.memory_space<hbm>>) dst(%arg9 : memref<80x128xi32, #tpu.memory_space<vmem>>)
    %barrier3A = arith.constant 0 : index
    tpu.barrier barrier_id(%barrier3A)
    %scan3A = arith.constant 0 : i32
    %scan3A_43 = arith.constant 0 : i32
    %scan3A_44 = arith.constant 5 : i32
    %scan3A_45 = arith.addi %scan3A_43, %scan3A_44 : i32
    %scan3A_46 = arith.constant 1 : i32
    scf.for %scan3A_245 = %scan3A_43 to %scan3A_45 step %scan3A_46  : i32 {
      %mul3A_246 = arith.constant 2 : i32
      %mul3A_247 = arith.muli %scan3A_245, %mul3A_246 : i32
      %mul3A_248 = arith.constant 8 : i32
      %mul3A_249 = arith.muli %mul3A_247, %mul3A_248 : i32
      %add3A_250 = arith.constant 8 : i32
      %add3A_251 = arith.addi %mul3A_249, %add3A_250 : i32
      %gt3A = arith.constant 0 : i32
      %gt3A_252 = arith.cmpi sgt, %scan3A_245, %gt3A : i32
      %convert_element_type3A = arith.extui %gt3A_252 : i1 to i32
      %cond3A = arith.constant 0 : i32
      %cond3A_253 = arith.cmpi ne, %convert_element_type3A, %cond3A : i32
      scf.if %cond3A_253 {
        %dma_wait3A_867 = arith.constant 0 : i32
        %dma_wait3A_868 = arith.constant 0 : i32
        %dma_wait3A_869 = arith.constant 0 : i32
        %dma_wait3A_870 = arith.constant 0 : i32
        %dma_wait3A_871 = tpu.memref_slice %arg10[%dma_wait3A_867, %dma_wait3A_869, %dma_wait3A_870] : memref<16x128x16xf32, #tpu.memory_space<vmem>> -> memref<1x128x16xf32, #tpu.memory_space<vmem>>
        %dma_wait3A_872 = tpu.memref_squeeze %dma_wait3A_871 : memref<1x128x16xf32, #tpu.memory_space<vmem>> -> memref<128x16xf32, #tpu.memory_space<vmem>>
        %dma_wait3A_873 = arith.constant 0 : i32
        %dma_wait3A_874 = tpu.memref_slice %arg9[%dma_wait3A_868, %dma_wait3A_873] : memref<80x128xi32, #tpu.memory_space<vmem>> -> memref<1x128xi32, #tpu.memory_space<vmem>>
        %dma_wait3A_875 = tpu.memref_squeeze %dma_wait3A_874 : memref<1x128xi32, #tpu.memory_space<vmem>> -> memref<128xi32, #tpu.memory_space<vmem>>
        %dma_wait3A_876 = arith.constant 0 : i32
        %dma_wait3A_877 = arith.constant 0 : i32
        %dma_wait3A_878 = tpu.memref_slice %arg7[%dma_wait3A_876, %dma_wait3A_877] : memref<10112x16xf32, #tpu.memory_space<vmem_shared>> -> memref<10112x16xf32, #tpu.memory_space<vmem_shared>>
        tpu.wait_indirect_dma semaphore(%arg13 : memref<!tpu.dma_semaphore, #tpu.memory_space<semaphore_mem>>) src(%dma_wait3A_872 : memref<128x16xf32, #tpu.memory_space<vmem>>) dst(%dma_wait3A_878 : memref<10112x16xf32, #tpu.memory_space<vmem_shared>>)
        %dma_wait3A_879 = arith.constant 1 : i32
        %dma_wait3A_880 = arith.constant 1 : i32
        %dma_wait3A_881 = arith.constant 0 : i32
        %dma_wait3A_882 = arith.constant 0 : i32
        %dma_wait3A_883 = tpu.memref_slice %arg10[%dma_wait3A_879, %dma_wait3A_881, %dma_wait3A_882] : memref<16x128x16xf32, #tpu.memory_space<vmem>> -> memref<1x128x16xf32, #tpu.memory_space<vmem>>
        %dma_wait3A_884 = tpu.memref_squeeze %dma_wait3A_883 : memref<1x128x16xf32, #tpu.memory_space<vmem>> -> memref<128x16xf32, #tpu.memory_space<vmem>>
        %dma_wait3A_885 = arith.constant 0 : i32
        %dma_wait3A_886 = tpu.memref_slice %arg9[%dma_wait3A_880, %dma_wait3A_885] : memref<80x128xi32, #tpu.memory_space<vmem>> -> memref<1x128xi32, #tpu.memory_space<vmem>>
        %dma_wait3A_887 = tpu.memref_squeeze %dma_wait3A_886 : memref<1x128xi32, #tpu.memory_space<vmem>> -> memref<128xi32, #tpu.memory_space<vmem>>
        %dma_wait3A_888 = arith.constant 0 : i32
        %dma_wait3A_889 = arith.constant 0 : i32
        %dma_wait3A_890 = tpu.memref_slice %arg7[%dma_wait3A_888, %dma_wait3A_889] : memref<10112x16xf32, #tpu.memory_space<vmem_shared>> -> memref<10112x16xf32, #tpu.memory_space<vmem_shared>>
        tpu.wait_indirect_dma semaphore(%arg13 : memref<!tpu.dma_semaphore, #tpu.memory_space<semaphore_mem>>) src(%dma_wait3A_884 : memref<128x16xf32, #tpu.memory_space<vmem>>) dst(%dma_wait3A_890 : memref<10112x16xf32, #tpu.memory_space<vmem_shared>>)
        %dma_wait3A_891 = arith.constant 2 : i32
        %dma_wait3A_892 = arith.constant 2 : i32
        %dma_wait3A_893 = arith.constant 0 : i32
        %dma_wait3A_894 = arith.constant 0 : i32
        %dma_wait3A_895 = tpu.memref_slice %arg10[%dma_wait3A_891, %dma_wait3A_893, %dma_wait3A_894] : memref<16x128x16xf32, #tpu.memory_space<vmem>> -> memref<1x128x16xf32, #tpu.memory_space<vmem>>
        %dma_wait3A_896 = tpu.memref_squeeze %dma_wait3A_895 : memref<1x128x16xf32, #tpu.memory_space<vmem>> -> memref<128x16xf32, #tpu.memory_space<vmem>>
        %dma_wait3A_897 = arith.constant 0 : i32
        %dma_wait3A_898 = tpu.memref_slice %arg9[%dma_wait3A_892, %dma_wait3A_897] : memref<80x128xi32, #tpu.memory_space<vmem>> -> memref<1x128xi32, #tpu.memory_space<vmem>>
        %dma_wait3A_899 = tpu.memref_squeeze %dma_wait3A_898 : memref<1x128xi32, #tpu.memory_space<vmem>> -> memref<128xi32, #tpu.memory_space<vmem>>
        %dma_wait3A_900 = arith.constant 0 : i32
        %dma_wait3A_901 = arith.constant 0 : i32
        %dma_wait3A_902 = tpu.memref_slice %arg7[%dma_wait3A_900, %dma_wait3A_901] : memref<10112x16xf32, #tpu.memory_space<vmem_shared>> -> memref<10112x16xf32, #tpu.memory_space<vmem_shared>>
        tpu.wait_indirect_dma semaphore(%arg13 : memref<!tpu.dma_semaphore, #tpu.memory_space<semaphore_mem>>) src(%dma_wait3A_896 : memref<128x16xf32, #tpu.memory_space<vmem>>) dst(%dma_wait3A_902 : memref<10112x16xf32, #tpu.memory_space<vmem_shared>>)
        %dma_wait3A_903 = arith.constant 3 : i32
        %dma_wait3A_904 = arith.constant 3 : i32
        %dma_wait3A_905 = arith.constant 0 : i32
        %dma_wait3A_906 = arith.constant 0 : i32
        %dma_wait3A_907 = tpu.memref_slice %arg10[%dma_wait3A_903, %dma_wait3A_905, %dma_wait3A_906] : memref<16x128x16xf32, #tpu.memory_space<vmem>> -> memref<1x128x16xf32, #tpu.memory_space<vmem>>
        %dma_wait3A_908 = tpu.memref_squeeze %dma_wait3A_907 : memref<1x128x16xf32, #tpu.memory_space<vmem>> -> memref<128x16xf32, #tpu.memory_space<vmem>>
        %dma_wait3A_909 = arith.constant 0 : i32
        %dma_wait3A_910 = tpu.memref_slice %arg9[%dma_wait3A_904, %dma_wait3A_909] : memref<80x128xi32, #tpu.memory_space<vmem>> -> memref<1x128xi32, #tpu.memory_space<vmem>>
        %dma_wait3A_911 = tpu.memref_squeeze %dma_wait3A_910 : memref<1x128xi32, #tpu.memory_space<vmem>> -> memref<128xi32, #tpu.memory_space<vmem>>
        %dma_wait3A_912 = arith.constant 0 : i32
        %dma_wait3A_913 = arith.constant 0 : i32
        %dma_wait3A_914 = tpu.memref_slice %arg7[%dma_wait3A_912, %dma_wait3A_913] : memref<10112x16xf32, #tpu.memory_space<vmem_shared>> -> memref<10112x16xf32, #tpu.memory_space<vmem_shared>>
        tpu.wait_indirect_dma semaphore(%arg13 : memref<!tpu.dma_semaphore, #tpu.memory_space<semaphore_mem>>) src(%dma_wait3A_908 : memref<128x16xf32, #tpu.memory_space<vmem>>) dst(%dma_wait3A_914 : memref<10112x16xf32, #tpu.memory_space<vmem_shared>>)
        %dma_wait3A_915 = arith.constant 4 : i32
        %dma_wait3A_916 = arith.constant 4 : i32
        %dma_wait3A_917 = arith.constant 0 : i32
        %dma_wait3A_918 = arith.constant 0 : i32
        %dma_wait3A_919 = tpu.memref_slice %arg10[%dma_wait3A_915, %dma_wait3A_917, %dma_wait3A_918] : memref<16x128x16xf32, #tpu.memory_space<vmem>> -> memref<1x128x16xf32, #tpu.memory_space<vmem>>
        %dma_wait3A_920 = tpu.memref_squeeze %dma_wait3A_919 : memref<1x128x16xf32, #tpu.memory_space<vmem>> -> memref<128x16xf32, #tpu.memory_space<vmem>>
        %dma_wait3A_921 = arith.constant 0 : i32
        %dma_wait3A_922 = tpu.memref_slice %arg9[%dma_wait3A_916, %dma_wait3A_921] : memref<80x128xi32, #tpu.memory_space<vmem>> -> memref<1x128xi32, #tpu.memory_space<vmem>>
        %dma_wait3A_923 = tpu.memref_squeeze %dma_wait3A_922 : memref<1x128xi32, #tpu.memory_space<vmem>> -> memref<128xi32, #tpu.memory_space<vmem>>
        %dma_wait3A_924 = arith.constant 0 : i32
        %dma_wait3A_925 = arith.constant 0 : i32
        %dma_wait3A_926 = tpu.memref_slice %arg7[%dma_wait3A_924, %dma_wait3A_925] : memref<10112x16xf32, #tpu.memory_space<vmem_shared>> -> memref<10112x16xf32, #tpu.memory_space<vmem_shared>>
        tpu.wait_indirect_dma semaphore(%arg13 : memref<!tpu.dma_semaphore, #tpu.memory_space<semaphore_mem>>) src(%dma_wait3A_920 : memref<128x16xf32, #tpu.memory_space<vmem>>) dst(%dma_wait3A_926 : memref<10112x16xf32, #tpu.memory_space<vmem_shared>>)
        %dma_wait3A_927 = arith.constant 5 : i32
        %dma_wait3A_928 = arith.constant 5 : i32
        %dma_wait3A_929 = arith.constant 0 : i32
        %dma_wait3A_930 = arith.constant 0 : i32
        %dma_wait3A_931 = tpu.memref_slice %arg10[%dma_wait3A_927, %dma_wait3A_929, %dma_wait3A_930] : memref<16x128x16xf32, #tpu.memory_space<vmem>> -> memref<1x128x16xf32, #tpu.memory_space<vmem>>
        %dma_wait3A_932 = tpu.memref_squeeze %dma_wait3A_931 : memref<1x128x16xf32, #tpu.memory_space<vmem>> -> memref<128x16xf32, #tpu.memory_space<vmem>>
        %dma_wait3A_933 = arith.constant 0 : i32
        %dma_wait3A_934 = tpu.memref_slice %arg9[%dma_wait3A_928, %dma_wait3A_933] : memref<80x128xi32, #tpu.memory_space<vmem>> -> memref<1x128xi32, #tpu.memory_space<vmem>>
        %dma_wait3A_935 = tpu.memref_squeeze %dma_wait3A_934 : memref<1x128xi32, #tpu.memory_space<vmem>> -> memref<128xi32, #tpu.memory_space<vmem>>
        %dma_wait3A_936 = arith.constant 0 : i32
        %dma_wait3A_937 = arith.constant 0 : i32
        %dma_wait3A_938 = tpu.memref_slice %arg7[%dma_wait3A_936, %dma_wait3A_937] : memref<10112x16xf32, #tpu.memory_space<vmem_shared>> -> memref<10112x16xf32, #tpu.memory_space<vmem_shared>>
        tpu.wait_indirect_dma semaphore(%arg13 : memref<!tpu.dma_semaphore, #tpu.memory_space<semaphore_mem>>) src(%dma_wait3A_932 : memref<128x16xf32, #tpu.memory_space<vmem>>) dst(%dma_wait3A_938 : memref<10112x16xf32, #tpu.memory_space<vmem_shared>>)
        %dma_wait3A_939 = arith.constant 6 : i32
        %dma_wait3A_940 = arith.constant 6 : i32
        %dma_wait3A_941 = arith.constant 0 : i32
        %dma_wait3A_942 = arith.constant 0 : i32
        %dma_wait3A_943 = tpu.memref_slice %arg10[%dma_wait3A_939, %dma_wait3A_941, %dma_wait3A_942] : memref<16x128x16xf32, #tpu.memory_space<vmem>> -> memref<1x128x16xf32, #tpu.memory_space<vmem>>
        %dma_wait3A_944 = tpu.memref_squeeze %dma_wait3A_943 : memref<1x128x16xf32, #tpu.memory_space<vmem>> -> memref<128x16xf32, #tpu.memory_space<vmem>>
        %dma_wait3A_945 = arith.constant 0 : i32
        %dma_wait3A_946 = tpu.memref_slice %arg9[%dma_wait3A_940, %dma_wait3A_945] : memref<80x128xi32, #tpu.memory_space<vmem>> -> memref<1x128xi32, #tpu.memory_space<vmem>>
        %dma_wait3A_947 = tpu.memref_squeeze %dma_wait3A_946 : memref<1x128xi32, #tpu.memory_space<vmem>> -> memref<128xi32, #tpu.memory_space<vmem>>
        %dma_wait3A_948 = arith.constant 0 : i32
        %dma_wait3A_949 = arith.constant 0 : i32
        %dma_wait3A_950 = tpu.memref_slice %arg7[%dma_wait3A_948, %dma_wait3A_949] : memref<10112x16xf32, #tpu.memory_space<vmem_shared>> -> memref<10112x16xf32, #tpu.memory_space<vmem_shared>>
        tpu.wait_indirect_dma semaphore(%arg13 : memref<!tpu.dma_semaphore, #tpu.memory_space<semaphore_mem>>) src(%dma_wait3A_944 : memref<128x16xf32, #tpu.memory_space<vmem>>) dst(%dma_wait3A_950 : memref<10112x16xf32, #tpu.memory_space<vmem_shared>>)
        %dma_wait3A_951 = arith.constant 7 : i32
        %dma_wait3A_952 = arith.constant 7 : i32
        %dma_wait3A_953 = arith.constant 0 : i32
        %dma_wait3A_954 = arith.constant 0 : i32
        %dma_wait3A_955 = tpu.memref_slice %arg10[%dma_wait3A_951, %dma_wait3A_953, %dma_wait3A_954] : memref<16x128x16xf32, #tpu.memory_space<vmem>> -> memref<1x128x16xf32, #tpu.memory_space<vmem>>
        %dma_wait3A_956 = tpu.memref_squeeze %dma_wait3A_955 : memref<1x128x16xf32, #tpu.memory_space<vmem>> -> memref<128x16xf32, #tpu.memory_space<vmem>>
        %dma_wait3A_957 = arith.constant 0 : i32
        %dma_wait3A_958 = tpu.memref_slice %arg9[%dma_wait3A_952, %dma_wait3A_957] : memref<80x128xi32, #tpu.memory_space<vmem>> -> memref<1x128xi32, #tpu.memory_space<vmem>>
        %dma_wait3A_959 = tpu.memref_squeeze %dma_wait3A_958 : memref<1x128xi32, #tpu.memory_space<vmem>> -> memref<128xi32, #tpu.memory_space<vmem>>
        %dma_wait3A_960 = arith.constant 0 : i32
        %dma_wait3A_961 = arith.constant 0 : i32
        %dma_wait3A_962 = tpu.memref_slice %arg7[%dma_wait3A_960, %dma_wait3A_961] : memref<10112x16xf32, #tpu.memory_space<vmem_shared>> -> memref<10112x16xf32, #tpu.memory_space<vmem_shared>>
        tpu.wait_indirect_dma semaphore(%arg13 : memref<!tpu.dma_semaphore, #tpu.memory_space<semaphore_mem>>) src(%dma_wait3A_956 : memref<128x16xf32, #tpu.memory_space<vmem>>) dst(%dma_wait3A_962 : memref<10112x16xf32, #tpu.memory_space<vmem_shared>>)
      } else {
      }
      %add3A_254 = arith.constant 0 : i32
      %add3A_255 = arith.addi %mul3A_249, %add3A_254 : i32
      %dma_start3A_256 = arith.constant 0 : i32
      %dma_start3A_257 = arith.constant 0 : i32
      %dma_start3A_258 = arith.constant 0 : i32
      %dma_start3A_259 = tpu.memref_slice %arg10[%dma_start3A_256, %dma_start3A_257, %dma_start3A_258] : memref<16x128x16xf32, #tpu.memory_space<vmem>> -> memref<1x128x16xf32, #tpu.memory_space<vmem>>
      %dma_start3A_260 = tpu.memref_squeeze %dma_start3A_259 : memref<1x128x16xf32, #tpu.memory_space<vmem>> -> memref<128x16xf32, #tpu.memory_space<vmem>>
      %dma_start3A_261 = arith.constant 0 : i32
      %dma_start3A_262 = tpu.memref_slice %arg8[%add3A_255, %dma_start3A_261] : memref<80x128xi32, #tpu.memory_space<vmem>> -> memref<1x128xi32, #tpu.memory_space<vmem>>
      %dma_start3A_263 = tpu.memref_squeeze %dma_start3A_262 : memref<1x128xi32, #tpu.memory_space<vmem>> -> memref<128xi32, #tpu.memory_space<vmem>>
      %dma_start3A_264 = arith.constant 0 : i32
      %dma_start3A_265 = arith.constant 0 : i32
      %dma_start3A_266 = tpu.memref_slice %arg2[%dma_start3A_264, %dma_start3A_265] : memref<10112x16xf32, #tpu.memory_space<hbm>> -> memref<10112x16xf32, #tpu.memory_space<hbm>>
      tpu.enqueue_indirect_dma source(%dma_start3A_266 : memref<10112x16xf32, #tpu.memory_space<hbm>>) target(%dma_start3A_260 : memref<128x16xf32, #tpu.memory_space<vmem>>) offsets(%dma_start3A_263 : memref<128xi32, #tpu.memory_space<vmem>>) semaphore(%arg11 : memref<!tpu.dma_semaphore, #tpu.memory_space<semaphore_mem>>)
      %add3A_267 = arith.constant 1 : i32
      %add3A_268 = arith.addi %mul3A_249, %add3A_267 : i32
      %dma_start3A_269 = arith.constant 1 : i32
      %dma_start3A_270 = arith.constant 0 : i32
      %dma_start3A_271 = arith.constant 0 : i32
      %dma_start3A_272 = tpu.memref_slice %arg10[%dma_start3A_269, %dma_start3A_270, %dma_start3A_271] : memref<16x128x16xf32, #tpu.memory_space<vmem>> -> memref<1x128x16xf32, #tpu.memory_space<vmem>>
      %dma_start3A_273 = tpu.memref_squeeze %dma_start3A_272 : memref<1x128x16xf32, #tpu.memory_space<vmem>> -> memref<128x16xf32, #tpu.memory_space<vmem>>
      %dma_start3A_274 = arith.constant 0 : i32
      %dma_start3A_275 = tpu.memref_slice %arg8[%add3A_268, %dma_start3A_274] : memref<80x128xi32, #tpu.memory_space<vmem>> -> memref<1x128xi32, #tpu.memory_space<vmem>>
      %dma_start3A_276 = tpu.memref_squeeze %dma_start3A_275 : memref<1x128xi32, #tpu.memory_space<vmem>> -> memref<128xi32, #tpu.memory_space<vmem>>
      %dma_start3A_277 = arith.constant 0 : i32
      %dma_start3A_278 = arith.constant 0 : i32
      %dma_start3A_279 = tpu.memref_slice %arg2[%dma_start3A_277, %dma_start3A_278] : memref<10112x16xf32, #tpu.memory_space<hbm>> -> memref<10112x16xf32, #tpu.memory_space<hbm>>
      tpu.enqueue_indirect_dma source(%dma_start3A_279 : memref<10112x16xf32, #tpu.memory_space<hbm>>) target(%dma_start3A_273 : memref<128x16xf32, #tpu.memory_space<vmem>>) offsets(%dma_start3A_276 : memref<128xi32, #tpu.memory_space<vmem>>) semaphore(%arg11 : memref<!tpu.dma_semaphore, #tpu.memory_space<semaphore_mem>>)
      %add3A_280 = arith.constant 2 : i32
      %add3A_281 = arith.addi %mul3A_249, %add3A_280 : i32
      %dma_start3A_282 = arith.constant 2 : i32
      %dma_start3A_283 = arith.constant 0 : i32
      %dma_start3A_284 = arith.constant 0 : i32
      %dma_start3A_285 = tpu.memref_slice %arg10[%dma_start3A_282, %dma_start3A_283, %dma_start3A_284] : memref<16x128x16xf32, #tpu.memory_space<vmem>> -> memref<1x128x16xf32, #tpu.memory_space<vmem>>
      %dma_start3A_286 = tpu.memref_squeeze %dma_start3A_285 : memref<1x128x16xf32, #tpu.memory_space<vmem>> -> memref<128x16xf32, #tpu.memory_space<vmem>>
      %dma_start3A_287 = arith.constant 0 : i32
      %dma_start3A_288 = tpu.memref_slice %arg8[%add3A_281, %dma_start3A_287] : memref<80x128xi32, #tpu.memory_space<vmem>> -> memref<1x128xi32, #tpu.memory_space<vmem>>
      %dma_start3A_289 = tpu.memref_squeeze %dma_start3A_288 : memref<1x128xi32, #tpu.memory_space<vmem>> -> memref<128xi32, #tpu.memory_space<vmem>>
      %dma_start3A_290 = arith.constant 0 : i32
      %dma_start3A_291 = arith.constant 0 : i32
      %dma_start3A_292 = tpu.memref_slice %arg2[%dma_start3A_290, %dma_start3A_291] : memref<10112x16xf32, #tpu.memory_space<hbm>> -> memref<10112x16xf32, #tpu.memory_space<hbm>>
      tpu.enqueue_indirect_dma source(%dma_start3A_292 : memref<10112x16xf32, #tpu.memory_space<hbm>>) target(%dma_start3A_286 : memref<128x16xf32, #tpu.memory_space<vmem>>) offsets(%dma_start3A_289 : memref<128xi32, #tpu.memory_space<vmem>>) semaphore(%arg11 : memref<!tpu.dma_semaphore, #tpu.memory_space<semaphore_mem>>)
      %add3A_293 = arith.constant 3 : i32
      %add3A_294 = arith.addi %mul3A_249, %add3A_293 : i32
      %dma_start3A_295 = arith.constant 3 : i32
      %dma_start3A_296 = arith.constant 0 : i32
      %dma_start3A_297 = arith.constant 0 : i32
      %dma_start3A_298 = tpu.memref_slice %arg10[%dma_start3A_295, %dma_start3A_296, %dma_start3A_297] : memref<16x128x16xf32, #tpu.memory_space<vmem>> -> memref<1x128x16xf32, #tpu.memory_space<vmem>>
      %dma_start3A_299 = tpu.memref_squeeze %dma_start3A_298 : memref<1x128x16xf32, #tpu.memory_space<vmem>> -> memref<128x16xf32, #tpu.memory_space<vmem>>
      %dma_start3A_300 = arith.constant 0 : i32
      %dma_start3A_301 = tpu.memref_slice %arg8[%add3A_294, %dma_start3A_300] : memref<80x128xi32, #tpu.memory_space<vmem>> -> memref<1x128xi32, #tpu.memory_space<vmem>>
      %dma_start3A_302 = tpu.memref_squeeze %dma_start3A_301 : memref<1x128xi32, #tpu.memory_space<vmem>> -> memref<128xi32, #tpu.memory_space<vmem>>
      %dma_start3A_303 = arith.constant 0 : i32
      %dma_start3A_304 = arith.constant 0 : i32
      %dma_start3A_305 = tpu.memref_slice %arg2[%dma_start3A_303, %dma_start3A_304] : memref<10112x16xf32, #tpu.memory_space<hbm>> -> memref<10112x16xf32, #tpu.memory_space<hbm>>
      tpu.enqueue_indirect_dma source(%dma_start3A_305 : memref<10112x16xf32, #tpu.memory_space<hbm>>) target(%dma_start3A_299 : memref<128x16xf32, #tpu.memory_space<vmem>>) offsets(%dma_start3A_302 : memref<128xi32, #tpu.memory_space<vmem>>) semaphore(%arg11 : memref<!tpu.dma_semaphore, #tpu.memory_space<semaphore_mem>>)
      %add3A_306 = arith.constant 4 : i32
      %add3A_307 = arith.addi %mul3A_249, %add3A_306 : i32
      %dma_start3A_308 = arith.constant 4 : i32
      %dma_start3A_309 = arith.constant 0 : i32
      %dma_start3A_310 = arith.constant 0 : i32
      %dma_start3A_311 = tpu.memref_slice %arg10[%dma_start3A_308, %dma_start3A_309, %dma_start3A_310] : memref<16x128x16xf32, #tpu.memory_space<vmem>> -> memref<1x128x16xf32, #tpu.memory_space<vmem>>
      %dma_start3A_312 = tpu.memref_squeeze %dma_start3A_311 : memref<1x128x16xf32, #tpu.memory_space<vmem>> -> memref<128x16xf32, #tpu.memory_space<vmem>>
      %dma_start3A_313 = arith.constant 0 : i32
      %dma_start3A_314 = tpu.memref_slice %arg8[%add3A_307, %dma_start3A_313] : memref<80x128xi32, #tpu.memory_space<vmem>> -> memref<1x128xi32, #tpu.memory_space<vmem>>
      %dma_start3A_315 = tpu.memref_squeeze %dma_start3A_314 : memref<1x128xi32, #tpu.memory_space<vmem>> -> memref<128xi32, #tpu.memory_space<vmem>>
      %dma_start3A_316 = arith.constant 0 : i32
      %dma_start3A_317 = arith.constant 0 : i32
      %dma_start3A_318 = tpu.memref_slice %arg2[%dma_start3A_316, %dma_start3A_317] : memref<10112x16xf32, #tpu.memory_space<hbm>> -> memref<10112x16xf32, #tpu.memory_space<hbm>>
      tpu.enqueue_indirect_dma source(%dma_start3A_318 : memref<10112x16xf32, #tpu.memory_space<hbm>>) target(%dma_start3A_312 : memref<128x16xf32, #tpu.memory_space<vmem>>) offsets(%dma_start3A_315 : memref<128xi32, #tpu.memory_space<vmem>>) semaphore(%arg11 : memref<!tpu.dma_semaphore, #tpu.memory_space<semaphore_mem>>)
      %add3A_319 = arith.constant 5 : i32
      %add3A_320 = arith.addi %mul3A_249, %add3A_319 : i32
      %dma_start3A_321 = arith.constant 5 : i32
      %dma_start3A_322 = arith.constant 0 : i32
      %dma_start3A_323 = arith.constant 0 : i32
      %dma_start3A_324 = tpu.memref_slice %arg10[%dma_start3A_321, %dma_start3A_322, %dma_start3A_323] : memref<16x128x16xf32, #tpu.memory_space<vmem>> -> memref<1x128x16xf32, #tpu.memory_space<vmem>>
      %dma_start3A_325 = tpu.memref_squeeze %dma_start3A_324 : memref<1x128x16xf32, #tpu.memory_space<vmem>> -> memref<128x16xf32, #tpu.memory_space<vmem>>
      %dma_start3A_326 = arith.constant 0 : i32
      %dma_start3A_327 = tpu.memref_slice %arg8[%add3A_320, %dma_start3A_326] : memref<80x128xi32, #tpu.memory_space<vmem>> -> memref<1x128xi32, #tpu.memory_space<vmem>>
      %dma_start3A_328 = tpu.memref_squeeze %dma_start3A_327 : memref<1x128xi32, #tpu.memory_space<vmem>> -> memref<128xi32, #tpu.memory_space<vmem>>
      %dma_start3A_329 = arith.constant 0 : i32
      %dma_start3A_330 = arith.constant 0 : i32
      %dma_start3A_331 = tpu.memref_slice %arg2[%dma_start3A_329, %dma_start3A_330] : memref<10112x16xf32, #tpu.memory_space<hbm>> -> memref<10112x16xf32, #tpu.memory_space<hbm>>
      tpu.enqueue_indirect_dma source(%dma_start3A_331 : memref<10112x16xf32, #tpu.memory_space<hbm>>) target(%dma_start3A_325 : memref<128x16xf32, #tpu.memory_space<vmem>>) offsets(%dma_start3A_328 : memref<128xi32, #tpu.memory_space<vmem>>) semaphore(%arg11 : memref<!tpu.dma_semaphore, #tpu.memory_space<semaphore_mem>>)
      %add3A_332 = arith.constant 6 : i32
      %add3A_333 = arith.addi %mul3A_249, %add3A_332 : i32
      %dma_start3A_334 = arith.constant 6 : i32
      %dma_start3A_335 = arith.constant 0 : i32
      %dma_start3A_336 = arith.constant 0 : i32
      %dma_start3A_337 = tpu.memref_slice %arg10[%dma_start3A_334, %dma_start3A_335, %dma_start3A_336] : memref<16x128x16xf32, #tpu.memory_space<vmem>> -> memref<1x128x16xf32, #tpu.memory_space<vmem>>
      %dma_start3A_338 = tpu.memref_squeeze %dma_start3A_337 : memref<1x128x16xf32, #tpu.memory_space<vmem>> -> memref<128x16xf32, #tpu.memory_space<vmem>>
      %dma_start3A_339 = arith.constant 0 : i32
      %dma_start3A_340 = tpu.memref_slice %arg8[%add3A_333, %dma_start3A_339] : memref<80x128xi32, #tpu.memory_space<vmem>> -> memref<1x128xi32, #tpu.memory_space<vmem>>
      %dma_start3A_341 = tpu.memref_squeeze %dma_start3A_340 : memref<1x128xi32, #tpu.memory_space<vmem>> -> memref<128xi32, #tpu.memory_space<vmem>>
      %dma_start3A_342 = arith.constant 0 : i32
      %dma_start3A_343 = arith.constant 0 : i32
      %dma_start3A_344 = tpu.memref_slice %arg2[%dma_start3A_342, %dma_start3A_343] : memref<10112x16xf32, #tpu.memory_space<hbm>> -> memref<10112x16xf32, #tpu.memory_space<hbm>>
      tpu.enqueue_indirect_dma source(%dma_start3A_344 : memref<10112x16xf32, #tpu.memory_space<hbm>>) target(%dma_start3A_338 : memref<128x16xf32, #tpu.memory_space<vmem>>) offsets(%dma_start3A_341 : memref<128xi32, #tpu.memory_space<vmem>>) semaphore(%arg11 : memref<!tpu.dma_semaphore, #tpu.memory_space<semaphore_mem>>)
      %add3A_345 = arith.constant 7 : i32
      %add3A_346 = arith.addi %mul3A_249, %add3A_345 : i32
      %dma_start3A_347 = arith.constant 7 : i32
      %dma_start3A_348 = arith.constant 0 : i32
      %dma_start3A_349 = arith.constant 0 : i32
      %dma_start3A_350 = tpu.memref_slice %arg10[%dma_start3A_347, %dma_start3A_348, %dma_start3A_349] : memref<16x128x16xf32, #tpu.memory_space<vmem>> -> memref<1x128x16xf32, #tpu.memory_space<vmem>>
      %dma_start3A_351 = tpu.memref_squeeze %dma_start3A_350 : memref<1x128x16xf32, #tpu.memory_space<vmem>> -> memref<128x16xf32, #tpu.memory_space<vmem>>
      %dma_start3A_352 = arith.constant 0 : i32
      %dma_start3A_353 = tpu.memref_slice %arg8[%add3A_346, %dma_start3A_352] : memref<80x128xi32, #tpu.memory_space<vmem>> -> memref<1x128xi32, #tpu.memory_space<vmem>>
      %dma_start3A_354 = tpu.memref_squeeze %dma_start3A_353 : memref<1x128xi32, #tpu.memory_space<vmem>> -> memref<128xi32, #tpu.memory_space<vmem>>
      %dma_start3A_355 = arith.constant 0 : i32
      %dma_start3A_356 = arith.constant 0 : i32
      %dma_start3A_357 = tpu.memref_slice %arg2[%dma_start3A_355, %dma_start3A_356] : memref<10112x16xf32, #tpu.memory_space<hbm>> -> memref<10112x16xf32, #tpu.memory_space<hbm>>
      tpu.enqueue_indirect_dma source(%dma_start3A_357 : memref<10112x16xf32, #tpu.memory_space<hbm>>) target(%dma_start3A_351 : memref<128x16xf32, #tpu.memory_space<vmem>>) offsets(%dma_start3A_354 : memref<128xi32, #tpu.memory_space<vmem>>) semaphore(%arg11 : memref<!tpu.dma_semaphore, #tpu.memory_space<semaphore_mem>>)
      %gt3A_358 = arith.constant 0 : i32
      %gt3A_359 = arith.cmpi sgt, %scan3A_245, %gt3A_358 : i32
      %convert_element_type3A_360 = arith.extui %gt3A_359 : i1 to i32
      %cond3A_361 = arith.constant 0 : i32
      %cond3A_362 = arith.cmpi ne, %convert_element_type3A_360, %cond3A_361 : i32
      scf.if %cond3A_362 {
        %dma_wait3A_867 = arith.constant 8 : i32
        %dma_wait3A_868 = arith.constant 0 : i32
        %dma_wait3A_869 = arith.constant 0 : i32
        %dma_wait3A_870 = arith.constant 0 : i32
        %dma_wait3A_871 = tpu.memref_slice %arg10[%dma_wait3A_867, %dma_wait3A_869, %dma_wait3A_870] : memref<16x128x16xf32, #tpu.memory_space<vmem>> -> memref<1x128x16xf32, #tpu.memory_space<vmem>>
        %dma_wait3A_872 = tpu.memref_squeeze %dma_wait3A_871 : memref<1x128x16xf32, #tpu.memory_space<vmem>> -> memref<128x16xf32, #tpu.memory_space<vmem>>
        %dma_wait3A_873 = arith.constant 0 : i32
        %dma_wait3A_874 = tpu.memref_slice %arg9[%dma_wait3A_868, %dma_wait3A_873] : memref<80x128xi32, #tpu.memory_space<vmem>> -> memref<1x128xi32, #tpu.memory_space<vmem>>
        %dma_wait3A_875 = tpu.memref_squeeze %dma_wait3A_874 : memref<1x128xi32, #tpu.memory_space<vmem>> -> memref<128xi32, #tpu.memory_space<vmem>>
        %dma_wait3A_876 = arith.constant 0 : i32
        %dma_wait3A_877 = arith.constant 0 : i32
        %dma_wait3A_878 = tpu.memref_slice %arg7[%dma_wait3A_876, %dma_wait3A_877] : memref<10112x16xf32, #tpu.memory_space<vmem_shared>> -> memref<10112x16xf32, #tpu.memory_space<vmem_shared>>
        tpu.wait_indirect_dma semaphore(%arg14 : memref<!tpu.dma_semaphore, #tpu.memory_space<semaphore_mem>>) src(%dma_wait3A_872 : memref<128x16xf32, #tpu.memory_space<vmem>>) dst(%dma_wait3A_878 : memref<10112x16xf32, #tpu.memory_space<vmem_shared>>)
        %dma_wait3A_879 = arith.constant 9 : i32
        %dma_wait3A_880 = arith.constant 1 : i32
        %dma_wait3A_881 = arith.constant 0 : i32
        %dma_wait3A_882 = arith.constant 0 : i32
        %dma_wait3A_883 = tpu.memref_slice %arg10[%dma_wait3A_879, %dma_wait3A_881, %dma_wait3A_882] : memref<16x128x16xf32, #tpu.memory_space<vmem>> -> memref<1x128x16xf32, #tpu.memory_space<vmem>>
        %dma_wait3A_884 = tpu.memref_squeeze %dma_wait3A_883 : memref<1x128x16xf32, #tpu.memory_space<vmem>> -> memref<128x16xf32, #tpu.memory_space<vmem>>
        %dma_wait3A_885 = arith.constant 0 : i32
        %dma_wait3A_886 = tpu.memref_slice %arg9[%dma_wait3A_880, %dma_wait3A_885] : memref<80x128xi32, #tpu.memory_space<vmem>> -> memref<1x128xi32, #tpu.memory_space<vmem>>
        %dma_wait3A_887 = tpu.memref_squeeze %dma_wait3A_886 : memref<1x128xi32, #tpu.memory_space<vmem>> -> memref<128xi32, #tpu.memory_space<vmem>>
        %dma_wait3A_888 = arith.constant 0 : i32
        %dma_wait3A_889 = arith.constant 0 : i32
        %dma_wait3A_890 = tpu.memref_slice %arg7[%dma_wait3A_888, %dma_wait3A_889] : memref<10112x16xf32, #tpu.memory_space<vmem_shared>> -> memref<10112x16xf32, #tpu.memory_space<vmem_shared>>
        tpu.wait_indirect_dma semaphore(%arg14 : memref<!tpu.dma_semaphore, #tpu.memory_space<semaphore_mem>>) src(%dma_wait3A_884 : memref<128x16xf32, #tpu.memory_space<vmem>>) dst(%dma_wait3A_890 : memref<10112x16xf32, #tpu.memory_space<vmem_shared>>)
        %dma_wait3A_891 = arith.constant 10 : i32
        %dma_wait3A_892 = arith.constant 2 : i32
        %dma_wait3A_893 = arith.constant 0 : i32
        %dma_wait3A_894 = arith.constant 0 : i32
        %dma_wait3A_895 = tpu.memref_slice %arg10[%dma_wait3A_891, %dma_wait3A_893, %dma_wait3A_894] : memref<16x128x16xf32, #tpu.memory_space<vmem>> -> memref<1x128x16xf32, #tpu.memory_space<vmem>>
        %dma_wait3A_896 = tpu.memref_squeeze %dma_wait3A_895 : memref<1x128x16xf32, #tpu.memory_space<vmem>> -> memref<128x16xf32, #tpu.memory_space<vmem>>
        %dma_wait3A_897 = arith.constant 0 : i32
        %dma_wait3A_898 = tpu.memref_slice %arg9[%dma_wait3A_892, %dma_wait3A_897] : memref<80x128xi32, #tpu.memory_space<vmem>> -> memref<1x128xi32, #tpu.memory_space<vmem>>
        %dma_wait3A_899 = tpu.memref_squeeze %dma_wait3A_898 : memref<1x128xi32, #tpu.memory_space<vmem>> -> memref<128xi32, #tpu.memory_space<vmem>>
        %dma_wait3A_900 = arith.constant 0 : i32
        %dma_wait3A_901 = arith.constant 0 : i32
        %dma_wait3A_902 = tpu.memref_slice %arg7[%dma_wait3A_900, %dma_wait3A_901] : memref<10112x16xf32, #tpu.memory_space<vmem_shared>> -> memref<10112x16xf32, #tpu.memory_space<vmem_shared>>
        tpu.wait_indirect_dma semaphore(%arg14 : memref<!tpu.dma_semaphore, #tpu.memory_space<semaphore_mem>>) src(%dma_wait3A_896 : memref<128x16xf32, #tpu.memory_space<vmem>>) dst(%dma_wait3A_902 : memref<10112x16xf32, #tpu.memory_space<vmem_shared>>)
        %dma_wait3A_903 = arith.constant 11 : i32
        %dma_wait3A_904 = arith.constant 3 : i32
        %dma_wait3A_905 = arith.constant 0 : i32
        %dma_wait3A_906 = arith.constant 0 : i32
        %dma_wait3A_907 = tpu.memref_slice %arg10[%dma_wait3A_903, %dma_wait3A_905, %dma_wait3A_906] : memref<16x128x16xf32, #tpu.memory_space<vmem>> -> memref<1x128x16xf32, #tpu.memory_space<vmem>>
        %dma_wait3A_908 = tpu.memref_squeeze %dma_wait3A_907 : memref<1x128x16xf32, #tpu.memory_space<vmem>> -> memref<128x16xf32, #tpu.memory_space<vmem>>
        %dma_wait3A_909 = arith.constant 0 : i32
        %dma_wait3A_910 = tpu.memref_slice %arg9[%dma_wait3A_904, %dma_wait3A_909] : memref<80x128xi32, #tpu.memory_space<vmem>> -> memref<1x128xi32, #tpu.memory_space<vmem>>
        %dma_wait3A_911 = tpu.memref_squeeze %dma_wait3A_910 : memref<1x128xi32, #tpu.memory_space<vmem>> -> memref<128xi32, #tpu.memory_space<vmem>>
        %dma_wait3A_912 = arith.constant 0 : i32
        %dma_wait3A_913 = arith.constant 0 : i32
        %dma_wait3A_914 = tpu.memref_slice %arg7[%dma_wait3A_912, %dma_wait3A_913] : memref<10112x16xf32, #tpu.memory_space<vmem_shared>> -> memref<10112x16xf32, #tpu.memory_space<vmem_shared>>
        tpu.wait_indirect_dma semaphore(%arg14 : memref<!tpu.dma_semaphore, #tpu.memory_space<semaphore_mem>>) src(%dma_wait3A_908 : memref<128x16xf32, #tpu.memory_space<vmem>>) dst(%dma_wait3A_914 : memref<10112x16xf32, #tpu.memory_space<vmem_shared>>)
        %dma_wait3A_915 = arith.constant 12 : i32
        %dma_wait3A_916 = arith.constant 4 : i32
        %dma_wait3A_917 = arith.constant 0 : i32
        %dma_wait3A_918 = arith.constant 0 : i32
        %dma_wait3A_919 = tpu.memref_slice %arg10[%dma_wait3A_915, %dma_wait3A_917, %dma_wait3A_918] : memref<16x128x16xf32, #tpu.memory_space<vmem>> -> memref<1x128x16xf32, #tpu.memory_space<vmem>>
        %dma_wait3A_920 = tpu.memref_squeeze %dma_wait3A_919 : memref<1x128x16xf32, #tpu.memory_space<vmem>> -> memref<128x16xf32, #tpu.memory_space<vmem>>
        %dma_wait3A_921 = arith.constant 0 : i32
        %dma_wait3A_922 = tpu.memref_slice %arg9[%dma_wait3A_916, %dma_wait3A_921] : memref<80x128xi32, #tpu.memory_space<vmem>> -> memref<1x128xi32, #tpu.memory_space<vmem>>
        %dma_wait3A_923 = tpu.memref_squeeze %dma_wait3A_922 : memref<1x128xi32, #tpu.memory_space<vmem>> -> memref<128xi32, #tpu.memory_space<vmem>>
        %dma_wait3A_924 = arith.constant 0 : i32
        %dma_wait3A_925 = arith.constant 0 : i32
        %dma_wait3A_926 = tpu.memref_slice %arg7[%dma_wait3A_924, %dma_wait3A_925] : memref<10112x16xf32, #tpu.memory_space<vmem_shared>> -> memref<10112x16xf32, #tpu.memory_space<vmem_shared>>
        tpu.wait_indirect_dma semaphore(%arg14 : memref<!tpu.dma_semaphore, #tpu.memory_space<semaphore_mem>>) src(%dma_wait3A_920 : memref<128x16xf32, #tpu.memory_space<vmem>>) dst(%dma_wait3A_926 : memref<10112x16xf32, #tpu.memory_space<vmem_shared>>)
        %dma_wait3A_927 = arith.constant 13 : i32
        %dma_wait3A_928 = arith.constant 5 : i32
        %dma_wait3A_929 = arith.constant 0 : i32
        %dma_wait3A_930 = arith.constant 0 : i32
        %dma_wait3A_931 = tpu.memref_slice %arg10[%dma_wait3A_927, %dma_wait3A_929, %dma_wait3A_930] : memref<16x128x16xf32, #tpu.memory_space<vmem>> -> memref<1x128x16xf32, #tpu.memory_space<vmem>>
        %dma_wait3A_932 = tpu.memref_squeeze %dma_wait3A_931 : memref<1x128x16xf32, #tpu.memory_space<vmem>> -> memref<128x16xf32, #tpu.memory_space<vmem>>
        %dma_wait3A_933 = arith.constant 0 : i32
        %dma_wait3A_934 = tpu.memref_slice %arg9[%dma_wait3A_928, %dma_wait3A_933] : memref<80x128xi32, #tpu.memory_space<vmem>> -> memref<1x128xi32, #tpu.memory_space<vmem>>
        %dma_wait3A_935 = tpu.memref_squeeze %dma_wait3A_934 : memref<1x128xi32, #tpu.memory_space<vmem>> -> memref<128xi32, #tpu.memory_space<vmem>>
        %dma_wait3A_936 = arith.constant 0 : i32
        %dma_wait3A_937 = arith.constant 0 : i32
        %dma_wait3A_938 = tpu.memref_slice %arg7[%dma_wait3A_936, %dma_wait3A_937] : memref<10112x16xf32, #tpu.memory_space<vmem_shared>> -> memref<10112x16xf32, #tpu.memory_space<vmem_shared>>
        tpu.wait_indirect_dma semaphore(%arg14 : memref<!tpu.dma_semaphore, #tpu.memory_space<semaphore_mem>>) src(%dma_wait3A_932 : memref<128x16xf32, #tpu.memory_space<vmem>>) dst(%dma_wait3A_938 : memref<10112x16xf32, #tpu.memory_space<vmem_shared>>)
        %dma_wait3A_939 = arith.constant 14 : i32
        %dma_wait3A_940 = arith.constant 6 : i32
        %dma_wait3A_941 = arith.constant 0 : i32
        %dma_wait3A_942 = arith.constant 0 : i32
        %dma_wait3A_943 = tpu.memref_slice %arg10[%dma_wait3A_939, %dma_wait3A_941, %dma_wait3A_942] : memref<16x128x16xf32, #tpu.memory_space<vmem>> -> memref<1x128x16xf32, #tpu.memory_space<vmem>>
        %dma_wait3A_944 = tpu.memref_squeeze %dma_wait3A_943 : memref<1x128x16xf32, #tpu.memory_space<vmem>> -> memref<128x16xf32, #tpu.memory_space<vmem>>
        %dma_wait3A_945 = arith.constant 0 : i32
        %dma_wait3A_946 = tpu.memref_slice %arg9[%dma_wait3A_940, %dma_wait3A_945] : memref<80x128xi32, #tpu.memory_space<vmem>> -> memref<1x128xi32, #tpu.memory_space<vmem>>
        %dma_wait3A_947 = tpu.memref_squeeze %dma_wait3A_946 : memref<1x128xi32, #tpu.memory_space<vmem>> -> memref<128xi32, #tpu.memory_space<vmem>>
        %dma_wait3A_948 = arith.constant 0 : i32
        %dma_wait3A_949 = arith.constant 0 : i32
        %dma_wait3A_950 = tpu.memref_slice %arg7[%dma_wait3A_948, %dma_wait3A_949] : memref<10112x16xf32, #tpu.memory_space<vmem_shared>> -> memref<10112x16xf32, #tpu.memory_space<vmem_shared>>
        tpu.wait_indirect_dma semaphore(%arg14 : memref<!tpu.dma_semaphore, #tpu.memory_space<semaphore_mem>>) src(%dma_wait3A_944 : memref<128x16xf32, #tpu.memory_space<vmem>>) dst(%dma_wait3A_950 : memref<10112x16xf32, #tpu.memory_space<vmem_shared>>)
        %dma_wait3A_951 = arith.constant 15 : i32
        %dma_wait3A_952 = arith.constant 7 : i32
        %dma_wait3A_953 = arith.constant 0 : i32
        %dma_wait3A_954 = arith.constant 0 : i32
        %dma_wait3A_955 = tpu.memref_slice %arg10[%dma_wait3A_951, %dma_wait3A_953, %dma_wait3A_954] : memref<16x128x16xf32, #tpu.memory_space<vmem>> -> memref<1x128x16xf32, #tpu.memory_space<vmem>>
        %dma_wait3A_956 = tpu.memref_squeeze %dma_wait3A_955 : memref<1x128x16xf32, #tpu.memory_space<vmem>> -> memref<128x16xf32, #tpu.memory_space<vmem>>
        %dma_wait3A_957 = arith.constant 0 : i32
        %dma_wait3A_958 = tpu.memref_slice %arg9[%dma_wait3A_952, %dma_wait3A_957] : memref<80x128xi32, #tpu.memory_space<vmem>> -> memref<1x128xi32, #tpu.memory_space<vmem>>
        %dma_wait3A_959 = tpu.memref_squeeze %dma_wait3A_958 : memref<1x128xi32, #tpu.memory_space<vmem>> -> memref<128xi32, #tpu.memory_space<vmem>>
        %dma_wait3A_960 = arith.constant 0 : i32
        %dma_wait3A_961 = arith.constant 0 : i32
        %dma_wait3A_962 = tpu.memref_slice %arg7[%dma_wait3A_960, %dma_wait3A_961] : memref<10112x16xf32, #tpu.memory_space<vmem_shared>> -> memref<10112x16xf32, #tpu.memory_space<vmem_shared>>
        tpu.wait_indirect_dma semaphore(%arg14 : memref<!tpu.dma_semaphore, #tpu.memory_space<semaphore_mem>>) src(%dma_wait3A_956 : memref<128x16xf32, #tpu.memory_space<vmem>>) dst(%dma_wait3A_962 : memref<10112x16xf32, #tpu.memory_space<vmem_shared>>)
      } else {
      }
      %add3A_363 = arith.constant 0 : i32
      %add3A_364 = arith.addi %add3A_251, %add3A_363 : i32
      %dma_start3A_365 = arith.constant 8 : i32
      %dma_start3A_366 = arith.constant 0 : i32
      %dma_start3A_367 = arith.constant 0 : i32
      %dma_start3A_368 = tpu.memref_slice %arg10[%dma_start3A_365, %dma_start3A_366, %dma_start3A_367] : memref<16x128x16xf32, #tpu.memory_space<vmem>> -> memref<1x128x16xf32, #tpu.memory_space<vmem>>
      %dma_start3A_369 = tpu.memref_squeeze %dma_start3A_368 : memref<1x128x16xf32, #tpu.memory_space<vmem>> -> memref<128x16xf32, #tpu.memory_space<vmem>>
      %dma_start3A_370 = arith.constant 0 : i32
      %dma_start3A_371 = tpu.memref_slice %arg8[%add3A_364, %dma_start3A_370] : memref<80x128xi32, #tpu.memory_space<vmem>> -> memref<1x128xi32, #tpu.memory_space<vmem>>
      %dma_start3A_372 = tpu.memref_squeeze %dma_start3A_371 : memref<1x128xi32, #tpu.memory_space<vmem>> -> memref<128xi32, #tpu.memory_space<vmem>>
      %dma_start3A_373 = arith.constant 0 : i32
      %dma_start3A_374 = arith.constant 0 : i32
      %dma_start3A_375 = tpu.memref_slice %arg2[%dma_start3A_373, %dma_start3A_374] : memref<10112x16xf32, #tpu.memory_space<hbm>> -> memref<10112x16xf32, #tpu.memory_space<hbm>>
      tpu.enqueue_indirect_dma source(%dma_start3A_375 : memref<10112x16xf32, #tpu.memory_space<hbm>>) target(%dma_start3A_369 : memref<128x16xf32, #tpu.memory_space<vmem>>) offsets(%dma_start3A_372 : memref<128xi32, #tpu.memory_space<vmem>>) semaphore(%arg12 : memref<!tpu.dma_semaphore, #tpu.memory_space<semaphore_mem>>)
      %add3A_376 = arith.constant 1 : i32
      %add3A_377 = arith.addi %add3A_251, %add3A_376 : i32
      %dma_start3A_378 = arith.constant 9 : i32
      %dma_start3A_379 = arith.constant 0 : i32
      %dma_start3A_380 = arith.constant 0 : i32
      %dma_start3A_381 = tpu.memref_slice %arg10[%dma_start3A_378, %dma_start3A_379, %dma_start3A_380] : memref<16x128x16xf32, #tpu.memory_space<vmem>> -> memref<1x128x16xf32, #tpu.memory_space<vmem>>
      %dma_start3A_382 = tpu.memref_squeeze %dma_start3A_381 : memref<1x128x16xf32, #tpu.memory_space<vmem>> -> memref<128x16xf32, #tpu.memory_space<vmem>>
      %dma_start3A_383 = arith.constant 0 : i32
      %dma_start3A_384 = tpu.memref_slice %arg8[%add3A_377, %dma_start3A_383] : memref<80x128xi32, #tpu.memory_space<vmem>> -> memref<1x128xi32, #tpu.memory_space<vmem>>
      %dma_start3A_385 = tpu.memref_squeeze %dma_start3A_384 : memref<1x128xi32, #tpu.memory_space<vmem>> -> memref<128xi32, #tpu.memory_space<vmem>>
      %dma_start3A_386 = arith.constant 0 : i32
      %dma_start3A_387 = arith.constant 0 : i32
      %dma_start3A_388 = tpu.memref_slice %arg2[%dma_start3A_386, %dma_start3A_387] : memref<10112x16xf32, #tpu.memory_space<hbm>> -> memref<10112x16xf32, #tpu.memory_space<hbm>>
      tpu.enqueue_indirect_dma source(%dma_start3A_388 : memref<10112x16xf32, #tpu.memory_space<hbm>>) target(%dma_start3A_382 : memref<128x16xf32, #tpu.memory_space<vmem>>) offsets(%dma_start3A_385 : memref<128xi32, #tpu.memory_space<vmem>>) semaphore(%arg12 : memref<!tpu.dma_semaphore, #tpu.memory_space<semaphore_mem>>)
      %add3A_389 = arith.constant 2 : i32
      %add3A_390 = arith.addi %add3A_251, %add3A_389 : i32
      %dma_start3A_391 = arith.constant 10 : i32
      %dma_start3A_392 = arith.constant 0 : i32
      %dma_start3A_393 = arith.constant 0 : i32
      %dma_start3A_394 = tpu.memref_slice %arg10[%dma_start3A_391, %dma_start3A_392, %dma_start3A_393] : memref<16x128x16xf32, #tpu.memory_space<vmem>> -> memref<1x128x16xf32, #tpu.memory_space<vmem>>
      %dma_start3A_395 = tpu.memref_squeeze %dma_start3A_394 : memref<1x128x16xf32, #tpu.memory_space<vmem>> -> memref<128x16xf32, #tpu.memory_space<vmem>>
      %dma_start3A_396 = arith.constant 0 : i32
      %dma_start3A_397 = tpu.memref_slice %arg8[%add3A_390, %dma_start3A_396] : memref<80x128xi32, #tpu.memory_space<vmem>> -> memref<1x128xi32, #tpu.memory_space<vmem>>
      %dma_start3A_398 = tpu.memref_squeeze %dma_start3A_397 : memref<1x128xi32, #tpu.memory_space<vmem>> -> memref<128xi32, #tpu.memory_space<vmem>>
      %dma_start3A_399 = arith.constant 0 : i32
      %dma_start3A_400 = arith.constant 0 : i32
      %dma_start3A_401 = tpu.memref_slice %arg2[%dma_start3A_399, %dma_start3A_400] : memref<10112x16xf32, #tpu.memory_space<hbm>> -> memref<10112x16xf32, #tpu.memory_space<hbm>>
      tpu.enqueue_indirect_dma source(%dma_start3A_401 : memref<10112x16xf32, #tpu.memory_space<hbm>>) target(%dma_start3A_395 : memref<128x16xf32, #tpu.memory_space<vmem>>) offsets(%dma_start3A_398 : memref<128xi32, #tpu.memory_space<vmem>>) semaphore(%arg12 : memref<!tpu.dma_semaphore, #tpu.memory_space<semaphore_mem>>)
      %add3A_402 = arith.constant 3 : i32
      %add3A_403 = arith.addi %add3A_251, %add3A_402 : i32
      %dma_start3A_404 = arith.constant 11 : i32
      %dma_start3A_405 = arith.constant 0 : i32
      %dma_start3A_406 = arith.constant 0 : i32
      %dma_start3A_407 = tpu.memref_slice %arg10[%dma_start3A_404, %dma_start3A_405, %dma_start3A_406] : memref<16x128x16xf32, #tpu.memory_space<vmem>> -> memref<1x128x16xf32, #tpu.memory_space<vmem>>
      %dma_start3A_408 = tpu.memref_squeeze %dma_start3A_407 : memref<1x128x16xf32, #tpu.memory_space<vmem>> -> memref<128x16xf32, #tpu.memory_space<vmem>>
      %dma_start3A_409 = arith.constant 0 : i32
      %dma_start3A_410 = tpu.memref_slice %arg8[%add3A_403, %dma_start3A_409] : memref<80x128xi32, #tpu.memory_space<vmem>> -> memref<1x128xi32, #tpu.memory_space<vmem>>
      %dma_start3A_411 = tpu.memref_squeeze %dma_start3A_410 : memref<1x128xi32, #tpu.memory_space<vmem>> -> memref<128xi32, #tpu.memory_space<vmem>>
      %dma_start3A_412 = arith.constant 0 : i32
      %dma_start3A_413 = arith.constant 0 : i32
      %dma_start3A_414 = tpu.memref_slice %arg2[%dma_start3A_412, %dma_start3A_413] : memref<10112x16xf32, #tpu.memory_space<hbm>> -> memref<10112x16xf32, #tpu.memory_space<hbm>>
      tpu.enqueue_indirect_dma source(%dma_start3A_414 : memref<10112x16xf32, #tpu.memory_space<hbm>>) target(%dma_start3A_408 : memref<128x16xf32, #tpu.memory_space<vmem>>) offsets(%dma_start3A_411 : memref<128xi32, #tpu.memory_space<vmem>>) semaphore(%arg12 : memref<!tpu.dma_semaphore, #tpu.memory_space<semaphore_mem>>)
      %add3A_415 = arith.constant 4 : i32
      %add3A_416 = arith.addi %add3A_251, %add3A_415 : i32
      %dma_start3A_417 = arith.constant 12 : i32
      %dma_start3A_418 = arith.constant 0 : i32
      %dma_start3A_419 = arith.constant 0 : i32
      %dma_start3A_420 = tpu.memref_slice %arg10[%dma_start3A_417, %dma_start3A_418, %dma_start3A_419] : memref<16x128x16xf32, #tpu.memory_space<vmem>> -> memref<1x128x16xf32, #tpu.memory_space<vmem>>
      %dma_start3A_421 = tpu.memref_squeeze %dma_start3A_420 : memref<1x128x16xf32, #tpu.memory_space<vmem>> -> memref<128x16xf32, #tpu.memory_space<vmem>>
      %dma_start3A_422 = arith.constant 0 : i32
      %dma_start3A_423 = tpu.memref_slice %arg8[%add3A_416, %dma_start3A_422] : memref<80x128xi32, #tpu.memory_space<vmem>> -> memref<1x128xi32, #tpu.memory_space<vmem>>
      %dma_start3A_424 = tpu.memref_squeeze %dma_start3A_423 : memref<1x128xi32, #tpu.memory_space<vmem>> -> memref<128xi32, #tpu.memory_space<vmem>>
      %dma_start3A_425 = arith.constant 0 : i32
      %dma_start3A_426 = arith.constant 0 : i32
      %dma_start3A_427 = tpu.memref_slice %arg2[%dma_start3A_425, %dma_start3A_426] : memref<10112x16xf32, #tpu.memory_space<hbm>> -> memref<10112x16xf32, #tpu.memory_space<hbm>>
      tpu.enqueue_indirect_dma source(%dma_start3A_427 : memref<10112x16xf32, #tpu.memory_space<hbm>>) target(%dma_start3A_421 : memref<128x16xf32, #tpu.memory_space<vmem>>) offsets(%dma_start3A_424 : memref<128xi32, #tpu.memory_space<vmem>>) semaphore(%arg12 : memref<!tpu.dma_semaphore, #tpu.memory_space<semaphore_mem>>)
      %add3A_428 = arith.constant 5 : i32
      %add3A_429 = arith.addi %add3A_251, %add3A_428 : i32
      %dma_start3A_430 = arith.constant 13 : i32
      %dma_start3A_431 = arith.constant 0 : i32
      %dma_start3A_432 = arith.constant 0 : i32
      %dma_start3A_433 = tpu.memref_slice %arg10[%dma_start3A_430, %dma_start3A_431, %dma_start3A_432] : memref<16x128x16xf32, #tpu.memory_space<vmem>> -> memref<1x128x16xf32, #tpu.memory_space<vmem>>
      %dma_start3A_434 = tpu.memref_squeeze %dma_start3A_433 : memref<1x128x16xf32, #tpu.memory_space<vmem>> -> memref<128x16xf32, #tpu.memory_space<vmem>>
      %dma_start3A_435 = arith.constant 0 : i32
      %dma_start3A_436 = tpu.memref_slice %arg8[%add3A_429, %dma_start3A_435] : memref<80x128xi32, #tpu.memory_space<vmem>> -> memref<1x128xi32, #tpu.memory_space<vmem>>
      %dma_start3A_437 = tpu.memref_squeeze %dma_start3A_436 : memref<1x128xi32, #tpu.memory_space<vmem>> -> memref<128xi32, #tpu.memory_space<vmem>>
      %dma_start3A_438 = arith.constant 0 : i32
      %dma_start3A_439 = arith.constant 0 : i32
      %dma_start3A_440 = tpu.memref_slice %arg2[%dma_start3A_438, %dma_start3A_439] : memref<10112x16xf32, #tpu.memory_space<hbm>> -> memref<10112x16xf32, #tpu.memory_space<hbm>>
      tpu.enqueue_indirect_dma source(%dma_start3A_440 : memref<10112x16xf32, #tpu.memory_space<hbm>>) target(%dma_start3A_434 : memref<128x16xf32, #tpu.memory_space<vmem>>) offsets(%dma_start3A_437 : memref<128xi32, #tpu.memory_space<vmem>>) semaphore(%arg12 : memref<!tpu.dma_semaphore, #tpu.memory_space<semaphore_mem>>)
      %add3A_441 = arith.constant 6 : i32
      %add3A_442 = arith.addi %add3A_251, %add3A_441 : i32
      %dma_start3A_443 = arith.constant 14 : i32
      %dma_start3A_444 = arith.constant 0 : i32
      %dma_start3A_445 = arith.constant 0 : i32
      %dma_start3A_446 = tpu.memref_slice %arg10[%dma_start3A_443, %dma_start3A_444, %dma_start3A_445] : memref<16x128x16xf32, #tpu.memory_space<vmem>> -> memref<1x128x16xf32, #tpu.memory_space<vmem>>
      %dma_start3A_447 = tpu.memref_squeeze %dma_start3A_446 : memref<1x128x16xf32, #tpu.memory_space<vmem>> -> memref<128x16xf32, #tpu.memory_space<vmem>>
      %dma_start3A_448 = arith.constant 0 : i32
      %dma_start3A_449 = tpu.memref_slice %arg8[%add3A_442, %dma_start3A_448] : memref<80x128xi32, #tpu.memory_space<vmem>> -> memref<1x128xi32, #tpu.memory_space<vmem>>
      %dma_start3A_450 = tpu.memref_squeeze %dma_start3A_449 : memref<1x128xi32, #tpu.memory_space<vmem>> -> memref<128xi32, #tpu.memory_space<vmem>>
      %dma_start3A_451 = arith.constant 0 : i32
      %dma_start3A_452 = arith.constant 0 : i32
      %dma_start3A_453 = tpu.memref_slice %arg2[%dma_start3A_451, %dma_start3A_452] : memref<10112x16xf32, #tpu.memory_space<hbm>> -> memref<10112x16xf32, #tpu.memory_space<hbm>>
      tpu.enqueue_indirect_dma source(%dma_start3A_453 : memref<10112x16xf32, #tpu.memory_space<hbm>>) target(%dma_start3A_447 : memref<128x16xf32, #tpu.memory_space<vmem>>) offsets(%dma_start3A_450 : memref<128xi32, #tpu.memory_space<vmem>>) semaphore(%arg12 : memref<!tpu.dma_semaphore, #tpu.memory_space<semaphore_mem>>)
      %add3A_454 = arith.constant 7 : i32
      %add3A_455 = arith.addi %add3A_251, %add3A_454 : i32
      %dma_start3A_456 = arith.constant 15 : i32
      %dma_start3A_457 = arith.constant 0 : i32
      %dma_start3A_458 = arith.constant 0 : i32
      %dma_start3A_459 = tpu.memref_slice %arg10[%dma_start3A_456, %dma_start3A_457, %dma_start3A_458] : memref<16x128x16xf32, #tpu.memory_space<vmem>> -> memref<1x128x16xf32, #tpu.memory_space<vmem>>
      %dma_start3A_460 = tpu.memref_squeeze %dma_start3A_459 : memref<1x128x16xf32, #tpu.memory_space<vmem>> -> memref<128x16xf32, #tpu.memory_space<vmem>>
      %dma_start3A_461 = arith.constant 0 : i32
      %dma_start3A_462 = tpu.memref_slice %arg8[%add3A_455, %dma_start3A_461] : memref<80x128xi32, #tpu.memory_space<vmem>> -> memref<1x128xi32, #tpu.memory_space<vmem>>
      %dma_start3A_463 = tpu.memref_squeeze %dma_start3A_462 : memref<1x128xi32, #tpu.memory_space<vmem>> -> memref<128xi32, #tpu.memory_space<vmem>>
      %dma_start3A_464 = arith.constant 0 : i32
      %dma_start3A_465 = arith.constant 0 : i32
      %dma_start3A_466 = tpu.memref_slice %arg2[%dma_start3A_464, %dma_start3A_465] : memref<10112x16xf32, #tpu.memory_space<hbm>> -> memref<10112x16xf32, #tpu.memory_space<hbm>>
      tpu.enqueue_indirect_dma source(%dma_start3A_466 : memref<10112x16xf32, #tpu.memory_space<hbm>>) target(%dma_start3A_460 : memref<128x16xf32, #tpu.memory_space<vmem>>) offsets(%dma_start3A_463 : memref<128xi32, #tpu.memory_space<vmem>>) semaphore(%arg12 : memref<!tpu.dma_semaphore, #tpu.memory_space<semaphore_mem>>)
      %dma_wait3A_467 = arith.constant 0 : i32
      %dma_wait3A_468 = arith.constant 0 : i32
      %dma_wait3A_469 = arith.constant 0 : i32
      %dma_wait3A_470 = arith.constant 0 : i32
      %dma_wait3A_471 = tpu.memref_slice %arg10[%dma_wait3A_468, %dma_wait3A_469, %dma_wait3A_470] : memref<16x128x16xf32, #tpu.memory_space<vmem>> -> memref<1x128x16xf32, #tpu.memory_space<vmem>>
      %dma_wait3A_472 = tpu.memref_squeeze %dma_wait3A_471 : memref<1x128x16xf32, #tpu.memory_space<vmem>> -> memref<128x16xf32, #tpu.memory_space<vmem>>
      %dma_wait3A_473 = arith.constant 0 : i32
      %dma_wait3A_474 = tpu.memref_slice %arg8[%dma_wait3A_467, %dma_wait3A_473] : memref<80x128xi32, #tpu.memory_space<vmem>> -> memref<1x128xi32, #tpu.memory_space<vmem>>
      %dma_wait3A_475 = tpu.memref_squeeze %dma_wait3A_474 : memref<1x128xi32, #tpu.memory_space<vmem>> -> memref<128xi32, #tpu.memory_space<vmem>>
      %dma_wait3A_476 = arith.constant 0 : i32
      %dma_wait3A_477 = arith.constant 0 : i32
      %dma_wait3A_478 = tpu.memref_slice %arg2[%dma_wait3A_476, %dma_wait3A_477] : memref<10112x16xf32, #tpu.memory_space<hbm>> -> memref<10112x16xf32, #tpu.memory_space<hbm>>
      tpu.wait_indirect_dma semaphore(%arg11 : memref<!tpu.dma_semaphore, #tpu.memory_space<semaphore_mem>>) src(%dma_wait3A_478 : memref<10112x16xf32, #tpu.memory_space<hbm>>) dst(%dma_wait3A_472 : memref<128x16xf32, #tpu.memory_space<vmem>>)
      %dma_wait3A_479 = arith.constant 1 : i32
      %dma_wait3A_480 = arith.constant 1 : i32
      %dma_wait3A_481 = arith.constant 0 : i32
      %dma_wait3A_482 = arith.constant 0 : i32
      %dma_wait3A_483 = tpu.memref_slice %arg10[%dma_wait3A_480, %dma_wait3A_481, %dma_wait3A_482] : memref<16x128x16xf32, #tpu.memory_space<vmem>> -> memref<1x128x16xf32, #tpu.memory_space<vmem>>
      %dma_wait3A_484 = tpu.memref_squeeze %dma_wait3A_483 : memref<1x128x16xf32, #tpu.memory_space<vmem>> -> memref<128x16xf32, #tpu.memory_space<vmem>>
      %dma_wait3A_485 = arith.constant 0 : i32
      %dma_wait3A_486 = tpu.memref_slice %arg8[%dma_wait3A_479, %dma_wait3A_485] : memref<80x128xi32, #tpu.memory_space<vmem>> -> memref<1x128xi32, #tpu.memory_space<vmem>>
      %dma_wait3A_487 = tpu.memref_squeeze %dma_wait3A_486 : memref<1x128xi32, #tpu.memory_space<vmem>> -> memref<128xi32, #tpu.memory_space<vmem>>
      %dma_wait3A_488 = arith.constant 0 : i32
      %dma_wait3A_489 = arith.constant 0 : i32
      %dma_wait3A_490 = tpu.memref_slice %arg2[%dma_wait3A_488, %dma_wait3A_489] : memref<10112x16xf32, #tpu.memory_space<hbm>> -> memref<10112x16xf32, #tpu.memory_space<hbm>>
      tpu.wait_indirect_dma semaphore(%arg11 : memref<!tpu.dma_semaphore, #tpu.memory_space<semaphore_mem>>) src(%dma_wait3A_490 : memref<10112x16xf32, #tpu.memory_space<hbm>>) dst(%dma_wait3A_484 : memref<128x16xf32, #tpu.memory_space<vmem>>)
      %dma_wait3A_491 = arith.constant 2 : i32
      %dma_wait3A_492 = arith.constant 2 : i32
      %dma_wait3A_493 = arith.constant 0 : i32
      %dma_wait3A_494 = arith.constant 0 : i32
      %dma_wait3A_495 = tpu.memref_slice %arg10[%dma_wait3A_492, %dma_wait3A_493, %dma_wait3A_494] : memref<16x128x16xf32, #tpu.memory_space<vmem>> -> memref<1x128x16xf32, #tpu.memory_space<vmem>>
      %dma_wait3A_496 = tpu.memref_squeeze %dma_wait3A_495 : memref<1x128x16xf32, #tpu.memory_space<vmem>> -> memref<128x16xf32, #tpu.memory_space<vmem>>
      %dma_wait3A_497 = arith.constant 0 : i32
      %dma_wait3A_498 = tpu.memref_slice %arg8[%dma_wait3A_491, %dma_wait3A_497] : memref<80x128xi32, #tpu.memory_space<vmem>> -> memref<1x128xi32, #tpu.memory_space<vmem>>
      %dma_wait3A_499 = tpu.memref_squeeze %dma_wait3A_498 : memref<1x128xi32, #tpu.memory_space<vmem>> -> memref<128xi32, #tpu.memory_space<vmem>>
      %dma_wait3A_500 = arith.constant 0 : i32
      %dma_wait3A_501 = arith.constant 0 : i32
      %dma_wait3A_502 = tpu.memref_slice %arg2[%dma_wait3A_500, %dma_wait3A_501] : memref<10112x16xf32, #tpu.memory_space<hbm>> -> memref<10112x16xf32, #tpu.memory_space<hbm>>
      tpu.wait_indirect_dma semaphore(%arg11 : memref<!tpu.dma_semaphore, #tpu.memory_space<semaphore_mem>>) src(%dma_wait3A_502 : memref<10112x16xf32, #tpu.memory_space<hbm>>) dst(%dma_wait3A_496 : memref<128x16xf32, #tpu.memory_space<vmem>>)
      %dma_wait3A_503 = arith.constant 3 : i32
      %dma_wait3A_504 = arith.constant 3 : i32
      %dma_wait3A_505 = arith.constant 0 : i32
      %dma_wait3A_506 = arith.constant 0 : i32
      %dma_wait3A_507 = tpu.memref_slice %arg10[%dma_wait3A_504, %dma_wait3A_505, %dma_wait3A_506] : memref<16x128x16xf32, #tpu.memory_space<vmem>> -> memref<1x128x16xf32, #tpu.memory_space<vmem>>
      %dma_wait3A_508 = tpu.memref_squeeze %dma_wait3A_507 : memref<1x128x16xf32, #tpu.memory_space<vmem>> -> memref<128x16xf32, #tpu.memory_space<vmem>>
      %dma_wait3A_509 = arith.constant 0 : i32
      %dma_wait3A_510 = tpu.memref_slice %arg8[%dma_wait3A_503, %dma_wait3A_509] : memref<80x128xi32, #tpu.memory_space<vmem>> -> memref<1x128xi32, #tpu.memory_space<vmem>>
      %dma_wait3A_511 = tpu.memref_squeeze %dma_wait3A_510 : memref<1x128xi32, #tpu.memory_space<vmem>> -> memref<128xi32, #tpu.memory_space<vmem>>
      %dma_wait3A_512 = arith.constant 0 : i32
      %dma_wait3A_513 = arith.constant 0 : i32
      %dma_wait3A_514 = tpu.memref_slice %arg2[%dma_wait3A_512, %dma_wait3A_513] : memref<10112x16xf32, #tpu.memory_space<hbm>> -> memref<10112x16xf32, #tpu.memory_space<hbm>>
      tpu.wait_indirect_dma semaphore(%arg11 : memref<!tpu.dma_semaphore, #tpu.memory_space<semaphore_mem>>) src(%dma_wait3A_514 : memref<10112x16xf32, #tpu.memory_space<hbm>>) dst(%dma_wait3A_508 : memref<128x16xf32, #tpu.memory_space<vmem>>)
      %dma_wait3A_515 = arith.constant 4 : i32
      %dma_wait3A_516 = arith.constant 4 : i32
      %dma_wait3A_517 = arith.constant 0 : i32
      %dma_wait3A_518 = arith.constant 0 : i32
      %dma_wait3A_519 = tpu.memref_slice %arg10[%dma_wait3A_516, %dma_wait3A_517, %dma_wait3A_518] : memref<16x128x16xf32, #tpu.memory_space<vmem>> -> memref<1x128x16xf32, #tpu.memory_space<vmem>>
      %dma_wait3A_520 = tpu.memref_squeeze %dma_wait3A_519 : memref<1x128x16xf32, #tpu.memory_space<vmem>> -> memref<128x16xf32, #tpu.memory_space<vmem>>
      %dma_wait3A_521 = arith.constant 0 : i32
      %dma_wait3A_522 = tpu.memref_slice %arg8[%dma_wait3A_515, %dma_wait3A_521] : memref<80x128xi32, #tpu.memory_space<vmem>> -> memref<1x128xi32, #tpu.memory_space<vmem>>
      %dma_wait3A_523 = tpu.memref_squeeze %dma_wait3A_522 : memref<1x128xi32, #tpu.memory_space<vmem>> -> memref<128xi32, #tpu.memory_space<vmem>>
      %dma_wait3A_524 = arith.constant 0 : i32
      %dma_wait3A_525 = arith.constant 0 : i32
      %dma_wait3A_526 = tpu.memref_slice %arg2[%dma_wait3A_524, %dma_wait3A_525] : memref<10112x16xf32, #tpu.memory_space<hbm>> -> memref<10112x16xf32, #tpu.memory_space<hbm>>
      tpu.wait_indirect_dma semaphore(%arg11 : memref<!tpu.dma_semaphore, #tpu.memory_space<semaphore_mem>>) src(%dma_wait3A_526 : memref<10112x16xf32, #tpu.memory_space<hbm>>) dst(%dma_wait3A_520 : memref<128x16xf32, #tpu.memory_space<vmem>>)
      %dma_wait3A_527 = arith.constant 5 : i32
      %dma_wait3A_528 = arith.constant 5 : i32
      %dma_wait3A_529 = arith.constant 0 : i32
      %dma_wait3A_530 = arith.constant 0 : i32
      %dma_wait3A_531 = tpu.memref_slice %arg10[%dma_wait3A_528, %dma_wait3A_529, %dma_wait3A_530] : memref<16x128x16xf32, #tpu.memory_space<vmem>> -> memref<1x128x16xf32, #tpu.memory_space<vmem>>
      %dma_wait3A_532 = tpu.memref_squeeze %dma_wait3A_531 : memref<1x128x16xf32, #tpu.memory_space<vmem>> -> memref<128x16xf32, #tpu.memory_space<vmem>>
      %dma_wait3A_533 = arith.constant 0 : i32
      %dma_wait3A_534 = tpu.memref_slice %arg8[%dma_wait3A_527, %dma_wait3A_533] : memref<80x128xi32, #tpu.memory_space<vmem>> -> memref<1x128xi32, #tpu.memory_space<vmem>>
      %dma_wait3A_535 = tpu.memref_squeeze %dma_wait3A_534 : memref<1x128xi32, #tpu.memory_space<vmem>> -> memref<128xi32, #tpu.memory_space<vmem>>
      %dma_wait3A_536 = arith.constant 0 : i32
      %dma_wait3A_537 = arith.constant 0 : i32
      %dma_wait3A_538 = tpu.memref_slice %arg2[%dma_wait3A_536, %dma_wait3A_537] : memref<10112x16xf32, #tpu.memory_space<hbm>> -> memref<10112x16xf32, #tpu.memory_space<hbm>>
      tpu.wait_indirect_dma semaphore(%arg11 : memref<!tpu.dma_semaphore, #tpu.memory_space<semaphore_mem>>) src(%dma_wait3A_538 : memref<10112x16xf32, #tpu.memory_space<hbm>>) dst(%dma_wait3A_532 : memref<128x16xf32, #tpu.memory_space<vmem>>)
      %dma_wait3A_539 = arith.constant 6 : i32
      %dma_wait3A_540 = arith.constant 6 : i32
      %dma_wait3A_541 = arith.constant 0 : i32
      %dma_wait3A_542 = arith.constant 0 : i32
      %dma_wait3A_543 = tpu.memref_slice %arg10[%dma_wait3A_540, %dma_wait3A_541, %dma_wait3A_542] : memref<16x128x16xf32, #tpu.memory_space<vmem>> -> memref<1x128x16xf32, #tpu.memory_space<vmem>>
      %dma_wait3A_544 = tpu.memref_squeeze %dma_wait3A_543 : memref<1x128x16xf32, #tpu.memory_space<vmem>> -> memref<128x16xf32, #tpu.memory_space<vmem>>
      %dma_wait3A_545 = arith.constant 0 : i32
      %dma_wait3A_546 = tpu.memref_slice %arg8[%dma_wait3A_539, %dma_wait3A_545] : memref<80x128xi32, #tpu.memory_space<vmem>> -> memref<1x128xi32, #tpu.memory_space<vmem>>
      %dma_wait3A_547 = tpu.memref_squeeze %dma_wait3A_546 : memref<1x128xi32, #tpu.memory_space<vmem>> -> memref<128xi32, #tpu.memory_space<vmem>>
      %dma_wait3A_548 = arith.constant 0 : i32
      %dma_wait3A_549 = arith.constant 0 : i32
      %dma_wait3A_550 = tpu.memref_slice %arg2[%dma_wait3A_548, %dma_wait3A_549] : memref<10112x16xf32, #tpu.memory_space<hbm>> -> memref<10112x16xf32, #tpu.memory_space<hbm>>
      tpu.wait_indirect_dma semaphore(%arg11 : memref<!tpu.dma_semaphore, #tpu.memory_space<semaphore_mem>>) src(%dma_wait3A_550 : memref<10112x16xf32, #tpu.memory_space<hbm>>) dst(%dma_wait3A_544 : memref<128x16xf32, #tpu.memory_space<vmem>>)
      %dma_wait3A_551 = arith.constant 7 : i32
      %dma_wait3A_552 = arith.constant 7 : i32
      %dma_wait3A_553 = arith.constant 0 : i32
      %dma_wait3A_554 = arith.constant 0 : i32
      %dma_wait3A_555 = tpu.memref_slice %arg10[%dma_wait3A_552, %dma_wait3A_553, %dma_wait3A_554] : memref<16x128x16xf32, #tpu.memory_space<vmem>> -> memref<1x128x16xf32, #tpu.memory_space<vmem>>
      %dma_wait3A_556 = tpu.memref_squeeze %dma_wait3A_555 : memref<1x128x16xf32, #tpu.memory_space<vmem>> -> memref<128x16xf32, #tpu.memory_space<vmem>>
      %dma_wait3A_557 = arith.constant 0 : i32
      %dma_wait3A_558 = tpu.memref_slice %arg8[%dma_wait3A_551, %dma_wait3A_557] : memref<80x128xi32, #tpu.memory_space<vmem>> -> memref<1x128xi32, #tpu.memory_space<vmem>>
      %dma_wait3A_559 = tpu.memref_squeeze %dma_wait3A_558 : memref<1x128xi32, #tpu.memory_space<vmem>> -> memref<128xi32, #tpu.memory_space<vmem>>
      %dma_wait3A_560 = arith.constant 0 : i32
      %dma_wait3A_561 = arith.constant 0 : i32
      %dma_wait3A_562 = tpu.memref_slice %arg2[%dma_wait3A_560, %dma_wait3A_561] : memref<10112x16xf32, #tpu.memory_space<hbm>> -> memref<10112x16xf32, #tpu.memory_space<hbm>>
      tpu.wait_indirect_dma semaphore(%arg11 : memref<!tpu.dma_semaphore, #tpu.memory_space<semaphore_mem>>) src(%dma_wait3A_562 : memref<10112x16xf32, #tpu.memory_space<hbm>>) dst(%dma_wait3A_556 : memref<128x16xf32, #tpu.memory_space<vmem>>)
      %add3A_563 = arith.constant 0 : i32
      %add3A_564 = arith.addi %mul3A_249, %add3A_563 : i32
      %dma_start3A_565 = arith.constant 0 : i32
      %dma_start3A_566 = arith.constant 0 : i32
      %dma_start3A_567 = arith.constant 0 : i32
      %dma_start3A_568 = tpu.memref_slice %arg10[%dma_start3A_565, %dma_start3A_566, %dma_start3A_567] : memref<16x128x16xf32, #tpu.memory_space<vmem>> -> memref<1x128x16xf32, #tpu.memory_space<vmem>>
      %dma_start3A_569 = tpu.memref_squeeze %dma_start3A_568 : memref<1x128x16xf32, #tpu.memory_space<vmem>> -> memref<128x16xf32, #tpu.memory_space<vmem>>
      %dma_start3A_570 = arith.constant 0 : i32
      %dma_start3A_571 = tpu.memref_slice %arg9[%add3A_564, %dma_start3A_570] : memref<80x128xi32, #tpu.memory_space<vmem>> -> memref<1x128xi32, #tpu.memory_space<vmem>>
      %dma_start3A_572 = tpu.memref_squeeze %dma_start3A_571 : memref<1x128xi32, #tpu.memory_space<vmem>> -> memref<128xi32, #tpu.memory_space<vmem>>
      %dma_start3A_573 = arith.constant 0 : i32
      %dma_start3A_574 = arith.constant 0 : i32
      %dma_start3A_575 = tpu.memref_slice %arg7[%dma_start3A_573, %dma_start3A_574] : memref<10112x16xf32, #tpu.memory_space<vmem_shared>> -> memref<10112x16xf32, #tpu.memory_space<vmem_shared>>
      tpu.enqueue_indirect_dma source(%dma_start3A_569 : memref<128x16xf32, #tpu.memory_space<vmem>>) target(%dma_start3A_575 : memref<10112x16xf32, #tpu.memory_space<vmem_shared>>) offsets(%dma_start3A_572 : memref<128xi32, #tpu.memory_space<vmem>>) semaphore(%arg13 : memref<!tpu.dma_semaphore, #tpu.memory_space<semaphore_mem>>) {add = true}
      %add3A_576 = arith.constant 1 : i32
      %add3A_577 = arith.addi %mul3A_249, %add3A_576 : i32
      %dma_start3A_578 = arith.constant 1 : i32
      %dma_start3A_579 = arith.constant 0 : i32
      %dma_start3A_580 = arith.constant 0 : i32
      %dma_start3A_581 = tpu.memref_slice %arg10[%dma_start3A_578, %dma_start3A_579, %dma_start3A_580] : memref<16x128x16xf32, #tpu.memory_space<vmem>> -> memref<1x128x16xf32, #tpu.memory_space<vmem>>
      %dma_start3A_582 = tpu.memref_squeeze %dma_start3A_581 : memref<1x128x16xf32, #tpu.memory_space<vmem>> -> memref<128x16xf32, #tpu.memory_space<vmem>>
      %dma_start3A_583 = arith.constant 0 : i32
      %dma_start3A_584 = tpu.memref_slice %arg9[%add3A_577, %dma_start3A_583] : memref<80x128xi32, #tpu.memory_space<vmem>> -> memref<1x128xi32, #tpu.memory_space<vmem>>
      %dma_start3A_585 = tpu.memref_squeeze %dma_start3A_584 : memref<1x128xi32, #tpu.memory_space<vmem>> -> memref<128xi32, #tpu.memory_space<vmem>>
      %dma_start3A_586 = arith.constant 0 : i32
      %dma_start3A_587 = arith.constant 0 : i32
      %dma_start3A_588 = tpu.memref_slice %arg7[%dma_start3A_586, %dma_start3A_587] : memref<10112x16xf32, #tpu.memory_space<vmem_shared>> -> memref<10112x16xf32, #tpu.memory_space<vmem_shared>>
      tpu.enqueue_indirect_dma source(%dma_start3A_582 : memref<128x16xf32, #tpu.memory_space<vmem>>) target(%dma_start3A_588 : memref<10112x16xf32, #tpu.memory_space<vmem_shared>>) offsets(%dma_start3A_585 : memref<128xi32, #tpu.memory_space<vmem>>) semaphore(%arg13 : memref<!tpu.dma_semaphore, #tpu.memory_space<semaphore_mem>>) {add = true}
      %add3A_589 = arith.constant 2 : i32
      %add3A_590 = arith.addi %mul3A_249, %add3A_589 : i32
      %dma_start3A_591 = arith.constant 2 : i32
      %dma_start3A_592 = arith.constant 0 : i32
      %dma_start3A_593 = arith.constant 0 : i32
      %dma_start3A_594 = tpu.memref_slice %arg10[%dma_start3A_591, %dma_start3A_592, %dma_start3A_593] : memref<16x128x16xf32, #tpu.memory_space<vmem>> -> memref<1x128x16xf32, #tpu.memory_space<vmem>>
      %dma_start3A_595 = tpu.memref_squeeze %dma_start3A_594 : memref<1x128x16xf32, #tpu.memory_space<vmem>> -> memref<128x16xf32, #tpu.memory_space<vmem>>
      %dma_start3A_596 = arith.constant 0 : i32
      %dma_start3A_597 = tpu.memref_slice %arg9[%add3A_590, %dma_start3A_596] : memref<80x128xi32, #tpu.memory_space<vmem>> -> memref<1x128xi32, #tpu.memory_space<vmem>>
      %dma_start3A_598 = tpu.memref_squeeze %dma_start3A_597 : memref<1x128xi32, #tpu.memory_space<vmem>> -> memref<128xi32, #tpu.memory_space<vmem>>
      %dma_start3A_599 = arith.constant 0 : i32
      %dma_start3A_600 = arith.constant 0 : i32
      %dma_start3A_601 = tpu.memref_slice %arg7[%dma_start3A_599, %dma_start3A_600] : memref<10112x16xf32, #tpu.memory_space<vmem_shared>> -> memref<10112x16xf32, #tpu.memory_space<vmem_shared>>
      tpu.enqueue_indirect_dma source(%dma_start3A_595 : memref<128x16xf32, #tpu.memory_space<vmem>>) target(%dma_start3A_601 : memref<10112x16xf32, #tpu.memory_space<vmem_shared>>) offsets(%dma_start3A_598 : memref<128xi32, #tpu.memory_space<vmem>>) semaphore(%arg13 : memref<!tpu.dma_semaphore, #tpu.memory_space<semaphore_mem>>) {add = true}
      %add3A_602 = arith.constant 3 : i32
      %add3A_603 = arith.addi %mul3A_249, %add3A_602 : i32
      %dma_start3A_604 = arith.constant 3 : i32
      %dma_start3A_605 = arith.constant 0 : i32
      %dma_start3A_606 = arith.constant 0 : i32
      %dma_start3A_607 = tpu.memref_slice %arg10[%dma_start3A_604, %dma_start3A_605, %dma_start3A_606] : memref<16x128x16xf32, #tpu.memory_space<vmem>> -> memref<1x128x16xf32, #tpu.memory_space<vmem>>
      %dma_start3A_608 = tpu.memref_squeeze %dma_start3A_607 : memref<1x128x16xf32, #tpu.memory_space<vmem>> -> memref<128x16xf32, #tpu.memory_space<vmem>>
      %dma_start3A_609 = arith.constant 0 : i32
      %dma_start3A_610 = tpu.memref_slice %arg9[%add3A_603, %dma_start3A_609] : memref<80x128xi32, #tpu.memory_space<vmem>> -> memref<1x128xi32, #tpu.memory_space<vmem>>
      %dma_start3A_611 = tpu.memref_squeeze %dma_start3A_610 : memref<1x128xi32, #tpu.memory_space<vmem>> -> memref<128xi32, #tpu.memory_space<vmem>>
      %dma_start3A_612 = arith.constant 0 : i32
      %dma_start3A_613 = arith.constant 0 : i32
      %dma_start3A_614 = tpu.memref_slice %arg7[%dma_start3A_612, %dma_start3A_613] : memref<10112x16xf32, #tpu.memory_space<vmem_shared>> -> memref<10112x16xf32, #tpu.memory_space<vmem_shared>>
      tpu.enqueue_indirect_dma source(%dma_start3A_608 : memref<128x16xf32, #tpu.memory_space<vmem>>) target(%dma_start3A_614 : memref<10112x16xf32, #tpu.memory_space<vmem_shared>>) offsets(%dma_start3A_611 : memref<128xi32, #tpu.memory_space<vmem>>) semaphore(%arg13 : memref<!tpu.dma_semaphore, #tpu.memory_space<semaphore_mem>>) {add = true}
      %add3A_615 = arith.constant 4 : i32
      %add3A_616 = arith.addi %mul3A_249, %add3A_615 : i32
      %dma_start3A_617 = arith.constant 4 : i32
      %dma_start3A_618 = arith.constant 0 : i32
      %dma_start3A_619 = arith.constant 0 : i32
      %dma_start3A_620 = tpu.memref_slice %arg10[%dma_start3A_617, %dma_start3A_618, %dma_start3A_619] : memref<16x128x16xf32, #tpu.memory_space<vmem>> -> memref<1x128x16xf32, #tpu.memory_space<vmem>>
      %dma_start3A_621 = tpu.memref_squeeze %dma_start3A_620 : memref<1x128x16xf32, #tpu.memory_space<vmem>> -> memref<128x16xf32, #tpu.memory_space<vmem>>
      %dma_start3A_622 = arith.constant 0 : i32
      %dma_start3A_623 = tpu.memref_slice %arg9[%add3A_616, %dma_start3A_622] : memref<80x128xi32, #tpu.memory_space<vmem>> -> memref<1x128xi32, #tpu.memory_space<vmem>>
      %dma_start3A_624 = tpu.memref_squeeze %dma_start3A_623 : memref<1x128xi32, #tpu.memory_space<vmem>> -> memref<128xi32, #tpu.memory_space<vmem>>
      %dma_start3A_625 = arith.constant 0 : i32
      %dma_start3A_626 = arith.constant 0 : i32
      %dma_start3A_627 = tpu.memref_slice %arg7[%dma_start3A_625, %dma_start3A_626] : memref<10112x16xf32, #tpu.memory_space<vmem_shared>> -> memref<10112x16xf32, #tpu.memory_space<vmem_shared>>
      tpu.enqueue_indirect_dma source(%dma_start3A_621 : memref<128x16xf32, #tpu.memory_space<vmem>>) target(%dma_start3A_627 : memref<10112x16xf32, #tpu.memory_space<vmem_shared>>) offsets(%dma_start3A_624 : memref<128xi32, #tpu.memory_space<vmem>>) semaphore(%arg13 : memref<!tpu.dma_semaphore, #tpu.memory_space<semaphore_mem>>) {add = true}
      %add3A_628 = arith.constant 5 : i32
      %add3A_629 = arith.addi %mul3A_249, %add3A_628 : i32
      %dma_start3A_630 = arith.constant 5 : i32
      %dma_start3A_631 = arith.constant 0 : i32
      %dma_start3A_632 = arith.constant 0 : i32
      %dma_start3A_633 = tpu.memref_slice %arg10[%dma_start3A_630, %dma_start3A_631, %dma_start3A_632] : memref<16x128x16xf32, #tpu.memory_space<vmem>> -> memref<1x128x16xf32, #tpu.memory_space<vmem>>
      %dma_start3A_634 = tpu.memref_squeeze %dma_start3A_633 : memref<1x128x16xf32, #tpu.memory_space<vmem>> -> memref<128x16xf32, #tpu.memory_space<vmem>>
      %dma_start3A_635 = arith.constant 0 : i32
      %dma_start3A_636 = tpu.memref_slice %arg9[%add3A_629, %dma_start3A_635] : memref<80x128xi32, #tpu.memory_space<vmem>> -> memref<1x128xi32, #tpu.memory_space<vmem>>
      %dma_start3A_637 = tpu.memref_squeeze %dma_start3A_636 : memref<1x128xi32, #tpu.memory_space<vmem>> -> memref<128xi32, #tpu.memory_space<vmem>>
      %dma_start3A_638 = arith.constant 0 : i32
      %dma_start3A_639 = arith.constant 0 : i32
      %dma_start3A_640 = tpu.memref_slice %arg7[%dma_start3A_638, %dma_start3A_639] : memref<10112x16xf32, #tpu.memory_space<vmem_shared>> -> memref<10112x16xf32, #tpu.memory_space<vmem_shared>>
      tpu.enqueue_indirect_dma source(%dma_start3A_634 : memref<128x16xf32, #tpu.memory_space<vmem>>) target(%dma_start3A_640 : memref<10112x16xf32, #tpu.memory_space<vmem_shared>>) offsets(%dma_start3A_637 : memref<128xi32, #tpu.memory_space<vmem>>) semaphore(%arg13 : memref<!tpu.dma_semaphore, #tpu.memory_space<semaphore_mem>>) {add = true}
      %add3A_641 = arith.constant 6 : i32
      %add3A_642 = arith.addi %mul3A_249, %add3A_641 : i32
      %dma_start3A_643 = arith.constant 6 : i32
      %dma_start3A_644 = arith.constant 0 : i32
      %dma_start3A_645 = arith.constant 0 : i32
      %dma_start3A_646 = tpu.memref_slice %arg10[%dma_start3A_643, %dma_start3A_644, %dma_start3A_645] : memref<16x128x16xf32, #tpu.memory_space<vmem>> -> memref<1x128x16xf32, #tpu.memory_space<vmem>>
      %dma_start3A_647 = tpu.memref_squeeze %dma_start3A_646 : memref<1x128x16xf32, #tpu.memory_space<vmem>> -> memref<128x16xf32, #tpu.memory_space<vmem>>
      %dma_start3A_648 = arith.constant 0 : i32
      %dma_start3A_649 = tpu.memref_slice %arg9[%add3A_642, %dma_start3A_648] : memref<80x128xi32, #tpu.memory_space<vmem>> -> memref<1x128xi32, #tpu.memory_space<vmem>>
      %dma_start3A_650 = tpu.memref_squeeze %dma_start3A_649 : memref<1x128xi32, #tpu.memory_space<vmem>> -> memref<128xi32, #tpu.memory_space<vmem>>
      %dma_start3A_651 = arith.constant 0 : i32
      %dma_start3A_652 = arith.constant 0 : i32
      %dma_start3A_653 = tpu.memref_slice %arg7[%dma_start3A_651, %dma_start3A_652] : memref<10112x16xf32, #tpu.memory_space<vmem_shared>> -> memref<10112x16xf32, #tpu.memory_space<vmem_shared>>
      tpu.enqueue_indirect_dma source(%dma_start3A_647 : memref<128x16xf32, #tpu.memory_space<vmem>>) target(%dma_start3A_653 : memref<10112x16xf32, #tpu.memory_space<vmem_shared>>) offsets(%dma_start3A_650 : memref<128xi32, #tpu.memory_space<vmem>>) semaphore(%arg13 : memref<!tpu.dma_semaphore, #tpu.memory_space<semaphore_mem>>) {add = true}
      %add3A_654 = arith.constant 7 : i32
      %add3A_655 = arith.addi %mul3A_249, %add3A_654 : i32
      %dma_start3A_656 = arith.constant 7 : i32
      %dma_start3A_657 = arith.constant 0 : i32
      %dma_start3A_658 = arith.constant 0 : i32
      %dma_start3A_659 = tpu.memref_slice %arg10[%dma_start3A_656, %dma_start3A_657, %dma_start3A_658] : memref<16x128x16xf32, #tpu.memory_space<vmem>> -> memref<1x128x16xf32, #tpu.memory_space<vmem>>
      %dma_start3A_660 = tpu.memref_squeeze %dma_start3A_659 : memref<1x128x16xf32, #tpu.memory_space<vmem>> -> memref<128x16xf32, #tpu.memory_space<vmem>>
      %dma_start3A_661 = arith.constant 0 : i32
      %dma_start3A_662 = tpu.memref_slice %arg9[%add3A_655, %dma_start3A_661] : memref<80x128xi32, #tpu.memory_space<vmem>> -> memref<1x128xi32, #tpu.memory_space<vmem>>
      %dma_start3A_663 = tpu.memref_squeeze %dma_start3A_662 : memref<1x128xi32, #tpu.memory_space<vmem>> -> memref<128xi32, #tpu.memory_space<vmem>>
      %dma_start3A_664 = arith.constant 0 : i32
      %dma_start3A_665 = arith.constant 0 : i32
      %dma_start3A_666 = tpu.memref_slice %arg7[%dma_start3A_664, %dma_start3A_665] : memref<10112x16xf32, #tpu.memory_space<vmem_shared>> -> memref<10112x16xf32, #tpu.memory_space<vmem_shared>>
      tpu.enqueue_indirect_dma source(%dma_start3A_660 : memref<128x16xf32, #tpu.memory_space<vmem>>) target(%dma_start3A_666 : memref<10112x16xf32, #tpu.memory_space<vmem_shared>>) offsets(%dma_start3A_663 : memref<128xi32, #tpu.memory_space<vmem>>) semaphore(%arg13 : memref<!tpu.dma_semaphore, #tpu.memory_space<semaphore_mem>>) {add = true}
      %dma_wait3A_667 = arith.constant 0 : i32
      %dma_wait3A_668 = arith.constant 8 : i32
      %dma_wait3A_669 = arith.constant 0 : i32
      %dma_wait3A_670 = arith.constant 0 : i32
      %dma_wait3A_671 = tpu.memref_slice %arg10[%dma_wait3A_668, %dma_wait3A_669, %dma_wait3A_670] : memref<16x128x16xf32, #tpu.memory_space<vmem>> -> memref<1x128x16xf32, #tpu.memory_space<vmem>>
      %dma_wait3A_672 = tpu.memref_squeeze %dma_wait3A_671 : memref<1x128x16xf32, #tpu.memory_space<vmem>> -> memref<128x16xf32, #tpu.memory_space<vmem>>
      %dma_wait3A_673 = arith.constant 0 : i32
      %dma_wait3A_674 = tpu.memref_slice %arg8[%dma_wait3A_667, %dma_wait3A_673] : memref<80x128xi32, #tpu.memory_space<vmem>> -> memref<1x128xi32, #tpu.memory_space<vmem>>
      %dma_wait3A_675 = tpu.memref_squeeze %dma_wait3A_674 : memref<1x128xi32, #tpu.memory_space<vmem>> -> memref<128xi32, #tpu.memory_space<vmem>>
      %dma_wait3A_676 = arith.constant 0 : i32
      %dma_wait3A_677 = arith.constant 0 : i32
      %dma_wait3A_678 = tpu.memref_slice %arg2[%dma_wait3A_676, %dma_wait3A_677] : memref<10112x16xf32, #tpu.memory_space<hbm>> -> memref<10112x16xf32, #tpu.memory_space<hbm>>
      tpu.wait_indirect_dma semaphore(%arg12 : memref<!tpu.dma_semaphore, #tpu.memory_space<semaphore_mem>>) src(%dma_wait3A_678 : memref<10112x16xf32, #tpu.memory_space<hbm>>) dst(%dma_wait3A_672 : memref<128x16xf32, #tpu.memory_space<vmem>>)
      %dma_wait3A_679 = arith.constant 1 : i32
      %dma_wait3A_680 = arith.constant 9 : i32
      %dma_wait3A_681 = arith.constant 0 : i32
      %dma_wait3A_682 = arith.constant 0 : i32
      %dma_wait3A_683 = tpu.memref_slice %arg10[%dma_wait3A_680, %dma_wait3A_681, %dma_wait3A_682] : memref<16x128x16xf32, #tpu.memory_space<vmem>> -> memref<1x128x16xf32, #tpu.memory_space<vmem>>
      %dma_wait3A_684 = tpu.memref_squeeze %dma_wait3A_683 : memref<1x128x16xf32, #tpu.memory_space<vmem>> -> memref<128x16xf32, #tpu.memory_space<vmem>>
      %dma_wait3A_685 = arith.constant 0 : i32
      %dma_wait3A_686 = tpu.memref_slice %arg8[%dma_wait3A_679, %dma_wait3A_685] : memref<80x128xi32, #tpu.memory_space<vmem>> -> memref<1x128xi32, #tpu.memory_space<vmem>>
      %dma_wait3A_687 = tpu.memref_squeeze %dma_wait3A_686 : memref<1x128xi32, #tpu.memory_space<vmem>> -> memref<128xi32, #tpu.memory_space<vmem>>
      %dma_wait3A_688 = arith.constant 0 : i32
      %dma_wait3A_689 = arith.constant 0 : i32
      %dma_wait3A_690 = tpu.memref_slice %arg2[%dma_wait3A_688, %dma_wait3A_689] : memref<10112x16xf32, #tpu.memory_space<hbm>> -> memref<10112x16xf32, #tpu.memory_space<hbm>>
      tpu.wait_indirect_dma semaphore(%arg12 : memref<!tpu.dma_semaphore, #tpu.memory_space<semaphore_mem>>) src(%dma_wait3A_690 : memref<10112x16xf32, #tpu.memory_space<hbm>>) dst(%dma_wait3A_684 : memref<128x16xf32, #tpu.memory_space<vmem>>)
      %dma_wait3A_691 = arith.constant 2 : i32
      %dma_wait3A_692 = arith.constant 10 : i32
      %dma_wait3A_693 = arith.constant 0 : i32
      %dma_wait3A_694 = arith.constant 0 : i32
      %dma_wait3A_695 = tpu.memref_slice %arg10[%dma_wait3A_692, %dma_wait3A_693, %dma_wait3A_694] : memref<16x128x16xf32, #tpu.memory_space<vmem>> -> memref<1x128x16xf32, #tpu.memory_space<vmem>>
      %dma_wait3A_696 = tpu.memref_squeeze %dma_wait3A_695 : memref<1x128x16xf32, #tpu.memory_space<vmem>> -> memref<128x16xf32, #tpu.memory_space<vmem>>
      %dma_wait3A_697 = arith.constant 0 : i32
      %dma_wait3A_698 = tpu.memref_slice %arg8[%dma_wait3A_691, %dma_wait3A_697] : memref<80x128xi32, #tpu.memory_space<vmem>> -> memref<1x128xi32, #tpu.memory_space<vmem>>
      %dma_wait3A_699 = tpu.memref_squeeze %dma_wait3A_698 : memref<1x128xi32, #tpu.memory_space<vmem>> -> memref<128xi32, #tpu.memory_space<vmem>>
      %dma_wait3A_700 = arith.constant 0 : i32
      %dma_wait3A_701 = arith.constant 0 : i32
      %dma_wait3A_702 = tpu.memref_slice %arg2[%dma_wait3A_700, %dma_wait3A_701] : memref<10112x16xf32, #tpu.memory_space<hbm>> -> memref<10112x16xf32, #tpu.memory_space<hbm>>
      tpu.wait_indirect_dma semaphore(%arg12 : memref<!tpu.dma_semaphore, #tpu.memory_space<semaphore_mem>>) src(%dma_wait3A_702 : memref<10112x16xf32, #tpu.memory_space<hbm>>) dst(%dma_wait3A_696 : memref<128x16xf32, #tpu.memory_space<vmem>>)
      %dma_wait3A_703 = arith.constant 3 : i32
      %dma_wait3A_704 = arith.constant 11 : i32
      %dma_wait3A_705 = arith.constant 0 : i32
      %dma_wait3A_706 = arith.constant 0 : i32
      %dma_wait3A_707 = tpu.memref_slice %arg10[%dma_wait3A_704, %dma_wait3A_705, %dma_wait3A_706] : memref<16x128x16xf32, #tpu.memory_space<vmem>> -> memref<1x128x16xf32, #tpu.memory_space<vmem>>
      %dma_wait3A_708 = tpu.memref_squeeze %dma_wait3A_707 : memref<1x128x16xf32, #tpu.memory_space<vmem>> -> memref<128x16xf32, #tpu.memory_space<vmem>>
      %dma_wait3A_709 = arith.constant 0 : i32
      %dma_wait3A_710 = tpu.memref_slice %arg8[%dma_wait3A_703, %dma_wait3A_709] : memref<80x128xi32, #tpu.memory_space<vmem>> -> memref<1x128xi32, #tpu.memory_space<vmem>>
      %dma_wait3A_711 = tpu.memref_squeeze %dma_wait3A_710 : memref<1x128xi32, #tpu.memory_space<vmem>> -> memref<128xi32, #tpu.memory_space<vmem>>
      %dma_wait3A_712 = arith.constant 0 : i32
      %dma_wait3A_713 = arith.constant 0 : i32
      %dma_wait3A_714 = tpu.memref_slice %arg2[%dma_wait3A_712, %dma_wait3A_713] : memref<10112x16xf32, #tpu.memory_space<hbm>> -> memref<10112x16xf32, #tpu.memory_space<hbm>>
      tpu.wait_indirect_dma semaphore(%arg12 : memref<!tpu.dma_semaphore, #tpu.memory_space<semaphore_mem>>) src(%dma_wait3A_714 : memref<10112x16xf32, #tpu.memory_space<hbm>>) dst(%dma_wait3A_708 : memref<128x16xf32, #tpu.memory_space<vmem>>)
      %dma_wait3A_715 = arith.constant 4 : i32
      %dma_wait3A_716 = arith.constant 12 : i32
      %dma_wait3A_717 = arith.constant 0 : i32
      %dma_wait3A_718 = arith.constant 0 : i32
      %dma_wait3A_719 = tpu.memref_slice %arg10[%dma_wait3A_716, %dma_wait3A_717, %dma_wait3A_718] : memref<16x128x16xf32, #tpu.memory_space<vmem>> -> memref<1x128x16xf32, #tpu.memory_space<vmem>>
      %dma_wait3A_720 = tpu.memref_squeeze %dma_wait3A_719 : memref<1x128x16xf32, #tpu.memory_space<vmem>> -> memref<128x16xf32, #tpu.memory_space<vmem>>
      %dma_wait3A_721 = arith.constant 0 : i32
      %dma_wait3A_722 = tpu.memref_slice %arg8[%dma_wait3A_715, %dma_wait3A_721] : memref<80x128xi32, #tpu.memory_space<vmem>> -> memref<1x128xi32, #tpu.memory_space<vmem>>
      %dma_wait3A_723 = tpu.memref_squeeze %dma_wait3A_722 : memref<1x128xi32, #tpu.memory_space<vmem>> -> memref<128xi32, #tpu.memory_space<vmem>>
      %dma_wait3A_724 = arith.constant 0 : i32
      %dma_wait3A_725 = arith.constant 0 : i32
      %dma_wait3A_726 = tpu.memref_slice %arg2[%dma_wait3A_724, %dma_wait3A_725] : memref<10112x16xf32, #tpu.memory_space<hbm>> -> memref<10112x16xf32, #tpu.memory_space<hbm>>
      tpu.wait_indirect_dma semaphore(%arg12 : memref<!tpu.dma_semaphore, #tpu.memory_space<semaphore_mem>>) src(%dma_wait3A_726 : memref<10112x16xf32, #tpu.memory_space<hbm>>) dst(%dma_wait3A_720 : memref<128x16xf32, #tpu.memory_space<vmem>>)
      %dma_wait3A_727 = arith.constant 5 : i32
      %dma_wait3A_728 = arith.constant 13 : i32
      %dma_wait3A_729 = arith.constant 0 : i32
      %dma_wait3A_730 = arith.constant 0 : i32
      %dma_wait3A_731 = tpu.memref_slice %arg10[%dma_wait3A_728, %dma_wait3A_729, %dma_wait3A_730] : memref<16x128x16xf32, #tpu.memory_space<vmem>> -> memref<1x128x16xf32, #tpu.memory_space<vmem>>
      %dma_wait3A_732 = tpu.memref_squeeze %dma_wait3A_731 : memref<1x128x16xf32, #tpu.memory_space<vmem>> -> memref<128x16xf32, #tpu.memory_space<vmem>>
      %dma_wait3A_733 = arith.constant 0 : i32
      %dma_wait3A_734 = tpu.memref_slice %arg8[%dma_wait3A_727, %dma_wait3A_733] : memref<80x128xi32, #tpu.memory_space<vmem>> -> memref<1x128xi32, #tpu.memory_space<vmem>>
      %dma_wait3A_735 = tpu.memref_squeeze %dma_wait3A_734 : memref<1x128xi32, #tpu.memory_space<vmem>> -> memref<128xi32, #tpu.memory_space<vmem>>
      %dma_wait3A_736 = arith.constant 0 : i32
      %dma_wait3A_737 = arith.constant 0 : i32
      %dma_wait3A_738 = tpu.memref_slice %arg2[%dma_wait3A_736, %dma_wait3A_737] : memref<10112x16xf32, #tpu.memory_space<hbm>> -> memref<10112x16xf32, #tpu.memory_space<hbm>>
      tpu.wait_indirect_dma semaphore(%arg12 : memref<!tpu.dma_semaphore, #tpu.memory_space<semaphore_mem>>) src(%dma_wait3A_738 : memref<10112x16xf32, #tpu.memory_space<hbm>>) dst(%dma_wait3A_732 : memref<128x16xf32, #tpu.memory_space<vmem>>)
      %dma_wait3A_739 = arith.constant 6 : i32
      %dma_wait3A_740 = arith.constant 14 : i32
      %dma_wait3A_741 = arith.constant 0 : i32
      %dma_wait3A_742 = arith.constant 0 : i32
      %dma_wait3A_743 = tpu.memref_slice %arg10[%dma_wait3A_740, %dma_wait3A_741, %dma_wait3A_742] : memref<16x128x16xf32, #tpu.memory_space<vmem>> -> memref<1x128x16xf32, #tpu.memory_space<vmem>>
      %dma_wait3A_744 = tpu.memref_squeeze %dma_wait3A_743 : memref<1x128x16xf32, #tpu.memory_space<vmem>> -> memref<128x16xf32, #tpu.memory_space<vmem>>
      %dma_wait3A_745 = arith.constant 0 : i32
      %dma_wait3A_746 = tpu.memref_slice %arg8[%dma_wait3A_739, %dma_wait3A_745] : memref<80x128xi32, #tpu.memory_space<vmem>> -> memref<1x128xi32, #tpu.memory_space<vmem>>
      %dma_wait3A_747 = tpu.memref_squeeze %dma_wait3A_746 : memref<1x128xi32, #tpu.memory_space<vmem>> -> memref<128xi32, #tpu.memory_space<vmem>>
      %dma_wait3A_748 = arith.constant 0 : i32
      %dma_wait3A_749 = arith.constant 0 : i32
      %dma_wait3A_750 = tpu.memref_slice %arg2[%dma_wait3A_748, %dma_wait3A_749] : memref<10112x16xf32, #tpu.memory_space<hbm>> -> memref<10112x16xf32, #tpu.memory_space<hbm>>
      tpu.wait_indirect_dma semaphore(%arg12 : memref<!tpu.dma_semaphore, #tpu.memory_space<semaphore_mem>>) src(%dma_wait3A_750 : memref<10112x16xf32, #tpu.memory_space<hbm>>) dst(%dma_wait3A_744 : memref<128x16xf32, #tpu.memory_space<vmem>>)
      %dma_wait3A_751 = arith.constant 7 : i32
      %dma_wait3A_752 = arith.constant 15 : i32
      %dma_wait3A_753 = arith.constant 0 : i32
      %dma_wait3A_754 = arith.constant 0 : i32
      %dma_wait3A_755 = tpu.memref_slice %arg10[%dma_wait3A_752, %dma_wait3A_753, %dma_wait3A_754] : memref<16x128x16xf32, #tpu.memory_space<vmem>> -> memref<1x128x16xf32, #tpu.memory_space<vmem>>
      %dma_wait3A_756 = tpu.memref_squeeze %dma_wait3A_755 : memref<1x128x16xf32, #tpu.memory_space<vmem>> -> memref<128x16xf32, #tpu.memory_space<vmem>>
      %dma_wait3A_757 = arith.constant 0 : i32
      %dma_wait3A_758 = tpu.memref_slice %arg8[%dma_wait3A_751, %dma_wait3A_757] : memref<80x128xi32, #tpu.memory_space<vmem>> -> memref<1x128xi32, #tpu.memory_space<vmem>>
      %dma_wait3A_759 = tpu.memref_squeeze %dma_wait3A_758 : memref<1x128xi32, #tpu.memory_space<vmem>> -> memref<128xi32, #tpu.memory_space<vmem>>
      %dma_wait3A_760 = arith.constant 0 : i32
      %dma_wait3A_761 = arith.constant 0 : i32
      %dma_wait3A_762 = tpu.memref_slice %arg2[%dma_wait3A_760, %dma_wait3A_761] : memref<10112x16xf32, #tpu.memory_space<hbm>> -> memref<10112x16xf32, #tpu.memory_space<hbm>>
      tpu.wait_indirect_dma semaphore(%arg12 : memref<!tpu.dma_semaphore, #tpu.memory_space<semaphore_mem>>) src(%dma_wait3A_762 : memref<10112x16xf32, #tpu.memory_space<hbm>>) dst(%dma_wait3A_756 : memref<128x16xf32, #tpu.memory_space<vmem>>)
      %add3A_763 = arith.constant 0 : i32
      %add3A_764 = arith.addi %add3A_251, %add3A_763 : i32
      %dma_start3A_765 = arith.constant 8 : i32
      %dma_start3A_766 = arith.constant 0 : i32
      %dma_start3A_767 = arith.constant 0 : i32
      %dma_start3A_768 = tpu.memref_slice %arg10[%dma_start3A_765, %dma_start3A_766, %dma_start3A_767] : memref<16x128x16xf32, #tpu.memory_space<vmem>> -> memref<1x128x16xf32, #tpu.memory_space<vmem>>
      %dma_start3A_769 = tpu.memref_squeeze %dma_start3A_768 : memref<1x128x16xf32, #tpu.memory_space<vmem>> -> memref<128x16xf32, #tpu.memory_space<vmem>>
      %dma_start3A_770 = arith.constant 0 : i32
      %dma_start3A_771 = tpu.memref_slice %arg9[%add3A_764, %dma_start3A_770] : memref<80x128xi32, #tpu.memory_space<vmem>> -> memref<1x128xi32, #tpu.memory_space<vmem>>
      %dma_start3A_772 = tpu.memref_squeeze %dma_start3A_771 : memref<1x128xi32, #tpu.memory_space<vmem>> -> memref<128xi32, #tpu.memory_space<vmem>>
      %dma_start3A_773 = arith.constant 0 : i32
      %dma_start3A_774 = arith.constant 0 : i32
      %dma_start3A_775 = tpu.memref_slice %arg7[%dma_start3A_773, %dma_start3A_774] : memref<10112x16xf32, #tpu.memory_space<vmem_shared>> -> memref<10112x16xf32, #tpu.memory_space<vmem_shared>>
      tpu.enqueue_indirect_dma source(%dma_start3A_769 : memref<128x16xf32, #tpu.memory_space<vmem>>) target(%dma_start3A_775 : memref<10112x16xf32, #tpu.memory_space<vmem_shared>>) offsets(%dma_start3A_772 : memref<128xi32, #tpu.memory_space<vmem>>) semaphore(%arg14 : memref<!tpu.dma_semaphore, #tpu.memory_space<semaphore_mem>>) {add = true}
      %add3A_776 = arith.constant 1 : i32
      %add3A_777 = arith.addi %add3A_251, %add3A_776 : i32
      %dma_start3A_778 = arith.constant 9 : i32
      %dma_start3A_779 = arith.constant 0 : i32
      %dma_start3A_780 = arith.constant 0 : i32
      %dma_start3A_781 = tpu.memref_slice %arg10[%dma_start3A_778, %dma_start3A_779, %dma_start3A_780] : memref<16x128x16xf32, #tpu.memory_space<vmem>> -> memref<1x128x16xf32, #tpu.memory_space<vmem>>
      %dma_start3A_782 = tpu.memref_squeeze %dma_start3A_781 : memref<1x128x16xf32, #tpu.memory_space<vmem>> -> memref<128x16xf32, #tpu.memory_space<vmem>>
      %dma_start3A_783 = arith.constant 0 : i32
      %dma_start3A_784 = tpu.memref_slice %arg9[%add3A_777, %dma_start3A_783] : memref<80x128xi32, #tpu.memory_space<vmem>> -> memref<1x128xi32, #tpu.memory_space<vmem>>
      %dma_start3A_785 = tpu.memref_squeeze %dma_start3A_784 : memref<1x128xi32, #tpu.memory_space<vmem>> -> memref<128xi32, #tpu.memory_space<vmem>>
      %dma_start3A_786 = arith.constant 0 : i32
      %dma_start3A_787 = arith.constant 0 : i32
      %dma_start3A_788 = tpu.memref_slice %arg7[%dma_start3A_786, %dma_start3A_787] : memref<10112x16xf32, #tpu.memory_space<vmem_shared>> -> memref<10112x16xf32, #tpu.memory_space<vmem_shared>>
      tpu.enqueue_indirect_dma source(%dma_start3A_782 : memref<128x16xf32, #tpu.memory_space<vmem>>) target(%dma_start3A_788 : memref<10112x16xf32, #tpu.memory_space<vmem_shared>>) offsets(%dma_start3A_785 : memref<128xi32, #tpu.memory_space<vmem>>) semaphore(%arg14 : memref<!tpu.dma_semaphore, #tpu.memory_space<semaphore_mem>>) {add = true}
      %add3A_789 = arith.constant 2 : i32
      %add3A_790 = arith.addi %add3A_251, %add3A_789 : i32
      %dma_start3A_791 = arith.constant 10 : i32
      %dma_start3A_792 = arith.constant 0 : i32
      %dma_start3A_793 = arith.constant 0 : i32
      %dma_start3A_794 = tpu.memref_slice %arg10[%dma_start3A_791, %dma_start3A_792, %dma_start3A_793] : memref<16x128x16xf32, #tpu.memory_space<vmem>> -> memref<1x128x16xf32, #tpu.memory_space<vmem>>
      %dma_start3A_795 = tpu.memref_squeeze %dma_start3A_794 : memref<1x128x16xf32, #tpu.memory_space<vmem>> -> memref<128x16xf32, #tpu.memory_space<vmem>>
      %dma_start3A_796 = arith.constant 0 : i32
      %dma_start3A_797 = tpu.memref_slice %arg9[%add3A_790, %dma_start3A_796] : memref<80x128xi32, #tpu.memory_space<vmem>> -> memref<1x128xi32, #tpu.memory_space<vmem>>
      %dma_start3A_798 = tpu.memref_squeeze %dma_start3A_797 : memref<1x128xi32, #tpu.memory_space<vmem>> -> memref<128xi32, #tpu.memory_space<vmem>>
      %dma_start3A_799 = arith.constant 0 : i32
      %dma_start3A_800 = arith.constant 0 : i32
      %dma_start3A_801 = tpu.memref_slice %arg7[%dma_start3A_799, %dma_start3A_800] : memref<10112x16xf32, #tpu.memory_space<vmem_shared>> -> memref<10112x16xf32, #tpu.memory_space<vmem_shared>>
      tpu.enqueue_indirect_dma source(%dma_start3A_795 : memref<128x16xf32, #tpu.memory_space<vmem>>) target(%dma_start3A_801 : memref<10112x16xf32, #tpu.memory_space<vmem_shared>>) offsets(%dma_start3A_798 : memref<128xi32, #tpu.memory_space<vmem>>) semaphore(%arg14 : memref<!tpu.dma_semaphore, #tpu.memory_space<semaphore_mem>>) {add = true}
      %add3A_802 = arith.constant 3 : i32
      %add3A_803 = arith.addi %add3A_251, %add3A_802 : i32
      %dma_start3A_804 = arith.constant 11 : i32
      %dma_start3A_805 = arith.constant 0 : i32
      %dma_start3A_806 = arith.constant 0 : i32
      %dma_start3A_807 = tpu.memref_slice %arg10[%dma_start3A_804, %dma_start3A_805, %dma_start3A_806] : memref<16x128x16xf32, #tpu.memory_space<vmem>> -> memref<1x128x16xf32, #tpu.memory_space<vmem>>
      %dma_start3A_808 = tpu.memref_squeeze %dma_start3A_807 : memref<1x128x16xf32, #tpu.memory_space<vmem>> -> memref<128x16xf32, #tpu.memory_space<vmem>>
      %dma_start3A_809 = arith.constant 0 : i32
      %dma_start3A_810 = tpu.memref_slice %arg9[%add3A_803, %dma_start3A_809] : memref<80x128xi32, #tpu.memory_space<vmem>> -> memref<1x128xi32, #tpu.memory_space<vmem>>
      %dma_start3A_811 = tpu.memref_squeeze %dma_start3A_810 : memref<1x128xi32, #tpu.memory_space<vmem>> -> memref<128xi32, #tpu.memory_space<vmem>>
      %dma_start3A_812 = arith.constant 0 : i32
      %dma_start3A_813 = arith.constant 0 : i32
      %dma_start3A_814 = tpu.memref_slice %arg7[%dma_start3A_812, %dma_start3A_813] : memref<10112x16xf32, #tpu.memory_space<vmem_shared>> -> memref<10112x16xf32, #tpu.memory_space<vmem_shared>>
      tpu.enqueue_indirect_dma source(%dma_start3A_808 : memref<128x16xf32, #tpu.memory_space<vmem>>) target(%dma_start3A_814 : memref<10112x16xf32, #tpu.memory_space<vmem_shared>>) offsets(%dma_start3A_811 : memref<128xi32, #tpu.memory_space<vmem>>) semaphore(%arg14 : memref<!tpu.dma_semaphore, #tpu.memory_space<semaphore_mem>>) {add = true}
      %add3A_815 = arith.constant 4 : i32
      %add3A_816 = arith.addi %add3A_251, %add3A_815 : i32
      %dma_start3A_817 = arith.constant 12 : i32
      %dma_start3A_818 = arith.constant 0 : i32
      %dma_start3A_819 = arith.constant 0 : i32
      %dma_start3A_820 = tpu.memref_slice %arg10[%dma_start3A_817, %dma_start3A_818, %dma_start3A_819] : memref<16x128x16xf32, #tpu.memory_space<vmem>> -> memref<1x128x16xf32, #tpu.memory_space<vmem>>
      %dma_start3A_821 = tpu.memref_squeeze %dma_start3A_820 : memref<1x128x16xf32, #tpu.memory_space<vmem>> -> memref<128x16xf32, #tpu.memory_space<vmem>>
      %dma_start3A_822 = arith.constant 0 : i32
      %dma_start3A_823 = tpu.memref_slice %arg9[%add3A_816, %dma_start3A_822] : memref<80x128xi32, #tpu.memory_space<vmem>> -> memref<1x128xi32, #tpu.memory_space<vmem>>
      %dma_start3A_824 = tpu.memref_squeeze %dma_start3A_823 : memref<1x128xi32, #tpu.memory_space<vmem>> -> memref<128xi32, #tpu.memory_space<vmem>>
      %dma_start3A_825 = arith.constant 0 : i32
      %dma_start3A_826 = arith.constant 0 : i32
      %dma_start3A_827 = tpu.memref_slice %arg7[%dma_start3A_825, %dma_start3A_826] : memref<10112x16xf32, #tpu.memory_space<vmem_shared>> -> memref<10112x16xf32, #tpu.memory_space<vmem_shared>>
      tpu.enqueue_indirect_dma source(%dma_start3A_821 : memref<128x16xf32, #tpu.memory_space<vmem>>) target(%dma_start3A_827 : memref<10112x16xf32, #tpu.memory_space<vmem_shared>>) offsets(%dma_start3A_824 : memref<128xi32, #tpu.memory_space<vmem>>) semaphore(%arg14 : memref<!tpu.dma_semaphore, #tpu.memory_space<semaphore_mem>>) {add = true}
      %add3A_828 = arith.constant 5 : i32
      %add3A_829 = arith.addi %add3A_251, %add3A_828 : i32
      %dma_start3A_830 = arith.constant 13 : i32
      %dma_start3A_831 = arith.constant 0 : i32
      %dma_start3A_832 = arith.constant 0 : i32
      %dma_start3A_833 = tpu.memref_slice %arg10[%dma_start3A_830, %dma_start3A_831, %dma_start3A_832] : memref<16x128x16xf32, #tpu.memory_space<vmem>> -> memref<1x128x16xf32, #tpu.memory_space<vmem>>
      %dma_start3A_834 = tpu.memref_squeeze %dma_start3A_833 : memref<1x128x16xf32, #tpu.memory_space<vmem>> -> memref<128x16xf32, #tpu.memory_space<vmem>>
      %dma_start3A_835 = arith.constant 0 : i32
      %dma_start3A_836 = tpu.memref_slice %arg9[%add3A_829, %dma_start3A_835] : memref<80x128xi32, #tpu.memory_space<vmem>> -> memref<1x128xi32, #tpu.memory_space<vmem>>
      %dma_start3A_837 = tpu.memref_squeeze %dma_start3A_836 : memref<1x128xi32, #tpu.memory_space<vmem>> -> memref<128xi32, #tpu.memory_space<vmem>>
      %dma_start3A_838 = arith.constant 0 : i32
      %dma_start3A_839 = arith.constant 0 : i32
      %dma_start3A_840 = tpu.memref_slice %arg7[%dma_start3A_838, %dma_start3A_839] : memref<10112x16xf32, #tpu.memory_space<vmem_shared>> -> memref<10112x16xf32, #tpu.memory_space<vmem_shared>>
      tpu.enqueue_indirect_dma source(%dma_start3A_834 : memref<128x16xf32, #tpu.memory_space<vmem>>) target(%dma_start3A_840 : memref<10112x16xf32, #tpu.memory_space<vmem_shared>>) offsets(%dma_start3A_837 : memref<128xi32, #tpu.memory_space<vmem>>) semaphore(%arg14 : memref<!tpu.dma_semaphore, #tpu.memory_space<semaphore_mem>>) {add = true}
      %add3A_841 = arith.constant 6 : i32
      %add3A_842 = arith.addi %add3A_251, %add3A_841 : i32
      %dma_start3A_843 = arith.constant 14 : i32
      %dma_start3A_844 = arith.constant 0 : i32
      %dma_start3A_845 = arith.constant 0 : i32
      %dma_start3A_846 = tpu.memref_slice %arg10[%dma_start3A_843, %dma_start3A_844, %dma_start3A_845] : memref<16x128x16xf32, #tpu.memory_space<vmem>> -> memref<1x128x16xf32, #tpu.memory_space<vmem>>
      %dma_start3A_847 = tpu.memref_squeeze %dma_start3A_846 : memref<1x128x16xf32, #tpu.memory_space<vmem>> -> memref<128x16xf32, #tpu.memory_space<vmem>>
      %dma_start3A_848 = arith.constant 0 : i32
      %dma_start3A_849 = tpu.memref_slice %arg9[%add3A_842, %dma_start3A_848] : memref<80x128xi32, #tpu.memory_space<vmem>> -> memref<1x128xi32, #tpu.memory_space<vmem>>
      %dma_start3A_850 = tpu.memref_squeeze %dma_start3A_849 : memref<1x128xi32, #tpu.memory_space<vmem>> -> memref<128xi32, #tpu.memory_space<vmem>>
      %dma_start3A_851 = arith.constant 0 : i32
      %dma_start3A_852 = arith.constant 0 : i32
      %dma_start3A_853 = tpu.memref_slice %arg7[%dma_start3A_851, %dma_start3A_852] : memref<10112x16xf32, #tpu.memory_space<vmem_shared>> -> memref<10112x16xf32, #tpu.memory_space<vmem_shared>>
      tpu.enqueue_indirect_dma source(%dma_start3A_847 : memref<128x16xf32, #tpu.memory_space<vmem>>) target(%dma_start3A_853 : memref<10112x16xf32, #tpu.memory_space<vmem_shared>>) offsets(%dma_start3A_850 : memref<128xi32, #tpu.memory_space<vmem>>) semaphore(%arg14 : memref<!tpu.dma_semaphore, #tpu.memory_space<semaphore_mem>>) {add = true}
      %add3A_854 = arith.constant 7 : i32
      %add3A_855 = arith.addi %add3A_251, %add3A_854 : i32
      %dma_start3A_856 = arith.constant 15 : i32
      %dma_start3A_857 = arith.constant 0 : i32
      %dma_start3A_858 = arith.constant 0 : i32
      %dma_start3A_859 = tpu.memref_slice %arg10[%dma_start3A_856, %dma_start3A_857, %dma_start3A_858] : memref<16x128x16xf32, #tpu.memory_space<vmem>> -> memref<1x128x16xf32, #tpu.memory_space<vmem>>
      %dma_start3A_860 = tpu.memref_squeeze %dma_start3A_859 : memref<1x128x16xf32, #tpu.memory_space<vmem>> -> memref<128x16xf32, #tpu.memory_space<vmem>>
      %dma_start3A_861 = arith.constant 0 : i32
      %dma_start3A_862 = tpu.memref_slice %arg9[%add3A_855, %dma_start3A_861] : memref<80x128xi32, #tpu.memory_space<vmem>> -> memref<1x128xi32, #tpu.memory_space<vmem>>
      %dma_start3A_863 = tpu.memref_squeeze %dma_start3A_862 : memref<1x128xi32, #tpu.memory_space<vmem>> -> memref<128xi32, #tpu.memory_space<vmem>>
      %dma_start3A_864 = arith.constant 0 : i32
      %dma_start3A_865 = arith.constant 0 : i32
      %dma_start3A_866 = tpu.memref_slice %arg7[%dma_start3A_864, %dma_start3A_865] : memref<10112x16xf32, #tpu.memory_space<vmem_shared>> -> memref<10112x16xf32, #tpu.memory_space<vmem_shared>>
      tpu.enqueue_indirect_dma source(%dma_start3A_860 : memref<128x16xf32, #tpu.memory_space<vmem>>) target(%dma_start3A_866 : memref<10112x16xf32, #tpu.memory_space<vmem_shared>>) offsets(%dma_start3A_863 : memref<128xi32, #tpu.memory_space<vmem>>) semaphore(%arg14 : memref<!tpu.dma_semaphore, #tpu.memory_space<semaphore_mem>>) {add = true}
    }
    %scan3A_47 = arith.constant 5 : i32
    %dma_wait3A_48 = arith.constant 0 : i32
    %dma_wait3A_49 = arith.constant 0 : i32
    %dma_wait3A_50 = arith.constant 0 : i32
    %dma_wait3A_51 = arith.constant 0 : i32
    %dma_wait3A_52 = tpu.memref_slice %arg10[%dma_wait3A_48, %dma_wait3A_50, %dma_wait3A_51] : memref<16x128x16xf32, #tpu.memory_space<vmem>> -> memref<1x128x16xf32, #tpu.memory_space<vmem>>
    %dma_wait3A_53 = tpu.memref_squeeze %dma_wait3A_52 : memref<1x128x16xf32, #tpu.memory_space<vmem>> -> memref<128x16xf32, #tpu.memory_space<vmem>>
    %dma_wait3A_54 = arith.constant 0 : i32
    %dma_wait3A_55 = tpu.memref_slice %arg9[%dma_wait3A_49, %dma_wait3A_54] : memref<80x128xi32, #tpu.memory_space<vmem>> -> memref<1x128xi32, #tpu.memory_space<vmem>>
    %dma_wait3A_56 = tpu.memref_squeeze %dma_wait3A_55 : memref<1x128xi32, #tpu.memory_space<vmem>> -> memref<128xi32, #tpu.memory_space<vmem>>
    %dma_wait3A_57 = arith.constant 0 : i32
    %dma_wait3A_58 = arith.constant 0 : i32
    %dma_wait3A_59 = tpu.memref_slice %arg7[%dma_wait3A_57, %dma_wait3A_58] : memref<10112x16xf32, #tpu.memory_space<vmem_shared>> -> memref<10112x16xf32, #tpu.memory_space<vmem_shared>>
    tpu.wait_indirect_dma semaphore(%arg13 : memref<!tpu.dma_semaphore, #tpu.memory_space<semaphore_mem>>) src(%dma_wait3A_53 : memref<128x16xf32, #tpu.memory_space<vmem>>) dst(%dma_wait3A_59 : memref<10112x16xf32, #tpu.memory_space<vmem_shared>>)
    %dma_wait3A_60 = arith.constant 1 : i32
    %dma_wait3A_61 = arith.constant 1 : i32
    %dma_wait3A_62 = arith.constant 0 : i32
    %dma_wait3A_63 = arith.constant 0 : i32
    %dma_wait3A_64 = tpu.memref_slice %arg10[%dma_wait3A_60, %dma_wait3A_62, %dma_wait3A_63] : memref<16x128x16xf32, #tpu.memory_space<vmem>> -> memref<1x128x16xf32, #tpu.memory_space<vmem>>
    %dma_wait3A_65 = tpu.memref_squeeze %dma_wait3A_64 : memref<1x128x16xf32, #tpu.memory_space<vmem>> -> memref<128x16xf32, #tpu.memory_space<vmem>>
    %dma_wait3A_66 = arith.constant 0 : i32
    %dma_wait3A_67 = tpu.memref_slice %arg9[%dma_wait3A_61, %dma_wait3A_66] : memref<80x128xi32, #tpu.memory_space<vmem>> -> memref<1x128xi32, #tpu.memory_space<vmem>>
    %dma_wait3A_68 = tpu.memref_squeeze %dma_wait3A_67 : memref<1x128xi32, #tpu.memory_space<vmem>> -> memref<128xi32, #tpu.memory_space<vmem>>
    %dma_wait3A_69 = arith.constant 0 : i32
    %dma_wait3A_70 = arith.constant 0 : i32
    %dma_wait3A_71 = tpu.memref_slice %arg7[%dma_wait3A_69, %dma_wait3A_70] : memref<10112x16xf32, #tpu.memory_space<vmem_shared>> -> memref<10112x16xf32, #tpu.memory_space<vmem_shared>>
    tpu.wait_indirect_dma semaphore(%arg13 : memref<!tpu.dma_semaphore, #tpu.memory_space<semaphore_mem>>) src(%dma_wait3A_65 : memref<128x16xf32, #tpu.memory_space<vmem>>) dst(%dma_wait3A_71 : memref<10112x16xf32, #tpu.memory_space<vmem_shared>>)
    %dma_wait3A_72 = arith.constant 2 : i32
    %dma_wait3A_73 = arith.constant 2 : i32
    %dma_wait3A_74 = arith.constant 0 : i32
    %dma_wait3A_75 = arith.constant 0 : i32
    %dma_wait3A_76 = tpu.memref_slice %arg10[%dma_wait3A_72, %dma_wait3A_74, %dma_wait3A_75] : memref<16x128x16xf32, #tpu.memory_space<vmem>> -> memref<1x128x16xf32, #tpu.memory_space<vmem>>
    %dma_wait3A_77 = tpu.memref_squeeze %dma_wait3A_76 : memref<1x128x16xf32, #tpu.memory_space<vmem>> -> memref<128x16xf32, #tpu.memory_space<vmem>>
    %dma_wait3A_78 = arith.constant 0 : i32
    %dma_wait3A_79 = tpu.memref_slice %arg9[%dma_wait3A_73, %dma_wait3A_78] : memref<80x128xi32, #tpu.memory_space<vmem>> -> memref<1x128xi32, #tpu.memory_space<vmem>>
    %dma_wait3A_80 = tpu.memref_squeeze %dma_wait3A_79 : memref<1x128xi32, #tpu.memory_space<vmem>> -> memref<128xi32, #tpu.memory_space<vmem>>
    %dma_wait3A_81 = arith.constant 0 : i32
    %dma_wait3A_82 = arith.constant 0 : i32
    %dma_wait3A_83 = tpu.memref_slice %arg7[%dma_wait3A_81, %dma_wait3A_82] : memref<10112x16xf32, #tpu.memory_space<vmem_shared>> -> memref<10112x16xf32, #tpu.memory_space<vmem_shared>>
    tpu.wait_indirect_dma semaphore(%arg13 : memref<!tpu.dma_semaphore, #tpu.memory_space<semaphore_mem>>) src(%dma_wait3A_77 : memref<128x16xf32, #tpu.memory_space<vmem>>) dst(%dma_wait3A_83 : memref<10112x16xf32, #tpu.memory_space<vmem_shared>>)
    %dma_wait3A_84 = arith.constant 3 : i32
    %dma_wait3A_85 = arith.constant 3 : i32
    %dma_wait3A_86 = arith.constant 0 : i32
    %dma_wait3A_87 = arith.constant 0 : i32
    %dma_wait3A_88 = tpu.memref_slice %arg10[%dma_wait3A_84, %dma_wait3A_86, %dma_wait3A_87] : memref<16x128x16xf32, #tpu.memory_space<vmem>> -> memref<1x128x16xf32, #tpu.memory_space<vmem>>
    %dma_wait3A_89 = tpu.memref_squeeze %dma_wait3A_88 : memref<1x128x16xf32, #tpu.memory_space<vmem>> -> memref<128x16xf32, #tpu.memory_space<vmem>>
    %dma_wait3A_90 = arith.constant 0 : i32
    %dma_wait3A_91 = tpu.memref_slice %arg9[%dma_wait3A_85, %dma_wait3A_90] : memref<80x128xi32, #tpu.memory_space<vmem>> -> memref<1x128xi32, #tpu.memory_space<vmem>>
    %dma_wait3A_92 = tpu.memref_squeeze %dma_wait3A_91 : memref<1x128xi32, #tpu.memory_space<vmem>> -> memref<128xi32, #tpu.memory_space<vmem>>
    %dma_wait3A_93 = arith.constant 0 : i32
    %dma_wait3A_94 = arith.constant 0 : i32
    %dma_wait3A_95 = tpu.memref_slice %arg7[%dma_wait3A_93, %dma_wait3A_94] : memref<10112x16xf32, #tpu.memory_space<vmem_shared>> -> memref<10112x16xf32, #tpu.memory_space<vmem_shared>>
    tpu.wait_indirect_dma semaphore(%arg13 : memref<!tpu.dma_semaphore, #tpu.memory_space<semaphore_mem>>) src(%dma_wait3A_89 : memref<128x16xf32, #tpu.memory_space<vmem>>) dst(%dma_wait3A_95 : memref<10112x16xf32, #tpu.memory_space<vmem_shared>>)
    %dma_wait3A_96 = arith.constant 4 : i32
    %dma_wait3A_97 = arith.constant 4 : i32
    %dma_wait3A_98 = arith.constant 0 : i32
    %dma_wait3A_99 = arith.constant 0 : i32
    %dma_wait3A_100 = tpu.memref_slice %arg10[%dma_wait3A_96, %dma_wait3A_98, %dma_wait3A_99] : memref<16x128x16xf32, #tpu.memory_space<vmem>> -> memref<1x128x16xf32, #tpu.memory_space<vmem>>
    %dma_wait3A_101 = tpu.memref_squeeze %dma_wait3A_100 : memref<1x128x16xf32, #tpu.memory_space<vmem>> -> memref<128x16xf32, #tpu.memory_space<vmem>>
    %dma_wait3A_102 = arith.constant 0 : i32
    %dma_wait3A_103 = tpu.memref_slice %arg9[%dma_wait3A_97, %dma_wait3A_102] : memref<80x128xi32, #tpu.memory_space<vmem>> -> memref<1x128xi32, #tpu.memory_space<vmem>>
    %dma_wait3A_104 = tpu.memref_squeeze %dma_wait3A_103 : memref<1x128xi32, #tpu.memory_space<vmem>> -> memref<128xi32, #tpu.memory_space<vmem>>
    %dma_wait3A_105 = arith.constant 0 : i32
    %dma_wait3A_106 = arith.constant 0 : i32
    %dma_wait3A_107 = tpu.memref_slice %arg7[%dma_wait3A_105, %dma_wait3A_106] : memref<10112x16xf32, #tpu.memory_space<vmem_shared>> -> memref<10112x16xf32, #tpu.memory_space<vmem_shared>>
    tpu.wait_indirect_dma semaphore(%arg13 : memref<!tpu.dma_semaphore, #tpu.memory_space<semaphore_mem>>) src(%dma_wait3A_101 : memref<128x16xf32, #tpu.memory_space<vmem>>) dst(%dma_wait3A_107 : memref<10112x16xf32, #tpu.memory_space<vmem_shared>>)
    %dma_wait3A_108 = arith.constant 5 : i32
    %dma_wait3A_109 = arith.constant 5 : i32
    %dma_wait3A_110 = arith.constant 0 : i32
    %dma_wait3A_111 = arith.constant 0 : i32
    %dma_wait3A_112 = tpu.memref_slice %arg10[%dma_wait3A_108, %dma_wait3A_110, %dma_wait3A_111] : memref<16x128x16xf32, #tpu.memory_space<vmem>> -> memref<1x128x16xf32, #tpu.memory_space<vmem>>
    %dma_wait3A_113 = tpu.memref_squeeze %dma_wait3A_112 : memref<1x128x16xf32, #tpu.memory_space<vmem>> -> memref<128x16xf32, #tpu.memory_space<vmem>>
    %dma_wait3A_114 = arith.constant 0 : i32
    %dma_wait3A_115 = tpu.memref_slice %arg9[%dma_wait3A_109, %dma_wait3A_114] : memref<80x128xi32, #tpu.memory_space<vmem>> -> memref<1x128xi32, #tpu.memory_space<vmem>>
    %dma_wait3A_116 = tpu.memref_squeeze %dma_wait3A_115 : memref<1x128xi32, #tpu.memory_space<vmem>> -> memref<128xi32, #tpu.memory_space<vmem>>
    %dma_wait3A_117 = arith.constant 0 : i32
    %dma_wait3A_118 = arith.constant 0 : i32
    %dma_wait3A_119 = tpu.memref_slice %arg7[%dma_wait3A_117, %dma_wait3A_118] : memref<10112x16xf32, #tpu.memory_space<vmem_shared>> -> memref<10112x16xf32, #tpu.memory_space<vmem_shared>>
    tpu.wait_indirect_dma semaphore(%arg13 : memref<!tpu.dma_semaphore, #tpu.memory_space<semaphore_mem>>) src(%dma_wait3A_113 : memref<128x16xf32, #tpu.memory_space<vmem>>) dst(%dma_wait3A_119 : memref<10112x16xf32, #tpu.memory_space<vmem_shared>>)
    %dma_wait3A_120 = arith.constant 6 : i32
    %dma_wait3A_121 = arith.constant 6 : i32
    %dma_wait3A_122 = arith.constant 0 : i32
    %dma_wait3A_123 = arith.constant 0 : i32
    %dma_wait3A_124 = tpu.memref_slice %arg10[%dma_wait3A_120, %dma_wait3A_122, %dma_wait3A_123] : memref<16x128x16xf32, #tpu.memory_space<vmem>> -> memref<1x128x16xf32, #tpu.memory_space<vmem>>
    %dma_wait3A_125 = tpu.memref_squeeze %dma_wait3A_124 : memref<1x128x16xf32, #tpu.memory_space<vmem>> -> memref<128x16xf32, #tpu.memory_space<vmem>>
    %dma_wait3A_126 = arith.constant 0 : i32
    %dma_wait3A_127 = tpu.memref_slice %arg9[%dma_wait3A_121, %dma_wait3A_126] : memref<80x128xi32, #tpu.memory_space<vmem>> -> memref<1x128xi32, #tpu.memory_space<vmem>>
    %dma_wait3A_128 = tpu.memref_squeeze %dma_wait3A_127 : memref<1x128xi32, #tpu.memory_space<vmem>> -> memref<128xi32, #tpu.memory_space<vmem>>
    %dma_wait3A_129 = arith.constant 0 : i32
    %dma_wait3A_130 = arith.constant 0 : i32
    %dma_wait3A_131 = tpu.memref_slice %arg7[%dma_wait3A_129, %dma_wait3A_130] : memref<10112x16xf32, #tpu.memory_space<vmem_shared>> -> memref<10112x16xf32, #tpu.memory_space<vmem_shared>>
    tpu.wait_indirect_dma semaphore(%arg13 : memref<!tpu.dma_semaphore, #tpu.memory_space<semaphore_mem>>) src(%dma_wait3A_125 : memref<128x16xf32, #tpu.memory_space<vmem>>) dst(%dma_wait3A_131 : memref<10112x16xf32, #tpu.memory_space<vmem_shared>>)
    %dma_wait3A_132 = arith.constant 7 : i32
    %dma_wait3A_133 = arith.constant 7 : i32
    %dma_wait3A_134 = arith.constant 0 : i32
    %dma_wait3A_135 = arith.constant 0 : i32
    %dma_wait3A_136 = tpu.memref_slice %arg10[%dma_wait3A_132, %dma_wait3A_134, %dma_wait3A_135] : memref<16x128x16xf32, #tpu.memory_space<vmem>> -> memref<1x128x16xf32, #tpu.memory_space<vmem>>
    %dma_wait3A_137 = tpu.memref_squeeze %dma_wait3A_136 : memref<1x128x16xf32, #tpu.memory_space<vmem>> -> memref<128x16xf32, #tpu.memory_space<vmem>>
    %dma_wait3A_138 = arith.constant 0 : i32
    %dma_wait3A_139 = tpu.memref_slice %arg9[%dma_wait3A_133, %dma_wait3A_138] : memref<80x128xi32, #tpu.memory_space<vmem>> -> memref<1x128xi32, #tpu.memory_space<vmem>>
    %dma_wait3A_140 = tpu.memref_squeeze %dma_wait3A_139 : memref<1x128xi32, #tpu.memory_space<vmem>> -> memref<128xi32, #tpu.memory_space<vmem>>
    %dma_wait3A_141 = arith.constant 0 : i32
    %dma_wait3A_142 = arith.constant 0 : i32
    %dma_wait3A_143 = tpu.memref_slice %arg7[%dma_wait3A_141, %dma_wait3A_142] : memref<10112x16xf32, #tpu.memory_space<vmem_shared>> -> memref<10112x16xf32, #tpu.memory_space<vmem_shared>>
    tpu.wait_indirect_dma semaphore(%arg13 : memref<!tpu.dma_semaphore, #tpu.memory_space<semaphore_mem>>) src(%dma_wait3A_137 : memref<128x16xf32, #tpu.memory_space<vmem>>) dst(%dma_wait3A_143 : memref<10112x16xf32, #tpu.memory_space<vmem_shared>>)
    %dma_wait3A_144 = arith.constant 8 : i32
    %dma_wait3A_145 = arith.constant 0 : i32
    %dma_wait3A_146 = arith.constant 0 : i32
    %dma_wait3A_147 = arith.constant 0 : i32
    %dma_wait3A_148 = tpu.memref_slice %arg10[%dma_wait3A_144, %dma_wait3A_146, %dma_wait3A_147] : memref<16x128x16xf32, #tpu.memory_space<vmem>> -> memref<1x128x16xf32, #tpu.memory_space<vmem>>
    %dma_wait3A_149 = tpu.memref_squeeze %dma_wait3A_148 : memref<1x128x16xf32, #tpu.memory_space<vmem>> -> memref<128x16xf32, #tpu.memory_space<vmem>>
    %dma_wait3A_150 = arith.constant 0 : i32
    %dma_wait3A_151 = tpu.memref_slice %arg9[%dma_wait3A_145, %dma_wait3A_150] : memref<80x128xi32, #tpu.memory_space<vmem>> -> memref<1x128xi32, #tpu.memory_space<vmem>>
    %dma_wait3A_152 = tpu.memref_squeeze %dma_wait3A_151 : memref<1x128xi32, #tpu.memory_space<vmem>> -> memref<128xi32, #tpu.memory_space<vmem>>
    %dma_wait3A_153 = arith.constant 0 : i32
    %dma_wait3A_154 = arith.constant 0 : i32
    %dma_wait3A_155 = tpu.memref_slice %arg7[%dma_wait3A_153, %dma_wait3A_154] : memref<10112x16xf32, #tpu.memory_space<vmem_shared>> -> memref<10112x16xf32, #tpu.memory_space<vmem_shared>>
    tpu.wait_indirect_dma semaphore(%arg14 : memref<!tpu.dma_semaphore, #tpu.memory_space<semaphore_mem>>) src(%dma_wait3A_149 : memref<128x16xf32, #tpu.memory_space<vmem>>) dst(%dma_wait3A_155 : memref<10112x16xf32, #tpu.memory_space<vmem_shared>>)
    %dma_wait3A_156 = arith.constant 9 : i32
    %dma_wait3A_157 = arith.constant 1 : i32
    %dma_wait3A_158 = arith.constant 0 : i32
    %dma_wait3A_159 = arith.constant 0 : i32
    %dma_wait3A_160 = tpu.memref_slice %arg10[%dma_wait3A_156, %dma_wait3A_158, %dma_wait3A_159] : memref<16x128x16xf32, #tpu.memory_space<vmem>> -> memref<1x128x16xf32, #tpu.memory_space<vmem>>
    %dma_wait3A_161 = tpu.memref_squeeze %dma_wait3A_160 : memref<1x128x16xf32, #tpu.memory_space<vmem>> -> memref<128x16xf32, #tpu.memory_space<vmem>>
    %dma_wait3A_162 = arith.constant 0 : i32
    %dma_wait3A_163 = tpu.memref_slice %arg9[%dma_wait3A_157, %dma_wait3A_162] : memref<80x128xi32, #tpu.memory_space<vmem>> -> memref<1x128xi32, #tpu.memory_space<vmem>>
    %dma_wait3A_164 = tpu.memref_squeeze %dma_wait3A_163 : memref<1x128xi32, #tpu.memory_space<vmem>> -> memref<128xi32, #tpu.memory_space<vmem>>
    %dma_wait3A_165 = arith.constant 0 : i32
    %dma_wait3A_166 = arith.constant 0 : i32
    %dma_wait3A_167 = tpu.memref_slice %arg7[%dma_wait3A_165, %dma_wait3A_166] : memref<10112x16xf32, #tpu.memory_space<vmem_shared>> -> memref<10112x16xf32, #tpu.memory_space<vmem_shared>>
    tpu.wait_indirect_dma semaphore(%arg14 : memref<!tpu.dma_semaphore, #tpu.memory_space<semaphore_mem>>) src(%dma_wait3A_161 : memref<128x16xf32, #tpu.memory_space<vmem>>) dst(%dma_wait3A_167 : memref<10112x16xf32, #tpu.memory_space<vmem_shared>>)
    %dma_wait3A_168 = arith.constant 10 : i32
    %dma_wait3A_169 = arith.constant 2 : i32
    %dma_wait3A_170 = arith.constant 0 : i32
    %dma_wait3A_171 = arith.constant 0 : i32
    %dma_wait3A_172 = tpu.memref_slice %arg10[%dma_wait3A_168, %dma_wait3A_170, %dma_wait3A_171] : memref<16x128x16xf32, #tpu.memory_space<vmem>> -> memref<1x128x16xf32, #tpu.memory_space<vmem>>
    %dma_wait3A_173 = tpu.memref_squeeze %dma_wait3A_172 : memref<1x128x16xf32, #tpu.memory_space<vmem>> -> memref<128x16xf32, #tpu.memory_space<vmem>>
    %dma_wait3A_174 = arith.constant 0 : i32
    %dma_wait3A_175 = tpu.memref_slice %arg9[%dma_wait3A_169, %dma_wait3A_174] : memref<80x128xi32, #tpu.memory_space<vmem>> -> memref<1x128xi32, #tpu.memory_space<vmem>>
    %dma_wait3A_176 = tpu.memref_squeeze %dma_wait3A_175 : memref<1x128xi32, #tpu.memory_space<vmem>> -> memref<128xi32, #tpu.memory_space<vmem>>
    %dma_wait3A_177 = arith.constant 0 : i32
    %dma_wait3A_178 = arith.constant 0 : i32
    %dma_wait3A_179 = tpu.memref_slice %arg7[%dma_wait3A_177, %dma_wait3A_178] : memref<10112x16xf32, #tpu.memory_space<vmem_shared>> -> memref<10112x16xf32, #tpu.memory_space<vmem_shared>>
    tpu.wait_indirect_dma semaphore(%arg14 : memref<!tpu.dma_semaphore, #tpu.memory_space<semaphore_mem>>) src(%dma_wait3A_173 : memref<128x16xf32, #tpu.memory_space<vmem>>) dst(%dma_wait3A_179 : memref<10112x16xf32, #tpu.memory_space<vmem_shared>>)
    %dma_wait3A_180 = arith.constant 11 : i32
    %dma_wait3A_181 = arith.constant 3 : i32
    %dma_wait3A_182 = arith.constant 0 : i32
    %dma_wait3A_183 = arith.constant 0 : i32
    %dma_wait3A_184 = tpu.memref_slice %arg10[%dma_wait3A_180, %dma_wait3A_182, %dma_wait3A_183] : memref<16x128x16xf32, #tpu.memory_space<vmem>> -> memref<1x128x16xf32, #tpu.memory_space<vmem>>
    %dma_wait3A_185 = tpu.memref_squeeze %dma_wait3A_184 : memref<1x128x16xf32, #tpu.memory_space<vmem>> -> memref<128x16xf32, #tpu.memory_space<vmem>>
    %dma_wait3A_186 = arith.constant 0 : i32
    %dma_wait3A_187 = tpu.memref_slice %arg9[%dma_wait3A_181, %dma_wait3A_186] : memref<80x128xi32, #tpu.memory_space<vmem>> -> memref<1x128xi32, #tpu.memory_space<vmem>>
    %dma_wait3A_188 = tpu.memref_squeeze %dma_wait3A_187 : memref<1x128xi32, #tpu.memory_space<vmem>> -> memref<128xi32, #tpu.memory_space<vmem>>
    %dma_wait3A_189 = arith.constant 0 : i32
    %dma_wait3A_190 = arith.constant 0 : i32
    %dma_wait3A_191 = tpu.memref_slice %arg7[%dma_wait3A_189, %dma_wait3A_190] : memref<10112x16xf32, #tpu.memory_space<vmem_shared>> -> memref<10112x16xf32, #tpu.memory_space<vmem_shared>>
    tpu.wait_indirect_dma semaphore(%arg14 : memref<!tpu.dma_semaphore, #tpu.memory_space<semaphore_mem>>) src(%dma_wait3A_185 : memref<128x16xf32, #tpu.memory_space<vmem>>) dst(%dma_wait3A_191 : memref<10112x16xf32, #tpu.memory_space<vmem_shared>>)
    %dma_wait3A_192 = arith.constant 12 : i32
    %dma_wait3A_193 = arith.constant 4 : i32
    %dma_wait3A_194 = arith.constant 0 : i32
    %dma_wait3A_195 = arith.constant 0 : i32
    %dma_wait3A_196 = tpu.memref_slice %arg10[%dma_wait3A_192, %dma_wait3A_194, %dma_wait3A_195] : memref<16x128x16xf32, #tpu.memory_space<vmem>> -> memref<1x128x16xf32, #tpu.memory_space<vmem>>
    %dma_wait3A_197 = tpu.memref_squeeze %dma_wait3A_196 : memref<1x128x16xf32, #tpu.memory_space<vmem>> -> memref<128x16xf32, #tpu.memory_space<vmem>>
    %dma_wait3A_198 = arith.constant 0 : i32
    %dma_wait3A_199 = tpu.memref_slice %arg9[%dma_wait3A_193, %dma_wait3A_198] : memref<80x128xi32, #tpu.memory_space<vmem>> -> memref<1x128xi32, #tpu.memory_space<vmem>>
    %dma_wait3A_200 = tpu.memref_squeeze %dma_wait3A_199 : memref<1x128xi32, #tpu.memory_space<vmem>> -> memref<128xi32, #tpu.memory_space<vmem>>
    %dma_wait3A_201 = arith.constant 0 : i32
    %dma_wait3A_202 = arith.constant 0 : i32
    %dma_wait3A_203 = tpu.memref_slice %arg7[%dma_wait3A_201, %dma_wait3A_202] : memref<10112x16xf32, #tpu.memory_space<vmem_shared>> -> memref<10112x16xf32, #tpu.memory_space<vmem_shared>>
    tpu.wait_indirect_dma semaphore(%arg14 : memref<!tpu.dma_semaphore, #tpu.memory_space<semaphore_mem>>) src(%dma_wait3A_197 : memref<128x16xf32, #tpu.memory_space<vmem>>) dst(%dma_wait3A_203 : memref<10112x16xf32, #tpu.memory_space<vmem_shared>>)
    %dma_wait3A_204 = arith.constant 13 : i32
    %dma_wait3A_205 = arith.constant 5 : i32
    %dma_wait3A_206 = arith.constant 0 : i32
    %dma_wait3A_207 = arith.constant 0 : i32
    %dma_wait3A_208 = tpu.memref_slice %arg10[%dma_wait3A_204, %dma_wait3A_206, %dma_wait3A_207] : memref<16x128x16xf32, #tpu.memory_space<vmem>> -> memref<1x128x16xf32, #tpu.memory_space<vmem>>
    %dma_wait3A_209 = tpu.memref_squeeze %dma_wait3A_208 : memref<1x128x16xf32, #tpu.memory_space<vmem>> -> memref<128x16xf32, #tpu.memory_space<vmem>>
    %dma_wait3A_210 = arith.constant 0 : i32
    %dma_wait3A_211 = tpu.memref_slice %arg9[%dma_wait3A_205, %dma_wait3A_210] : memref<80x128xi32, #tpu.memory_space<vmem>> -> memref<1x128xi32, #tpu.memory_space<vmem>>
    %dma_wait3A_212 = tpu.memref_squeeze %dma_wait3A_211 : memref<1x128xi32, #tpu.memory_space<vmem>> -> memref<128xi32, #tpu.memory_space<vmem>>
    %dma_wait3A_213 = arith.constant 0 : i32
    %dma_wait3A_214 = arith.constant 0 : i32
    %dma_wait3A_215 = tpu.memref_slice %arg7[%dma_wait3A_213, %dma_wait3A_214] : memref<10112x16xf32, #tpu.memory_space<vmem_shared>> -> memref<10112x16xf32, #tpu.memory_space<vmem_shared>>
    tpu.wait_indirect_dma semaphore(%arg14 : memref<!tpu.dma_semaphore, #tpu.memory_space<semaphore_mem>>) src(%dma_wait3A_209 : memref<128x16xf32, #tpu.memory_space<vmem>>) dst(%dma_wait3A_215 : memref<10112x16xf32, #tpu.memory_space<vmem_shared>>)
    %dma_wait3A_216 = arith.constant 14 : i32
    %dma_wait3A_217 = arith.constant 6 : i32
    %dma_wait3A_218 = arith.constant 0 : i32
    %dma_wait3A_219 = arith.constant 0 : i32
    %dma_wait3A_220 = tpu.memref_slice %arg10[%dma_wait3A_216, %dma_wait3A_218, %dma_wait3A_219] : memref<16x128x16xf32, #tpu.memory_space<vmem>> -> memref<1x128x16xf32, #tpu.memory_space<vmem>>
    %dma_wait3A_221 = tpu.memref_squeeze %dma_wait3A_220 : memref<1x128x16xf32, #tpu.memory_space<vmem>> -> memref<128x16xf32, #tpu.memory_space<vmem>>
    %dma_wait3A_222 = arith.constant 0 : i32
    %dma_wait3A_223 = tpu.memref_slice %arg9[%dma_wait3A_217, %dma_wait3A_222] : memref<80x128xi32, #tpu.memory_space<vmem>> -> memref<1x128xi32, #tpu.memory_space<vmem>>
    %dma_wait3A_224 = tpu.memref_squeeze %dma_wait3A_223 : memref<1x128xi32, #tpu.memory_space<vmem>> -> memref<128xi32, #tpu.memory_space<vmem>>
    %dma_wait3A_225 = arith.constant 0 : i32
    %dma_wait3A_226 = arith.constant 0 : i32
    %dma_wait3A_227 = tpu.memref_slice %arg7[%dma_wait3A_225, %dma_wait3A_226] : memref<10112x16xf32, #tpu.memory_space<vmem_shared>> -> memref<10112x16xf32, #tpu.memory_space<vmem_shared>>
    tpu.wait_indirect_dma semaphore(%arg14 : memref<!tpu.dma_semaphore, #tpu.memory_space<semaphore_mem>>) src(%dma_wait3A_221 : memref<128x16xf32, #tpu.memory_space<vmem>>) dst(%dma_wait3A_227 : memref<10112x16xf32, #tpu.memory_space<vmem_shared>>)
    %dma_wait3A_228 = arith.constant 15 : i32
    %dma_wait3A_229 = arith.constant 7 : i32
    %dma_wait3A_230 = arith.constant 0 : i32
    %dma_wait3A_231 = arith.constant 0 : i32
    %dma_wait3A_232 = tpu.memref_slice %arg10[%dma_wait3A_228, %dma_wait3A_230, %dma_wait3A_231] : memref<16x128x16xf32, #tpu.memory_space<vmem>> -> memref<1x128x16xf32, #tpu.memory_space<vmem>>
    %dma_wait3A_233 = tpu.memref_squeeze %dma_wait3A_232 : memref<1x128x16xf32, #tpu.memory_space<vmem>> -> memref<128x16xf32, #tpu.memory_space<vmem>>
    %dma_wait3A_234 = arith.constant 0 : i32
    %dma_wait3A_235 = tpu.memref_slice %arg9[%dma_wait3A_229, %dma_wait3A_234] : memref<80x128xi32, #tpu.memory_space<vmem>> -> memref<1x128xi32, #tpu.memory_space<vmem>>
    %dma_wait3A_236 = tpu.memref_squeeze %dma_wait3A_235 : memref<1x128xi32, #tpu.memory_space<vmem>> -> memref<128xi32, #tpu.memory_space<vmem>>
    %dma_wait3A_237 = arith.constant 0 : i32
    %dma_wait3A_238 = arith.constant 0 : i32
    %dma_wait3A_239 = tpu.memref_slice %arg7[%dma_wait3A_237, %dma_wait3A_238] : memref<10112x16xf32, #tpu.memory_space<vmem_shared>> -> memref<10112x16xf32, #tpu.memory_space<vmem_shared>>
    tpu.wait_indirect_dma semaphore(%arg14 : memref<!tpu.dma_semaphore, #tpu.memory_space<semaphore_mem>>) src(%dma_wait3A_233 : memref<128x16xf32, #tpu.memory_space<vmem>>) dst(%dma_wait3A_239 : memref<10112x16xf32, #tpu.memory_space<vmem_shared>>)
    %barrier3A_240 = arith.constant 0 : index
    tpu.barrier barrier_id(%barrier3A_240)
    %mul3A_241 = arith.constant 632 : i32
    %mul3A_242 = arith.muli %arg1, %mul3A_241 : i32
    %mul3A_243 = arith.constant 632 : i32
    %mul3A_244 = arith.muli %arg1, %mul3A_243 : i32
    "tpu.region"() ({
      %run_scoped3A = tpu.sem_alloc : memref<!tpu.dma_semaphore, #tpu.memory_space<semaphore_mem>>
      %dma_start3A_245 = arith.constant 0 : i32
      %dma_start3A_246 = tpu.memref_slice %arg6[%arg0, %mul3A_244, %dma_start3A_245] : memref<2x10112x16xf32, #tpu.memory_space<hbm>> -> memref<1x632x16xf32, #tpu.memory_space<hbm>>
      %dma_start3A_247 = tpu.memref_squeeze %dma_start3A_246 : memref<1x632x16xf32, #tpu.memory_space<hbm>> -> memref<632x16xf32, #tpu.memory_space<hbm>>
      %dma_start3A_248 = arith.constant 0 : i32
      %dma_start3A_249 = tpu.memref_slice %arg7[%mul3A_242, %dma_start3A_248] : memref<10112x16xf32, #tpu.memory_space<vmem_shared>> -> memref<632x16xf32, #tpu.memory_space<vmem_shared>>
      tpu.enqueue_dma source(%dma_start3A_249 : memref<632x16xf32, #tpu.memory_space<vmem_shared>>) target(%dma_start3A_247 : memref<632x16xf32, #tpu.memory_space<hbm>>) target_semaphore(%run_scoped3A : memref<!tpu.dma_semaphore, #tpu.memory_space<semaphore_mem>>)
      %dma_wait3A_250 = arith.constant 0 : i32
      %dma_wait3A_251 = tpu.memref_slice %arg6[%arg0, %mul3A_244, %dma_wait3A_250] : memref<2x10112x16xf32, #tpu.memory_space<hbm>> -> memref<1x632x16xf32, #tpu.memory_space<hbm>>
      %dma_wait3A_252 = tpu.memref_squeeze %dma_wait3A_251 : memref<1x632x16xf32, #tpu.memory_space<hbm>> -> memref<632x16xf32, #tpu.memory_space<hbm>>
      %dma_wait3A_253 = arith.constant 0 : i32
      %dma_wait3A_254 = tpu.memref_slice %arg7[%mul3A_242, %dma_wait3A_253] : memref<10112x16xf32, #tpu.memory_space<vmem_shared>> -> memref<632x16xf32, #tpu.memory_space<vmem_shared>>
      tpu.wait_dma2 semaphore(%run_scoped3A : memref<!tpu.dma_semaphore, #tpu.memory_space<semaphore_mem>>) src(%dma_wait3A_254 : memref<632x16xf32, #tpu.memory_space<vmem_shared>>) dst(%dma_wait3A_252 : memref<632x16xf32, #tpu.memory_space<hbm>>)
      tpu.yield
    }) : () -> ()
    return
  }
}

module attributes {stable_mosaic.version = 14 : i64} {
  func.func @mm1_body(%arg0: memref<10000x128xf32, #tpu.memory_space<vmem>>, %arg1: memref<128x64xf32, #tpu.memory_space<vmem>>, %arg2: memref<10112x2xf32, #tpu.memory_space<vmem>>, %arg3: memref<10112x64xf32, #tpu.memory_space<vmem>>) attributes {dimension_semantics = [], scalar_prefetch = 0 : i64, scratch_operands = 0 : i64, tpu.core_type = #tpu.core_type<tc>} {
    %get3A = arith.constant 0 : index
    %get3A_0 = arith.constant 0 : index
    %get3A_1 = vector.load %arg2[%get3A, %get3A_0] : memref<10112x2xf32, #tpu.memory_space<vmem>>, vector<10112x2xf32>
    %reduce_sum3A = arith.constant dense<0.000000e+00> : vector<10112xf32>
    %reduce_sum3A_2 = vector.multi_reduction <add>, %get3A_1, %reduce_sum3A [1] : vector<10112x2xf32> to vector<10112xf32>
    %broadcast_in_dim3A = vector.shape_cast %reduce_sum3A_2 : vector<10112xf32> to vector<10112x1xf32>
    %add3A = arith.constant 1.000000e+00 : f32
    %add3A_3 = vector.broadcast %add3A : f32 to vector<10112x1xf32>
    %add3A_4 = arith.addf %broadcast_in_dim3A, %add3A_3 : vector<10112x1xf32>
    %rsqrt3A = math.rsqrt %add3A_4 : vector<10112x1xf32>
    %get3A_5 = arith.constant 0 : index
    %get3A_6 = arith.constant 0 : index
    %get3A_7 = vector.load %arg0[%get3A_5, %get3A_6] : memref<10000x128xf32, #tpu.memory_space<vmem>>, vector<10000x128xf32>
    %get3A_8 = arith.constant 0 : index
    %get3A_9 = arith.constant 0 : index
    %get3A_10 = vector.load %arg1[%get3A_8, %get3A_9] : memref<128x64xf32, #tpu.memory_space<vmem>>, vector<128x64xf32>
    %dot_general3A = arith.constant dense<0.000000e+00> : vector<10000x64xf32>
    %dot_general3A_11 = tpu.matmul %get3A_7, %get3A_10, %dot_general3A {dimension_numbers = #tpu.dot_dimension_numbers<[1], [0], [0], [1], [0, 0, 1, 1], [], []>, transpose_lhs_hint = false} : vector<10000x128xf32>, vector<128x64xf32>, vector<10000x64xf32> -> vector<10000x64xf32>
    %slice3A = vector.extract_strided_slice %rsqrt3A {offsets = [0, 0], sizes = [10000, 1], strides = [1, 1]} : vector<10112x1xf32> to vector<10000x1xf32>
    %mul3A = vector.broadcast %slice3A : vector<10000x1xf32> to vector<10000x64xf32>
    %mul3A_12 = arith.mulf %dot_general3A_11, %mul3A : vector<10000x64xf32>
    %swap3A = arith.constant 0 : index
    %swap3A_13 = arith.constant 0 : index
    %swap3A_14 = vector.load %arg3[%swap3A, %swap3A_13] : memref<10112x64xf32, #tpu.memory_space<vmem>>, vector<10000x64xf32>
    tpu.vector_store %arg3[%swap3A, %swap3A_13], %mul3A_12 {strides = array<i32>} : memref<10112x64xf32, #tpu.memory_space<vmem>>, vector<10000x64xf32>,
    %broadcast_in_dim3A_15 = arith.constant 0.000000e+00 : f32
    %broadcast_in_dim3A_16 = vector.broadcast %broadcast_in_dim3A_15 : f32 to vector<112x64xf32>
    %swap3A_17 = arith.constant 10000 : index
    %swap3A_18 = arith.constant 0 : index
    %swap3A_19 = vector.load %arg3[%swap3A_17, %swap3A_18] : memref<10112x64xf32, #tpu.memory_space<vmem>>, vector<112x64xf32>
    tpu.vector_store %arg3[%swap3A_17, %swap3A_18], %broadcast_in_dim3A_16 {strides = array<i32>} : memref<10112x64xf32, #tpu.memory_space<vmem>>, vector<112x64xf32>,
    return
  }
}

module attributes {stable_mosaic.version = 14 : i64} {
  func.func @_mid_body(%arg0: memref<2x10112x64xf32, #tpu.memory_space<vmem>>, %arg1: memref<10112x64xf32, #tpu.memory_space<vmem>>, %arg2: memref<10112x2xf32, #tpu.memory_space<vmem>>, %arg3: memref<64x16xf32, #tpu.memory_space<vmem>>, %arg4: memref<1x64xf32, #tpu.memory_space<vmem>>, %arg5: memref<10112x16xf32, #tpu.memory_space<vmem>>) attributes {dimension_semantics = [], scalar_prefetch = 0 : i64, scratch_operands = 0 : i64, tpu.core_type = #tpu.core_type<tc>} {
    %get3A = arith.constant 0 : index
    %get3A_0 = arith.constant 0 : index
    %get3A_1 = vector.load %arg2[%get3A, %get3A_0] : memref<10112x2xf32, #tpu.memory_space<vmem>>, vector<10112x2xf32>
    %reduce_sum3A = arith.constant dense<0.000000e+00> : vector<10112xf32>
    %reduce_sum3A_2 = vector.multi_reduction <add>, %get3A_1, %reduce_sum3A [1] : vector<10112x2xf32> to vector<10112xf32>
    %broadcast_in_dim3A = vector.shape_cast %reduce_sum3A_2 : vector<10112xf32> to vector<10112x1xf32>
    %add3A = arith.constant 1.000000e+00 : f32
    %add3A_3 = vector.broadcast %add3A : f32 to vector<10112x1xf32>
    %add3A_4 = arith.addf %broadcast_in_dim3A, %add3A_3 : vector<10112x1xf32>
    %rsqrt3A = math.rsqrt %add3A_4 : vector<10112x1xf32>
    %get3A_5 = arith.constant 0 : index
    %get3A_6 = arith.constant 0 : index
    %get3A_7 = arith.constant 0 : index
    %get3A_8 = vector.load %arg0[%get3A_5, %get3A_6, %get3A_7] : memref<2x10112x64xf32, #tpu.memory_space<vmem>>, vector<1x10112x64xf32>
    %get3A_9 = vector.shape_cast %get3A_8 : vector<1x10112x64xf32> to vector<10112x64xf32>
    %get3A_10 = arith.constant 1 : index
    %get3A_11 = arith.constant 0 : index
    %get3A_12 = arith.constant 0 : index
    %get3A_13 = vector.load %arg0[%get3A_10, %get3A_11, %get3A_12] : memref<2x10112x64xf32, #tpu.memory_space<vmem>>, vector<1x10112x64xf32>
    %get3A_14 = vector.shape_cast %get3A_13 : vector<1x10112x64xf32> to vector<10112x64xf32>
    %add3A_15 = arith.addf %get3A_9, %get3A_14 : vector<10112x64xf32>
    %get3A_16 = arith.constant 0 : index
    %get3A_17 = arith.constant 0 : index
    %get3A_18 = vector.load %arg1[%get3A_16, %get3A_17] : memref<10112x64xf32, #tpu.memory_space<vmem>>, vector<10112x64xf32>
    %add3A_19 = arith.addf %add3A_15, %get3A_18 : vector<10112x64xf32>
    %mul3A = vector.broadcast %rsqrt3A : vector<10112x1xf32> to vector<10112x64xf32>
    %mul3A_20 = arith.mulf %mul3A, %add3A_19 : vector<10112x64xf32>
    %get3A_21 = arith.constant 0 : index
    %get3A_22 = arith.constant 0 : index
    %get3A_23 = vector.load %arg4[%get3A_21, %get3A_22] : memref<1x64xf32, #tpu.memory_space<vmem>>, vector<1x64xf32>
    %add3A_24 = vector.broadcast %get3A_23 : vector<1x64xf32> to vector<10112x64xf32>
    %add3A_25 = arith.addf %mul3A_20, %add3A_24 : vector<10112x64xf32>
    %max3A = arith.constant 0.000000e+00 : f32
    %max3A_26 = vector.broadcast %max3A : f32 to vector<10112x64xf32>
    %max3A_27 = arith.maximumf %add3A_25, %max3A_26 : vector<10112x64xf32>
    %get3A_28 = arith.constant 0 : index
    %get3A_29 = arith.constant 0 : index
    %get3A_30 = vector.load %arg3[%get3A_28, %get3A_29] : memref<64x16xf32, #tpu.memory_space<vmem>>, vector<64x16xf32>
    %dot_general3A = arith.constant dense<0.000000e+00> : vector<10112x16xf32>
    %dot_general3A_31 = tpu.matmul %max3A_27, %get3A_30, %dot_general3A {dimension_numbers = #tpu.dot_dimension_numbers<[1], [0], [0], [1], [0, 0, 1, 1], [], []>, transpose_lhs_hint = false} : vector<10112x64xf32>, vector<64x16xf32>, vector<10112x16xf32> -> vector<10112x16xf32>
    %mul3A_32 = vector.broadcast %rsqrt3A : vector<10112x1xf32> to vector<10112x16xf32>
    %mul3A_33 = arith.mulf %dot_general3A_31, %mul3A_32 : vector<10112x16xf32>
    %swap3A = arith.constant 0 : index
    %swap3A_34 = arith.constant 0 : index
    %swap3A_35 = vector.load %arg5[%swap3A, %swap3A_34] : memref<10112x16xf32, #tpu.memory_space<vmem>>, vector<10112x16xf32>
    tpu.vector_store %arg5[%swap3A, %swap3A_34], %mul3A_33 {strides = array<i32>} : memref<10112x16xf32, #tpu.memory_space<vmem>>, vector<10112x16xf32>,
    return
  }
}

module attributes {stable_mosaic.version = 14 : i64} {
  func.func @fin_body(%arg0: memref<2x10112x16xf32, #tpu.memory_space<vmem>>, %arg1: memref<10112x16xf32, #tpu.memory_space<vmem>>, %arg2: memref<10112x2xf32, #tpu.memory_space<vmem>>, %arg3: memref<1x16xf32, #tpu.memory_space<vmem>>, %arg4: memref<10000x2xf32, #tpu.memory_space<vmem>>) attributes {dimension_semantics = [], scalar_prefetch = 0 : i64, scratch_operands = 0 : i64, tpu.core_type = #tpu.core_type<tc>} {
    %get3A = arith.constant 0 : index
    %get3A_0 = arith.constant 0 : index
    %get3A_1 = vector.load %arg2[%get3A, %get3A_0] : memref<10112x2xf32, #tpu.memory_space<vmem>>, vector<10112x2xf32>
    %reduce_sum3A = arith.constant dense<0.000000e+00> : vector<10112xf32>
    %reduce_sum3A_2 = vector.multi_reduction <add>, %get3A_1, %reduce_sum3A [1] : vector<10112x2xf32> to vector<10112xf32>
    %broadcast_in_dim3A = vector.shape_cast %reduce_sum3A_2 : vector<10112xf32> to vector<10112x1xf32>
    %add3A = arith.constant 1.000000e+00 : f32
    %add3A_3 = vector.broadcast %add3A : f32 to vector<10112x1xf32>
    %add3A_4 = arith.addf %broadcast_in_dim3A, %add3A_3 : vector<10112x1xf32>
    %rsqrt3A = math.rsqrt %add3A_4 : vector<10112x1xf32>
    %get3A_5 = arith.constant 0 : index
    %get3A_6 = arith.constant 0 : index
    %get3A_7 = arith.constant 0 : index
    %get3A_8 = vector.load %arg0[%get3A_5, %get3A_6, %get3A_7] : memref<2x10112x16xf32, #tpu.memory_space<vmem>>, vector<1x10112x16xf32>
    %get3A_9 = vector.shape_cast %get3A_8 : vector<1x10112x16xf32> to vector<10112x16xf32>
    %get3A_10 = arith.constant 1 : index
    %get3A_11 = arith.constant 0 : index
    %get3A_12 = arith.constant 0 : index
    %get3A_13 = vector.load %arg0[%get3A_10, %get3A_11, %get3A_12] : memref<2x10112x16xf32, #tpu.memory_space<vmem>>, vector<1x10112x16xf32>
    %get3A_14 = vector.shape_cast %get3A_13 : vector<1x10112x16xf32> to vector<10112x16xf32>
    %add3A_15 = arith.addf %get3A_9, %get3A_14 : vector<10112x16xf32>
    %get3A_16 = arith.constant 0 : index
    %get3A_17 = arith.constant 0 : index
    %get3A_18 = vector.load %arg1[%get3A_16, %get3A_17] : memref<10112x16xf32, #tpu.memory_space<vmem>>, vector<10112x16xf32>
    %add3A_19 = arith.addf %add3A_15, %get3A_18 : vector<10112x16xf32>
    %mul3A = vector.broadcast %rsqrt3A : vector<10112x1xf32> to vector<10112x16xf32>
    %mul3A_20 = arith.mulf %mul3A, %add3A_19 : vector<10112x16xf32>
    %get3A_21 = arith.constant 0 : index
    %get3A_22 = arith.constant 0 : index
    %get3A_23 = vector.load %arg3[%get3A_21, %get3A_22] : memref<1x16xf32, #tpu.memory_space<vmem>>, vector<1x16xf32>
    %add3A_24 = vector.broadcast %get3A_23 : vector<1x16xf32> to vector<10112x16xf32>
    %add3A_25 = arith.addf %mul3A_20, %add3A_24 : vector<10112x16xf32>
    %iota3A = tpu.iota {dimensions = array<i32: 1>} : vector<10112x16xi32>
    %lt3A = arith.constant 2 : i32
    %lt3A_26 = vector.broadcast %lt3A : i32 to vector<10112x16xi32>
    %lt3A_27 = arith.cmpi slt, %iota3A, %lt3A_26 : vector<10112x16xi32>
    %jit3A = arith.constant 0xFF800000 : f32
    %broadcast_in_dim3A_28 = vector.broadcast %jit3A : f32 to vector<10112x16xf32>
    %select_n3A = arith.select %lt3A_27, %add3A_25, %broadcast_in_dim3A_28 : vector<10112x16xi1>, vector<10112x16xf32>
    %reduce_max3A = arith.constant dense<0xFF800000> : vector<10112xf32>
    %reduce_max3A_29 = vector.multi_reduction <maximumf>, %select_n3A, %reduce_max3A [1] : vector<10112x16xf32> to vector<10112xf32>
    %broadcast_in_dim3A_30 = vector.shape_cast %reduce_max3A_29 : vector<10112xf32> to vector<10112x1xf32>
    %sub3A = vector.broadcast %broadcast_in_dim3A_30 : vector<10112x1xf32> to vector<10112x16xf32>
    %sub3A_31 = arith.subf %add3A_25, %sub3A : vector<10112x16xf32>
    %exp3A = math.exp %sub3A_31 : vector<10112x16xf32>
    %jit3A_32 = arith.constant 0.000000e+00 : f32
    %broadcast_in_dim3A_33 = vector.broadcast %jit3A_32 : f32 to vector<10112x16xf32>
    %select_n3A_34 = arith.select %lt3A_27, %exp3A, %broadcast_in_dim3A_33 : vector<10112x16xi1>, vector<10112x16xf32>
    %reduce_sum3A_35 = arith.constant dense<0.000000e+00> : vector<10112xf32>
    %reduce_sum3A_36 = vector.multi_reduction <add>, %select_n3A_34, %reduce_sum3A_35 [1] : vector<10112x16xf32> to vector<10112xf32>
    %broadcast_in_dim3A_37 = vector.shape_cast %reduce_sum3A_36 : vector<10112xf32> to vector<10112x1xf32>
    %div3A = vector.broadcast %broadcast_in_dim3A_37 : vector<10112x1xf32> to vector<10112x16xf32>
    %div3A_38 = arith.divf %select_n3A_34, %div3A : vector<10112x16xf32>
    %slice3A = vector.extract_strided_slice %div3A_38 {offsets = [0, 0], sizes = [10000, 2], strides = [1, 1]} : vector<10112x16xf32> to vector<10000x2xf32>
    %swap3A = arith.constant 0 : index
    %swap3A_39 = arith.constant 0 : index
    %swap3A_40 = vector.load %arg4[%swap3A, %swap3A_39] : memref<10000x2xf32, #tpu.memory_space<vmem>>, vector<10000x2xf32>
    tpu.vector_store %arg4[%swap3A, %swap3A_39], %slice3A {strides = array<i32>} : memref<10000x2xf32, #tpu.memory_space<vmem>>, vector<10000x2xf32>,
    return
  }
}

</mosaic_0001>

<sc_bundles>
// kernel: kernel.11.cloned.1.call-start
scs
__scs_entry_jumppad:
0x0: {  	(pc) =	sbr.rel $0x88, $3  }
0x1: {  	(tag) =	ssettag $0x0;
	lr =	simm.s32 $0x1  }
0x2: {  	[smem:$0x3F9B] =	sst lr;
	_ =	strace $0xD0000000  }
0x3: {  	_ = 	snop  }
0x4: {  	_ = 	snop  }
0x5: {  	_ = 	snop  }
0x6: {  	_ = 	snop  }
0x7: {  	_ = 	snop  }
__scs_overlays_trampoline_lowered:
0x8: {  	[smem:$0x3FAA] =	sst s0  }
0x9: {  	[smem:$0x3FAB] =	sst s1  }
0xa: {  	[smem:$0x3FAC] =	sst s2  }
0xb: {  	[smem:$0x3FAD] =	sst s3  }
0xc: {  	[smem:$0x3FAE] =	sst s4  }
0xd: {  	[smem:$0x3FAF] =	sst s5  }
0xe: {  	[smem:$0x3FB0] =	sst s6  }
0xf: {  	[smem:$0x3FB1] =	sst s7  }
0x10: {  	[smem:$0x3FB2] =	sst s8  }
0x11: {  	[smem:$0x3FB3] =	sst s9;
	s0 =	simm.s32 @!p0 $0x0  }
0x12: {  	s1 =	sld [smem:$0x3F99];
	s0 =	simm.s32 @p0 $0x1  }
0x13: {  	[smem:$0x3FB4] =	sst s0;
	s0 =	simm.s32 @!p1 $0x0  }
0x14: {  	s2 =	sld [smem:$0x3F98];
	s0 =	simm.s32 @p1 $0x1  }
0x15: {  	[smem:$0x3FB5] =	sst s0;
	s0 =	simm.s32 @!p2 $0x0  }
0x16: {  	s3 =	sld [smem:$0x3FDB];
	s0 =	simm.s32 @p2 $0x1  }
0x17: {  	s4 =	simm.s32 $0x1BF5;
	[smem:$0x3FB7] =	sst s0  }
0x18: {  	s0 =	sld [smem:$0x3F9A];
	_ =	swait.ge [sflag:s4], $0x0  }
0x19: {  	s7 =	sld [smem:$0x3F9B]  }
0x1a: {  	s8 =	sadd.s32 $0xFFFFE003, lr  }
0x1b: {  	s9 =	sadd.s32 $0xFFFFFEF7, lr;
	s5 =	simm.s32 $0xFFFFFFFF;
	p2 =	slt.u32 s8, $0xFFFFF086  }
0x1c: {  	p1 =	slt.u32 s9, $0xF7A;
	s5 =	simm.s32 @!p2 $0x0  }
0x1d: {  	s5 =	simm.s32 @p1 $0x1;
	p0 =	seq.s32 s7, s2  }
0x1e: {  	s7 =	smul.u32 @!p0 $0xF7A, s2;
	p2 =	seq.s32 @!p0 s5, $0x0  }
0x1f: {  	s9 =	smul.u32 $0xF7A, s1;
	s8 =	simm.s32 @!p0 $0x1BF5;
	p2 =	por !p2, p0  }
0x20: {  	[sflag:s8] =	ssyncset.s32 @!p0 $0xFFFFF086;
	s6 =	sadd.s32 @!p0 s3, s7;
	s7 =	simm.s32 @!p0 $0x108  }
0x21: {  	s3 =	sadd.s32 s3, s9;
	s6 =	sadd.s32 @!p0 $0x88, s6;
	s7 =	simm.s32 @p2 $0x1082  }
0x22: {  	[simem:s7], [sflag:s8] =	dma.local @!p0 [hbm:s6], $0xF7A  }
0x23: {  	s9 =	sor.u32 $0xD0000000, s2;
	s6 =	simm.s32 $0x108;
	_ =	swait.ge @!p0 [sflag:s8], $0x0  }
0x24: {  	s3 =	sadd.s32 $0x88, s3;
	s6 =	simm.s32 @!p1 $0x1082;
	[sflag:s4] =	ssyncset.s32 $0xFFFFF086  }
0x25: {  	[simem:s6], [sflag:s4] =	dma.local [hbm:s3], $0xF7A  }
0x26: {  	[smem:$0x3F9B] =	sst s1;
	(tag) =	ssettag s2;
	_ =	strace s9  }
0x27: {  	s1 =	sld [smem:$0x3FAB]  }
0x28: {  	s2 =	sld [smem:$0x3FAC]  }
0x29: {  	s4 =	sld [smem:$0x3FAE]  }
0x2a: {  	p0 =	seq.s32 s5, $0x0;
	s5 =	sld [smem:$0x3FAF]  }
0x2b: {  	s6 =	sld [smem:$0x3FB0]  }
0x2c: {  	s7 =	sld [smem:$0x3FB1]  }
0x2d: {  	s3 =	simm.s32 $0x108;
	s8 =	sld [smem:$0x3FB2]  }
0x2e: {  	s3 =	simm.s32 @!p0 $0x1082;
	s9 =	sld [smem:$0x3FB3]  }
0x2f: {  	lr =	sadd.s32 s0, s3;
	s0 =	sld [smem:$0x3FAA]  }
0x30: {  	s3 =	sld [smem:$0x3FAD]  }
0x31: {  	[smem:$0x3FB6] =	sst s10  }
0x32: {  	s10 =	sld [smem:$0x3FB4];
	_ =	sdelay $0x3  }
0x33: {  	p0 =	seq.s32 s10, $0x1;
	s10 =	sld [smem:$0x3FB6];
	_ =	sdelay $0x3  }
0x34: {  	[smem:$0x3FB6] =	sst s10  }
0x35: {  	s10 =	sld [smem:$0x3FB5];
	_ =	sdelay $0x3  }
0x36: {  	p1 =	seq.s32 s10, $0x1;
	s10 =	sld [smem:$0x3FB6];
	_ =	sdelay $0x3  }
0x37: {  	[smem:$0x3FB6] =	sst s10  }
0x38: {  	s10 =	sld [smem:$0x3FB7]  }
0x39: {  	_ = 	snop;
	(pc) =	sbr.ind lr, $3  }
0x3a: {  	_ = 	snop  }
0x3b: {  	_ = 	snop  }
0x3c: {  	p2 =	seq.s32 s10, $0x1;
	s10 =	sld [smem:$0x3FB6]  }
0x3d: {  	_ =	shalt  }
0x3e: {  	_ =	shalt  }
0x3f: {  	_ =	shalt  }
0x40: {  	_ =	shalt  }
0x41: {  	_ =	shalt  }
0x42: {  	_ =	shalt  }
0x43: {  	_ =	shalt  }
0x44: {  	_ =	shalt  }
0x45: {  	_ =	shalt  }
0x46: {  	_ =	shalt  }
0x47: {  	_ =	shalt  }
0x48: {  	_ =	shalt  }
0x49: {  	_ =	shalt  }
0x4a: {  	_ =	shalt  }
0x4b: {  	_ =	shalt  }
0x4c: {  	_ =	shalt  }
0x4d: {  	_ =	shalt  }
0x4e: {  	_ =	shalt  }
0x4f: {  	_ =	shalt  }
0x50: {  	_ =	shalt  }
0x51: {  	_ =	shalt  }
0x52: {  	_ =	shalt  }
0x53: {  	_ =	shalt  }
0x54: {  	_ =	shalt  }
0x55: {  	_ =	shalt  }
0x56: {  	_ =	shalt  }
0x57: {  	_ =	shalt  }
0x58: {  	_ =	shalt  }
0x59: {  	_ =	shalt  }
0x5a: {  	_ =	shalt  }
0x5b: {  	_ =	shalt  }
0x5c: {  	_ =	shalt  }
0x5d: {  	_ =	shalt  }
0x5e: {  	_ =	shalt  }
0x5f: {  	_ =	shalt  }
0x60: {  	_ =	shalt  }
0x61: {  	_ =	shalt  }
0x62: {  	_ =	shalt  }
0x63: {  	_ =	shalt  }
0x64: {  	_ =	shalt  }
0x65: {  	_ =	shalt  }
0x66: {  	_ =	shalt  }
0x67: {  	_ =	shalt  }
0x68: {  	_ =	shalt  }
0x69: {  	_ =	shalt  }
0x6a: {  	_ =	shalt  }
0x6b: {  	_ =	shalt  }
0x6c: {  	_ =	shalt  }
0x6d: {  	_ =	shalt  }
0x6e: {  	_ =	shalt  }
0x6f: {  	_ =	shalt  }
0x70: {  	_ =	shalt  }
0x71: {  	_ =	shalt  }
0x72: {  	_ =	shalt  }
0x73: {  	_ =	shalt  }
0x74: {  	_ =	shalt  }
0x75: {  	_ =	shalt  }
0x76: {  	_ =	shalt  }
0x77: {  	_ =	shalt  }
0x78: {  	_ =	shalt  }
0x79: {  	_ =	shalt  }
0x7a: {  	_ =	shalt  }
0x7b: {  	_ =	shalt  }
0x7c: {  	_ =	shalt  }
0x7d: {  	_ =	shalt  }
0x7e: {  	_ =	shalt  }
0x7f: {  	_ =	shalt  }
0x80: {  	_ =	shalt  }
0x81: {  	_ =	shalt  }
0x82: {  	_ =	shalt  }
0x83: {  	_ =	shalt  }
0x84: {  	_ =	shalt  }
0x85: {  	_ =	shalt  }
0x86: {  	_ =	shalt  }
0x87: {  	_ =	shalt  }
.Lfunc_end0:
.L_simem_size_0:
called_computation.1_lowered:
.L_overlay_start_0:
0x88: {  	s2 =	sld [smem:$0x3FD9]  }
0x89: {  	s3 =	sld [smem:$0x3FFE];
	_ =	sdelay $0x1  }
0x8a: {  	s1 =	srdreg.scid  }
0x8b: {  	s0 =	sand.u32 $0x1, s1  }
0x8c: {  	s16 =	sshll.u32 s0, $0xA;
	s2 =	sadd.s32 s3, s2  }
0x8d: {  	s2 =	sadd.s32 s2, s16  }
0x8e: {  	[smem:$0x3FC2] =	sst s2  }
0x8f: {  	_ = 	snop  }
0x90: {  	(tm) =	ssettm $0x1  }
0x91: {  	s17 =	sld [smem:$0x3FFB];
	_ =	sdelay $0x3  }
0x92: {  	_ =	strace s17  }
0x93: {  	s2 =	sld [smem:$0x3FFC];
	_ =	sdelay $0x3  }
0x94: {  	_ =	strace s2  }
0x95: {  	s2 =	sld [smem:$0x3FFD];
	_ =	sdelay $0x3  }
0x96: {  	_ =	strace s2  }
0x97: {  	_ =	strace $0x8FFFFFFF  }
0x98: {  	s18 =	sld [smem:$0x3FDB];
	_ =	sdelay $0x1  }
0x99: {  	s19 =	simm.s32 $_scs_section_size  }
0x9a: {  	s4 =	simm.s32 $_size__tile_overlayer_lowered;
	s5 =	simm.s32 $_tile_overlayer_lowered  }
0x9b: {  	s22 =	simm.s32 $0x1BFF;
	s21 =	sshll.u32 s5, $0x1;
	s2 =	sadd.s32 s19, s18  }
0x9c: {  	s6 =	simm.s32 $0x0;
	s20 =	sshll.u32 s4, $0x1;
	s4 =	sadd.s32 s21, s2  }
0x9d: {  	[timem:s6], [sflag:s22] =	dma.local [hbm:s4], s20  }
0x9e: {  	_ =	swait.ge [sflag:s22], s20  }
0x9f: {  	s3 =	ssub.s32 $0x0, s20;
	[sflag:s22] =	ssyncset.done $0x0  }
0xa0: {  	[sflag:s22] =	ssyncadd.s32 s3;
	_ =	sdelay $0x1  }
0xa1: {  	s23 =	simm.s32 $0x1B8B  }
0xa2: {  	_ =	swait.ge [sflag:s23], $0x1  }
0xa3: {  	[sflag:s23] =	ssyncset.done $0x0  }
0xa4: {  	s25 =	simm.s32 $0x1B8E;
	s24 =	sld [smem:$0x3FFE];
	[sflag:s23] =	ssyncadd.s32 $0xFFFFFFFF  }
0xa5: {  	s26 =	simm.s32 $execute0_lowered;
	[smem:$0x3FD2] =	sst s25  }
0xa6: {  	s4 =	sshll.u32 s26, $0x1;
	_ =	strace $0x80000049;
	[dreg:$0x1] =	wrdreg $0xFFFFFFFF  }
0xa7: {  	s28 =	simm.s32 $_size_execute0_lowered;
	s2 =	sadd.s32 s2, s4;
	[dreg:$0x0] =	wrdreg $0x0  }
0xa8: {  	s4 =	sshll.u32 s28, $0x1;
	[dreg:$0x2] =	wrdreg s2  }
0xa9: {  	[dreg:$0x3] =	wrdreg s4  }
0xaa: {  	[dreg:$0x4] =	wrdreg $0xC0  }
0xab: {  	_ =	task [dreg:s6], $0x5FFFF  }
0xac: {  	[dreg:$0x1] =	wrdreg $0xFFFFFFFF  }
0xad: {  	[dreg:$0x0] =	wrdreg $0x60  }
0xae: {  	[dreg:$0x2] =	wrdreg s24  }
0xaf: {  	[dreg:$0x3] =	wrdreg $0x0  }
0xb0: {  	[dreg:$0x4] =	wrdreg $0x9  }
0xb1: {  	_ =	task.clear_ibuf [dreg:s6], $0x5FFFF;
	_ =	strace $0x90000049  }
0xb2: {  	s29 =	simm.s32 $0x9;
	_ =	strace $0x8000004B  }
0xb3: {  	_ =	swait.ge [sflag:s29], $0x1  }
0xb4: {  	[sflag:s29] =	ssyncadd.s32 $0xFFFFFFFF  }
0xb5: {  	_ =	strace $0x9000004B  }
0xb6: {  	_ =	sfence  }
0xb7: {  	s30 =	sld [smem:$0x0];
	_ =	sdelay $0x2  }
0xb8: {  	s31 =	sshll.u32 s1, $0xD;
	s1 =	sshrl.u32 s1, $0x2  }
0xb9: {  	s3 =	sand.u32 $0x4000, s31;
	s1 =	sadd.s32 s1, s30  }
0xba: {  	s0 =	sor.u32 s3, s0;
	s1 =	sshll.u32 s1, $0x11  }
0xbb: {  	s0 =	sor.u32 s1, s0  }
0xbc: {  	s0 =	sadd.s32 $0x8F2B, s0  }
0xbd: {  	[sflag:s0] =	ssyncadd.remote.s32 $0x1  }
0xbe: {  	_ =	sfence.sel $0xFFFF  }
0xbf: {  	[dreg:$0x0] =	wrdreg $0xFFFFFFFF;
	(pc) =	sbr.abs _section_cstart, $3  }
0xc0: {  	[dreg:$0x1] =	wrdreg $0xFFFFFFFF  }
0xc1: {  	_ =	task.clear_ibuf [dreg:s6], $0x2FFFF;
	_ =	strace $0x9FFFFFFF  }
0xc2: {  	(tm) =	ssettm $0x7FFFFFFF  }
0xc3: {  	_ =	shalt  }
tec
execute0_lowered:
.L_overlay_start_1:
0x0: {  	(tag) =	ssettag $0x1  }
0x1: {  	s0 =	srdreg.scid;
	s5 =	rddreg [dreg:$0x0]  }
0x2: {  	s9 =	stileid.u32;
	s2 =	rddreg [dreg:$0x1];
	s3 =	simm.s32 $0x0  }
0x3: {  	s15 =	simm.s32 $0x1;
	s16 =	simm.s32 $0x80;
	s17 =	simm.s32 $0xEE00  }
0x4: {  	s18 =	simm.s32 $0x10E00;
	s19 =	simm.s32 $0x12E00;
	s20 =	simm.s32 $0x14E00  }
0x5: {  	s21 =	simm.s32 $0x16E00;
	s22 =	simm.s32 $0x18E00;
	s23 =	simm.s32 $0x1AE00  }
0x6: {  	s24 =	simm.s32 $0x1CE00;
	s25 =	simm.s32 $0x2;
	s26 =	simm.s32 $0x3  }
0x7: {  	s28 =	simm.s32 $0x4;
	s29 =	simm.s32 $0x5;
	s30 =	simm.s32 $0x0  }
0x8: {  	s0 =	sand.u32 $0x1, s0;
	s6 =	smul.u32 $0x9E00, s9;
	[smem:$0x7FF] =	sst s3  }
0x9: {  	s4 =	sadd.s32 $0x16000, s5;
	s1 =	sshll.u32 s0, $0x4;
	s7 =	smul.u32 $0x9E000, s0  }
0xa: {  	_ =	strace $0x8000004A;
	s0 =	ssub.s32 $0x2, s0;
	s1 =	sor.u32 s9, s1  }
0xb: {  	s8 =	sshrl.u32 s6, $0x3;
	s31 =	sshrl.u32 s0, $0x1;
	s12 =	sadd.s32 s6, s2  }
0xc: {  	s1 =	smul.u32 $0x500, s1;
	s7 =	sadd.s32 s6, s7;
	s8 =	sadd.s32 s8, s5  }
0xd: {  	s0 =	ssub.s32 s0, s31;
	s12 =	sshrl.u32 s12, $0x3;
	s7 =	sshrl.u32 s7, $0x3  }
0xe: {  	s1 =	sadd.s32 s1, s5;
	s10 =	sadd.s32 s7, s5;
	s5 =	sshll.u32 s9, $0x6  }
0xf: {  	s6 =	sadd.s32 $0x29C00, s8;
	s11 =	smax.u32 s0, $0x1;
	s7 =	sor.u32 $0x1C01, s5  }
0x10: {  	s8 =	sadd.s32 $0xC000, s1;
	s9 =	sadd.s32 $0x1600, s1;
	s10 =	sadd.s32 $0x3D800, s10  }
.LBB2_1:
0x11: {  	[spmem:s12], [sflag:s7] =	dma.local [hbm:s6], $0x13C0  }
0x12: {  	s0 =	simm.s32 $0x9E00  }
0x13: {  	[tilespmem:s0], [sflag:$0x1] =	stream.linear.gather [hbm4b:s8+s3], $0x2800, $0x38;
	[tilespmem:$0x1EE00] =	vst v63  }
0x14: {  	s13 =	simm.s32 $0xC600  }
0x15: {  	[tilespmem:s13], [sflag:$0x1] =	stream.linear.gather [hbm4b:s9+s3], $0x2800, $0x38;
	[tilespmem:$0x1EE00] =	vst v63  }
0x16: {  	_ =	swait.ge [sflag:s15], $0x13C0  }
0x17: {  	[sflag:s15] =	ssyncset.done $0x0  }
0x18: {  	[sflag:s15] =	ssyncadd.s32 $0xFFFFEC40  }
0x19: {  	_ =	swait.ge [sflag:s15], $0x2800  }
0x1a: {  	[sflag:s15] =	ssyncset.done $0x0  }
0x1b: {  	[sflag:s15] =	ssyncadd.s32 $0xFFFFD800  }
0x1c: {  	_ =	swait.ge [sflag:s15], $0x2800  }
0x1d: {  	p0 =	por $0x1, $0x1;
	[sflag:s15] =	ssyncset.done $0x0  }
0x1e: {  	p0 =	por p0, p0;
	[sflag:s15] =	ssyncadd.s32 $0xFFFFD800  }
0x1f: {  	s0 =	simm.s32 @!p0 $0x3;
	[bflag:$0x0] =	sbarrier.arrive $0xFFFF  }
0x20: {  	_ =	swait.ge @!p0 [sflag:s0], $0x2000  }
0x21: {  	[sflag:s0] =	ssyncset.done @!p0 $0x0  }
0x22: {  	[sflag:s0] =	ssyncadd.s32 @!p0 $0xFFFFE000  }
0x23: {  	_ =	swait.ge @!p0 [sflag:s0], $0x2000  }
0x24: {  	[sflag:s0] =	ssyncset.done @!p0 $0x0  }
0x25: {  	[sflag:s0] =	ssyncadd.s32 @!p0 $0xFFFFE000  }
0x26: {  	_ =	swait.ge @!p0 [sflag:s0], $0x2000  }
0x27: {  	[sflag:s0] =	ssyncset.done @!p0 $0x0  }
0x28: {  	[sflag:s0] =	ssyncadd.s32 @!p0 $0xFFFFE000  }
0x29: {  	_ =	swait.ge @!p0 [sflag:s0], $0x2000  }
0x2a: {  	[sflag:s0] =	ssyncset.done @!p0 $0x0  }
0x2b: {  	s14 =	simm.s32 $0x9E00;
	[sflag:s0] =	ssyncadd.s32 @!p0 $0xFFFFE000  }
0x2c: {  	[tilespmem:s17], [sflag:$0x1] =	stream.indirect.gather [hbm4b:s4+s16], $0x40, s14, s16, $0xb8;
	[tilespmem:$0x1EE00] =	vst v63  }
0x2d: {  	s1 =	simm.s32 $0x9E80  }
0x2e: {  	[tilespmem:s18], [sflag:$0x1] =	stream.indirect.gather [hbm4b:s4+s16], $0x40, s1, s16, $0xb8;
	[tilespmem:$0x1EE00] =	vst v63  }
0x2f: {  	s13 =	simm.s32 $0x9F00  }
0x30: {  	[tilespmem:s19], [sflag:$0x1] =	stream.indirect.gather [hbm4b:s4+s16], $0x40, s13, s16, $0xb8;
	[tilespmem:$0x1EE00] =	vst v63  }
0x31: {  	s14 =	simm.s32 $0x9F80;
	s1 =	simm.s32 @!p0 $0x4  }
0x32: {  	[tilespmem:s20], [sflag:$0x1] =	stream.indirect.gather [hbm4b:s4+s16], $0x40, s14, s16, $0xb8;
	[tilespmem:$0x1EE00] =	vst v63  }
0x33: {  	_ =	swait.ge @!p0 [sflag:s1], $0x2000  }
0x34: {  	[sflag:s1] =	ssyncset.done @!p0 $0x0  }
0x35: {  	[sflag:s1] =	ssyncadd.s32 @!p0 $0xFFFFE000  }
0x36: {  	_ =	swait.ge @!p0 [sflag:s1], $0x2000  }
0x37: {  	[sflag:s1] =	ssyncset.done @!p0 $0x0  }
0x38: {  	[sflag:s1] =	ssyncadd.s32 @!p0 $0xFFFFE000  }
0x39: {  	_ =	swait.ge @!p0 [sflag:s1], $0x2000  }
0x3a: {  	[sflag:s1] =	ssyncset.done @!p0 $0x0  }
0x3b: {  	[sflag:s1] =	ssyncadd.s32 @!p0 $0xFFFFE000  }
0x3c: {  	_ =	swait.ge @!p0 [sflag:s1], $0x2000  }
0x3d: {  	[sflag:s1] =	ssyncset.done @!p0 $0x0  }
0x3e: {  	s13 =	simm.s32 $0xA000;
	[sflag:s1] =	ssyncadd.s32 @!p0 $0xFFFFE000  }
0x3f: {  	[tilespmem:s21], [sflag:$0x2] =	stream.indirect.gather [hbm4b:s4+s16], $0x40, s13, s16, $0xb8;
	[tilespmem:$0x1EE00] =	vst v63  }
0x40: {  	s14 =	simm.s32 $0xA080  }
0x41: {  	[tilespmem:s22], [sflag:$0x2] =	stream.indirect.gather [hbm4b:s4+s16], $0x40, s14, s16, $0xb8;
	[tilespmem:$0x1EE00] =	vst v63  }
0x42: {  	s1 =	simm.s32 $0xA100  }
0x43: {  	[tilespmem:s23], [sflag:$0x2] =	stream.indirect.gather [hbm4b:s4+s16], $0x40, s1, s16, $0xb8;
	[tilespmem:$0x1EE00] =	vst v63  }
0x44: {  	s13 =	simm.s32 $0xA180  }
0x45: {  	[tilespmem:s24], [sflag:$0x2] =	stream.indirect.gather [hbm4b:s4+s16], $0x40, s13, s16, $0xb8;
	[tilespmem:$0x1EE00] =	vst v63  }
0x46: {  	_ =	swait.ge [sflag:s15], $0x2000  }
0x47: {  	[sflag:s15] =	ssyncset.done $0x0  }
0x48: {  	[sflag:s15] =	ssyncadd.s32 $0xFFFFE000  }
0x49: {  	_ =	swait.ge [sflag:s15], $0x2000  }
0x4a: {  	[sflag:s15] =	ssyncset.done $0x0  }
0x4b: {  	[sflag:s15] =	ssyncadd.s32 $0xFFFFE000  }
0x4c: {  	_ =	swait.ge [sflag:s15], $0x2000  }
0x4d: {  	[sflag:s15] =	ssyncset.done $0x0  }
0x4e: {  	[sflag:s15] =	ssyncadd.s32 $0xFFFFE000  }
0x4f: {  	_ =	swait.ge [sflag:s15], $0x2000  }
0x50: {  	[sflag:s15] =	ssyncset.done $0x0  }
0x51: {  	s14 =	simm.s32 $0xC600;
	[sflag:s15] =	ssyncadd.s32 $0xFFFFE000  }
0x52: {  	[spmem:s2] =	stream.indirect.scatter.add.f32 [tilespmem:s17], [sflag:$0x3], $0x40, s14, s16, $0xb8;
	[tilespmem:$0x1EE00] =	vst v63  }
0x53: {  	s1 =	simm.s32 $0xC680  }
0x54: {  	[spmem:s2] =	stream.indirect.scatter.add.f32 [tilespmem:s18], [sflag:$0x3], $0x40, s1, s16, $0xb8;
	[tilespmem:$0x1EE00] =	vst v63  }
0x55: {  	s13 =	simm.s32 $0xC700  }
0x56: {  	[spmem:s2] =	stream.indirect.scatter.add.f32 [tilespmem:s19], [sflag:$0x3], $0x40, s13, s16, $0xb8;
	[tilespmem:$0x1EE00] =	vst v63  }
0x57: {  	s14 =	simm.s32 $0xC780  }
0x58: {  	[spmem:s2] =	stream.indirect.scatter.add.f32 [tilespmem:s20], [sflag:$0x3], $0x40, s14, s16, $0xb8;
	[tilespmem:$0x1EE00] =	vst v63  }
0x59: {  	_ =	swait.ge [sflag:s25], $0x2000  }
0x5a: {  	[sflag:s25] =	ssyncset.done $0x0  }
0x5b: {  	[sflag:s25] =	ssyncadd.s32 $0xFFFFE000  }
0x5c: {  	_ =	swait.ge [sflag:s25], $0x2000  }
0x5d: {  	[sflag:s25] =	ssyncset.done $0x0  }
0x5e: {  	[sflag:s25] =	ssyncadd.s32 $0xFFFFE000  }
0x5f: {  	_ =	swait.ge [sflag:s25], $0x2000  }
0x60: {  	[sflag:s25] =	ssyncset.done $0x0  }
0x61: {  	[sflag:s25] =	ssyncadd.s32 $0xFFFFE000  }
0x62: {  	_ =	swait.ge [sflag:s25], $0x2000  }
0x63: {  	[sflag:s25] =	ssyncset.done $0x0  }
0x64: {  	s31 =	simm.s32 $0x1000;
	s1 =	simm.s32 $0xC800;
	[sflag:s25] =	ssyncadd.s32 $0xFFFFE000  }
0x65: {  	[spmem:s2] =	stream.indirect.scatter.add.f32 [tilespmem:s21], [sflag:$0x4], $0x40, s1, s16, $0xb8;
	[tilespmem:$0x1EE00] =	vst v63  }
0x66: {  	p6 =	por $0x0, $0x0;
	s0 =	simm.s32 $0xC980;
	s13 =	simm.s32 $0xC880  }
0x67: {  	[spmem:s2] =	stream.indirect.scatter.add.f32 [tilespmem:s22], [sflag:$0x4], $0x40, s13, s16, $0xb8;
	[tilespmem:$0x1EE00] =	vst v63  }
0x68: {  	p0 =	por p6, p6;
	s14 =	simm.s32 $0xC900;
	s1 =	simm.s32 $0x2000  }
0x69: {  	[spmem:s2] =	stream.indirect.scatter.add.f32 [tilespmem:s23], [sflag:$0x4], $0x40, s14, s16, $0xb8;
	[tilespmem:$0x1EE00] =	vst v63  }
.LBB2_2:
0x6a: {  	[spmem:s2] =	stream.indirect.scatter.add.f32 [tilespmem:s24], [sflag:$0x4], $0x40, s0, s16, $0xb8;
	[tilespmem:$0x1EE00] =	vst v63  }
0x6b: {  	s13 =	smov.u32 s1  }
0x6c: {  	s1 =	sadd.s32 $0x1000, s1;
	s14 =	simm.s32 @!p0 $0x3;
	p2 =	seq.s32 s13, $0x0  }
0x6d: {  	p1 =	sne.s32 s1, $0xA000;
	_ =	swait.ge @!p0 [sflag:s14], $0x2000  }
0x6e: {  	[sflag:s14] =	ssyncset.done @!p0 $0x0  }
0x6f: {  	[sflag:s14] =	ssyncadd.s32 @!p0 $0xFFFFE000  }
0x70: {  	_ =	swait.ge @!p0 [sflag:s14], $0x2000  }
0x71: {  	[sflag:s14] =	ssyncset.done @!p0 $0x0  }
0x72: {  	[sflag:s14] =	ssyncadd.s32 @!p0 $0xFFFFE000  }
0x73: {  	_ =	swait.ge @!p0 [sflag:s14], $0x2000  }
0x74: {  	[sflag:s14] =	ssyncset.done @!p0 $0x0  }
0x75: {  	[sflag:s14] =	ssyncadd.s32 @!p0 $0xFFFFE000  }
0x76: {  	_ =	swait.ge @!p0 [sflag:s14], $0x2000  }
0x77: {  	s0 =	sshra.s32 s31, $0x2;
	s31 =	smov.u32 s13;
	[sflag:s14] =	ssyncset.done @!p0 $0x0  }
0x78: {  	s13 =	sadd.s32 $0x9E00, s0;
	[sflag:s14] =	ssyncadd.s32 @!p0 $0xFFFFE000  }
0x79: {  	[tilespmem:s17], [sflag:$0x1] =	stream.indirect.gather [hbm4b:s4+s16], $0x40, s13, s16, $0xb8;
	[tilespmem:$0x1EE00] =	vst v63  }
0x7a: {  	s13 =	sadd.s32 $0x9E80, s0  }
0x7b: {  	[tilespmem:s18], [sflag:$0x1] =	stream.indirect.gather [hbm4b:s4+s16], $0x40, s13, s16, $0xb8;
	[tilespmem:$0x1EE00] =	vst v63  }
0x7c: {  	s13 =	sadd.s32 $0x9F00, s0  }
0x7d: {  	[tilespmem:s19], [sflag:$0x1] =	stream.indirect.gather [hbm4b:s4+s16], $0x40, s13, s16, $0xb8;
	[tilespmem:$0x1EE00] =	vst v63  }
0x7e: {  	s14 =	simm.s32 @!p0 $0x4;
	s13 =	sadd.s32 $0x9F80, s0  }
0x7f: {  	[tilespmem:s20], [sflag:$0x1] =	stream.indirect.gather [hbm4b:s4+s16], $0x40, s13, s16, $0xb8;
	[tilespmem:$0x1EE00] =	vst v63  }
0x80: {  	_ =	swait.ge @!p0 [sflag:s14], $0x2000  }
0x81: {  	[sflag:s14] =	ssyncset.done @!p0 $0x0  }
0x82: {  	[sflag:s14] =	ssyncadd.s32 @!p0 $0xFFFFE000  }
0x83: {  	_ =	swait.ge @!p0 [sflag:s14], $0x2000  }
0x84: {  	[sflag:s14] =	ssyncset.done @!p0 $0x0  }
0x85: {  	[sflag:s14] =	ssyncadd.s32 @!p0 $0xFFFFE000  }
0x86: {  	_ =	swait.ge @!p0 [sflag:s14], $0x2000  }
0x87: {  	[sflag:s14] =	ssyncset.done @!p0 $0x0  }
0x88: {  	[sflag:s14] =	ssyncadd.s32 @!p0 $0xFFFFE000  }
0x89: {  	_ =	swait.ge @!p0 [sflag:s14], $0x2000  }
0x8a: {  	[sflag:s14] =	ssyncset.done @!p0 $0x0  }
0x8b: {  	s13 =	sadd.s32 $0xA000, s0;
	[sflag:s14] =	ssyncadd.s32 @!p0 $0xFFFFE000;
	p0 =	por p2, p2  }
0x8c: {  	[tilespmem:s21], [sflag:$0x2] =	stream.indirect.gather [hbm4b:s4+s16], $0x40, s13, s16, $0xb8;
	[tilespmem:$0x1EE00] =	vst v63  }
0x8d: {  	s13 =	sadd.s32 $0xA080, s0  }
0x8e: {  	[tilespmem:s22], [sflag:$0x2] =	stream.indirect.gather [hbm4b:s4+s16], $0x40, s13, s16, $0xb8;
	[tilespmem:$0x1EE00] =	vst v63  }
0x8f: {  	s13 =	sadd.s32 $0xA100, s0  }
0x90: {  	[tilespmem:s23], [sflag:$0x2] =	stream.indirect.gather [hbm4b:s4+s16], $0x40, s13, s16, $0xb8;
	[tilespmem:$0x1EE00] =	vst v63  }
0x91: {  	s13 =	sadd.s32 $0xA180, s0  }
0x92: {  	[tilespmem:s24], [sflag:$0x2] =	stream.indirect.gather [hbm4b:s4+s16], $0x40, s13, s16, $0xb8;
	[tilespmem:$0x1EE00] =	vst v63  }
0x93: {  	_ =	swait.ge [sflag:s15], $0x2000  }
0x94: {  	[sflag:s15] =	ssyncset.done $0x0  }
0x95: {  	[sflag:s15] =	ssyncadd.s32 $0xFFFFE000  }
0x96: {  	_ =	swait.ge [sflag:s15], $0x2000  }
0x97: {  	[sflag:s15] =	ssyncset.done $0x0  }
0x98: {  	[sflag:s15] =	ssyncadd.s32 $0xFFFFE000  }
0x99: {  	_ =	swait.ge [sflag:s15], $0x2000  }
0x9a: {  	[sflag:s15] =	ssyncset.done $0x0  }
0x9b: {  	[sflag:s15] =	ssyncadd.s32 $0xFFFFE000  }
0x9c: {  	_ =	swait.ge [sflag:s15], $0x2000  }
0x9d: {  	[sflag:s15] =	ssyncset.done $0x0  }
0x9e: {  	s13 =	sadd.s32 $0xC600, s0;
	[sflag:s15] =	ssyncadd.s32 $0xFFFFE000  }
0x9f: {  	[spmem:s2] =	stream.indirect.scatter.add.f32 [tilespmem:s17], [sflag:$0x3], $0x40, s13, s16, $0xb8;
	[tilespmem:$0x1EE00] =	vst v63  }
0xa0: {  	s13 =	sadd.s32 $0xC680, s0  }
0xa1: {  	[spmem:s2] =	stream.indirect.scatter.add.f32 [tilespmem:s18], [sflag:$0x3], $0x40, s13, s16, $0xb8;
	[tilespmem:$0x1EE00] =	vst v63  }
0xa2: {  	s13 =	sadd.s32 $0xC700, s0  }
0xa3: {  	[spmem:s2] =	stream.indirect.scatter.add.f32 [tilespmem:s19], [sflag:$0x3], $0x40, s13, s16, $0xb8;
	[tilespmem:$0x1EE00] =	vst v63  }
0xa4: {  	s13 =	sadd.s32 $0xC780, s0  }
0xa5: {  	[spmem:s2] =	stream.indirect.scatter.add.f32 [tilespmem:s20], [sflag:$0x3], $0x40, s13, s16, $0xb8;
	[tilespmem:$0x1EE00] =	vst v63  }
0xa6: {  	_ =	swait.ge [sflag:s25], $0x2000  }
0xa7: {  	[sflag:s25] =	ssyncset.done $0x0  }
0xa8: {  	[sflag:s25] =	ssyncadd.s32 $0xFFFFE000  }
0xa9: {  	_ =	swait.ge [sflag:s25], $0x2000  }
0xaa: {  	[sflag:s25] =	ssyncset.done $0x0  }
0xab: {  	[sflag:s25] =	ssyncadd.s32 $0xFFFFE000  }
0xac: {  	_ =	swait.ge [sflag:s25], $0x2000  }
0xad: {  	[sflag:s25] =	ssyncset.done $0x0  }
0xae: {  	[sflag:s25] =	ssyncadd.s32 $0xFFFFE000  }
0xaf: {  	_ =	swait.ge [sflag:s25], $0x2000  }
0xb0: {  	[sflag:s25] =	ssyncset.done $0x0  }
0xb1: {  	s13 =	sadd.s32 $0xC800, s0;
	[sflag:s25] =	ssyncadd.s32 $0xFFFFE000  }
0xb2: {  	[spmem:s2] =	stream.indirect.scatter.add.f32 [tilespmem:s21], [sflag:$0x4], $0x40, s13, s16, $0xb8;
	[tilespmem:$0x1EE00] =	vst v63  }
.Ltmp0:
0xb3: {  	s13 =	sadd.s32 $0xC880, s0;
	(pc) =	sbr.rel @p1 .LBB2_2-.Ltmp0, $4  }
0xb4: {  	[spmem:s2] =	stream.indirect.scatter.add.f32 [tilespmem:s22], [sflag:$0x4], $0x40, s13, s16, $0xb8;
	[tilespmem:$0x1EE00] =	vst v63  }
0xb5: {  	s13 =	sadd.s32 $0xC900, s0  }
0xb6: {  	[spmem:s2] =	stream.indirect.scatter.add.f32 [tilespmem:s23], [sflag:$0x4], $0x40, s13, s16, $0xb8;
	[tilespmem:$0x1EE00] =	vst v63  }
0xb7: {  	s0 =	sadd.s32 $0xC980, s0  }
0xb8: {  	[spmem:s2] =	stream.indirect.scatter.add.f32 [tilespmem:s24], [sflag:$0x4], $0x40, s0, s16, $0xb8;
	[tilespmem:$0x1EE00] =	vst v63  }
0xb9: {  	s1 =	simm.s32 @!p0 $0x3  }
0xba: {  	_ =	swait.ge @!p0 [sflag:s1], $0x2000  }
0xbb: {  	[sflag:s1] =	ssyncset.done @!p0 $0x0  }
0xbc: {  	[sflag:s1] =	ssyncadd.s32 @!p0 $0xFFFFE000  }
0xbd: {  	_ =	swait.ge @!p0 [sflag:s1], $0x2000  }
0xbe: {  	[sflag:s1] =	ssyncset.done @!p0 $0x0  }
0xbf: {  	[sflag:s1] =	ssyncadd.s32 @!p0 $0xFFFFE000  }
0xc0: {  	_ =	swait.ge @!p0 [sflag:s1], $0x2000  }
0xc1: {  	[sflag:s1] =	ssyncset.done @!p0 $0x0  }
0xc2: {  	[sflag:s1] =	ssyncadd.s32 @!p0 $0xFFFFE000  }
0xc3: {  	_ =	swait.ge @!p0 [sflag:s1], $0x2000  }
0xc4: {  	s0 =	sshra.s32 s31, $0x2;
	[sflag:s1] =	ssyncset.done @!p0 $0x0  }
0xc5: {  	s31 =	sadd.s32 $0x9E00, s0;
	[sflag:s1] =	ssyncadd.s32 @!p0 $0xFFFFE000  }
0xc6: {  	[tilespmem:s17], [sflag:$0x1] =	stream.indirect.gather [hbm4b:s4+s16], $0x40, s31, s16, $0xb8;
	[tilespmem:$0x1EE00] =	vst v63  }
0xc7: {  	s13 =	sadd.s32 $0x9E80, s0  }
0xc8: {  	[tilespmem:s18], [sflag:$0x1] =	stream.indirect.gather [hbm4b:s4+s16], $0x40, s13, s16, $0xb8;
	[tilespmem:$0x1EE00] =	vst v63  }
0xc9: {  	s14 =	sadd.s32 $0x9F00, s0  }
0xca: {  	[tilespmem:s19], [sflag:$0x1] =	stream.indirect.gather [hbm4b:s4+s16], $0x40, s14, s16, $0xb8;
	[tilespmem:$0x1EE00] =	vst v63  }
0xcb: {  	s31 =	sadd.s32 $0x9F80, s0;
	s13 =	simm.s32 @!p0 $0x4  }
0xcc: {  	[tilespmem:s20], [sflag:$0x1] =	stream.indirect.gather [hbm4b:s4+s16], $0x40, s31, s16, $0xb8;
	[tilespmem:$0x1EE00] =	vst v63  }
0xcd: {  	_ =	swait.ge @!p0 [sflag:s13], $0x2000  }
0xce: {  	[sflag:s13] =	ssyncset.done @!p0 $0x0  }
0xcf: {  	[sflag:s13] =	ssyncadd.s32 @!p0 $0xFFFFE000  }
0xd0: {  	_ =	swait.ge @!p0 [sflag:s13], $0x2000  }
0xd1: {  	[sflag:s13] =	ssyncset.done @!p0 $0x0  }
0xd2: {  	[sflag:s13] =	ssyncadd.s32 @!p0 $0xFFFFE000  }
0xd3: {  	_ =	swait.ge @!p0 [sflag:s13], $0x2000  }
0xd4: {  	[sflag:s13] =	ssyncset.done @!p0 $0x0  }
0xd5: {  	[sflag:s13] =	ssyncadd.s32 @!p0 $0xFFFFE000  }
0xd6: {  	_ =	swait.ge @!p0 [sflag:s13], $0x2000  }
0xd7: {  	[sflag:s13] =	ssyncset.done @!p0 $0x0  }
0xd8: {  	[sflag:s13] =	ssyncadd.s32 @!p0 $0xFFFFE000;
	s13 =	sadd.s32 $0xA000, s0  }
0xd9: {  	[tilespmem:s21], [sflag:$0x2] =	stream.indirect.gather [hbm4b:s4+s16], $0x40, s13, s16, $0xb8;
	[tilespmem:$0x1EE00] =	vst v63  }
0xda: {  	s14 =	sadd.s32 $0xA080, s0  }
0xdb: {  	[tilespmem:s22], [sflag:$0x2] =	stream.indirect.gather [hbm4b:s4+s16], $0x40, s14, s16, $0xb8;
	[tilespmem:$0x1EE00] =	vst v63  }
0xdc: {  	s31 =	sadd.s32 $0xA100, s0  }
0xdd: {  	[tilespmem:s23], [sflag:$0x2] =	stream.indirect.gather [hbm4b:s4+s16], $0x40, s31, s16, $0xb8;
	[tilespmem:$0x1EE00] =	vst v63  }
0xde: {  	s13 =	sadd.s32 $0xA180, s0  }
0xdf: {  	[tilespmem:s24], [sflag:$0x2] =	stream.indirect.gather [hbm4b:s4+s16], $0x40, s13, s16, $0xb8;
	[tilespmem:$0x1EE00] =	vst v63  }
0xe0: {  	_ =	swait.ge [sflag:s15], $0x2000  }
0xe1: {  	[sflag:s15] =	ssyncset.done $0x0  }
0xe2: {  	[sflag:s15] =	ssyncadd.s32 $0xFFFFE000  }
0xe3: {  	_ =	swait.ge [sflag:s15], $0x2000  }
0xe4: {  	[sflag:s15] =	ssyncset.done $0x0  }
0xe5: {  	[sflag:s15] =	ssyncadd.s32 $0xFFFFE000  }
0xe6: {  	_ =	swait.ge [sflag:s15], $0x2000  }
0xe7: {  	[sflag:s15] =	ssyncset.done $0x0  }
0xe8: {  	[sflag:s15] =	ssyncadd.s32 $0xFFFFE000  }
0xe9: {  	_ =	swait.ge [sflag:s15], $0x2000  }
0xea: {  	[sflag:s15] =	ssyncset.done $0x0  }
0xeb: {  	s14 =	sadd.s32 $0xC600, s0;
	[sflag:s15] =	ssyncadd.s32 $0xFFFFE000  }
0xec: {  	[spmem:s2] =	stream.indirect.scatter.add.f32 [tilespmem:s17], [sflag:$0x3], $0x40, s14, s16, $0xb8;
	[tilespmem:$0x1EE00] =	vst v63  }
0xed: {  	s31 =	sadd.s32 $0xC680, s0  }
0xee: {  	[spmem:s2] =	stream.indirect.scatter.add.f32 [tilespmem:s18], [sflag:$0x3], $0x40, s31, s16, $0xb8;
	[tilespmem:$0x1EE00] =	vst v63  }
0xef: {  	s13 =	sadd.s32 $0xC700, s0  }
0xf0: {  	[spmem:s2] =	stream.indirect.scatter.add.f32 [tilespmem:s19], [sflag:$0x3], $0x40, s13, s16, $0xb8;
	[tilespmem:$0x1EE00] =	vst v63  }
0xf1: {  	s14 =	sadd.s32 $0xC780, s0  }
0xf2: {  	[spmem:s2] =	stream.indirect.scatter.add.f32 [tilespmem:s20], [sflag:$0x3], $0x40, s14, s16, $0xb8;
	[tilespmem:$0x1EE00] =	vst v63  }
0xf3: {  	_ =	swait.ge [sflag:s25], $0x2000  }
0xf4: {  	[sflag:s25] =	ssyncset.done $0x0  }
0xf5: {  	[sflag:s25] =	ssyncadd.s32 $0xFFFFE000  }
0xf6: {  	_ =	swait.ge [sflag:s25], $0x2000  }
0xf7: {  	[sflag:s25] =	ssyncset.done $0x0  }
0xf8: {  	[sflag:s25] =	ssyncadd.s32 $0xFFFFE000  }
0xf9: {  	_ =	swait.ge [sflag:s25], $0x2000  }
0xfa: {  	[sflag:s25] =	ssyncset.done $0x0  }
0xfb: {  	[sflag:s25] =	ssyncadd.s32 $0xFFFFE000  }
0xfc: {  	_ =	swait.ge [sflag:s25], $0x2000  }
0xfd: {  	[sflag:s25] =	ssyncset.done $0x0  }
0xfe: {  	s31 =	sadd.s32 $0xC800, s0;
	[sflag:s25] =	ssyncadd.s32 $0xFFFFE000  }
0xff: {  	[spmem:s2] =	stream.indirect.scatter.add.f32 [tilespmem:s21], [sflag:$0x4], $0x40, s31, s16, $0xb8;
	[tilespmem:$0x1EE00] =	vst v63  }
0x100: {  	s13 =	sadd.s32 $0xC880, s0  }
0x101: {  	[spmem:s2] =	stream.indirect.scatter.add.f32 [tilespmem:s22], [sflag:$0x4], $0x40, s13, s16, $0xb8;
	[tilespmem:$0x1EE00] =	vst v63  }
0x102: {  	s14 =	sadd.s32 $0xC900, s0  }
0x103: {  	[spmem:s2] =	stream.indirect.scatter.add.f32 [tilespmem:s23], [sflag:$0x4], $0x40, s14, s16, $0xb8;
	[tilespmem:$0x1EE00] =	vst v63  }
0x104: {  	s0 =	sadd.s32 $0xC980, s0  }
0x105: {  	[spmem:s2] =	stream.indirect.scatter.add.f32 [tilespmem:s24], [sflag:$0x4], $0x40, s0, s16, $0xb8;
	[tilespmem:$0x1EE00] =	vst v63  }
0x106: {  	_ =	swait.ge [sflag:s26], $0x2000  }
0x107: {  	[sflag:s26] =	ssyncset.done $0x0  }
0x108: {  	[sflag:s26] =	ssyncadd.s32 $0xFFFFE000  }
0x109: {  	_ =	swait.ge [sflag:s26], $0x2000  }
0x10a: {  	[sflag:s26] =	ssyncset.done $0x0  }
0x10b: {  	[sflag:s26] =	ssyncadd.s32 $0xFFFFE000  }
0x10c: {  	_ =	swait.ge [sflag:s26], $0x2000  }
0x10d: {  	[sflag:s26] =	ssyncset.done $0x0  }
0x10e: {  	[sflag:s26] =	ssyncadd.s32 $0xFFFFE000  }
0x10f: {  	_ =	swait.ge [sflag:s26], $0x2000  }
0x110: {  	[sflag:s26] =	ssyncset.done $0x0  }
0x111: {  	[sflag:s26] =	ssyncadd.s32 $0xFFFFE000  }
0x112: {  	_ =	swait.ge [sflag:s28], $0x2000  }
0x113: {  	[sflag:s28] =	ssyncset.done $0x0  }
0x114: {  	[sflag:s28] =	ssyncadd.s32 $0xFFFFE000  }
0x115: {  	_ =	swait.ge [sflag:s28], $0x2000  }
0x116: {  	[sflag:s28] =	ssyncset.done $0x0  }
0x117: {  	[sflag:s28] =	ssyncadd.s32 $0xFFFFE000  }
0x118: {  	_ =	swait.ge [sflag:s28], $0x2000  }
0x119: {  	[sflag:s28] =	ssyncset.done $0x0  }
0x11a: {  	[sflag:s28] =	ssyncadd.s32 $0xFFFFE000  }
0x11b: {  	_ =	swait.ge [sflag:s28], $0x2000  }
0x11c: {  	s30 =	sadd.s32 $0x1, s30;
	[sflag:s28] =	ssyncset.done $0x0  }
0x11d: {  	p0 =	sne.s32 s30, s11;
	[sflag:s28] =	ssyncadd.s32 $0xFFFFE000  }
.Ltmp1:
0x11e: {  	s31 =	sor.u32 $0x1C05, s5;
	[bflag:$0x0] =	sbarrier.arrive $0xFFFF;
	(pc) =	sbr.rel @p0 .LBB2_1-.Ltmp1, $4  }
0x11f: {  	[hbm:s10], [sflag:s31] =	dma.local [spmem:s12], $0x13C0  }
0x120: {  	_ =	swait.ge [sflag:s29], $0x13C0  }
0x121: {  	[sflag:s29] =	ssyncset.done $0x0  }
0x122: {  	[sflag:s29] =	ssyncadd.s32 $0xFFFFEC40  }
0x123: {  	_ =	sfence.sel $0x180000  }
0x124: {  	[bflag:$0x0] =	sbarrier.arrive $0xFFFF  }
0x125: {  	_ =	strace $0x9000004A  }
0x126: {  	s0 =	stileid.u32;
	[bflag:$0x2] =	sbarrier.arrive $0xFFFF  }
0x127: {  	p0 =	sne.s32 s0, $0x0;
	s0 =	rddreg [dreg:$0x2]  }
0x128: {  	s0 =	sadd.s32 @!p0 $0x100000, s0  }
0x129: {  	[sflag:s0] =	ssyncadd.tile.s32 @!p0 $0x1;
	_ =	shalt  }
.Lfunc_end2:
_tile_overlayer_lowered:
.L_overlay_start_2:
0x12a: {  	(tag) =	ssettag $0x2  }
0x12b: {  	s0 =	rddreg [dreg:$0x0];
	s2 =	stileid.u32  }
0x12c: {  	s1 =	rddreg [dreg:$0x1];
	p0 =	sne.s32 s2, $0x0  }
0x12d: {  	s3 =	rddreg [dreg:$0x2];
	[bflag:$0x3] =	sbarrier.arrive $0xFFFF;
	s2 =	simm.s32 @!p0 $0x1C05  }
0x12e: {  	[timem:s3], [sflag:s2] =	dma.local @!p0 [hbm:s0], s1  }
0x12f: {  	s0 =	simm.s32 @!p0 $0x5  }
0x130: {  	_ =	swait.ge @!p0 [sflag:s0], s1  }
0x131: {  	s1 =	ssub.s32 @!p0 $0x0, s1;
	[sflag:s0] =	ssyncset.done @!p0 $0x0  }
0x132: {  	[sflag:s0] =	ssyncadd.s32 @!p0 s1  }
0x133: {  	[bflag:$0x3] =	sbarrier.arrive $0xFFFF  }
0x134: {  	_ =	shalt  }

// kernel: kernel.14.cloned.1.call-start
scs
__scs_entry_jumppad:
0x0: {  	(pc) =	sbr.rel $0x88, $3  }
0x1: {  	(tag) =	ssettag $0x0;
	lr =	simm.s32 $0x1  }
0x2: {  	[smem:$0x3F9B] =	sst lr;
	_ =	strace $0xD0000000  }
0x3: {  	_ = 	snop  }
0x4: {  	_ = 	snop  }
0x5: {  	_ = 	snop  }
0x6: {  	_ = 	snop  }
0x7: {  	_ = 	snop  }
__scs_overlays_trampoline_lowered:
0x8: {  	[smem:$0x3FAA] =	sst s0  }
0x9: {  	[smem:$0x3FAB] =	sst s1  }
0xa: {  	[smem:$0x3FAC] =	sst s2  }
0xb: {  	[smem:$0x3FAD] =	sst s3  }
0xc: {  	[smem:$0x3FAE] =	sst s4  }
0xd: {  	[smem:$0x3FAF] =	sst s5  }
0xe: {  	[smem:$0x3FB0] =	sst s6  }
0xf: {  	[smem:$0x3FB1] =	sst s7  }
0x10: {  	[smem:$0x3FB2] =	sst s8  }
0x11: {  	[smem:$0x3FB3] =	sst s9;
	s0 =	simm.s32 @!p0 $0x0  }
0x12: {  	s1 =	sld [smem:$0x3F99];
	s0 =	simm.s32 @p0 $0x1  }
0x13: {  	[smem:$0x3FB4] =	sst s0;
	s0 =	simm.s32 @!p1 $0x0  }
0x14: {  	s2 =	sld [smem:$0x3F98];
	s0 =	simm.s32 @p1 $0x1  }
0x15: {  	[smem:$0x3FB5] =	sst s0;
	s0 =	simm.s32 @!p2 $0x0  }
0x16: {  	s3 =	sld [smem:$0x3FDB];
	s0 =	simm.s32 @p2 $0x1  }
0x17: {  	s4 =	simm.s32 $0x1BF5;
	[smem:$0x3FB7] =	sst s0  }
0x18: {  	s0 =	sld [smem:$0x3F9A];
	_ =	swait.ge [sflag:s4], $0x0  }
0x19: {  	s7 =	sld [smem:$0x3F9B]  }
0x1a: {  	s8 =	sadd.s32 $0xFFFFE003, lr  }
0x1b: {  	s9 =	sadd.s32 $0xFFFFFEF7, lr;
	s5 =	simm.s32 $0xFFFFFFFF;
	p2 =	slt.u32 s8, $0xFFFFF086  }
0x1c: {  	p1 =	slt.u32 s9, $0xF7A;
	s5 =	simm.s32 @!p2 $0x0  }
0x1d: {  	s5 =	simm.s32 @p1 $0x1;
	p0 =	seq.s32 s7, s2  }
0x1e: {  	s7 =	smul.u32 @!p0 $0xF7A, s2;
	p2 =	seq.s32 @!p0 s5, $0x0  }
0x1f: {  	s9 =	smul.u32 $0xF7A, s1;
	s8 =	simm.s32 @!p0 $0x1BF5;
	p2 =	por !p2, p0  }
0x20: {  	[sflag:s8] =	ssyncset.s32 @!p0 $0xFFFFF086;
	s6 =	sadd.s32 @!p0 s3, s7;
	s7 =	simm.s32 @!p0 $0x108  }
0x21: {  	s3 =	sadd.s32 s3, s9;
	s6 =	sadd.s32 @!p0 $0x88, s6;
	s7 =	simm.s32 @p2 $0x1082  }
0x22: {  	[simem:s7], [sflag:s8] =	dma.local @!p0 [hbm:s6], $0xF7A  }
0x23: {  	s9 =	sor.u32 $0xD0000000, s2;
	s6 =	simm.s32 $0x108;
	_ =	swait.ge @!p0 [sflag:s8], $0x0  }
0x24: {  	s3 =	sadd.s32 $0x88, s3;
	s6 =	simm.s32 @!p1 $0x1082;
	[sflag:s4] =	ssyncset.s32 $0xFFFFF086  }
0x25: {  	[simem:s6], [sflag:s4] =	dma.local [hbm:s3], $0xF7A  }
0x26: {  	[smem:$0x3F9B] =	sst s1;
	(tag) =	ssettag s2;
	_ =	strace s9  }
0x27: {  	s1 =	sld [smem:$0x3FAB]  }
0x28: {  	s2 =	sld [smem:$0x3FAC]  }
0x29: {  	s4 =	sld [smem:$0x3FAE]  }
0x2a: {  	p0 =	seq.s32 s5, $0x0;
	s5 =	sld [smem:$0x3FAF]  }
0x2b: {  	s6 =	sld [smem:$0x3FB0]  }
0x2c: {  	s7 =	sld [smem:$0x3FB1]  }
0x2d: {  	s3 =	simm.s32 $0x108;
	s8 =	sld [smem:$0x3FB2]  }
0x2e: {  	s3 =	simm.s32 @!p0 $0x1082;
	s9 =	sld [smem:$0x3FB3]  }
0x2f: {  	lr =	sadd.s32 s0, s3;
	s0 =	sld [smem:$0x3FAA]  }
0x30: {  	s3 =	sld [smem:$0x3FAD]  }
0x31: {  	[smem:$0x3FB6] =	sst s10  }
0x32: {  	s10 =	sld [smem:$0x3FB4];
	_ =	sdelay $0x3  }
0x33: {  	p0 =	seq.s32 s10, $0x1;
	s10 =	sld [smem:$0x3FB6];
	_ =	sdelay $0x3  }
0x34: {  	[smem:$0x3FB6] =	sst s10  }
0x35: {  	s10 =	sld [smem:$0x3FB5];
	_ =	sdelay $0x3  }
0x36: {  	p1 =	seq.s32 s10, $0x1;
	s10 =	sld [smem:$0x3FB6];
	_ =	sdelay $0x3  }
0x37: {  	[smem:$0x3FB6] =	sst s10  }
0x38: {  	s10 =	sld [smem:$0x3FB7]  }
0x39: {  	_ = 	snop;
	(pc) =	sbr.ind lr, $3  }
0x3a: {  	_ = 	snop  }
0x3b: {  	_ = 	snop  }
0x3c: {  	p2 =	seq.s32 s10, $0x1;
	s10 =	sld [smem:$0x3FB6]  }
0x3d: {  	_ =	shalt  }
0x3e: {  	_ =	shalt  }
0x3f: {  	_ =	shalt  }
0x40: {  	_ =	shalt  }
0x41: {  	_ =	shalt  }
0x42: {  	_ =	shalt  }
0x43: {  	_ =	shalt  }
0x44: {  	_ =	shalt  }
0x45: {  	_ =	shalt  }
0x46: {  	_ =	shalt  }
0x47: {  	_ =	shalt  }
0x48: {  	_ =	shalt  }
0x49: {  	_ =	shalt  }
0x4a: {  	_ =	shalt  }
0x4b: {  	_ =	shalt  }
0x4c: {  	_ =	shalt  }
0x4d: {  	_ =	shalt  }
0x4e: {  	_ =	shalt  }
0x4f: {  	_ =	shalt  }
0x50: {  	_ =	shalt  }
0x51: {  	_ =	shalt  }
0x52: {  	_ =	shalt  }
0x53: {  	_ =	shalt  }
0x54: {  	_ =	shalt  }
0x55: {  	_ =	shalt  }
0x56: {  	_ =	shalt  }
0x57: {  	_ =	shalt  }
0x58: {  	_ =	shalt  }
0x59: {  	_ =	shalt  }
0x5a: {  	_ =	shalt  }
0x5b: {  	_ =	shalt  }
0x5c: {  	_ =	shalt  }
0x5d: {  	_ =	shalt  }
0x5e: {  	_ =	shalt  }
0x5f: {  	_ =	shalt  }
0x60: {  	_ =	shalt  }
0x61: {  	_ =	shalt  }
0x62: {  	_ =	shalt  }
0x63: {  	_ =	shalt  }
0x64: {  	_ =	shalt  }
0x65: {  	_ =	shalt  }
0x66: {  	_ =	shalt  }
0x67: {  	_ =	shalt  }
0x68: {  	_ =	shalt  }
0x69: {  	_ =	shalt  }
0x6a: {  	_ =	shalt  }
0x6b: {  	_ =	shalt  }
0x6c: {  	_ =	shalt  }
0x6d: {  	_ =	shalt  }
0x6e: {  	_ =	shalt  }
0x6f: {  	_ =	shalt  }
0x70: {  	_ =	shalt  }
0x71: {  	_ =	shalt  }
0x72: {  	_ =	shalt  }
0x73: {  	_ =	shalt  }
0x74: {  	_ =	shalt  }
0x75: {  	_ =	shalt  }
0x76: {  	_ =	shalt  }
0x77: {  	_ =	shalt  }
0x78: {  	_ =	shalt  }
0x79: {  	_ =	shalt  }
0x7a: {  	_ =	shalt  }
0x7b: {  	_ =	shalt  }
0x7c: {  	_ =	shalt  }
0x7d: {  	_ =	shalt  }
0x7e: {  	_ =	shalt  }
0x7f: {  	_ =	shalt  }
0x80: {  	_ =	shalt  }
0x81: {  	_ =	shalt  }
0x82: {  	_ =	shalt  }
0x83: {  	_ =	shalt  }
0x84: {  	_ =	shalt  }
0x85: {  	_ =	shalt  }
0x86: {  	_ =	shalt  }
0x87: {  	_ =	shalt  }
.Lfunc_end0:
.L_simem_size_0:
called_computation.2_lowered:
.L_overlay_start_0:
0x88: {  	s2 =	sld [smem:$0x3FD9]  }
0x89: {  	s3 =	sld [smem:$0x3FFE];
	_ =	sdelay $0x1  }
0x8a: {  	s1 =	srdreg.scid  }
0x8b: {  	s0 =	sand.u32 $0x1, s1  }
0x8c: {  	s16 =	sshll.u32 s0, $0xA;
	s2 =	sadd.s32 s3, s2  }
0x8d: {  	s2 =	sadd.s32 s2, s16  }
0x8e: {  	[smem:$0x3FC2] =	sst s2  }
0x8f: {  	_ = 	snop  }
0x90: {  	(tm) =	ssettm $0x1  }
0x91: {  	s17 =	sld [smem:$0x3FFB];
	_ =	sdelay $0x3  }
0x92: {  	_ =	strace s17  }
0x93: {  	s2 =	sld [smem:$0x3FFC];
	_ =	sdelay $0x3  }
0x94: {  	_ =	strace s2  }
0x95: {  	s2 =	sld [smem:$0x3FFD];
	_ =	sdelay $0x3  }
0x96: {  	_ =	strace s2  }
0x97: {  	_ =	strace $0x8FFFFFFF  }
0x98: {  	s18 =	sld [smem:$0x3FDB];
	_ =	sdelay $0x1  }
0x99: {  	s19 =	simm.s32 $_scs_section_size  }
0x9a: {  	s4 =	simm.s32 $_size__tile_overlayer_lowered;
	s5 =	simm.s32 $_tile_overlayer_lowered  }
0x9b: {  	s22 =	simm.s32 $0x1BFF;
	s21 =	sshll.u32 s5, $0x1;
	s2 =	sadd.s32 s19, s18  }
0x9c: {  	s6 =	simm.s32 $0x0;
	s20 =	sshll.u32 s4, $0x1;
	s4 =	sadd.s32 s21, s2  }
0x9d: {  	[timem:s6], [sflag:s22] =	dma.local [hbm:s4], s20  }
0x9e: {  	_ =	swait.ge [sflag:s22], s20  }
0x9f: {  	s3 =	ssub.s32 $0x0, s20;
	[sflag:s22] =	ssyncset.done $0x0  }
0xa0: {  	[sflag:s22] =	ssyncadd.s32 s3;
	_ =	sdelay $0x1  }
0xa1: {  	s23 =	simm.s32 $0x1B8B  }
0xa2: {  	_ =	swait.ge [sflag:s23], $0x1  }
0xa3: {  	[sflag:s23] =	ssyncset.done $0x0  }
0xa4: {  	s25 =	simm.s32 $0x1B8E;
	s24 =	sld [smem:$0x3FFE];
	[sflag:s23] =	ssyncadd.s32 $0xFFFFFFFF  }
0xa5: {  	s26 =	simm.s32 $execute0_lowered;
	[smem:$0x3FD2] =	sst s25  }
0xa6: {  	s4 =	sshll.u32 s26, $0x1;
	_ =	strace $0x8000004C;
	[dreg:$0x1] =	wrdreg $0xFFFFFFFF  }
0xa7: {  	s28 =	simm.s32 $_size_execute0_lowered;
	s2 =	sadd.s32 s2, s4;
	[dreg:$0x0] =	wrdreg $0x0  }
0xa8: {  	s4 =	sshll.u32 s28, $0x1;
	[dreg:$0x2] =	wrdreg s2  }
0xa9: {  	[dreg:$0x3] =	wrdreg s4  }
0xaa: {  	[dreg:$0x4] =	wrdreg $0xC0  }
0xab: {  	_ =	task [dreg:s6], $0x5FFFF  }
0xac: {  	[dreg:$0x1] =	wrdreg $0xFFFFFFFF  }
0xad: {  	[dreg:$0x0] =	wrdreg $0x60  }
0xae: {  	[dreg:$0x2] =	wrdreg s24  }
0xaf: {  	[dreg:$0x3] =	wrdreg $0x0  }
0xb0: {  	[dreg:$0x4] =	wrdreg $0x9  }
0xb1: {  	_ =	task.clear_ibuf [dreg:s6], $0x5FFFF;
	_ =	strace $0x9000004C  }
0xb2: {  	s29 =	simm.s32 $0x9;
	_ =	strace $0x8000004E  }
0xb3: {  	_ =	swait.ge [sflag:s29], $0x1  }
0xb4: {  	[sflag:s29] =	ssyncadd.s32 $0xFFFFFFFF  }
0xb5: {  	_ =	strace $0x9000004E  }
0xb6: {  	_ =	sfence  }
0xb7: {  	s30 =	sld [smem:$0x0];
	_ =	sdelay $0x2  }
0xb8: {  	s31 =	sshll.u32 s1, $0xD;
	s1 =	sshrl.u32 s1, $0x2  }
0xb9: {  	s3 =	sand.u32 $0x4000, s31;
	s1 =	sadd.s32 s1, s30  }
0xba: {  	s0 =	sor.u32 s3, s0;
	s1 =	sshll.u32 s1, $0x11  }
0xbb: {  	s0 =	sor.u32 s1, s0  }
0xbc: {  	s0 =	sadd.s32 $0x8F2B, s0  }
0xbd: {  	[sflag:s0] =	ssyncadd.remote.s32 $0x1  }
0xbe: {  	_ =	sfence.sel $0xFFFF  }
0xbf: {  	[dreg:$0x0] =	wrdreg $0xFFFFFFFF;
	(pc) =	sbr.abs _section_cstart, $3  }
0xc0: {  	[dreg:$0x1] =	wrdreg $0xFFFFFFFF  }
0xc1: {  	_ =	task.clear_ibuf [dreg:s6], $0x2FFFF;
	_ =	strace $0x9FFFFFFF  }
0xc2: {  	(tm) =	ssettm $0x7FFFFFFF  }
0xc3: {  	_ =	shalt  }
tec
execute0_lowered:
.L_overlay_start_1:
0x0: {  	(tag) =	ssettag $0x1  }
0x1: {  	s0 =	srdreg.scid;
	s3 =	rddreg [dreg:$0x0]  }
0x2: {  	s9 =	stileid.u32;
	s2 =	rddreg [dreg:$0x1];
	s4 =	simm.s32 $0x0  }
0x3: {  	s15 =	simm.s32 $0x1;
	s16 =	simm.s32 $0x80;
	s17 =	simm.s32 $0x7780  }
0x4: {  	s18 =	simm.s32 $0x7F80;
	s19 =	simm.s32 $0x8780;
	s20 =	simm.s32 $0x8F80  }
0x5: {  	s21 =	simm.s32 $0x9780;
	s22 =	simm.s32 $0x9F80;
	s23 =	simm.s32 $0xA780  }
0x6: {  	s28 =	simm.s32 $0xC780;
	s29 =	simm.s32 $0xCF80;
	s30 =	simm.s32 $0xD780  }
0x7: {  	s31 =	simm.s32 $0xDF80;
	s13 =	simm.s32 $0x2;
	s14 =	simm.s32 $0x3  }
0x8: {  	s0 =	sand.u32 $0x1, s0;
	s6 =	smul.u32 $0x2780, s9;
	[smem:$0x7FF] =	sst s4  }
0x9: {  	s4 =	sadd.s32 $0x16000, s3;
	s24 =	sshll.u32 s9, $0x6;
	s1 =	sshll.u32 s0, $0x4  }
0xa: {  	s5 =	smul.u32 $0x27800, s0;
	_ =	strace $0x8000004D;
	s0 =	ssub.s32 $0x2, s0  }
0xb: {  	[dreg:$0x3] =	wrdreg s24;
	s1 =	sor.u32 s9, s1;
	s7 =	sshrl.u32 s6, $0x3  }
0xc: {  	s8 =	sshrl.u32 s0, $0x1;
	s1 =	smul.u32 $0x500, s1;
	s5 =	sadd.s32 s6, s5  }
0xd: {  	s7 =	sadd.s32 s7, s3;
	s0 =	ssub.s32 s0, s8;
	s6 =	sadd.s32 s6, s2  }
0xe: {  	s5 =	sshrl.u32 s5, $0x3;
	s7 =	sadd.s32 $0x1B000, s7;
	s0 =	smax.u32 s0, $0x1  }
0xf: {  	s12 =	sshrl.u32 s6, $0x3;
	s1 =	sadd.s32 s1, s3;
	[dreg:$0x4] =	wrdreg s7  }
0x10: {  	s3 =	sadd.s32 s5, s3;
	s5 =	sor.u32 $0x1C01, s24;
	[dreg:$0x9] =	wrdreg s0  }
0x11: {  	s6 =	simm.s32 $0x5;
	[dreg:$0x5] =	wrdreg s5;
	s25 =	sadd.s32 $0xC000, s1  }
0x12: {  	s24 =	simm.s32 $0xAF80;
	s1 =	sadd.s32 $0x1600, s1;
	[dreg:$0x6] =	wrdreg s25  }
0x13: {  	s0 =	simm.s32 $0xEF80;
	s26 =	sadd.s32 $0x20000, s3;
	[dreg:$0x7] =	wrdreg s1  }
0x14: {  	s7 =	simm.s32 $0x0;
	s3 =	simm.s32 $0x4;
	[dreg:$0x8] =	wrdreg s26  }
0x15: {  	s25 =	simm.s32 $0xB780;
	s26 =	simm.s32 $0xBF80;
	s1 =	simm.s32 $0xE780  }
.LBB2_1:
0x16: {  	s5 =	rddreg [dreg:$0x4]  }
0x17: {  	s8 =	rddreg [dreg:$0x5]  }
0x18: {  	[spmem:s12], [sflag:s8] =	dma.local [hbm:s5], $0x4F0  }
0x19: {  	s9 =	simm.s32 $0x2780;
	s5 =	simm.s32 $0x0;
	s8 =	rddreg [dreg:$0x6]  }
0x1a: {  	[tilespmem:s9], [sflag:$0x1] =	stream.linear.gather [hbm4b:s8+s5], $0x2800, $0x38;
	[tilespmem:$0xF780] =	vst v63  }
0x1b: {  	s11 =	simm.s32 $0x4F80;
	s10 =	rddreg [dreg:$0x7]  }
0x1c: {  	[tilespmem:s11], [sflag:$0x1] =	stream.linear.gather [hbm4b:s10+s5], $0x2800, $0x38;
	[tilespmem:$0xF780] =	vst v63  }
0x1d: {  	_ =	swait.ge [sflag:s15], $0x4F0  }
0x1e: {  	[sflag:s15] =	ssyncset.done $0x0  }
0x1f: {  	[sflag:s15] =	ssyncadd.s32 $0xFFFFFB10  }
0x20: {  	_ =	swait.ge [sflag:s15], $0x2800  }
0x21: {  	[sflag:s15] =	ssyncset.done $0x0  }
0x22: {  	[sflag:s15] =	ssyncadd.s32 $0xFFFFD800  }
0x23: {  	_ =	swait.ge [sflag:s15], $0x2800  }
0x24: {  	p0 =	por $0x1, $0x1;
	[sflag:s15] =	ssyncset.done $0x0  }
0x25: {  	p0 =	por p0, p0;
	[sflag:s15] =	ssyncadd.s32 $0xFFFFD800  }
0x26: {  	s8 =	simm.s32 @!p0 $0x3;
	[bflag:$0x0] =	sbarrier.arrive $0xFFFF  }
0x27: {  	_ =	swait.ge @!p0 [sflag:s8], $0x800  }
0x28: {  	[sflag:s8] =	ssyncset.done @!p0 $0x0  }
0x29: {  	[sflag:s8] =	ssyncadd.s32 @!p0 $0xFFFFF800  }
0x2a: {  	_ =	swait.ge @!p0 [sflag:s8], $0x800  }
0x2b: {  	[sflag:s8] =	ssyncset.done @!p0 $0x0  }
0x2c: {  	[sflag:s8] =	ssyncadd.s32 @!p0 $0xFFFFF800  }
0x2d: {  	_ =	swait.ge @!p0 [sflag:s8], $0x800  }
0x2e: {  	[sflag:s8] =	ssyncset.done @!p0 $0x0  }
0x2f: {  	[sflag:s8] =	ssyncadd.s32 @!p0 $0xFFFFF800  }
0x30: {  	_ =	swait.ge @!p0 [sflag:s8], $0x800  }
0x31: {  	[sflag:s8] =	ssyncset.done @!p0 $0x0  }
0x32: {  	[sflag:s8] =	ssyncadd.s32 @!p0 $0xFFFFF800  }
0x33: {  	_ =	swait.ge @!p0 [sflag:s8], $0x800  }
0x34: {  	[sflag:s8] =	ssyncset.done @!p0 $0x0  }
0x35: {  	[sflag:s8] =	ssyncadd.s32 @!p0 $0xFFFFF800  }
0x36: {  	_ =	swait.ge @!p0 [sflag:s8], $0x800  }
0x37: {  	[sflag:s8] =	ssyncset.done @!p0 $0x0  }
0x38: {  	[sflag:s8] =	ssyncadd.s32 @!p0 $0xFFFFF800  }
0x39: {  	_ =	swait.ge @!p0 [sflag:s8], $0x800  }
0x3a: {  	[sflag:s8] =	ssyncset.done @!p0 $0x0  }
0x3b: {  	[sflag:s8] =	ssyncadd.s32 @!p0 $0xFFFFF800  }
0x3c: {  	_ =	swait.ge @!p0 [sflag:s8], $0x800  }
0x3d: {  	[sflag:s8] =	ssyncset.done @!p0 $0x0  }
0x3e: {  	s9 =	simm.s32 $0x2780;
	[sflag:s8] =	ssyncadd.s32 @!p0 $0xFFFFF800  }
0x3f: {  	[tilespmem:s17], [sflag:$0x1] =	stream.indirect.gather [hbm4b:s4+s16], $0x10, s9, s16, $0xb8;
	[tilespmem:$0xF780] =	vst v63  }
0x40: {  	s10 =	simm.s32 $0x2800  }
0x41: {  	[tilespmem:s18], [sflag:$0x1] =	stream.indirect.gather [hbm4b:s4+s16], $0x10, s10, s16, $0xb8;
	[tilespmem:$0xF780] =	vst v63  }
0x42: {  	s11 =	simm.s32 $0x2880  }
0x43: {  	[tilespmem:s19], [sflag:$0x1] =	stream.indirect.gather [hbm4b:s4+s16], $0x10, s11, s16, $0xb8;
	[tilespmem:$0xF780] =	vst v63  }
0x44: {  	s5 =	simm.s32 $0x2900  }
0x45: {  	[tilespmem:s20], [sflag:$0x1] =	stream.indirect.gather [hbm4b:s4+s16], $0x10, s5, s16, $0xb8;
	[tilespmem:$0xF780] =	vst v63  }
0x46: {  	s9 =	simm.s32 $0x2980  }
0x47: {  	[tilespmem:s21], [sflag:$0x1] =	stream.indirect.gather [hbm4b:s4+s16], $0x10, s9, s16, $0xb8;
	[tilespmem:$0xF780] =	vst v63  }
0x48: {  	s10 =	simm.s32 $0x2A00  }
0x49: {  	[tilespmem:s22], [sflag:$0x1] =	stream.indirect.gather [hbm4b:s4+s16], $0x10, s10, s16, $0xb8;
	[tilespmem:$0xF780] =	vst v63  }
0x4a: {  	s11 =	simm.s32 $0x2A80  }
0x4b: {  	[tilespmem:s23], [sflag:$0x1] =	stream.indirect.gather [hbm4b:s4+s16], $0x10, s11, s16, $0xb8;
	[tilespmem:$0xF780] =	vst v63  }
0x4c: {  	s5 =	simm.s32 $0x2B00;
	s9 =	simm.s32 @!p0 $0x4  }
0x4d: {  	[tilespmem:s24], [sflag:$0x1] =	stream.indirect.gather [hbm4b:s4+s16], $0x10, s5, s16, $0xb8;
	[tilespmem:$0xF780] =	vst v63  }
0x4e: {  	_ =	swait.ge @!p0 [sflag:s9], $0x800  }
0x4f: {  	[sflag:s9] =	ssyncset.done @!p0 $0x0  }
0x50: {  	[sflag:s9] =	ssyncadd.s32 @!p0 $0xFFFFF800  }
0x51: {  	_ =	swait.ge @!p0 [sflag:s9], $0x800  }
0x52: {  	[sflag:s9] =	ssyncset.done @!p0 $0x0  }
0x53: {  	[sflag:s9] =	ssyncadd.s32 @!p0 $0xFFFFF800  }
0x54: {  	_ =	swait.ge @!p0 [sflag:s9], $0x800  }
0x55: {  	[sflag:s9] =	ssyncset.done @!p0 $0x0  }
0x56: {  	[sflag:s9] =	ssyncadd.s32 @!p0 $0xFFFFF800  }
0x57: {  	_ =	swait.ge @!p0 [sflag:s9], $0x800  }
0x58: {  	[sflag:s9] =	ssyncset.done @!p0 $0x0  }
0x59: {  	[sflag:s9] =	ssyncadd.s32 @!p0 $0xFFFFF800  }
0x5a: {  	_ =	swait.ge @!p0 [sflag:s9], $0x800  }
0x5b: {  	[sflag:s9] =	ssyncset.done @!p0 $0x0  }
0x5c: {  	[sflag:s9] =	ssyncadd.s32 @!p0 $0xFFFFF800  }
0x5d: {  	_ =	swait.ge @!p0 [sflag:s9], $0x800  }
0x5e: {  	[sflag:s9] =	ssyncset.done @!p0 $0x0  }
0x5f: {  	[sflag:s9] =	ssyncadd.s32 @!p0 $0xFFFFF800  }
0x60: {  	_ =	swait.ge @!p0 [sflag:s9], $0x800  }
0x61: {  	[sflag:s9] =	ssyncset.done @!p0 $0x0  }
0x62: {  	[sflag:s9] =	ssyncadd.s32 @!p0 $0xFFFFF800  }
0x63: {  	_ =	swait.ge @!p0 [sflag:s9], $0x800  }
0x64: {  	[sflag:s9] =	ssyncset.done @!p0 $0x0  }
0x65: {  	[sflag:s9] =	ssyncadd.s32 @!p0 $0xFFFFF800;
	s9 =	simm.s32 $0x2B80  }
0x66: {  	[tilespmem:s25], [sflag:$0x2] =	stream.indirect.gather [hbm4b:s4+s16], $0x10, s9, s16, $0xb8;
	[tilespmem:$0xF780] =	vst v63  }
0x67: {  	s10 =	simm.s32 $0x2C00  }
0x68: {  	[tilespmem:s26], [sflag:$0x2] =	stream.indirect.gather [hbm4b:s4+s16], $0x10, s10, s16, $0xb8;
	[tilespmem:$0xF780] =	vst v63  }
0x69: {  	s11 =	simm.s32 $0x2C80  }
0x6a: {  	[tilespmem:s28], [sflag:$0x2] =	stream.indirect.gather [hbm4b:s4+s16], $0x10, s11, s16, $0xb8;
	[tilespmem:$0xF780] =	vst v63  }
0x6b: {  	s5 =	simm.s32 $0x2D00  }
0x6c: {  	[tilespmem:s29], [sflag:$0x2] =	stream.indirect.gather [hbm4b:s4+s16], $0x10, s5, s16, $0xb8;
	[tilespmem:$0xF780] =	vst v63  }
0x6d: {  	s9 =	simm.s32 $0x2D80  }
0x6e: {  	[tilespmem:s30], [sflag:$0x2] =	stream.indirect.gather [hbm4b:s4+s16], $0x10, s9, s16, $0xb8;
	[tilespmem:$0xF780] =	vst v63  }
0x6f: {  	s10 =	simm.s32 $0x2E00  }
0x70: {  	[tilespmem:s31], [sflag:$0x2] =	stream.indirect.gather [hbm4b:s4+s16], $0x10, s10, s16, $0xb8;
	[tilespmem:$0xF780] =	vst v63  }
0x71: {  	s11 =	simm.s32 $0x2E80  }
0x72: {  	[tilespmem:s1], [sflag:$0x2] =	stream.indirect.gather [hbm4b:s4+s16], $0x10, s11, s16, $0xb8;
	[tilespmem:$0xF780] =	vst v63  }
0x73: {  	s5 =	simm.s32 $0x2F00  }
0x74: {  	[tilespmem:s0], [sflag:$0x2] =	stream.indirect.gather [hbm4b:s4+s16], $0x10, s5, s16, $0xb8;
	[tilespmem:$0xF780] =	vst v63  }
0x75: {  	_ =	swait.ge [sflag:s15], $0x800  }
0x76: {  	[sflag:s15] =	ssyncset.done $0x0  }
0x77: {  	[sflag:s15] =	ssyncadd.s32 $0xFFFFF800  }
0x78: {  	_ =	swait.ge [sflag:s15], $0x800  }
0x79: {  	[sflag:s15] =	ssyncset.done $0x0  }
0x7a: {  	[sflag:s15] =	ssyncadd.s32 $0xFFFFF800  }
0x7b: {  	_ =	swait.ge [sflag:s15], $0x800  }
0x7c: {  	[sflag:s15] =	ssyncset.done $0x0  }
0x7d: {  	[sflag:s15] =	ssyncadd.s32 $0xFFFFF800  }
0x7e: {  	_ =	swait.ge [sflag:s15], $0x800  }
0x7f: {  	[sflag:s15] =	ssyncset.done $0x0  }
0x80: {  	[sflag:s15] =	ssyncadd.s32 $0xFFFFF800  }
0x81: {  	_ =	swait.ge [sflag:s15], $0x800  }
0x82: {  	[sflag:s15] =	ssyncset.done $0x0  }
0x83: {  	[sflag:s15] =	ssyncadd.s32 $0xFFFFF800  }
0x84: {  	_ =	swait.ge [sflag:s15], $0x800  }
0x85: {  	[sflag:s15] =	ssyncset.done $0x0  }
0x86: {  	[sflag:s15] =	ssyncadd.s32 $0xFFFFF800  }
0x87: {  	_ =	swait.ge [sflag:s15], $0x800  }
0x88: {  	[sflag:s15] =	ssyncset.done $0x0  }
0x89: {  	[sflag:s15] =	ssyncadd.s32 $0xFFFFF800  }
0x8a: {  	_ =	swait.ge [sflag:s15], $0x800  }
0x8b: {  	[sflag:s15] =	ssyncset.done $0x0  }
0x8c: {  	s9 =	simm.s32 $0x4F80;
	[sflag:s15] =	ssyncadd.s32 $0xFFFFF800  }
0x8d: {  	[spmem:s2] =	stream.indirect.scatter.add.f32 [tilespmem:s17], [sflag:$0x3], $0x10, s9, s16, $0xb8;
	[tilespmem:$0xF780] =	vst v63  }
0x8e: {  	s10 =	simm.s32 $0x5000  }
0x8f: {  	[spmem:s2] =	stream.indirect.scatter.add.f32 [tilespmem:s18], [sflag:$0x3], $0x10, s10, s16, $0xb8;
	[tilespmem:$0xF780] =	vst v63  }
0x90: {  	s11 =	simm.s32 $0x5080  }
0x91: {  	[spmem:s2] =	stream.indirect.scatter.add.f32 [tilespmem:s19], [sflag:$0x3], $0x10, s11, s16, $0xb8;
	[tilespmem:$0xF780] =	vst v63  }
0x92: {  	s5 =	simm.s32 $0x5100  }
0x93: {  	[spmem:s2] =	stream.indirect.scatter.add.f32 [tilespmem:s20], [sflag:$0x3], $0x10, s5, s16, $0xb8;
	[tilespmem:$0xF780] =	vst v63  }
0x94: {  	s9 =	simm.s32 $0x5180  }
0x95: {  	[spmem:s2] =	stream.indirect.scatter.add.f32 [tilespmem:s21], [sflag:$0x3], $0x10, s9, s16, $0xb8;
	[tilespmem:$0xF780] =	vst v63  }
0x96: {  	s10 =	simm.s32 $0x5200  }
0x97: {  	[spmem:s2] =	stream.indirect.scatter.add.f32 [tilespmem:s22], [sflag:$0x3], $0x10, s10, s16, $0xb8;
	[tilespmem:$0xF780] =	vst v63  }
0x98: {  	s11 =	simm.s32 $0x5280  }
0x99: {  	[spmem:s2] =	stream.indirect.scatter.add.f32 [tilespmem:s23], [sflag:$0x3], $0x10, s11, s16, $0xb8;
	[tilespmem:$0xF780] =	vst v63  }
0x9a: {  	s5 =	simm.s32 $0x5300  }
0x9b: {  	[spmem:s2] =	stream.indirect.scatter.add.f32 [tilespmem:s24], [sflag:$0x3], $0x10, s5, s16, $0xb8;
	[tilespmem:$0xF780] =	vst v63  }
0x9c: {  	_ =	swait.ge [sflag:s13], $0x800  }
0x9d: {  	[sflag:s13] =	ssyncset.done $0x0  }
0x9e: {  	[sflag:s13] =	ssyncadd.s32 $0xFFFFF800  }
0x9f: {  	_ =	swait.ge [sflag:s13], $0x800  }
0xa0: {  	[sflag:s13] =	ssyncset.done $0x0  }
0xa1: {  	[sflag:s13] =	ssyncadd.s32 $0xFFFFF800  }
0xa2: {  	_ =	swait.ge [sflag:s13], $0x800  }
0xa3: {  	[sflag:s13] =	ssyncset.done $0x0  }
0xa4: {  	[sflag:s13] =	ssyncadd.s32 $0xFFFFF800  }
0xa5: {  	_ =	swait.ge [sflag:s13], $0x800  }
0xa6: {  	[sflag:s13] =	ssyncset.done $0x0  }
0xa7: {  	[sflag:s13] =	ssyncadd.s32 $0xFFFFF800  }
0xa8: {  	_ =	swait.ge [sflag:s13], $0x800  }
0xa9: {  	[sflag:s13] =	ssyncset.done $0x0  }
0xaa: {  	[sflag:s13] =	ssyncadd.s32 $0xFFFFF800  }
0xab: {  	_ =	swait.ge [sflag:s13], $0x800  }
0xac: {  	[sflag:s13] =	ssyncset.done $0x0  }
0xad: {  	[sflag:s13] =	ssyncadd.s32 $0xFFFFF800  }
0xae: {  	_ =	swait.ge [sflag:s13], $0x800  }
0xaf: {  	[sflag:s13] =	ssyncset.done $0x0  }
0xb0: {  	[sflag:s13] =	ssyncadd.s32 $0xFFFFF800  }
0xb1: {  	_ =	swait.ge [sflag:s13], $0x800  }
0xb2: {  	[sflag:s13] =	ssyncset.done $0x0  }
0xb3: {  	s9 =	simm.s32 $0x5380;
	[sflag:s13] =	ssyncadd.s32 $0xFFFFF800  }
0xb4: {  	[spmem:s2] =	stream.indirect.scatter.add.f32 [tilespmem:s25], [sflag:$0x4], $0x10, s9, s16, $0xb8;
	[tilespmem:$0xF780] =	vst v63  }
0xb5: {  	s10 =	simm.s32 $0x5400  }
0xb6: {  	[spmem:s2] =	stream.indirect.scatter.add.f32 [tilespmem:s26], [sflag:$0x4], $0x10, s10, s16, $0xb8;
	[tilespmem:$0xF780] =	vst v63  }
0xb7: {  	s11 =	simm.s32 $0x5480  }
0xb8: {  	[spmem:s2] =	stream.indirect.scatter.add.f32 [tilespmem:s28], [sflag:$0x4], $0x10, s11, s16, $0xb8;
	[tilespmem:$0xF780] =	vst v63  }
0xb9: {  	s5 =	simm.s32 $0x5500  }
0xba: {  	[spmem:s2] =	stream.indirect.scatter.add.f32 [tilespmem:s29], [sflag:$0x4], $0x10, s5, s16, $0xb8;
	[tilespmem:$0xF780] =	vst v63  }
0xbb: {  	p6 =	por $0x0, $0x0;
	s9 =	simm.s32 $0x5580  }
0xbc: {  	[spmem:s2] =	stream.indirect.scatter.add.f32 [tilespmem:s30], [sflag:$0x4], $0x10, s9, s16, $0xb8;
	[tilespmem:$0xF780] =	vst v63  }
0xbd: {  	s8 =	simm.s32 $0x2000;
	p0 =	por p6, p6;
	s10 =	simm.s32 $0x5600  }
0xbe: {  	[spmem:s2] =	stream.indirect.scatter.add.f32 [tilespmem:s31], [sflag:$0x4], $0x10, s10, s16, $0xb8;
	[tilespmem:$0xF780] =	vst v63  }
0xbf: {  	s11 =	simm.s32 $0x5680;
	s9 =	simm.s32 $0x4000;
	s10 =	simm.s32 $0x5700  }
0xc0: {  	[spmem:s2] =	stream.indirect.scatter.add.f32 [tilespmem:s1], [sflag:$0x4], $0x10, s11, s16, $0xb8;
	[tilespmem:$0xF780] =	vst v63  }
.LBB2_2:
0xc1: {  	[spmem:s2] =	stream.indirect.scatter.add.f32 [tilespmem:s0], [sflag:$0x4], $0x10, s10, s16, $0xb8;
	[tilespmem:$0xF780] =	vst v63  }
0xc2: {  	s11 =	smov.u32 s9  }
0xc3: {  	s9 =	sadd.s32 $0x2000, s9;
	s5 =	simm.s32 @!p0 $0x3;
	p2 =	seq.s32 s11, $0x0  }
0xc4: {  	p1 =	sne.s32 s9, $0xA000;
	_ =	swait.ge @!p0 [sflag:s5], $0x800  }
0xc5: {  	[sflag:s5] =	ssyncset.done @!p0 $0x0  }
0xc6: {  	[sflag:s5] =	ssyncadd.s32 @!p0 $0xFFFFF800  }
0xc7: {  	_ =	swait.ge @!p0 [sflag:s5], $0x800  }
0xc8: {  	[sflag:s5] =	ssyncset.done @!p0 $0x0  }
0xc9: {  	[sflag:s5] =	ssyncadd.s32 @!p0 $0xFFFFF800  }
0xca: {  	_ =	swait.ge @!p0 [sflag:s5], $0x800  }
0xcb: {  	[sflag:s5] =	ssyncset.done @!p0 $0x0  }
0xcc: {  	[sflag:s5] =	ssyncadd.s32 @!p0 $0xFFFFF800  }
0xcd: {  	_ =	swait.ge @!p0 [sflag:s5], $0x800  }
0xce: {  	[sflag:s5] =	ssyncset.done @!p0 $0x0  }
0xcf: {  	[sflag:s5] =	ssyncadd.s32 @!p0 $0xFFFFF800  }
0xd0: {  	_ =	swait.ge @!p0 [sflag:s5], $0x800  }
0xd1: {  	[sflag:s5] =	ssyncset.done @!p0 $0x0  }
0xd2: {  	[sflag:s5] =	ssyncadd.s32 @!p0 $0xFFFFF800  }
0xd3: {  	_ =	swait.ge @!p0 [sflag:s5], $0x800  }
0xd4: {  	[sflag:s5] =	ssyncset.done @!p0 $0x0  }
0xd5: {  	[sflag:s5] =	ssyncadd.s32 @!p0 $0xFFFFF800  }
0xd6: {  	_ =	swait.ge @!p0 [sflag:s5], $0x800  }
0xd7: {  	[sflag:s5] =	ssyncset.done @!p0 $0x0  }
0xd8: {  	[sflag:s5] =	ssyncadd.s32 @!p0 $0xFFFFF800  }
0xd9: {  	_ =	swait.ge @!p0 [sflag:s5], $0x800  }
0xda: {  	s10 =	sshra.s32 s8, $0x2;
	s8 =	smov.u32 s11;
	[sflag:s5] =	ssyncset.done @!p0 $0x0  }
0xdb: {  	[sflag:s5] =	ssyncadd.s32 @!p0 $0xFFFFF800;
	s5 =	sadd.s32 $0x2780, s10  }
0xdc: {  	[tilespmem:s17], [sflag:$0x1] =	stream.indirect.gather [hbm4b:s4+s16], $0x10, s5, s16, $0xb8;
	[tilespmem:$0xF780] =	vst v63  }
0xdd: {  	s5 =	sadd.s32 $0x2800, s10  }
0xde: {  	[tilespmem:s18], [sflag:$0x1] =	stream.indirect.gather [hbm4b:s4+s16], $0x10, s5, s16, $0xb8;
	[tilespmem:$0xF780] =	vst v63  }
0xdf: {  	s5 =	sadd.s32 $0x2880, s10  }
0xe0: {  	[tilespmem:s19], [sflag:$0x1] =	stream.indirect.gather [hbm4b:s4+s16], $0x10, s5, s16, $0xb8;
	[tilespmem:$0xF780] =	vst v63  }
0xe1: {  	s5 =	sadd.s32 $0x2900, s10  }
0xe2: {  	[tilespmem:s20], [sflag:$0x1] =	stream.indirect.gather [hbm4b:s4+s16], $0x10, s5, s16, $0xb8;
	[tilespmem:$0xF780] =	vst v63  }
0xe3: {  	s5 =	sadd.s32 $0x2980, s10  }
0xe4: {  	[tilespmem:s21], [sflag:$0x1] =	stream.indirect.gather [hbm4b:s4+s16], $0x10, s5, s16, $0xb8;
	[tilespmem:$0xF780] =	vst v63  }
0xe5: {  	s5 =	sadd.s32 $0x2A00, s10  }
0xe6: {  	[tilespmem:s22], [sflag:$0x1] =	stream.indirect.gather [hbm4b:s4+s16], $0x10, s5, s16, $0xb8;
	[tilespmem:$0xF780] =	vst v63  }
0xe7: {  	s5 =	sadd.s32 $0x2A80, s10  }
0xe8: {  	[tilespmem:s23], [sflag:$0x1] =	stream.indirect.gather [hbm4b:s4+s16], $0x10, s5, s16, $0xb8;
	[tilespmem:$0xF780] =	vst v63  }
0xe9: {  	s11 =	simm.s32 @!p0 $0x4;
	s5 =	sadd.s32 $0x2B00, s10  }
0xea: {  	[tilespmem:s24], [sflag:$0x1] =	stream.indirect.gather [hbm4b:s4+s16], $0x10, s5, s16, $0xb8;
	[tilespmem:$0xF780] =	vst v63  }
0xeb: {  	_ =	swait.ge @!p0 [sflag:s11], $0x800  }
0xec: {  	[sflag:s11] =	ssyncset.done @!p0 $0x0  }
0xed: {  	[sflag:s11] =	ssyncadd.s32 @!p0 $0xFFFFF800  }
0xee: {  	_ =	swait.ge @!p0 [sflag:s11], $0x800  }
0xef: {  	[sflag:s11] =	ssyncset.done @!p0 $0x0  }
0xf0: {  	[sflag:s11] =	ssyncadd.s32 @!p0 $0xFFFFF800  }
0xf1: {  	_ =	swait.ge @!p0 [sflag:s11], $0x800  }
0xf2: {  	[sflag:s11] =	ssyncset.done @!p0 $0x0  }
0xf3: {  	[sflag:s11] =	ssyncadd.s32 @!p0 $0xFFFFF800  }
0xf4: {  	_ =	swait.ge @!p0 [sflag:s11], $0x800  }
0xf5: {  	[sflag:s11] =	ssyncset.done @!p0 $0x0  }
0xf6: {  	[sflag:s11] =	ssyncadd.s32 @!p0 $0xFFFFF800  }
0xf7: {  	_ =	swait.ge @!p0 [sflag:s11], $0x800  }
0xf8: {  	[sflag:s11] =	ssyncset.done @!p0 $0x0  }
0xf9: {  	[sflag:s11] =	ssyncadd.s32 @!p0 $0xFFFFF800  }
0xfa: {  	_ =	swait.ge @!p0 [sflag:s11], $0x800  }
0xfb: {  	[sflag:s11] =	ssyncset.done @!p0 $0x0  }
0xfc: {  	[sflag:s11] =	ssyncadd.s32 @!p0 $0xFFFFF800  }
0xfd: {  	_ =	swait.ge @!p0 [sflag:s11], $0x800  }
0xfe: {  	[sflag:s11] =	ssyncset.done @!p0 $0x0  }
0xff: {  	[sflag:s11] =	ssyncadd.s32 @!p0 $0xFFFFF800  }
0x100: {  	_ =	swait.ge @!p0 [sflag:s11], $0x800  }
0x101: {  	[sflag:s11] =	ssyncset.done @!p0 $0x0  }
0x102: {  	s5 =	sadd.s32 $0x2B80, s10;
	[sflag:s11] =	ssyncadd.s32 @!p0 $0xFFFFF800;
	p0 =	por p2, p2  }
0x103: {  	[tilespmem:s25], [sflag:$0x2] =	stream.indirect.gather [hbm4b:s4+s16], $0x10, s5, s16, $0xb8;
	[tilespmem:$0xF780] =	vst v63  }
0x104: {  	s5 =	sadd.s32 $0x2C00, s10  }
0x105: {  	[tilespmem:s26], [sflag:$0x2] =	stream.indirect.gather [hbm4b:s4+s16], $0x10, s5, s16, $0xb8;
	[tilespmem:$0xF780] =	vst v63  }
0x106: {  	s5 =	sadd.s32 $0x2C80, s10  }
0x107: {  	[tilespmem:s28], [sflag:$0x2] =	stream.indirect.gather [hbm4b:s4+s16], $0x10, s5, s16, $0xb8;
	[tilespmem:$0xF780] =	vst v63  }
0x108: {  	s5 =	sadd.s32 $0x2D00, s10  }
0x109: {  	[tilespmem:s29], [sflag:$0x2] =	stream.indirect.gather [hbm4b:s4+s16], $0x10, s5, s16, $0xb8;
	[tilespmem:$0xF780] =	vst v63  }
0x10a: {  	s5 =	sadd.s32 $0x2D80, s10  }
0x10b: {  	[tilespmem:s30], [sflag:$0x2] =	stream.indirect.gather [hbm4b:s4+s16], $0x10, s5, s16, $0xb8;
	[tilespmem:$0xF780] =	vst v63  }
0x10c: {  	s5 =	sadd.s32 $0x2E00, s10  }
0x10d: {  	[tilespmem:s31], [sflag:$0x2] =	stream.indirect.gather [hbm4b:s4+s16], $0x10, s5, s16, $0xb8;
	[tilespmem:$0xF780] =	vst v63  }
0x10e: {  	s5 =	sadd.s32 $0x2E80, s10  }
0x10f: {  	[tilespmem:s1], [sflag:$0x2] =	stream.indirect.gather [hbm4b:s4+s16], $0x10, s5, s16, $0xb8;
	[tilespmem:$0xF780] =	vst v63  }
0x110: {  	s5 =	sadd.s32 $0x2F00, s10  }
0x111: {  	[tilespmem:s0], [sflag:$0x2] =	stream.indirect.gather [hbm4b:s4+s16], $0x10, s5, s16, $0xb8;
	[tilespmem:$0xF780] =	vst v63  }
0x112: {  	_ =	swait.ge [sflag:s15], $0x800  }
0x113: {  	[sflag:s15] =	ssyncset.done $0x0  }
0x114: {  	[sflag:s15] =	ssyncadd.s32 $0xFFFFF800  }
0x115: {  	_ =	swait.ge [sflag:s15], $0x800  }
0x116: {  	[sflag:s15] =	ssyncset.done $0x0  }
0x117: {  	[sflag:s15] =	ssyncadd.s32 $0xFFFFF800  }
0x118: {  	_ =	swait.ge [sflag:s15], $0x800  }
0x119: {  	[sflag:s15] =	ssyncset.done $0x0  }
0x11a: {  	[sflag:s15] =	ssyncadd.s32 $0xFFFFF800  }
0x11b: {  	_ =	swait.ge [sflag:s15], $0x800  }
0x11c: {  	[sflag:s15] =	ssyncset.done $0x0  }
0x11d: {  	[sflag:s15] =	ssyncadd.s32 $0xFFFFF800  }
0x11e: {  	_ =	swait.ge [sflag:s15], $0x800  }
0x11f: {  	[sflag:s15] =	ssyncset.done $0x0  }
0x120: {  	[sflag:s15] =	ssyncadd.s32 $0xFFFFF800  }
0x121: {  	_ =	swait.ge [sflag:s15], $0x800  }
0x122: {  	[sflag:s15] =	ssyncset.done $0x0  }
0x123: {  	[sflag:s15] =	ssyncadd.s32 $0xFFFFF800  }
0x124: {  	_ =	swait.ge [sflag:s15], $0x800  }
0x125: {  	[sflag:s15] =	ssyncset.done $0x0  }
0x126: {  	[sflag:s15] =	ssyncadd.s32 $0xFFFFF800  }
0x127: {  	_ =	swait.ge [sflag:s15], $0x800  }
0x128: {  	[sflag:s15] =	ssyncset.done $0x0  }
0x129: {  	s5 =	sadd.s32 $0x4F80, s10;
	[sflag:s15] =	ssyncadd.s32 $0xFFFFF800  }
0x12a: {  	[spmem:s2] =	stream.indirect.scatter.add.f32 [tilespmem:s17], [sflag:$0x3], $0x10, s5, s16, $0xb8;
	[tilespmem:$0xF780] =	vst v63  }
0x12b: {  	s5 =	sadd.s32 $0x5000, s10  }
0x12c: {  	[spmem:s2] =	stream.indirect.scatter.add.f32 [tilespmem:s18], [sflag:$0x3], $0x10, s5, s16, $0xb8;
	[tilespmem:$0xF780] =	vst v63  }
0x12d: {  	s5 =	sadd.s32 $0x5080, s10  }
0x12e: {  	[spmem:s2] =	stream.indirect.scatter.add.f32 [tilespmem:s19], [sflag:$0x3], $0x10, s5, s16, $0xb8;
	[tilespmem:$0xF780] =	vst v63  }
0x12f: {  	s5 =	sadd.s32 $0x5100, s10  }
0x130: {  	[spmem:s2] =	stream.indirect.scatter.add.f32 [tilespmem:s20], [sflag:$0x3], $0x10, s5, s16, $0xb8;
	[tilespmem:$0xF780] =	vst v63  }
0x131: {  	s5 =	sadd.s32 $0x5180, s10  }
0x132: {  	[spmem:s2] =	stream.indirect.scatter.add.f32 [tilespmem:s21], [sflag:$0x3], $0x10, s5, s16, $0xb8;
	[tilespmem:$0xF780] =	vst v63  }
0x133: {  	s5 =	sadd.s32 $0x5200, s10  }
0x134: {  	[spmem:s2] =	stream.indirect.scatter.add.f32 [tilespmem:s22], [sflag:$0x3], $0x10, s5, s16, $0xb8;
	[tilespmem:$0xF780] =	vst v63  }
0x135: {  	s5 =	sadd.s32 $0x5280, s10  }
0x136: {  	[spmem:s2] =	stream.indirect.scatter.add.f32 [tilespmem:s23], [sflag:$0x3], $0x10, s5, s16, $0xb8;
	[tilespmem:$0xF780] =	vst v63  }
0x137: {  	s5 =	sadd.s32 $0x5300, s10  }
0x138: {  	[spmem:s2] =	stream.indirect.scatter.add.f32 [tilespmem:s24], [sflag:$0x3], $0x10, s5, s16, $0xb8;
	[tilespmem:$0xF780] =	vst v63  }
0x139: {  	_ =	swait.ge [sflag:s13], $0x800  }
0x13a: {  	[sflag:s13] =	ssyncset.done $0x0  }
0x13b: {  	[sflag:s13] =	ssyncadd.s32 $0xFFFFF800  }
0x13c: {  	_ =	swait.ge [sflag:s13], $0x800  }
0x13d: {  	[sflag:s13] =	ssyncset.done $0x0  }
0x13e: {  	[sflag:s13] =	ssyncadd.s32 $0xFFFFF800  }
0x13f: {  	_ =	swait.ge [sflag:s13], $0x800  }
0x140: {  	[sflag:s13] =	ssyncset.done $0x0  }
0x141: {  	[sflag:s13] =	ssyncadd.s32 $0xFFFFF800  }
0x142: {  	_ =	swait.ge [sflag:s13], $0x800  }
0x143: {  	[sflag:s13] =	ssyncset.done $0x0  }
0x144: {  	[sflag:s13] =	ssyncadd.s32 $0xFFFFF800  }
0x145: {  	_ =	swait.ge [sflag:s13], $0x800  }
0x146: {  	[sflag:s13] =	ssyncset.done $0x0  }
0x147: {  	[sflag:s13] =	ssyncadd.s32 $0xFFFFF800  }
0x148: {  	_ =	swait.ge [sflag:s13], $0x800  }
0x149: {  	[sflag:s13] =	ssyncset.done $0x0  }
0x14a: {  	[sflag:s13] =	ssyncadd.s32 $0xFFFFF800  }
0x14b: {  	_ =	swait.ge [sflag:s13], $0x800  }
0x14c: {  	[sflag:s13] =	ssyncset.done $0x0  }
0x14d: {  	[sflag:s13] =	ssyncadd.s32 $0xFFFFF800  }
0x14e: {  	_ =	swait.ge [sflag:s13], $0x800  }
0x14f: {  	[sflag:s13] =	ssyncset.done $0x0  }
0x150: {  	s5 =	sadd.s32 $0x5380, s10;
	[sflag:s13] =	ssyncadd.s32 $0xFFFFF800  }
0x151: {  	[spmem:s2] =	stream.indirect.scatter.add.f32 [tilespmem:s25], [sflag:$0x4], $0x10, s5, s16, $0xb8;
	[tilespmem:$0xF780] =	vst v63  }
0x152: {  	s5 =	sadd.s32 $0x5400, s10  }
0x153: {  	[spmem:s2] =	stream.indirect.scatter.add.f32 [tilespmem:s26], [sflag:$0x4], $0x10, s5, s16, $0xb8;
	[tilespmem:$0xF780] =	vst v63  }
0x154: {  	s5 =	sadd.s32 $0x5480, s10  }
0x155: {  	[spmem:s2] =	stream.indirect.scatter.add.f32 [tilespmem:s28], [sflag:$0x4], $0x10, s5, s16, $0xb8;
	[tilespmem:$0xF780] =	vst v63  }
0x156: {  	s5 =	sadd.s32 $0x5500, s10  }
0x157: {  	[spmem:s2] =	stream.indirect.scatter.add.f32 [tilespmem:s29], [sflag:$0x4], $0x10, s5, s16, $0xb8;
	[tilespmem:$0xF780] =	vst v63  }
0x158: {  	s5 =	sadd.s32 $0x5580, s10  }
0x159: {  	[spmem:s2] =	stream.indirect.scatter.add.f32 [tilespmem:s30], [sflag:$0x4], $0x10, s5, s16, $0xb8;
	[tilespmem:$0xF780] =	vst v63  }
.Ltmp0:
0x15a: {  	s5 =	sadd.s32 $0x5600, s10;
	(pc) =	sbr.rel @p1 .LBB2_2-.Ltmp0, $4  }
0x15b: {  	[spmem:s2] =	stream.indirect.scatter.add.f32 [tilespmem:s31], [sflag:$0x4], $0x10, s5, s16, $0xb8;
	[tilespmem:$0xF780] =	vst v63  }
0x15c: {  	s5 =	sadd.s32 $0x5680, s10  }
0x15d: {  	[spmem:s2] =	stream.indirect.scatter.add.f32 [tilespmem:s1], [sflag:$0x4], $0x10, s5, s16, $0xb8;
	[tilespmem:$0xF780] =	vst v63  }
0x15e: {  	s10 =	sadd.s32 $0x5700, s10  }
0x15f: {  	[spmem:s2] =	stream.indirect.scatter.add.f32 [tilespmem:s0], [sflag:$0x4], $0x10, s10, s16, $0xb8;
	[tilespmem:$0xF780] =	vst v63  }
0x160: {  	s5 =	simm.s32 @!p0 $0x3  }
0x161: {  	_ =	swait.ge @!p0 [sflag:s5], $0x800  }
0x162: {  	[sflag:s5] =	ssyncset.done @!p0 $0x0  }
0x163: {  	[sflag:s5] =	ssyncadd.s32 @!p0 $0xFFFFF800  }
0x164: {  	_ =	swait.ge @!p0 [sflag:s5], $0x800  }
0x165: {  	[sflag:s5] =	ssyncset.done @!p0 $0x0  }
0x166: {  	[sflag:s5] =	ssyncadd.s32 @!p0 $0xFFFFF800  }
0x167: {  	_ =	swait.ge @!p0 [sflag:s5], $0x800  }
0x168: {  	[sflag:s5] =	ssyncset.done @!p0 $0x0  }
0x169: {  	[sflag:s5] =	ssyncadd.s32 @!p0 $0xFFFFF800  }
0x16a: {  	_ =	swait.ge @!p0 [sflag:s5], $0x800  }
0x16b: {  	[sflag:s5] =	ssyncset.done @!p0 $0x0  }
0x16c: {  	[sflag:s5] =	ssyncadd.s32 @!p0 $0xFFFFF800  }
0x16d: {  	_ =	swait.ge @!p0 [sflag:s5], $0x800  }
0x16e: {  	[sflag:s5] =	ssyncset.done @!p0 $0x0  }
0x16f: {  	[sflag:s5] =	ssyncadd.s32 @!p0 $0xFFFFF800  }
0x170: {  	_ =	swait.ge @!p0 [sflag:s5], $0x800  }
0x171: {  	[sflag:s5] =	ssyncset.done @!p0 $0x0  }
0x172: {  	[sflag:s5] =	ssyncadd.s32 @!p0 $0xFFFFF800  }
0x173: {  	_ =	swait.ge @!p0 [sflag:s5], $0x800  }
0x174: {  	[sflag:s5] =	ssyncset.done @!p0 $0x0  }
0x175: {  	[sflag:s5] =	ssyncadd.s32 @!p0 $0xFFFFF800  }
0x176: {  	_ =	swait.ge @!p0 [sflag:s5], $0x800  }
0x177: {  	s8 =	sshra.s32 s8, $0x2;
	[sflag:s5] =	ssyncset.done @!p0 $0x0  }
0x178: {  	s11 =	sadd.s32 $0x2780, s8;
	[sflag:s5] =	ssyncadd.s32 @!p0 $0xFFFFF800  }
0x179: {  	[tilespmem:s17], [sflag:$0x1] =	stream.indirect.gather [hbm4b:s4+s16], $0x10, s11, s16, $0xb8;
	[tilespmem:$0xF780] =	vst v63  }
0x17a: {  	s9 =	sadd.s32 $0x2800, s8  }
0x17b: {  	[tilespmem:s18], [sflag:$0x1] =	stream.indirect.gather [hbm4b:s4+s16], $0x10, s9, s16, $0xb8;
	[tilespmem:$0xF780] =	vst v63  }
0x17c: {  	s10 =	sadd.s32 $0x2880, s8  }
0x17d: {  	[tilespmem:s19], [sflag:$0x1] =	stream.indirect.gather [hbm4b:s4+s16], $0x10, s10, s16, $0xb8;
	[tilespmem:$0xF780] =	vst v63  }
0x17e: {  	s11 =	sadd.s32 $0x2900, s8  }
0x17f: {  	[tilespmem:s20], [sflag:$0x1] =	stream.indirect.gather [hbm4b:s4+s16], $0x10, s11, s16, $0xb8;
	[tilespmem:$0xF780] =	vst v63  }
0x180: {  	s9 =	sadd.s32 $0x2980, s8  }
0x181: {  	[tilespmem:s21], [sflag:$0x1] =	stream.indirect.gather [hbm4b:s4+s16], $0x10, s9, s16, $0xb8;
	[tilespmem:$0xF780] =	vst v63  }
0x182: {  	s10 =	sadd.s32 $0x2A00, s8  }
0x183: {  	[tilespmem:s22], [sflag:$0x1] =	stream.indirect.gather [hbm4b:s4+s16], $0x10, s10, s16, $0xb8;
	[tilespmem:$0xF780] =	vst v63  }
0x184: {  	s11 =	sadd.s32 $0x2A80, s8  }
0x185: {  	[tilespmem:s23], [sflag:$0x1] =	stream.indirect.gather [hbm4b:s4+s16], $0x10, s11, s16, $0xb8;
	[tilespmem:$0xF780] =	vst v63  }
0x186: {  	s5 =	simm.s32 @!p0 $0x4;
	s9 =	sadd.s32 $0x2B00, s8  }
0x187: {  	[tilespmem:s24], [sflag:$0x1] =	stream.indirect.gather [hbm4b:s4+s16], $0x10, s9, s16, $0xb8;
	[tilespmem:$0xF780] =	vst v63  }
0x188: {  	_ =	swait.ge @!p0 [sflag:s5], $0x800  }
0x189: {  	[sflag:s5] =	ssyncset.done @!p0 $0x0  }
0x18a: {  	[sflag:s5] =	ssyncadd.s32 @!p0 $0xFFFFF800  }
0x18b: {  	_ =	swait.ge @!p0 [sflag:s5], $0x800  }
0x18c: {  	[sflag:s5] =	ssyncset.done @!p0 $0x0  }
0x18d: {  	[sflag:s5] =	ssyncadd.s32 @!p0 $0xFFFFF800  }
0x18e: {  	_ =	swait.ge @!p0 [sflag:s5], $0x800  }
0x18f: {  	[sflag:s5] =	ssyncset.done @!p0 $0x0  }
0x190: {  	[sflag:s5] =	ssyncadd.s32 @!p0 $0xFFFFF800  }
0x191: {  	_ =	swait.ge @!p0 [sflag:s5], $0x800  }
0x192: {  	[sflag:s5] =	ssyncset.done @!p0 $0x0  }
0x193: {  	[sflag:s5] =	ssyncadd.s32 @!p0 $0xFFFFF800  }
0x194: {  	_ =	swait.ge @!p0 [sflag:s5], $0x800  }
0x195: {  	[sflag:s5] =	ssyncset.done @!p0 $0x0  }
0x196: {  	[sflag:s5] =	ssyncadd.s32 @!p0 $0xFFFFF800  }
0x197: {  	_ =	swait.ge @!p0 [sflag:s5], $0x800  }
0x198: {  	[sflag:s5] =	ssyncset.done @!p0 $0x0  }
0x199: {  	[sflag:s5] =	ssyncadd.s32 @!p0 $0xFFFFF800  }
0x19a: {  	_ =	swait.ge @!p0 [sflag:s5], $0x800  }
0x19b: {  	[sflag:s5] =	ssyncset.done @!p0 $0x0  }
0x19c: {  	[sflag:s5] =	ssyncadd.s32 @!p0 $0xFFFFF800  }
0x19d: {  	_ =	swait.ge @!p0 [sflag:s5], $0x800  }
0x19e: {  	[sflag:s5] =	ssyncset.done @!p0 $0x0  }
0x19f: {  	s10 =	sadd.s32 $0x2B80, s8;
	[sflag:s5] =	ssyncadd.s32 @!p0 $0xFFFFF800  }
0x1a0: {  	[tilespmem:s25], [sflag:$0x2] =	stream.indirect.gather [hbm4b:s4+s16], $0x10, s10, s16, $0xb8;
	[tilespmem:$0xF780] =	vst v63  }
0x1a1: {  	s11 =	sadd.s32 $0x2C00, s8  }
0x1a2: {  	[tilespmem:s26], [sflag:$0x2] =	stream.indirect.gather [hbm4b:s4+s16], $0x10, s11, s16, $0xb8;
	[tilespmem:$0xF780] =	vst v63  }
0x1a3: {  	s9 =	sadd.s32 $0x2C80, s8  }
0x1a4: {  	[tilespmem:s28], [sflag:$0x2] =	stream.indirect.gather [hbm4b:s4+s16], $0x10, s9, s16, $0xb8;
	[tilespmem:$0xF780] =	vst v63  }
0x1a5: {  	s10 =	sadd.s32 $0x2D00, s8  }
0x1a6: {  	[tilespmem:s29], [sflag:$0x2] =	stream.indirect.gather [hbm4b:s4+s16], $0x10, s10, s16, $0xb8;
	[tilespmem:$0xF780] =	vst v63  }
0x1a7: {  	s11 =	sadd.s32 $0x2D80, s8  }
0x1a8: {  	[tilespmem:s30], [sflag:$0x2] =	stream.indirect.gather [hbm4b:s4+s16], $0x10, s11, s16, $0xb8;
	[tilespmem:$0xF780] =	vst v63  }
0x1a9: {  	s9 =	sadd.s32 $0x2E00, s8  }
0x1aa: {  	[tilespmem:s31], [sflag:$0x2] =	stream.indirect.gather [hbm4b:s4+s16], $0x10, s9, s16, $0xb8;
	[tilespmem:$0xF780] =	vst v63  }
0x1ab: {  	s10 =	sadd.s32 $0x2E80, s8  }
0x1ac: {  	[tilespmem:s1], [sflag:$0x2] =	stream.indirect.gather [hbm4b:s4+s16], $0x10, s10, s16, $0xb8;
	[tilespmem:$0xF780] =	vst v63  }
0x1ad: {  	s11 =	sadd.s32 $0x2F00, s8  }
0x1ae: {  	[tilespmem:s0], [sflag:$0x2] =	stream.indirect.gather [hbm4b:s4+s16], $0x10, s11, s16, $0xb8;
	[tilespmem:$0xF780] =	vst v63  }
0x1af: {  	_ =	swait.ge [sflag:s15], $0x800  }
0x1b0: {  	[sflag:s15] =	ssyncset.done $0x0  }
0x1b1: {  	[sflag:s15] =	ssyncadd.s32 $0xFFFFF800  }
0x1b2: {  	_ =	swait.ge [sflag:s15], $0x800  }
0x1b3: {  	[sflag:s15] =	ssyncset.done $0x0  }
0x1b4: {  	[sflag:s15] =	ssyncadd.s32 $0xFFFFF800  }
0x1b5: {  	_ =	swait.ge [sflag:s15], $0x800  }
0x1b6: {  	[sflag:s15] =	ssyncset.done $0x0  }
0x1b7: {  	[sflag:s15] =	ssyncadd.s32 $0xFFFFF800  }
0x1b8: {  	_ =	swait.ge [sflag:s15], $0x800  }
0x1b9: {  	[sflag:s15] =	ssyncset.done $0x0  }
0x1ba: {  	[sflag:s15] =	ssyncadd.s32 $0xFFFFF800  }
0x1bb: {  	_ =	swait.ge [sflag:s15], $0x800  }
0x1bc: {  	[sflag:s15] =	ssyncset.done $0x0  }
0x1bd: {  	[sflag:s15] =	ssyncadd.s32 $0xFFFFF800  }
0x1be: {  	_ =	swait.ge [sflag:s15], $0x800  }
0x1bf: {  	[sflag:s15] =	ssyncset.done $0x0  }
0x1c0: {  	[sflag:s15] =	ssyncadd.s32 $0xFFFFF800  }
0x1c1: {  	_ =	swait.ge [sflag:s15], $0x800  }
0x1c2: {  	[sflag:s15] =	ssyncset.done $0x0  }
0x1c3: {  	[sflag:s15] =	ssyncadd.s32 $0xFFFFF800  }
0x1c4: {  	_ =	swait.ge [sflag:s15], $0x800  }
0x1c5: {  	[sflag:s15] =	ssyncset.done $0x0  }
0x1c6: {  	s9 =	sadd.s32 $0x4F80, s8;
	[sflag:s15] =	ssyncadd.s32 $0xFFFFF800  }
0x1c7: {  	[spmem:s2] =	stream.indirect.scatter.add.f32 [tilespmem:s17], [sflag:$0x3], $0x10, s9, s16, $0xb8;
	[tilespmem:$0xF780] =	vst v63  }
0x1c8: {  	s10 =	sadd.s32 $0x5000, s8  }
0x1c9: {  	[spmem:s2] =	stream.indirect.scatter.add.f32 [tilespmem:s18], [sflag:$0x3], $0x10, s10, s16, $0xb8;
	[tilespmem:$0xF780] =	vst v63  }
0x1ca: {  	s11 =	sadd.s32 $0x5080, s8  }
0x1cb: {  	[spmem:s2] =	stream.indirect.scatter.add.f32 [tilespmem:s19], [sflag:$0x3], $0x10, s11, s16, $0xb8;
	[tilespmem:$0xF780] =	vst v63  }
0x1cc: {  	s9 =	sadd.s32 $0x5100, s8  }
0x1cd: {  	[spmem:s2] =	stream.indirect.scatter.add.f32 [tilespmem:s20], [sflag:$0x3], $0x10, s9, s16, $0xb8;
	[tilespmem:$0xF780] =	vst v63  }
0x1ce: {  	s10 =	sadd.s32 $0x5180, s8  }
0x1cf: {  	[spmem:s2] =	stream.indirect.scatter.add.f32 [tilespmem:s21], [sflag:$0x3], $0x10, s10, s16, $0xb8;
	[tilespmem:$0xF780] =	vst v63  }
0x1d0: {  	s11 =	sadd.s32 $0x5200, s8  }
0x1d1: {  	[spmem:s2] =	stream.indirect.scatter.add.f32 [tilespmem:s22], [sflag:$0x3], $0x10, s11, s16, $0xb8;
	[tilespmem:$0xF780] =	vst v63  }
0x1d2: {  	s9 =	sadd.s32 $0x5280, s8  }
0x1d3: {  	[spmem:s2] =	stream.indirect.scatter.add.f32 [tilespmem:s23], [sflag:$0x3], $0x10, s9, s16, $0xb8;
	[tilespmem:$0xF780] =	vst v63  }
0x1d4: {  	s10 =	sadd.s32 $0x5300, s8  }
0x1d5: {  	[spmem:s2] =	stream.indirect.scatter.add.f32 [tilespmem:s24], [sflag:$0x3], $0x10, s10, s16, $0xb8;
	[tilespmem:$0xF780] =	vst v63  }
0x1d6: {  	_ =	swait.ge [sflag:s13], $0x800  }
0x1d7: {  	[sflag:s13] =	ssyncset.done $0x0  }
0x1d8: {  	[sflag:s13] =	ssyncadd.s32 $0xFFFFF800  }
0x1d9: {  	_ =	swait.ge [sflag:s13], $0x800  }
0x1da: {  	[sflag:s13] =	ssyncset.done $0x0  }
0x1db: {  	[sflag:s13] =	ssyncadd.s32 $0xFFFFF800  }
0x1dc: {  	_ =	swait.ge [sflag:s13], $0x800  }
0x1dd: {  	[sflag:s13] =	ssyncset.done $0x0  }
0x1de: {  	[sflag:s13] =	ssyncadd.s32 $0xFFFFF800  }
0x1df: {  	_ =	swait.ge [sflag:s13], $0x800  }
0x1e0: {  	[sflag:s13] =	ssyncset.done $0x0  }
0x1e1: {  	[sflag:s13] =	ssyncadd.s32 $0xFFFFF800  }
0x1e2: {  	_ =	swait.ge [sflag:s13], $0x800  }
0x1e3: {  	[sflag:s13] =	ssyncset.done $0x0  }
0x1e4: {  	[sflag:s13] =	ssyncadd.s32 $0xFFFFF800  }
0x1e5: {  	_ =	swait.ge [sflag:s13], $0x800  }
0x1e6: {  	[sflag:s13] =	ssyncset.done $0x0  }
0x1e7: {  	[sflag:s13] =	ssyncadd.s32 $0xFFFFF800  }
0x1e8: {  	_ =	swait.ge [sflag:s13], $0x800  }
0x1e9: {  	[sflag:s13] =	ssyncset.done $0x0  }
0x1ea: {  	[sflag:s13] =	ssyncadd.s32 $0xFFFFF800  }
0x1eb: {  	_ =	swait.ge [sflag:s13], $0x800  }
0x1ec: {  	[sflag:s13] =	ssyncset.done $0x0  }
0x1ed: {  	s11 =	sadd.s32 $0x5380, s8;
	[sflag:s13] =	ssyncadd.s32 $0xFFFFF800  }
0x1ee: {  	[spmem:s2] =	stream.indirect.scatter.add.f32 [tilespmem:s25], [sflag:$0x4], $0x10, s11, s16, $0xb8;
	[tilespmem:$0xF780] =	vst v63  }
0x1ef: {  	s9 =	sadd.s32 $0x5400, s8  }
0x1f0: {  	[spmem:s2] =	stream.indirect.scatter.add.f32 [tilespmem:s26], [sflag:$0x4], $0x10, s9, s16, $0xb8;
	[tilespmem:$0xF780] =	vst v63  }
0x1f1: {  	s10 =	sadd.s32 $0x5480, s8  }
0x1f2: {  	[spmem:s2] =	stream.indirect.scatter.add.f32 [tilespmem:s28], [sflag:$0x4], $0x10, s10, s16, $0xb8;
	[tilespmem:$0xF780] =	vst v63  }
0x1f3: {  	s11 =	sadd.s32 $0x5500, s8  }
0x1f4: {  	[spmem:s2] =	stream.indirect.scatter.add.f32 [tilespmem:s29], [sflag:$0x4], $0x10, s11, s16, $0xb8;
	[tilespmem:$0xF780] =	vst v63  }
0x1f5: {  	s9 =	sadd.s32 $0x5580, s8  }
0x1f6: {  	[spmem:s2] =	stream.indirect.scatter.add.f32 [tilespmem:s30], [sflag:$0x4], $0x10, s9, s16, $0xb8;
	[tilespmem:$0xF780] =	vst v63  }
0x1f7: {  	s10 =	sadd.s32 $0x5600, s8  }
0x1f8: {  	[spmem:s2] =	stream.indirect.scatter.add.f32 [tilespmem:s31], [sflag:$0x4], $0x10, s10, s16, $0xb8;
	[tilespmem:$0xF780] =	vst v63  }
0x1f9: {  	s11 =	sadd.s32 $0x5680, s8  }
0x1fa: {  	[spmem:s2] =	stream.indirect.scatter.add.f32 [tilespmem:s1], [sflag:$0x4], $0x10, s11, s16, $0xb8;
	[tilespmem:$0xF780] =	vst v63  }
0x1fb: {  	s8 =	sadd.s32 $0x5700, s8  }
0x1fc: {  	[spmem:s2] =	stream.indirect.scatter.add.f32 [tilespmem:s0], [sflag:$0x4], $0x10, s8, s16, $0xb8;
	[tilespmem:$0xF780] =	vst v63  }
0x1fd: {  	_ =	swait.ge [sflag:s14], $0x800  }
0x1fe: {  	[sflag:s14] =	ssyncset.done $0x0  }
0x1ff: {  	[sflag:s14] =	ssyncadd.s32 $0xFFFFF800  }
0x200: {  	_ =	swait.ge [sflag:s14], $0x800  }
0x201: {  	[sflag:s14] =	ssyncset.done $0x0  }
0x202: {  	[sflag:s14] =	ssyncadd.s32 $0xFFFFF800  }
0x203: {  	_ =	swait.ge [sflag:s14], $0x800  }
0x204: {  	[sflag:s14] =	ssyncset.done $0x0  }
0x205: {  	[sflag:s14] =	ssyncadd.s32 $0xFFFFF800  }
0x206: {  	_ =	swait.ge [sflag:s14], $0x800  }
0x207: {  	[sflag:s14] =	ssyncset.done $0x0  }
0x208: {  	[sflag:s14] =	ssyncadd.s32 $0xFFFFF800  }
0x209: {  	_ =	swait.ge [sflag:s14], $0x800  }
0x20a: {  	[sflag:s14] =	ssyncset.done $0x0  }
0x20b: {  	[sflag:s14] =	ssyncadd.s32 $0xFFFFF800  }
0x20c: {  	_ =	swait.ge [sflag:s14], $0x800  }
0x20d: {  	[sflag:s14] =	ssyncset.done $0x0  }
0x20e: {  	[sflag:s14] =	ssyncadd.s32 $0xFFFFF800  }
0x20f: {  	_ =	swait.ge [sflag:s14], $0x800  }
0x210: {  	[sflag:s14] =	ssyncset.done $0x0  }
0x211: {  	[sflag:s14] =	ssyncadd.s32 $0xFFFFF800  }
0x212: {  	_ =	swait.ge [sflag:s14], $0x800  }
0x213: {  	[sflag:s14] =	ssyncset.done $0x0  }
0x214: {  	[sflag:s14] =	ssyncadd.s32 $0xFFFFF800  }
0x215: {  	_ =	swait.ge [sflag:s3], $0x800  }
0x216: {  	[sflag:s3] =	ssyncset.done $0x0  }
0x217: {  	[sflag:s3] =	ssyncadd.s32 $0xFFFFF800  }
0x218: {  	_ =	swait.ge [sflag:s3], $0x800  }
0x219: {  	[sflag:s3] =	ssyncset.done $0x0  }
0x21a: {  	[sflag:s3] =	ssyncadd.s32 $0xFFFFF800  }
0x21b: {  	_ =	swait.ge [sflag:s3], $0x800  }
0x21c: {  	[sflag:s3] =	ssyncset.done $0x0  }
0x21d: {  	[sflag:s3] =	ssyncadd.s32 $0xFFFFF800  }
0x21e: {  	_ =	swait.ge [sflag:s3], $0x800  }
0x21f: {  	[sflag:s3] =	ssyncset.done $0x0  }
0x220: {  	[sflag:s3] =	ssyncadd.s32 $0xFFFFF800  }
0x221: {  	_ =	swait.ge [sflag:s3], $0x800  }
0x222: {  	[sflag:s3] =	ssyncset.done $0x0  }
0x223: {  	[sflag:s3] =	ssyncadd.s32 $0xFFFFF800  }
0x224: {  	_ =	swait.ge [sflag:s3], $0x800  }
0x225: {  	[sflag:s3] =	ssyncset.done $0x0  }
0x226: {  	[sflag:s3] =	ssyncadd.s32 $0xFFFFF800  }
0x227: {  	_ =	swait.ge [sflag:s3], $0x800  }
0x228: {  	[sflag:s3] =	ssyncset.done $0x0  }
0x229: {  	[sflag:s3] =	ssyncadd.s32 $0xFFFFF800  }
0x22a: {  	_ =	swait.ge [sflag:s3], $0x800  }
0x22b: {  	[sflag:s3] =	ssyncset.done $0x0  }
0x22c: {  	[sflag:s3] =	ssyncadd.s32 $0xFFFFF800  }
0x22d: {  	[bflag:$0x0] =	sbarrier.arrive $0xFFFF  }
0x22e: {  	s9 =	rddreg [dreg:$0x3]  }
0x22f: {  	s10 =	rddreg [dreg:$0x8];
	s5 =	sor.u32 $0x1C05, s9  }
0x230: {  	[hbm:s10], [sflag:s5] =	dma.local [spmem:s12], $0x4F0  }
0x231: {  	_ =	swait.ge [sflag:s6], $0x4F0  }
0x232: {  	s7 =	sadd.s32 $0x1, s7;
	s11 =	rddreg [dreg:$0x9]  }
0x233: {  	p0 =	sne.s32 s7, s11  }
.Ltmp1:
0x234: {  	_ = 	snop;
	(pc) =	sbr.rel @p0 .LBB2_1-.Ltmp1, $3  }
0x235: {  	_ =	sdelay $0x1  }
0x236: {  	[sflag:s6] =	ssyncset.done $0x0  }
0x237: {  	[sflag:s6] =	ssyncadd.s32 $0xFFFFFB10  }
0x238: {  	_ =	sfence.sel $0x180000  }
0x239: {  	[bflag:$0x0] =	sbarrier.arrive $0xFFFF  }
0x23a: {  	_ =	strace $0x9000004D  }
0x23b: {  	s0 =	stileid.u32;
	[bflag:$0x2] =	sbarrier.arrive $0xFFFF  }
0x23c: {  	p0 =	sne.s32 s0, $0x0;
	s0 =	rddreg [dreg:$0x2]  }
0x23d: {  	s0 =	sadd.s32 @!p0 $0x100000, s0  }
0x23e: {  	[sflag:s0] =	ssyncadd.tile.s32 @!p0 $0x1;
	_ =	shalt  }
.Lfunc_end2:
_tile_overlayer_lowered:
.L_overlay_start_2:
0x23f: {  	(tag) =	ssettag $0x2  }
0x240: {  	s0 =	rddreg [dreg:$0x0];
	s2 =	stileid.u32  }
0x241: {  	s1 =	rddreg [dreg:$0x1];
	p0 =	sne.s32 s2, $0x0  }
0x242: {  	s3 =	rddreg [dreg:$0x2];
	[bflag:$0x3] =	sbarrier.arrive $0xFFFF;
	s2 =	simm.s32 @!p0 $0x1C05  }
0x243: {  	[timem:s3], [sflag:s2] =	dma.local @!p0 [hbm:s0], s1  }
0x244: {  	s0 =	simm.s32 @!p0 $0x5  }
0x245: {  	_ =	swait.ge @!p0 [sflag:s0], s1  }
0x246: {  	s1 =	ssub.s32 @!p0 $0x0, s1;
	[sflag:s0] =	ssyncset.done @!p0 $0x0  }
0x247: {  	[sflag:s0] =	ssyncadd.s32 @!p0 s1  }
0x248: {  	[bflag:$0x3] =	sbarrier.arrive $0xFFFF  }
0x249: {  	_ =	shalt  }

// kernel: kernel.8.cloned.1.call-start
scs
__scs_entry_jumppad:
0x0: {  	(pc) =	sbr.rel $0x88, $3  }
0x1: {  	(tag) =	ssettag $0x0;
	lr =	simm.s32 $0x1  }
0x2: {  	[smem:$0x3F9B] =	sst lr;
	_ =	strace $0xD0000000  }
0x3: {  	_ = 	snop  }
0x4: {  	_ = 	snop  }
0x5: {  	_ = 	snop  }
0x6: {  	_ = 	snop  }
0x7: {  	_ = 	snop  }
__scs_overlays_trampoline_lowered:
0x8: {  	[smem:$0x3FAA] =	sst s0  }
0x9: {  	[smem:$0x3FAB] =	sst s1  }
0xa: {  	[smem:$0x3FAC] =	sst s2  }
0xb: {  	[smem:$0x3FAD] =	sst s3  }
0xc: {  	[smem:$0x3FAE] =	sst s4  }
0xd: {  	[smem:$0x3FAF] =	sst s5  }
0xe: {  	[smem:$0x3FB0] =	sst s6  }
0xf: {  	[smem:$0x3FB1] =	sst s7  }
0x10: {  	[smem:$0x3FB2] =	sst s8  }
0x11: {  	[smem:$0x3FB3] =	sst s9;
	s0 =	simm.s32 @!p0 $0x0  }
0x12: {  	s1 =	sld [smem:$0x3F99];
	s0 =	simm.s32 @p0 $0x1  }
0x13: {  	[smem:$0x3FB4] =	sst s0;
	s0 =	simm.s32 @!p1 $0x0  }
0x14: {  	s2 =	sld [smem:$0x3F98];
	s0 =	simm.s32 @p1 $0x1  }
0x15: {  	[smem:$0x3FB5] =	sst s0;
	s0 =	simm.s32 @!p2 $0x0  }
0x16: {  	s3 =	sld [smem:$0x3FDB];
	s0 =	simm.s32 @p2 $0x1  }
0x17: {  	s4 =	simm.s32 $0x1BF5;
	[smem:$0x3FB7] =	sst s0  }
0x18: {  	s0 =	sld [smem:$0x3F9A];
	_ =	swait.ge [sflag:s4], $0x0  }
0x19: {  	s7 =	sld [smem:$0x3F9B]  }
0x1a: {  	s8 =	sadd.s32 $0xFFFFE003, lr  }
0x1b: {  	s9 =	sadd.s32 $0xFFFFFEF7, lr;
	s5 =	simm.s32 $0xFFFFFFFF;
	p2 =	slt.u32 s8, $0xFFFFF086  }
0x1c: {  	p1 =	slt.u32 s9, $0xF7A;
	s5 =	simm.s32 @!p2 $0x0  }
0x1d: {  	s5 =	simm.s32 @p1 $0x1;
	p0 =	seq.s32 s7, s2  }
0x1e: {  	s7 =	smul.u32 @!p0 $0xF7A, s2;
	p2 =	seq.s32 @!p0 s5, $0x0  }
0x1f: {  	s9 =	smul.u32 $0xF7A, s1;
	s8 =	simm.s32 @!p0 $0x1BF5;
	p2 =	por !p2, p0  }
0x20: {  	[sflag:s8] =	ssyncset.s32 @!p0 $0xFFFFF086;
	s6 =	sadd.s32 @!p0 s3, s7;
	s7 =	simm.s32 @!p0 $0x108  }
0x21: {  	s3 =	sadd.s32 s3, s9;
	s6 =	sadd.s32 @!p0 $0x88, s6;
	s7 =	simm.s32 @p2 $0x1082  }
0x22: {  	[simem:s7], [sflag:s8] =	dma.local @!p0 [hbm:s6], $0xF7A  }
0x23: {  	s9 =	sor.u32 $0xD0000000, s2;
	s6 =	simm.s32 $0x108;
	_ =	swait.ge @!p0 [sflag:s8], $0x0  }
0x24: {  	s3 =	sadd.s32 $0x88, s3;
	s6 =	simm.s32 @!p1 $0x1082;
	[sflag:s4] =	ssyncset.s32 $0xFFFFF086  }
0x25: {  	[simem:s6], [sflag:s4] =	dma.local [hbm:s3], $0xF7A  }
0x26: {  	[smem:$0x3F9B] =	sst s1;
	(tag) =	ssettag s2;
	_ =	strace s9  }
0x27: {  	s1 =	sld [smem:$0x3FAB]  }
0x28: {  	s2 =	sld [smem:$0x3FAC]  }
0x29: {  	s4 =	sld [smem:$0x3FAE]  }
0x2a: {  	p0 =	seq.s32 s5, $0x0;
	s5 =	sld [smem:$0x3FAF]  }
0x2b: {  	s6 =	sld [smem:$0x3FB0]  }
0x2c: {  	s7 =	sld [smem:$0x3FB1]  }
0x2d: {  	s3 =	simm.s32 $0x108;
	s8 =	sld [smem:$0x3FB2]  }
0x2e: {  	s3 =	simm.s32 @!p0 $0x1082;
	s9 =	sld [smem:$0x3FB3]  }
0x2f: {  	lr =	sadd.s32 s0, s3;
	s0 =	sld [smem:$0x3FAA]  }
0x30: {  	s3 =	sld [smem:$0x3FAD]  }
0x31: {  	[smem:$0x3FB6] =	sst s10  }
0x32: {  	s10 =	sld [smem:$0x3FB4];
	_ =	sdelay $0x3  }
0x33: {  	p0 =	seq.s32 s10, $0x1;
	s10 =	sld [smem:$0x3FB6];
	_ =	sdelay $0x3  }
0x34: {  	[smem:$0x3FB6] =	sst s10  }
0x35: {  	s10 =	sld [smem:$0x3FB5];
	_ =	sdelay $0x3  }
0x36: {  	p1 =	seq.s32 s10, $0x1;
	s10 =	sld [smem:$0x3FB6];
	_ =	sdelay $0x3  }
0x37: {  	[smem:$0x3FB6] =	sst s10  }
0x38: {  	s10 =	sld [smem:$0x3FB7]  }
0x39: {  	_ = 	snop;
	(pc) =	sbr.ind lr, $3  }
0x3a: {  	_ = 	snop  }
0x3b: {  	_ = 	snop  }
0x3c: {  	p2 =	seq.s32 s10, $0x1;
	s10 =	sld [smem:$0x3FB6]  }
0x3d: {  	_ =	shalt  }
0x3e: {  	_ =	shalt  }
0x3f: {  	_ =	shalt  }
0x40: {  	_ =	shalt  }
0x41: {  	_ =	shalt  }
0x42: {  	_ =	shalt  }
0x43: {  	_ =	shalt  }
0x44: {  	_ =	shalt  }
0x45: {  	_ =	shalt  }
0x46: {  	_ =	shalt  }
0x47: {  	_ =	shalt  }
0x48: {  	_ =	shalt  }
0x49: {  	_ =	shalt  }
0x4a: {  	_ =	shalt  }
0x4b: {  	_ =	shalt  }
0x4c: {  	_ =	shalt  }
0x4d: {  	_ =	shalt  }
0x4e: {  	_ =	shalt  }
0x4f: {  	_ =	shalt  }
0x50: {  	_ =	shalt  }
0x51: {  	_ =	shalt  }
0x52: {  	_ =	shalt  }
0x53: {  	_ =	shalt  }
0x54: {  	_ =	shalt  }
0x55: {  	_ =	shalt  }
0x56: {  	_ =	shalt  }
0x57: {  	_ =	shalt  }
0x58: {  	_ =	shalt  }
0x59: {  	_ =	shalt  }
0x5a: {  	_ =	shalt  }
0x5b: {  	_ =	shalt  }
0x5c: {  	_ =	shalt  }
0x5d: {  	_ =	shalt  }
0x5e: {  	_ =	shalt  }
0x5f: {  	_ =	shalt  }
0x60: {  	_ =	shalt  }
0x61: {  	_ =	shalt  }
0x62: {  	_ =	shalt  }
0x63: {  	_ =	shalt  }
0x64: {  	_ =	shalt  }
0x65: {  	_ =	shalt  }
0x66: {  	_ =	shalt  }
0x67: {  	_ =	shalt  }
0x68: {  	_ =	shalt  }
0x69: {  	_ =	shalt  }
0x6a: {  	_ =	shalt  }
0x6b: {  	_ =	shalt  }
0x6c: {  	_ =	shalt  }
0x6d: {  	_ =	shalt  }
0x6e: {  	_ =	shalt  }
0x6f: {  	_ =	shalt  }
0x70: {  	_ =	shalt  }
0x71: {  	_ =	shalt  }
0x72: {  	_ =	shalt  }
0x73: {  	_ =	shalt  }
0x74: {  	_ =	shalt  }
0x75: {  	_ =	shalt  }
0x76: {  	_ =	shalt  }
0x77: {  	_ =	shalt  }
0x78: {  	_ =	shalt  }
0x79: {  	_ =	shalt  }
0x7a: {  	_ =	shalt  }
0x7b: {  	_ =	shalt  }
0x7c: {  	_ =	shalt  }
0x7d: {  	_ =	shalt  }
0x7e: {  	_ =	shalt  }
0x7f: {  	_ =	shalt  }
0x80: {  	_ =	shalt  }
0x81: {  	_ =	shalt  }
0x82: {  	_ =	shalt  }
0x83: {  	_ =	shalt  }
0x84: {  	_ =	shalt  }
0x85: {  	_ =	shalt  }
0x86: {  	_ =	shalt  }
0x87: {  	_ =	shalt  }
.Lfunc_end0:
.L_simem_size_0:
called_computation_lowered:
.L_overlay_start_0:
0x88: {  	s2 =	sld [smem:$0x3FD9]  }
0x89: {  	s3 =	sld [smem:$0x3FFE];
	_ =	sdelay $0x1  }
0x8a: {  	s1 =	srdreg.scid  }
0x8b: {  	s0 =	sand.u32 $0x1, s1  }
0x8c: {  	s16 =	sshll.u32 s0, $0xA;
	s2 =	sadd.s32 s3, s2  }
0x8d: {  	s2 =	sadd.s32 s2, s16  }
0x8e: {  	[smem:$0x3FC2] =	sst s2  }
0x8f: {  	_ = 	snop  }
0x90: {  	(tm) =	ssettm $0x1  }
0x91: {  	s17 =	sld [smem:$0x3FFB];
	_ =	sdelay $0x3  }
0x92: {  	_ =	strace s17  }
0x93: {  	s2 =	sld [smem:$0x3FFC];
	_ =	sdelay $0x3  }
0x94: {  	_ =	strace s2  }
0x95: {  	s2 =	sld [smem:$0x3FFD];
	_ =	sdelay $0x3  }
0x96: {  	_ =	strace s2  }
0x97: {  	_ =	strace $0x8FFFFFFF  }
0x98: {  	s18 =	sld [smem:$0x3FDB];
	_ =	sdelay $0x1  }
0x99: {  	s19 =	simm.s32 $_scs_section_size  }
0x9a: {  	s4 =	simm.s32 $_size__tile_overlayer_lowered;
	s5 =	simm.s32 $_tile_overlayer_lowered  }
0x9b: {  	s22 =	simm.s32 $0x1BFF;
	s21 =	sshll.u32 s5, $0x1;
	s2 =	sadd.s32 s19, s18  }
0x9c: {  	s6 =	simm.s32 $0x0;
	s20 =	sshll.u32 s4, $0x1;
	s4 =	sadd.s32 s21, s2  }
0x9d: {  	[timem:s6], [sflag:s22] =	dma.local [hbm:s4], s20  }
0x9e: {  	_ =	swait.ge [sflag:s22], s20  }
0x9f: {  	s3 =	ssub.s32 $0x0, s20;
	[sflag:s22] =	ssyncset.done $0x0  }
0xa0: {  	[sflag:s22] =	ssyncadd.s32 s3;
	_ =	sdelay $0x1  }
0xa1: {  	s23 =	simm.s32 $0x1B8B  }
0xa2: {  	_ =	swait.ge [sflag:s23], $0x1  }
0xa3: {  	[sflag:s23] =	ssyncset.done $0x0  }
0xa4: {  	s25 =	simm.s32 $0x1B8E;
	s24 =	sld [smem:$0x3FFE];
	[sflag:s23] =	ssyncadd.s32 $0xFFFFFFFF  }
0xa5: {  	s26 =	simm.s32 $execute0_lowered;
	[smem:$0x3FD2] =	sst s25  }
0xa6: {  	s4 =	sshll.u32 s26, $0x1;
	_ =	strace $0x80000046;
	[dreg:$0x1] =	wrdreg $0xFFFFFFFF  }
0xa7: {  	s28 =	simm.s32 $_size_execute0_lowered;
	s2 =	sadd.s32 s2, s4;
	[dreg:$0x0] =	wrdreg $0x0  }
0xa8: {  	s4 =	sshll.u32 s28, $0x1;
	[dreg:$0x2] =	wrdreg s2  }
0xa9: {  	[dreg:$0x3] =	wrdreg s4  }
0xaa: {  	[dreg:$0x4] =	wrdreg $0xC0  }
0xab: {  	_ =	task [dreg:s6], $0x5FFFF  }
0xac: {  	[dreg:$0x1] =	wrdreg $0xFFFFFFFF  }
0xad: {  	[dreg:$0x0] =	wrdreg $0x60  }
0xae: {  	[dreg:$0x2] =	wrdreg s24  }
0xaf: {  	[dreg:$0x3] =	wrdreg $0x0  }
0xb0: {  	[dreg:$0x4] =	wrdreg $0x9  }
0xb1: {  	_ =	task.clear_ibuf [dreg:s6], $0x5FFFF;
	_ =	strace $0x90000046  }
0xb2: {  	s29 =	simm.s32 $0x9;
	_ =	strace $0x80000048  }
0xb3: {  	_ =	swait.ge [sflag:s29], $0x1  }
0xb4: {  	[sflag:s29] =	ssyncadd.s32 $0xFFFFFFFF  }
0xb5: {  	_ =	strace $0x90000048  }
0xb6: {  	_ =	sfence  }
0xb7: {  	s30 =	sld [smem:$0x0];
	_ =	sdelay $0x2  }
0xb8: {  	s31 =	sshll.u32 s1, $0xD;
	s1 =	sshrl.u32 s1, $0x2  }
0xb9: {  	s3 =	sand.u32 $0x4000, s31;
	s1 =	sadd.s32 s1, s30  }
0xba: {  	s0 =	sor.u32 s3, s0;
	s1 =	sshll.u32 s1, $0x11  }
0xbb: {  	s0 =	sor.u32 s1, s0  }
0xbc: {  	s0 =	sadd.s32 $0x8F2B, s0  }
0xbd: {  	[sflag:s0] =	ssyncadd.remote.s32 $0x1  }
0xbe: {  	_ =	sfence.sel $0xFFFF  }
0xbf: {  	[dreg:$0x0] =	wrdreg $0xFFFFFFFF;
	(pc) =	sbr.abs _section_cstart, $3  }
0xc0: {  	[dreg:$0x1] =	wrdreg $0xFFFFFFFF  }
0xc1: {  	_ =	task.clear_ibuf [dreg:s6], $0x2FFFF;
	_ =	strace $0x9FFFFFFF  }
0xc2: {  	(tm) =	ssettm $0x7FFFFFFF  }
0xc3: {  	_ =	shalt  }
tec
execute0_lowered:
.L_overlay_start_1:
0x0: {  	(tag) =	ssettag $0x1  }
0x1: {  	s5 =	rddreg [dreg:$0x0]  }
0x2: {  	s0 =	srdreg.scid;
	s2 =	rddreg [dreg:$0x1];
	s3 =	simm.s32 $0x0  }
0x3: {  	s10 =	simm.s32 $0x280;
	s11 =	simm.s32 $0x80;
	s12 =	simm.s32 $0x2A80  }
0x4: {  	s13 =	simm.s32 $0x1;
	s14 =	simm.s32 $0x0;
	s4 =	sand.u32 $0x1, s0  }
0x5: {  	s0 =	stileid.u32;
	[smem:$0x7FF] =	sst s3;
	s1 =	sshll.u32 s4, $0x4  }
0x6: {  	s8 =	smul.u32 $0xA00, s0;
	s4 =	ssub.s32 $0x2, s4;
	s6 =	sor.u32 s0, s1  }
0x7: {  	s1 =	rddreg [dreg:$0x2];
	_ =	strace $0x80000047;
	s7 =	smul.u32 $0x500, s6  }
0x8: {  	s31 =	sshrl.u32 s4, $0x1;
	s6 =	smul.u32 $0x50, s6;
	s8 =	sshrl.u32 s8, $0x2  }
0x9: {  	s9 =	ssub.s32 s4, s31;
	s4 =	sadd.s32 s8, s2;
	s7 =	sadd.s32 s7, s5  }
0xa: {  	s8 =	simm.s32 $0x2B00;
	s6 =	sadd.s32 s6, s5;
	s5 =	sadd.s32 $0x1600, s7  }
0xb: {  	v0 =	vimm.f32 $1.000000000e+00;
	v1 =	vimm.f32 $0.0e+00;
	s6 =	sadd.s32 $0xB600, s6;
	s7 =	smax.u32 s9, $0x1;
	s9 =	simm.s32 $0x2  }
.LBB2_1:
0xc: {  	[tilespmem:$0x2A80] =	vst v0  }
0xd: {  	[tilespmem:$0x2A90] =	vst v0  }
0xe: {  	[tilespmem:$0x2AA0] =	vst v0  }
0xf: {  	[tilespmem:$0x2AB0] =	vst v0  }
0x10: {  	[tilespmem:$0x2AC0] =	vst v0  }
0x11: {  	[tilespmem:$0x2AD0] =	vst v0  }
0x12: {  	[tilespmem:$0x2AE0] =	vst v0  }
0x13: {  	[tilespmem:$0x2AF0] =	vst v0  }
0x14: {  	[tilespmem:$0x2B00] =	vst v1  }
0x15: {  	[tilespmem:$0x2B10] =	vst v1  }
0x16: {  	[tilespmem:$0x2B20] =	vst v1  }
0x17: {  	[tilespmem:$0x2B30] =	vst v1  }
0x18: {  	[tilespmem:$0x2B40] =	vst v1  }
0x19: {  	[tilespmem:$0x2B50] =	vst v1  }
0x1a: {  	[tilespmem:$0x2B60] =	vst v1  }
0x1b: {  	[tilespmem:$0x2B70] =	vst v1  }
0x1c: {  	[tilespmem:$0x2B80] =	vst v1  }
0x1d: {  	[tilespmem:$0x2B90] =	vst v1  }
0x1e: {  	[tilespmem:$0x2BA0] =	vst v1  }
0x1f: {  	[tilespmem:$0x2BB0] =	vst v1  }
0x20: {  	[tilespmem:$0x2BC0] =	vst v1  }
0x21: {  	[tilespmem:$0x2BD0] =	vst v1  }
0x22: {  	[tilespmem:$0x2BE0] =	vst v1  }
0x23: {  	[tilespmem:$0x2BF0] =	vst v1  }
0x24: {  	[tilespmem:$0x2C00] =	vst v1  }
0x25: {  	[tilespmem:$0x2C10] =	vst v1  }
0x26: {  	[tilespmem:$0x2C20] =	vst v1  }
0x27: {  	[tilespmem:$0x2C30] =	vst v1  }
0x28: {  	[tilespmem:$0x2C40] =	vst v1  }
0x29: {  	[tilespmem:$0x2C50] =	vst v1  }
0x2a: {  	[tilespmem:$0x2C60] =	vst v1  }
0x2b: {  	[tilespmem:$0x2C70] =	vst v1  }
0x2c: {  	[tilespmem:$0x2C80] =	vst v1  }
0x2d: {  	[tilespmem:$0x2C90] =	vst v1  }
0x2e: {  	[tilespmem:$0x2CA0] =	vst v1  }
0x2f: {  	[tilespmem:$0x2CB0] =	vst v1  }
0x30: {  	[tilespmem:$0x2CC0] =	vst v1  }
0x31: {  	[tilespmem:$0x2CD0] =	vst v1  }
0x32: {  	[tilespmem:$0x2CE0] =	vst v1  }
0x33: {  	[tilespmem:$0x2CF0] =	vst v1  }
0x34: {  	[tilespmem:$0x2D00] =	vst v1  }
0x35: {  	[tilespmem:$0x2D10] =	vst v1  }
0x36: {  	[tilespmem:$0x2D20] =	vst v1  }
0x37: {  	[tilespmem:$0x2D30] =	vst v1  }
0x38: {  	[tilespmem:$0x2D40] =	vst v1  }
0x39: {  	[tilespmem:$0x2D50] =	vst v1  }
0x3a: {  	[tilespmem:$0x2D60] =	vst v1  }
0x3b: {  	[tilespmem:$0x2D70] =	vst v1  }
0x3c: {  	[spmem:s4] =	stream.linear.scatter [tilespmem:s8], [sflag:$0x2], $0x280, $0x38;
	[tilespmem:$0x2D80] =	vst v63  }
0x3d: {  	_ =	swait.ge [sflag:s9], $0x280  }
0x3e: {  	[sflag:s9] =	ssyncset.done $0x0  }
0x3f: {  	[sflag:s9] =	ssyncadd.s32 $0xFFFFFD80  }
0x40: {  	[tilespmem:s10], [sflag:$0x2] =	stream.linear.gather [hbm4b:s5+s3], $0x2800, $0x38;
	[tilespmem:$0x2D80] =	vst v63  }
0x41: {  	_ =	swait.ge [sflag:s9], $0x2800  }
0x42: {  	[sflag:s9] =	ssyncset.done $0x0  }
0x43: {  	[sflag:s9] =	ssyncadd.s32 $0xFFFFD800  }
0x44: {  	s15 =	simm.s32 $0x280;
	[bflag:$0x0] =	sbarrier.arrive $0xFFFF  }
0x45: {  	[spmem:s2] =	stream.indirect.scatter.add.f32 [tilespmem:s12], [sflag:$0x1], $0x1, s15, s11, $0xb8;
	[tilespmem:$0x2D80] =	vst v63  }
0x46: {  	s24 =	simm.s32 $0x300  }
0x47: {  	[spmem:s2] =	stream.indirect.scatter.add.f32 [tilespmem:s12], [sflag:$0x1], $0x1, s24, s11, $0xb8;
	[tilespmem:$0x2D80] =	vst v63  }
0x48: {  	s25 =	simm.s32 $0x380  }
0x49: {  	[spmem:s2] =	stream.indirect.scatter.add.f32 [tilespmem:s12], [sflag:$0x1], $0x1, s25, s11, $0xb8;
	[tilespmem:$0x2D80] =	vst v63  }
0x4a: {  	s26 =	simm.s32 $0x400  }
0x4b: {  	[spmem:s2] =	stream.indirect.scatter.add.f32 [tilespmem:s12], [sflag:$0x1], $0x1, s26, s11, $0xb8;
	[tilespmem:$0x2D80] =	vst v63  }
0x4c: {  	s28 =	simm.s32 $0x480  }
0x4d: {  	[spmem:s2] =	stream.indirect.scatter.add.f32 [tilespmem:s12], [sflag:$0x1], $0x1, s28, s11, $0xb8;
	[tilespmem:$0x2D80] =	vst v63  }
0x4e: {  	s29 =	simm.s32 $0x500  }
0x4f: {  	[spmem:s2] =	stream.indirect.scatter.add.f32 [tilespmem:s12], [sflag:$0x1], $0x1, s29, s11, $0xb8;
	[tilespmem:$0x2D80] =	vst v63  }
0x50: {  	s30 =	simm.s32 $0x580  }
0x51: {  	[spmem:s2] =	stream.indirect.scatter.add.f32 [tilespmem:s12], [sflag:$0x1], $0x1, s30, s11, $0xb8;
	[tilespmem:$0x2D80] =	vst v63  }
0x52: {  	s31 =	simm.s32 $0x600  }
0x53: {  	[spmem:s2] =	stream.indirect.scatter.add.f32 [tilespmem:s12], [sflag:$0x1], $0x1, s31, s11, $0xb8;
	[tilespmem:$0x2D80] =	vst v63  }
0x54: {  	_ =	swait.ge [sflag:s13], $0x80  }
0x55: {  	[sflag:s13] =	ssyncset.done $0x0  }
0x56: {  	[sflag:s13] =	ssyncadd.s32 $0xFFFFFF80  }
0x57: {  	_ =	swait.ge [sflag:s13], $0x80  }
0x58: {  	[sflag:s13] =	ssyncset.done $0x0  }
0x59: {  	[sflag:s13] =	ssyncadd.s32 $0xFFFFFF80  }
0x5a: {  	_ =	swait.ge [sflag:s13], $0x80  }
0x5b: {  	[sflag:s13] =	ssyncset.done $0x0  }
0x5c: {  	[sflag:s13] =	ssyncadd.s32 $0xFFFFFF80  }
0x5d: {  	_ =	swait.ge [sflag:s13], $0x80  }
0x5e: {  	[sflag:s13] =	ssyncset.done $0x0  }
0x5f: {  	[sflag:s13] =	ssyncadd.s32 $0xFFFFFF80  }
0x60: {  	_ =	swait.ge [sflag:s13], $0x80  }
0x61: {  	[sflag:s13] =	ssyncset.done $0x0  }
0x62: {  	[sflag:s13] =	ssyncadd.s32 $0xFFFFFF80  }
0x63: {  	_ =	swait.ge [sflag:s13], $0x80  }
0x64: {  	[sflag:s13] =	ssyncset.done $0x0  }
0x65: {  	[sflag:s13] =	ssyncadd.s32 $0xFFFFFF80  }
0x66: {  	_ =	swait.ge [sflag:s13], $0x80  }
0x67: {  	[sflag:s13] =	ssyncset.done $0x0  }
0x68: {  	[sflag:s13] =	ssyncadd.s32 $0xFFFFFF80  }
0x69: {  	_ =	swait.ge [sflag:s13], $0x80  }
0x6a: {  	s18 =	simm.s32 $0x2000;
	s17 =	simm.s32 $0x400;
	[sflag:s13] =	ssyncset.done $0x0  }
.LBB2_2:
0x6b: {  	s19 =	sadd.s32 $0x280, s17  }
0x6c: {  	[sflag:s13] =	ssyncadd.s32 $0xFFFFFF80;
	s16 =	smov.u32 s18;
	s15 =	sadd.s32 $0x1000, s18  }
0x6d: {  	[spmem:s2] =	stream.indirect.scatter.add.f32 [tilespmem:s12], [sflag:$0x1], $0x1, s19, s11, $0xb8;
	[tilespmem:$0x2D80] =	vst v63  }
0x6e: {  	p0 =	sne.s32 s18, $0x9000;
	s18 =	sadd.s32 $0x300, s17  }
0x6f: {  	[spmem:s2] =	stream.indirect.scatter.add.f32 [tilespmem:s12], [sflag:$0x1], $0x1, s18, s11, $0xb8;
	[tilespmem:$0x2D80] =	vst v63  }
0x70: {  	s18 =	sadd.s32 $0x380, s17  }
0x71: {  	[spmem:s2] =	stream.indirect.scatter.add.f32 [tilespmem:s12], [sflag:$0x1], $0x1, s18, s11, $0xb8;
	[tilespmem:$0x2D80] =	vst v63  }
0x72: {  	s18 =	sadd.s32 $0x400, s17  }
0x73: {  	[spmem:s2] =	stream.indirect.scatter.add.f32 [tilespmem:s12], [sflag:$0x1], $0x1, s18, s11, $0xb8;
	[tilespmem:$0x2D80] =	vst v63  }
0x74: {  	s18 =	sadd.s32 $0x480, s17  }
0x75: {  	[spmem:s2] =	stream.indirect.scatter.add.f32 [tilespmem:s12], [sflag:$0x1], $0x1, s18, s11, $0xb8;
	[tilespmem:$0x2D80] =	vst v63  }
0x76: {  	s18 =	sadd.s32 $0x500, s17  }
0x77: {  	[spmem:s2] =	stream.indirect.scatter.add.f32 [tilespmem:s12], [sflag:$0x1], $0x1, s18, s11, $0xb8;
	[tilespmem:$0x2D80] =	vst v63  }
0x78: {  	s18 =	sadd.s32 $0x580, s17  }
0x79: {  	[spmem:s2] =	stream.indirect.scatter.add.f32 [tilespmem:s12], [sflag:$0x1], $0x1, s18, s11, $0xb8;
	[tilespmem:$0x2D80] =	vst v63  }
0x7a: {  	s17 =	sadd.s32 $0x600, s17  }
0x7b: {  	[spmem:s2] =	stream.indirect.scatter.add.f32 [tilespmem:s12], [sflag:$0x1], $0x1, s17, s11, $0xb8;
	[tilespmem:$0x2D80] =	vst v63  }
0x7c: {  	_ =	swait.ge [sflag:s13], $0x80  }
0x7d: {  	[sflag:s13] =	ssyncset.done $0x0  }
0x7e: {  	[sflag:s13] =	ssyncadd.s32 $0xFFFFFF80  }
0x7f: {  	_ =	swait.ge [sflag:s13], $0x80  }
0x80: {  	[sflag:s13] =	ssyncset.done $0x0  }
0x81: {  	[sflag:s13] =	ssyncadd.s32 $0xFFFFFF80  }
0x82: {  	_ =	swait.ge [sflag:s13], $0x80  }
0x83: {  	[sflag:s13] =	ssyncset.done $0x0  }
0x84: {  	[sflag:s13] =	ssyncadd.s32 $0xFFFFFF80  }
0x85: {  	_ =	swait.ge [sflag:s13], $0x80  }
0x86: {  	[sflag:s13] =	ssyncset.done $0x0  }
0x87: {  	[sflag:s13] =	ssyncadd.s32 $0xFFFFFF80  }
0x88: {  	_ =	swait.ge [sflag:s13], $0x80  }
0x89: {  	[sflag:s13] =	ssyncset.done $0x0  }
0x8a: {  	[sflag:s13] =	ssyncadd.s32 $0xFFFFFF80  }
0x8b: {  	_ =	swait.ge [sflag:s13], $0x80  }
0x8c: {  	[sflag:s13] =	ssyncset.done $0x0  }
0x8d: {  	[sflag:s13] =	ssyncadd.s32 $0xFFFFFF80  }
.Ltmp0:
0x8e: {  	_ =	swait.ge [sflag:s13], $0x80;
	(pc) =	sbr.rel @p0 .LBB2_2-.Ltmp0, $4  }
0x8f: {  	[sflag:s13] =	ssyncset.done $0x0  }
0x90: {  	[sflag:s13] =	ssyncadd.s32 $0xFFFFFF80  }
0x91: {  	_ =	swait.ge [sflag:s13], $0x80  }
0x92: {  	s18 =	smov.u32 s15;
	s17 =	sshra.s32 s16, $0x2;
	[sflag:s13] =	ssyncset.done $0x0  }
0x93: {  	s15 =	sadd.s32 $0x280, s17;
	[sflag:s13] =	ssyncadd.s32 $0xFFFFFF80  }
0x94: {  	[spmem:s2] =	stream.indirect.scatter.add.f32 [tilespmem:s12], [sflag:$0x1], $0x1, s15, s11, $0xb8;
	[tilespmem:$0x2D80] =	vst v63  }
0x95: {  	s24 =	sadd.s32 $0x300, s17  }
0x96: {  	[spmem:s2] =	stream.indirect.scatter.add.f32 [tilespmem:s12], [sflag:$0x1], $0x1, s24, s11, $0xb8;
	[tilespmem:$0x2D80] =	vst v63  }
0x97: {  	s25 =	sadd.s32 $0x380, s17  }
0x98: {  	[spmem:s2] =	stream.indirect.scatter.add.f32 [tilespmem:s12], [sflag:$0x1], $0x1, s25, s11, $0xb8;
	[tilespmem:$0x2D80] =	vst v63  }
0x99: {  	s26 =	sadd.s32 $0x400, s17  }
0x9a: {  	[spmem:s2] =	stream.indirect.scatter.add.f32 [tilespmem:s12], [sflag:$0x1], $0x1, s26, s11, $0xb8;
	[tilespmem:$0x2D80] =	vst v63  }
0x9b: {  	s28 =	sadd.s32 $0x480, s17  }
0x9c: {  	[spmem:s2] =	stream.indirect.scatter.add.f32 [tilespmem:s12], [sflag:$0x1], $0x1, s28, s11, $0xb8;
	[tilespmem:$0x2D80] =	vst v63  }
0x9d: {  	s29 =	sadd.s32 $0x500, s17  }
0x9e: {  	[spmem:s2] =	stream.indirect.scatter.add.f32 [tilespmem:s12], [sflag:$0x1], $0x1, s29, s11, $0xb8;
	[tilespmem:$0x2D80] =	vst v63  }
0x9f: {  	s30 =	sadd.s32 $0x580, s17  }
0xa0: {  	[spmem:s2] =	stream.indirect.scatter.add.f32 [tilespmem:s12], [sflag:$0x1], $0x1, s30, s11, $0xb8;
	[tilespmem:$0x2D80] =	vst v63  }
0xa1: {  	s31 =	sadd.s32 $0x600, s17  }
0xa2: {  	[spmem:s2] =	stream.indirect.scatter.add.f32 [tilespmem:s12], [sflag:$0x1], $0x1, s31, s11, $0xb8;
	[tilespmem:$0x2D80] =	vst v63  }
0xa3: {  	_ =	swait.ge [sflag:s13], $0x80  }
0xa4: {  	[sflag:s13] =	ssyncset.done $0x0  }
0xa5: {  	[sflag:s13] =	ssyncadd.s32 $0xFFFFFF80  }
0xa6: {  	_ =	swait.ge [sflag:s13], $0x80  }
0xa7: {  	[sflag:s13] =	ssyncset.done $0x0  }
0xa8: {  	[sflag:s13] =	ssyncadd.s32 $0xFFFFFF80  }
0xa9: {  	_ =	swait.ge [sflag:s13], $0x80  }
0xaa: {  	[sflag:s13] =	ssyncset.done $0x0  }
0xab: {  	[sflag:s13] =	ssyncadd.s32 $0xFFFFFF80  }
0xac: {  	_ =	swait.ge [sflag:s13], $0x80  }
0xad: {  	[sflag:s13] =	ssyncset.done $0x0  }
0xae: {  	[sflag:s13] =	ssyncadd.s32 $0xFFFFFF80  }
0xaf: {  	_ =	swait.ge [sflag:s13], $0x80  }
0xb0: {  	[sflag:s13] =	ssyncset.done $0x0  }
0xb1: {  	[sflag:s13] =	ssyncadd.s32 $0xFFFFFF80  }
0xb2: {  	_ =	swait.ge [sflag:s13], $0x80  }
0xb3: {  	[sflag:s13] =	ssyncset.done $0x0  }
0xb4: {  	[sflag:s13] =	ssyncadd.s32 $0xFFFFFF80  }
0xb5: {  	_ =	swait.ge [sflag:s13], $0x80  }
0xb6: {  	[sflag:s13] =	ssyncset.done $0x0  }
0xb7: {  	[sflag:s13] =	ssyncadd.s32 $0xFFFFFF80  }
0xb8: {  	_ =	swait.ge [sflag:s13], $0x80  }
0xb9: {  	[sflag:s13] =	ssyncset.done $0x0  }
0xba: {  	[sflag:s13] =	ssyncadd.s32 $0xFFFFFF80  }
0xbb: {  	[bflag:$0x0] =	sbarrier.arrive $0xFFFF  }
0xbc: {  	[tilespmem:s8], [sflag:$0x2] =	stream.linear.gather [spmem:s4], $0x280, $0x38;
	[tilespmem:$0x2D80] =	vst v63  }
0xbd: {  	s14 =	sadd.s32 $0x1, s14;
	_ =	swait.ge [sflag:s9], $0x280  }
0xbe: {  	p0 =	sne.s32 s14, s7;
	[sflag:s9] =	ssyncset.done $0x0  }
.Ltmp1:
0xbf: {  	[sflag:s9] =	ssyncadd.s32 $0xFFFFFD80;
	(pc) =	sbr.rel @p0 .LBB2_1-.Ltmp1, $4  }
0xc0: {  	[hbm4b:s6+s3] =	stream.linear.scatter [tilespmem:s8], [sflag:$0x2], $0x280, $0x38;
	[tilespmem:$0x2D80] =	vst v63  }
0xc1: {  	_ =	swait.ge [sflag:s9], $0x280  }
0xc2: {  	[sflag:s9] =	ssyncset.done $0x0  }
0xc3: {  	[sflag:s9] =	ssyncadd.s32 $0xFFFFFD80  }
0xc4: {  	_ =	sfence.sel $0x180000  }
0xc5: {  	[bflag:$0x0] =	sbarrier.arrive $0xFFFF  }
0xc6: {  	p0 =	sne.s32 s0, $0x0;
	_ =	strace $0x90000047  }
0xc7: {  	s0 =	sadd.s32 @!p0 $0x100000, s1;
	[bflag:$0x2] =	sbarrier.arrive $0xFFFF  }
0xc8: {  	[sflag:s0] =	ssyncadd.tile.s32 @!p0 $0x1;
	_ =	shalt  }
.Lfunc_end2:
_tile_overlayer_lowered:
.L_overlay_start_2:
0xc9: {  	(tag) =	ssettag $0x2  }
0xca: {  	s0 =	rddreg [dreg:$0x0];
	s2 =	stileid.u32  }
0xcb: {  	s1 =	rddreg [dreg:$0x1];
	p0 =	sne.s32 s2, $0x0  }
0xcc: {  	s3 =	rddreg [dreg:$0x2];
	[bflag:$0x3] =	sbarrier.arrive $0xFFFF;
	s2 =	simm.s32 @!p0 $0x1C02  }
0xcd: {  	[timem:s3], [sflag:s2] =	dma.local @!p0 [hbm:s0], s1  }
0xce: {  	s0 =	simm.s32 @!p0 $0x2  }
0xcf: {  	_ =	swait.ge @!p0 [sflag:s0], s1  }
0xd0: {  	s1 =	ssub.s32 @!p0 $0x0, s1;
	[sflag:s0] =	ssyncset.done @!p0 $0x0  }
0xd1: {  	[sflag:s0] =	ssyncadd.s32 @!p0 s1  }
0xd2: {  	[bflag:$0x3] =	sbarrier.arrive $0xFFFF  }
0xd3: {  	_ =	shalt  }

</sc_bundles>
